<compile_context>
chip_gen: v7x
topology: tpu7x:2x2x1
jax: 0.10.2.dev20260603
libtpu: 0.0.44.dev20260713+nightly
codegen_flags: <defaults>
</compile_context>

<pallas_src>
import functools

import jax
import jax.numpy as jnp
from jax import lax
from jax.experimental import pallas as pl
from jax.experimental.pallas import tpu as pltpu
from jax.experimental.pallas import tpu_sc as plsc

N_NODES = 100000
N_EDGES = 1600000
D_H = 128
D_E = 16
N_SEG = 5000
SEG_PAD = 5120
NC, NS = 2, 16
CN = 80
NCHN = N_NODES // CN
CE = 1000
NCHE = N_EDGES // CE

ROW_N = 272
ROW_E = 40

_mesh = plsc.VectorSubcoreMesh(core_axis_name="c", subcore_axis_name="s")

_GATHER_DNUMS = lax.GatherDimensionNumbers(
    offset_dims=(), collapsed_slice_dims=(0,), start_index_map=(0,))


def _shuffle(x, idx):
    return lax.gather(x, idx[:, None], _GATHER_DNUMS, (1,),
                      mode=lax.GatherScatterMode.PROMISE_IN_BOUNDS)


@functools.partial(
    pl.kernel,
    out_type=jax.ShapeDtypeStruct((NC, SEG_PAD, ROW_N), jnp.float32),
    mesh=_mesh,
    compiler_params=pltpu.CompilerParams(use_tc_tiling_on_sc=False),
    scratch_types=[
        pltpu.VMEM((CN,), jnp.int32),
        pltpu.VMEM((CN, D_H), jnp.float32),
        pltpu.VMEM((CN, 16), jnp.float32),
        pltpu.VMEM((CN, ROW_N), jnp.float32),
        pltpu.VMEM_SHARED((SEG_PAD, ROW_N), jnp.float32),
        pltpu.SemaphoreType.DMA,
    ],
)
def _node_stats(h_hbm, zp_hbm, bid_hbm, zn_hbm, nacc_out,
                segs, hbuf, zbuf, nrows, acc_n, sem):
    c = lax.axis_index("c")
    s = lax.axis_index("s")
    rpt = SEG_PAD // NS
    pltpu.sync_copy(zn_hbm.at[pl.ds(s * rpt, rpt), :],
                    acc_n.at[pl.ds(s * rpt, rpt), :])
    iota = lax.iota(jnp.int32, 16)
    cvec_n = jnp.where(iota == 6, 1.0, 0.0).astype(jnp.float32)
    sh3 = (iota - 3) & 15
    plsc.subcore_barrier()

    npc = NCHN // NC

    @pl.loop(c * npc + s, (c + 1) * npc, step=NS)
    def _(ch):
        base = ch * CN
        pltpu.sync_copy(bid_hbm.at[pl.ds(base, CN)], segs)
        pltpu.sync_copy(h_hbm.at[pl.ds(base, CN), :], hbuf)
        pltpu.sync_copy(zp_hbm.at[pl.ds(base, CN), :], zbuf)

        @pl.loop(0, CN, step=2)
        def _(j):
            for b in range(2):
                for g in range(D_H // 16):
                    v = hbuf[j + b, pl.ds(16 * g, 16)]
                    nrows[j + b, pl.ds(16 * g, 16)] = v
                    nrows[j + b, pl.ds(D_H + 16 * g, 16)] = v * v
                zv = zbuf[j + b, :]
                zq = zv * zv
                zqs = _shuffle(zq, sh3)
                nrows[j + b, pl.ds(256, 16)] = zv + zqs + cvec_n

        pltpu.sync_copy(nrows, acc_n.at[segs], add=True)

    plsc.subcore_barrier()
    pltpu.sync_copy(acc_n.at[pl.ds(s * rpt, rpt), :],
                    nacc_out.at[c, pl.ds(s * rpt, rpt), :])


@functools.partial(
    pl.kernel,
    out_type=jax.ShapeDtypeStruct((NC, SEG_PAD, ROW_E), jnp.float32),
    mesh=_mesh,
    compiler_params=pltpu.CompilerParams(use_tc_tiling_on_sc=False),
    scratch_types=[
        pltpu.VMEM((CE,), jnp.int32),
        pltpu.VMEM((CE,), jnp.int32),
        pltpu.VMEM((CE, D_E), jnp.float32),
        pltpu.VMEM((CE, ROW_E), jnp.float32),
        pltpu.VMEM_SHARED((SEG_PAD, ROW_E), jnp.float32),
        pltpu.SemaphoreType.DMA,
    ],
)
def _edge_stats(eid_hbm, bid_hbm, eattr_hbm, ze_hbm, eacc_out,
                eidx, esegs, xbuf, erows, acc_e, sem):
    c = lax.axis_index("c")
    s = lax.axis_index("s")
    rpt = SEG_PAD // NS
    pltpu.sync_copy(ze_hbm.at[pl.ds(s * rpt, rpt), :],
                    acc_e.at[pl.ds(s * rpt, rpt), :])
    iota = lax.iota(jnp.int32, 16)
    cvec_e = jnp.where(iota == 8, 1.0, 0.0).astype(jnp.float32)

    @pl.loop(0, CE)
    def _(j):
        erows[j, pl.ds(24, 16)] = cvec_e

    plsc.subcore_barrier()

    epc = NCHE // NC

    @pl.loop(c * epc + s, (c + 1) * epc, step=NS)
    def _(ch):
        base = ch * CE
        pltpu.sync_copy(eid_hbm.at[pl.ds(base, CE)], eidx)
        pltpu.async_copy(bid_hbm.at[eidx], esegs, sem).wait()
        pltpu.sync_copy(eattr_hbm.at[pl.ds(base, CE), :], xbuf)

        @pl.loop(0, CE, step=8)
        def _(j):
            for b in range(8):
                v = xbuf[j + b, :]
                erows[j + b, pl.ds(0, 16)] = v
                erows[j + b, pl.ds(16, 16)] = v * v

        pltpu.sync_copy(erows, acc_e.at[esegs], add=True)

    plsc.subcore_barrier()
    pltpu.sync_copy(acc_e.at[pl.ds(s * rpt, rpt), :],
                    eacc_out.at[c, pl.ds(s * rpt, rpt), :])


def _finalize_body(nacc_ref, eacc_ref, sig_ref, gh_ref, bh_ref, ge_ref,
                   be_ref, ntab_ref, ztab_ref, etab_ref):
    n2 = nacc_ref[0] + nacc_ref[1]
    S = n2[:, :D_H]
    Q = n2[:, D_H:2 * D_H]
    zS = n2[:, 256:259]
    zQ = n2[:, 259:262]
    n = n2[:, 262:263]
    n1 = jnp.maximum(n, 1.0)
    mu = S / n1
    var = jnp.maximum(Q - n * mu * mu, 0.0) / jnp.maximum(n - 1.0, 1.0)
    sd = jnp.sqrt(var + 1e-12)
    a = gh_ref[...] / (sd + 1e-8)
    cst = bh_ref[...] - mu * a
    ntab_ref[...] = jnp.concatenate([a, cst], axis=1)

    muz = zS / n1
    sqz = jnp.sum(zQ - n * muz * muz, axis=1, keepdims=True)
    varz = jnp.maximum(sqz, 0.0) / jnp.maximum(3.0 * n - 1.0, 1.0)
    var_ez = jnp.sqrt(varz + 1e-12) + 1e-8
    resc = sig_ref[...] / var_ez
    cz = muz * (1.0 - resc)
    ztab_ref[...] = jnp.concatenate(
        [resc, cz, jnp.zeros((SEG_PAD, 10), jnp.float32)], axis=1)

    e2 = eacc_ref[0] + eacc_ref[1]
    se = e2[:, :D_E]
    qe = e2[:, D_E:2 * D_E]
    m = e2[:, 2 * D_E:2 * D_E + 1]
    m1 = jnp.maximum(m, 1.0)
    mue = se / m1
    vare = jnp.maximum(qe - m * mue * mue, 0.0) / jnp.maximum(m - 1.0, 1.0)
    sde = jnp.sqrt(vare + 1e-12)
    ae = ge_ref[...] / (sde + 1e-8)
    ce = be_ref[...] - mue * ae
    etab_ref[...] = jnp.concatenate([ae, ce], axis=1)


_finalize = pl.pallas_call(
    _finalize_body,
    out_shape=[
        jax.ShapeDtypeStruct((SEG_PAD, 2 * D_H), jnp.float32),
        jax.ShapeDtypeStruct((SEG_PAD, 16), jnp.float32),
        jax.ShapeDtypeStruct((SEG_PAD, 2 * D_E), jnp.float32),
    ],
)


@functools.partial(
    pl.kernel,
    out_type=[
        jax.ShapeDtypeStruct((N_NODES, D_H), jnp.float32),
        jax.ShapeDtypeStruct((N_NODES, 16), jnp.float32),
        jax.ShapeDtypeStruct((N_EDGES, D_E), jnp.float32),
    ],
    mesh=_mesh,
    compiler_params=pltpu.CompilerParams(use_tc_tiling_on_sc=False),
    scratch_types=[
        pltpu.VMEM((CN,), jnp.int32),
        pltpu.VMEM((CN, D_H), jnp.float32),
        pltpu.VMEM((CN, 16), jnp.float32),
        pltpu.VMEM((CN, 2 * D_H), jnp.float32),
        pltpu.VMEM((CN, 16), jnp.float32),
        pltpu.VMEM((CN, D_H), jnp.float32),
        pltpu.VMEM((CN, 16), jnp.float32),
        pltpu.VMEM((CE,), jnp.int32),
        pltpu.VMEM((CE,), jnp.int32),
        pltpu.VMEM((CE, D_E), jnp.float32),
        pltpu.VMEM((CE, 2 * D_E), jnp.float32),
        pltpu.VMEM((CE, D_E), jnp.float32),
        pltpu.SemaphoreType.DMA,
        pltpu.SemaphoreType.DMA,
    ],
)
def _norm(h_hbm, zp_hbm, bid_hbm, eid_hbm, eattr_hbm,
          ntab_hbm, ztab_hbm, etab_hbm,
          hout_hbm, zout_hbm, eout_hbm,
          segs, hbuf, zbuf, trows, ztrows, hout, zout,
          eidx, esegs, xbuf, etrows, outb, sem1, sem2):
    c = lax.axis_index("c")
    s = lax.axis_index("s")
    iota = lax.iota(jnp.int32, 16)
    sh3p = (iota + 3) & 15
    npc = NCHN // NC

    @pl.loop(c * npc + s, (c + 1) * npc, step=NS)
    def _(ch):
        base = ch * CN
        pltpu.sync_copy(bid_hbm.at[pl.ds(base, CN)], segs)
        cp1 = pltpu.async_copy(ntab_hbm.at[segs], trows, sem1)
        cp2 = pltpu.async_copy(ztab_hbm.at[segs], ztrows, sem2)
        pltpu.sync_copy(h_hbm.at[pl.ds(base, CN), :], hbuf)
        pltpu.sync_copy(zp_hbm.at[pl.ds(base, CN), :], zbuf)
        cp1.wait()
        cp2.wait()

        @pl.loop(0, CN, step=2)
        def _(j):
            for b in range(2):
                for g in range(D_H // 16):
                    h = hbuf[j + b, pl.ds(16 * g, 16)]
                    aa = trows[j + b, pl.ds(16 * g, 16)]
                    cc = trows[j + b, pl.ds(D_H + 16 * g, 16)]
                    hout[j + b, pl.ds(16 * g, 16)] = h * aa + cc
                zv = zbuf[j + b, :]
                tz = ztrows[j + b, :]
                czs = _shuffle(tz, sh3p)
                zout[j + b, :] = zv * tz + czs

        pltpu.sync_copy(hout, hout_hbm.at[pl.ds(base, CN), :])
        pltpu.sync_copy(zout, zout_hbm.at[pl.ds(base, CN), :])

    epc = NCHE // NC

    @pl.loop(c * epc + s, (c + 1) * epc, step=NS)
    def _(ch):
        base = ch * CE
        pltpu.sync_copy(eid_hbm.at[pl.ds(base, CE)], eidx)
        pltpu.async_copy(bid_hbm.at[eidx], esegs, sem1).wait()
        cp = pltpu.async_copy(etab_hbm.at[esegs], etrows, sem1)
        pltpu.sync_copy(eattr_hbm.at[pl.ds(base, CE), :], xbuf)
        cp.wait()

        @pl.loop(0, CE, step=8)
        def _(j):
            for b in range(8):
                x = xbuf[j + b, :]
                aa = etrows[j + b, pl.ds(0, D_E)]
                cc = etrows[j + b, pl.ds(D_E, D_E)]
                outb[j + b, :] = x * aa + cc

        pltpu.sync_copy(outb, eout_hbm.at[pl.ds(base, CE), :])


def kernel(H, Z, edge_attr, block_id, edge_id, sigma, gamma_H, beta_H,
           gamma_E, beta_E):
    Zp = jnp.pad(Z, ((0, 0), (0, 13)))
    eid0 = edge_id[0]
    zn = jnp.zeros((SEG_PAD, ROW_N), jnp.float32)
    ze = jnp.zeros((SEG_PAD, ROW_E), jnp.float32)

    nacc = _node_stats(H, Zp, block_id, zn)
    eacc = _edge_stats(eid0, block_id, edge_attr, ze)

    ntab, ztab, etab = _finalize(
        nacc, eacc,
        sigma.reshape(1, 3),
        gamma_H.reshape(1, -1), beta_H.reshape(1, -1),
        gamma_E.reshape(1, -1), beta_E.reshape(1, -1),
    )

    H_out, Zp_out, edge_out = _norm(
        H, Zp, block_id, eid0, edge_attr, ntab, ztab, etab)
    rescale = ztab[:N_SEG, :3]
    return (H_out, Zp_out[:, :3], edge_out, rescale)

# --- scband reference (transcript-rebuilt; emitter-appended) ---
"""Pipeline reference for scband-equivariant-layer-norm-86895778333057 (READ-ONLY COPY).

The authoritative reference and input builder live on the scoring server;
editing this copy changes nothing except your own understanding.
"""

import jax, jax.numpy as jnp
import numpy as np

N_NODES = 100000
N_EDGES = 1600000
D_HIDDEN = 128
HID_EDGE = 16
N_SEG = 5000


def _counts(ids, num_segments, dtype):
    return jax.ops.segment_sum(jnp.ones((ids.shape[0],), dtype=dtype), ids, num_segments=num_segments)


def scatter_mean(x, ids, num_segments):
    s = jax.ops.segment_sum(x, ids, num_segments=num_segments)
    cnt = _counts(ids, num_segments, x.dtype)
    return s / jnp.maximum(cnt, 1.0)[:, None]


def scatter_std(x, ids, num_segments):
    # torch_scatter.scatter_std (unbiased) semantics
    mean = scatter_mean(x, ids, num_segments)
    diff = x - mean[ids]
    sq = jax.ops.segment_sum(diff * diff, ids, num_segments=num_segments)
    cnt = _counts(ids, num_segments, x.dtype)
    var = sq / jnp.maximum(cnt - 1.0, 1.0)[:, None]
    return jnp.sqrt(var + 1e-12)


def layer_norm_seg(x, ids, gamma, beta, num_segments):
    # graph/block-wise LayerNorm: per-segment, per-feature statistics
    mu = scatter_mean(x, ids, num_segments)
    sd = scatter_std(x, ids, num_segments)
    return gamma * (x - mu[ids]) / (sd[ids] + 1e-8) + beta


def setup_inputs(seed: int = 0) -> dict:
    key = jax.random.key(seed)
    ks = jax.random.split(key, 6)
    H = jax.random.normal(ks[0], (N_NODES, D_HIDDEN), dtype=jnp.float32)
    Z = jax.random.normal(ks[1], (N_NODES, 3), dtype=jnp.float32)
    edge_attr = jax.random.normal(ks[2], (N_EDGES, HID_EDGE), dtype=jnp.float32)
    block_id = jnp.sort(jax.random.randint(ks[3], (N_NODES,), 0, N_SEG, dtype=jnp.int32))
    edge_id = jax.random.randint(ks[4], (2, N_EDGES), 0, N_NODES, dtype=jnp.int32)
    sigma = jnp.ones((1, 3), dtype=jnp.float32)
    gamma_H = jnp.ones((D_HIDDEN,), dtype=jnp.float32)
    beta_H = jnp.zeros((D_HIDDEN,), dtype=jnp.float32)
    gamma_E = jnp.ones((HID_EDGE,), dtype=jnp.float32)
    beta_E = jnp.zeros((HID_EDGE,), dtype=jnp.float32)
    return {"H": H, "Z": Z, "edge_attr": edge_attr, "block_id": block_id, "edge_id": edge_id,
            "sigma": sigma, "gamma_H": gamma_H, "beta_H": beta_H, "gamma_E": gamma_E, "beta_E": beta_E}


def reference(H, Z, edge_attr, block_id, edge_id, sigma, gamma_H, beta_H, gamma_E, beta_E):
    n_axis = Z.shape[1]
    unit_batch_id = block_id
    unit_axis_batch_id = jnp.repeat(unit_batch_id[:, None], n_axis, axis=1).reshape(-1)
    Z_c_seg = scatter_mean(Z, unit_batch_id, N_SEG)
    Z_c = Z_c_seg[unit_batch_id]
    Z_C_dis = Z - Z_c
    var_Ez = scatter_std(Z_C_dis.reshape(-1, 1), unit_axis_batch_id, N_SEG) + 1e-08
    rescale = (1.0 / var_Ez) * sigma  # [N_SEG, 3]
    Z_out = Z_c + Z_C_dis * rescale[unit_batch_id]
    H_out = layer_norm_seg(H, block_id, gamma_H, beta_H, N_SEG)
    edge_batch = block_id[edge_id[0]]
    edge_out = layer_norm_seg(edge_attr, edge_batch, gamma_E, beta_E, N_SEG)
    return (H_out, Z_out, edge_out, rescale)

if __name__ == "__main__":
    import jax
    _d = setup_inputs()
    print(jax.jit(kernel)(*tuple(_d.values())))

</pallas_src>

<mosaic_0001>
#map = affine_map<(d0, d1) -> (0)>
#map1 = affine_map<(d0, d1) -> (0, 0)>
#map2 = affine_map<(d0, d1) -> (0, 0, 0)>
module attributes {stable_mosaic.version = 14 : i64} {
  func.func @_edge_stats(%arg0: i32, %arg1: i32, %arg2: memref<1600000xi32, #tpu.memory_space<hbm>>, %arg3: memref<100000xi32, #tpu.memory_space<hbm>>, %arg4: memref<1600000x16xf32, #tpu.memory_space<hbm>>, %arg5: memref<5120x40xf32, #tpu.memory_space<hbm>>, %arg6: memref<2x5120x40xf32, #tpu.memory_space<hbm>>, %arg7: memref<1000xi32, #tpu.memory_space<vmem>>, %arg8: memref<1000xi32, #tpu.memory_space<vmem>>, %arg9: memref<1000x16xf32, #tpu.memory_space<vmem>>, %arg10: memref<1000x40xf32, #tpu.memory_space<vmem>>, %arg11: memref<5120x40xf32, #tpu.memory_space<vmem_shared>>, %arg12: memref<!tpu.dma_semaphore, #tpu.memory_space<semaphore_mem>>) attributes {dimension_semantics = [#tpu.dimension_semantics<core_parallel>, #tpu.dimension_semantics<subcore_parallel>], iteration_bounds = array<i64: 2, 16>, scalar_prefetch = 0 : i64, scratch_operands = 6 : i64, tpu.core_type = #tpu.core_type<sc_vector_subcore>, window_params = [{transform_indices = #map}, {transform_indices = #map}, {transform_indices = #map1}, {transform_indices = #map1}, {transform_indices = #map2}]} {
    %mul3A = arith.constant 320 : i32
    %mul3A_0 = arith.muli %arg1, %mul3A : i32
    %mul3A_1 = arith.constant 320 : i32
    %mul3A_2 = arith.muli %arg1, %mul3A_1 : i32
    "tpu.region"() ({
      %run_scoped3A = tpu.sem_alloc : memref<!tpu.dma_semaphore, #tpu.memory_space<semaphore_mem>>
      %dma_start3A = arith.constant 0 : i32
      %dma_start3A_36 = tpu.memref_slice %arg11[%mul3A_2, %dma_start3A] : memref<5120x40xf32, #tpu.memory_space<vmem_shared>> -> memref<320x40xf32, #tpu.memory_space<vmem_shared>>
      %dma_start3A_37 = arith.constant 0 : i32
      %dma_start3A_38 = tpu.memref_slice %arg5[%mul3A_0, %dma_start3A_37] : memref<5120x40xf32, #tpu.memory_space<hbm>> -> memref<320x40xf32, #tpu.memory_space<hbm>>
      tpu.enqueue_dma source(%dma_start3A_38 : memref<320x40xf32, #tpu.memory_space<hbm>>) target(%dma_start3A_36 : memref<320x40xf32, #tpu.memory_space<vmem_shared>>) target_semaphore(%run_scoped3A : memref<!tpu.dma_semaphore, #tpu.memory_space<semaphore_mem>>)
      %dma_wait3A = arith.constant 0 : i32
      %dma_wait3A_39 = tpu.memref_slice %arg11[%mul3A_2, %dma_wait3A] : memref<5120x40xf32, #tpu.memory_space<vmem_shared>> -> memref<320x40xf32, #tpu.memory_space<vmem_shared>>
      %dma_wait3A_40 = arith.constant 0 : i32
      %dma_wait3A_41 = tpu.memref_slice %arg5[%mul3A_0, %dma_wait3A_40] : memref<5120x40xf32, #tpu.memory_space<hbm>> -> memref<320x40xf32, #tpu.memory_space<hbm>>
      tpu.wait_dma2 semaphore(%run_scoped3A : memref<!tpu.dma_semaphore, #tpu.memory_space<semaphore_mem>>) src(%dma_wait3A_41 : memref<320x40xf32, #tpu.memory_space<hbm>>) dst(%dma_wait3A_39 : memref<320x40xf32, #tpu.memory_space<vmem_shared>>)
      tpu.yield
    }) : () -> ()
    %iota3A = tpu.iota {dimensions = array<i32: 0>} : vector<16xi32>
    %eq3A = arith.constant 8 : i32
    %eq3A_3 = vector.broadcast %eq3A : i32 to vector<16xi32>
    %eq3A_4 = arith.cmpi eq, %iota3A, %eq3A_3 : vector<16xi32>
    %jit3A = arith.constant 1.000000e+00 : f32
    %jit3A_5 = arith.constant 0.000000e+00 : f32
    %broadcast_in_dim3A = vector.broadcast %jit3A : f32 to vector<16xf32>
    %broadcast_in_dim3A_6 = vector.broadcast %jit3A_5 : f32 to vector<16xf32>
    %select_n3A = arith.select %eq3A_4, %broadcast_in_dim3A, %broadcast_in_dim3A_6 : vector<16xi1>, vector<16xf32>
    %scan3A = arith.constant 0 : i32
    %scan3A_7 = arith.constant 1000 : i32
    %scan3A_8 = arith.addi %scan3A, %scan3A_7 : i32
    %scan3A_9 = arith.constant 1 : i32
    scf.for %scan3A_36 = %scan3A to %scan3A_8 step %scan3A_9  : i32 {
      %mul3A_37 = arith.constant 1 : i32
      %mul3A_38 = arith.muli %scan3A_36, %mul3A_37 : i32
      %add3A_39 = arith.constant 0 : i32
      %add3A_40 = arith.addi %add3A_39, %mul3A_38 : i32
      %swap3A = arith.index_cast %add3A_40 : i32 to index
      %swap3A_41 = arith.constant 24 : index
      %swap3A_42 = tpu.vector_load %arg10[%swap3A, %swap3A_41] {strides = array<i32>} : memref<1000x40xf32, #tpu.memory_space<vmem>>, vector<1x16xf32>,
      %swap3A_43 = vector.shape_cast %swap3A_42 : vector<1x16xf32> to vector<16xf32>
      %swap3A_44 = vector.shape_cast %select_n3A : vector<16xf32> to vector<1x16xf32>
      tpu.vector_store %arg10[%swap3A, %swap3A_41], %swap3A_44 {strides = array<i32>} : memref<1000x40xf32, #tpu.memory_space<vmem>>, vector<1x16xf32>,
    }
    %scan3A_10 = arith.constant 1000 : i32
    %barrier3A = arith.constant 0 : index
    tpu.barrier barrier_id(%barrier3A)
    %mul3A_11 = arith.constant 800 : i32
    %mul3A_12 = arith.muli %arg0, %mul3A_11 : i32
    %add3A = arith.addi %mul3A_12, %arg1 : i32
    %add3A_13 = arith.constant 1 : i32
    %add3A_14 = arith.addi %arg0, %add3A_13 : i32
    %mul3A_15 = arith.constant 800 : i32
    %mul3A_16 = arith.muli %add3A_14, %mul3A_15 : i32
    %sub3A = arith.subi %mul3A_16, %add3A : i32
    %sub3A_17 = arith.constant 16 : i32
    %sub3A_18 = arith.constant 1 : i32
    %sub3A_19 = arith.subi %sub3A_17, %sub3A_18 : i32
    %add3A_20 = arith.addi %sub3A, %sub3A_19 : i32
    %div3A = arith.constant 16 : i32
    %div3A_21 = arith.divsi %add3A_20, %div3A : i32
    %while3A = arith.constant 16 : i32
    %while3A_22 = arith.constant 0 : i32
    %while3A_23 = arith.subi %div3A_21, %while3A_22 : i32
    %while3A_24 = arith.addi %while3A_22, %while3A_23 : i32
    %while3A_25 = arith.constant 1 : i32
    %while3A_26 = arith.divsi %while3A_23, %while3A_25 : i32
    %while3A_27 = arith.muli %while3A_26, %while3A_25 : i32
    %while3A_28 = arith.addi %while3A_22, %while3A_27 : i32
    %while3A_29 = arith.constant 1 : i32
    scf.for %while3A_36 = %while3A_22 to %while3A_28 step %while3A_29  : i32 {
      %mul3A_37 = arith.muli %while3A_36, %while3A : i32
      %add3A_38 = arith.addi %add3A, %mul3A_37 : i32
      %mul3A_39 = arith.constant 1000 : i32
      %mul3A_40 = arith.muli %add3A_38, %mul3A_39 : i32
      "tpu.region"() ({
        %run_scoped3A = tpu.sem_alloc : memref<!tpu.dma_semaphore, #tpu.memory_space<semaphore_mem>>
        %dma_start3A_48 = tpu.memref_slice %arg2[%mul3A_40] : memref<1600000xi32, #tpu.memory_space<hbm>> -> memref<1000xi32, #tpu.memory_space<hbm>>
        %dma_start3A_49 = tpu.memref_slice %arg2[%mul3A_40] : memref<1600000xi32, #tpu.memory_space<hbm>> -> memref<1000xi32, #tpu.memory_space<hbm>>
        tpu.enqueue_dma source(%dma_start3A_49 : memref<1000xi32, #tpu.memory_space<hbm>>) target(%arg7 : memref<1000xi32, #tpu.memory_space<vmem>>) target_semaphore(%run_scoped3A : memref<!tpu.dma_semaphore, #tpu.memory_space<semaphore_mem>>)
        %dma_wait3A_50 = tpu.memref_slice %arg2[%mul3A_40] : memref<1600000xi32, #tpu.memory_space<hbm>> -> memref<1000xi32, #tpu.memory_space<hbm>>
        %dma_wait3A_51 = tpu.memref_slice %arg2[%mul3A_40] : memref<1600000xi32, #tpu.memory_space<hbm>> -> memref<1000xi32, #tpu.memory_space<hbm>>
        tpu.wait_dma2 semaphore(%run_scoped3A : memref<!tpu.dma_semaphore, #tpu.memory_space<semaphore_mem>>) src(%dma_wait3A_51 : memref<1000xi32, #tpu.memory_space<hbm>>) dst(%arg7 : memref<1000xi32, #tpu.memory_space<vmem>>)
        tpu.yield
      }) : () -> ()
      %dma_start3A = arith.constant 0 : i32
      %dma_start3A_41 = tpu.memref_slice %arg3[%dma_start3A] : memref<100000xi32, #tpu.memory_space<hbm>> -> memref<100000xi32, #tpu.memory_space<hbm>>
      tpu.enqueue_indirect_dma source(%dma_start3A_41 : memref<100000xi32, #tpu.memory_space<hbm>>) target(%arg8 : memref<1000xi32, #tpu.memory_space<vmem>>) offsets(%arg7 : memref<1000xi32, #tpu.memory_space<vmem>>) semaphore(%arg12 : memref<!tpu.dma_semaphore, #tpu.memory_space<semaphore_mem>>)
      %dma_wait3A = arith.constant 0 : i32
      %dma_wait3A_42 = tpu.memref_slice %arg3[%dma_wait3A] : memref<100000xi32, #tpu.memory_space<hbm>> -> memref<100000xi32, #tpu.memory_space<hbm>>
      tpu.wait_indirect_dma semaphore(%arg12 : memref<!tpu.dma_semaphore, #tpu.memory_space<semaphore_mem>>) src(%dma_wait3A_42 : memref<100000xi32, #tpu.memory_space<hbm>>) dst(%arg8 : memref<1000xi32, #tpu.memory_space<vmem>>)
      "tpu.region"() ({
        %run_scoped3A = tpu.sem_alloc : memref<!tpu.dma_semaphore, #tpu.memory_space<semaphore_mem>>
        %dma_start3A_48 = arith.constant 0 : i32
        %dma_start3A_49 = tpu.memref_slice %arg4[%mul3A_40, %dma_start3A_48] : memref<1600000x16xf32, #tpu.memory_space<hbm>> -> memref<1000x16xf32, #tpu.memory_space<hbm>>
        %dma_start3A_50 = arith.constant 0 : i32
        %dma_start3A_51 = tpu.memref_slice %arg4[%mul3A_40, %dma_start3A_50] : memref<1600000x16xf32, #tpu.memory_space<hbm>> -> memref<1000x16xf32, #tpu.memory_space<hbm>>
        tpu.enqueue_dma source(%dma_start3A_51 : memref<1000x16xf32, #tpu.memory_space<hbm>>) target(%arg9 : memref<1000x16xf32, #tpu.memory_space<vmem>>) target_semaphore(%run_scoped3A : memref<!tpu.dma_semaphore, #tpu.memory_space<semaphore_mem>>)
        %dma_wait3A_52 = arith.constant 0 : i32
        %dma_wait3A_53 = tpu.memref_slice %arg4[%mul3A_40, %dma_wait3A_52] : memref<1600000x16xf32, #tpu.memory_space<hbm>> -> memref<1000x16xf32, #tpu.memory_space<hbm>>
        %dma_wait3A_54 = arith.constant 0 : i32
        %dma_wait3A_55 = tpu.memref_slice %arg4[%mul3A_40, %dma_wait3A_54] : memref<1600000x16xf32, #tpu.memory_space<hbm>> -> memref<1000x16xf32, #tpu.memory_space<hbm>>
        tpu.wait_dma2 semaphore(%run_scoped3A : memref<!tpu.dma_semaphore, #tpu.memory_space<semaphore_mem>>) src(%dma_wait3A_55 : memref<1000x16xf32, #tpu.memory_space<hbm>>) dst(%arg9 : memref<1000x16xf32, #tpu.memory_space<vmem>>)
        tpu.yield
      }) : () -> ()
      %scan3A_43 = arith.constant 0 : i32
      %scan3A_44 = arith.constant 125 : i32
      %scan3A_45 = arith.addi %scan3A_43, %scan3A_44 : i32
      %scan3A_46 = arith.constant 1 : i32
      scf.for %scan3A_48 = %scan3A_43 to %scan3A_45 step %scan3A_46  : i32 {
        %mul3A_49 = arith.constant 8 : i32
        %mul3A_50 = arith.muli %scan3A_48, %mul3A_49 : i32
        %add3A_51 = arith.constant 0 : i32
        %add3A_52 = arith.addi %add3A_51, %mul3A_50 : i32
        %add3A_53 = arith.constant 0 : i32
        %add3A_54 = arith.addi %add3A_52, %add3A_53 : i32
        %get3A = arith.index_cast %add3A_54 : i32 to index
        %get3A_55 = arith.constant 0 : index
        %get3A_56 = tpu.vector_load %arg9[%get3A, %get3A_55] {strides = array<i32>} : memref<1000x16xf32, #tpu.memory_space<vmem>>, vector<1x16xf32>,
        %get3A_57 = vector.shape_cast %get3A_56 : vector<1x16xf32> to vector<16xf32>
        %add3A_58 = arith.constant 0 : i32
        %add3A_59 = arith.addi %add3A_52, %add3A_58 : i32
        %swap3A = arith.index_cast %add3A_59 : i32 to index
        %swap3A_60 = arith.constant 0 : index
        %swap3A_61 = tpu.vector_load %arg10[%swap3A, %swap3A_60] {strides = array<i32>} : memref<1000x40xf32, #tpu.memory_space<vmem>>, vector<1x16xf32>,
        %swap3A_62 = vector.shape_cast %swap3A_61 : vector<1x16xf32> to vector<16xf32>
        %swap3A_63 = vector.shape_cast %get3A_57 : vector<16xf32> to vector<1x16xf32>
        tpu.vector_store %arg10[%swap3A, %swap3A_60], %swap3A_63 {strides = array<i32>} : memref<1000x40xf32, #tpu.memory_space<vmem>>, vector<1x16xf32>,
        %mul3A_64 = arith.mulf %get3A_57, %get3A_57 : vector<16xf32>
        %add3A_65 = arith.constant 0 : i32
        %add3A_66 = arith.addi %add3A_52, %add3A_65 : i32
        %swap3A_67 = arith.index_cast %add3A_66 : i32 to index
        %swap3A_68 = arith.constant 16 : index
        %swap3A_69 = tpu.vector_load %arg10[%swap3A_67, %swap3A_68] {strides = array<i32>} : memref<1000x40xf32, #tpu.memory_space<vmem>>, vector<1x16xf32>,
        %swap3A_70 = vector.shape_cast %swap3A_69 : vector<1x16xf32> to vector<16xf32>
        %swap3A_71 = vector.shape_cast %mul3A_64 : vector<16xf32> to vector<1x16xf32>
        tpu.vector_store %arg10[%swap3A_67, %swap3A_68], %swap3A_71 {strides = array<i32>} : memref<1000x40xf32, #tpu.memory_space<vmem>>, vector<1x16xf32>,
        %add3A_72 = arith.constant 1 : i32
        %add3A_73 = arith.addi %add3A_52, %add3A_72 : i32
        %get3A_74 = arith.index_cast %add3A_73 : i32 to index
        %get3A_75 = arith.constant 0 : index
        %get3A_76 = tpu.vector_load %arg9[%get3A_74, %get3A_75] {strides = array<i32>} : memref<1000x16xf32, #tpu.memory_space<vmem>>, vector<1x16xf32>,
        %get3A_77 = vector.shape_cast %get3A_76 : vector<1x16xf32> to vector<16xf32>
        %add3A_78 = arith.constant 1 : i32
        %add3A_79 = arith.addi %add3A_52, %add3A_78 : i32
        %swap3A_80 = arith.index_cast %add3A_79 : i32 to index
        %swap3A_81 = arith.constant 0 : index
        %swap3A_82 = tpu.vector_load %arg10[%swap3A_80, %swap3A_81] {strides = array<i32>} : memref<1000x40xf32, #tpu.memory_space<vmem>>, vector<1x16xf32>,
        %swap3A_83 = vector.shape_cast %swap3A_82 : vector<1x16xf32> to vector<16xf32>
        %swap3A_84 = vector.shape_cast %get3A_77 : vector<16xf32> to vector<1x16xf32>
        tpu.vector_store %arg10[%swap3A_80, %swap3A_81], %swap3A_84 {strides = array<i32>} : memref<1000x40xf32, #tpu.memory_space<vmem>>, vector<1x16xf32>,
        %mul3A_85 = arith.mulf %get3A_77, %get3A_77 : vector<16xf32>
        %add3A_86 = arith.constant 1 : i32
        %add3A_87 = arith.addi %add3A_52, %add3A_86 : i32
        %swap3A_88 = arith.index_cast %add3A_87 : i32 to index
        %swap3A_89 = arith.constant 16 : index
        %swap3A_90 = tpu.vector_load %arg10[%swap3A_88, %swap3A_89] {strides = array<i32>} : memref<1000x40xf32, #tpu.memory_space<vmem>>, vector<1x16xf32>,
        %swap3A_91 = vector.shape_cast %swap3A_90 : vector<1x16xf32> to vector<16xf32>
        %swap3A_92 = vector.shape_cast %mul3A_85 : vector<16xf32> to vector<1x16xf32>
        tpu.vector_store %arg10[%swap3A_88, %swap3A_89], %swap3A_92 {strides = array<i32>} : memref<1000x40xf32, #tpu.memory_space<vmem>>, vector<1x16xf32>,
        %add3A_93 = arith.constant 2 : i32
        %add3A_94 = arith.addi %add3A_52, %add3A_93 : i32
        %get3A_95 = arith.index_cast %add3A_94 : i32 to index
        %get3A_96 = arith.constant 0 : index
        %get3A_97 = tpu.vector_load %arg9[%get3A_95, %get3A_96] {strides = array<i32>} : memref<1000x16xf32, #tpu.memory_space<vmem>>, vector<1x16xf32>,
        %get3A_98 = vector.shape_cast %get3A_97 : vector<1x16xf32> to vector<16xf32>
        %add3A_99 = arith.constant 2 : i32
        %add3A_100 = arith.addi %add3A_52, %add3A_99 : i32
        %swap3A_101 = arith.index_cast %add3A_100 : i32 to index
        %swap3A_102 = arith.constant 0 : index
        %swap3A_103 = tpu.vector_load %arg10[%swap3A_101, %swap3A_102] {strides = array<i32>} : memref<1000x40xf32, #tpu.memory_space<vmem>>, vector<1x16xf32>,
        %swap3A_104 = vector.shape_cast %swap3A_103 : vector<1x16xf32> to vector<16xf32>
        %swap3A_105 = vector.shape_cast %get3A_98 : vector<16xf32> to vector<1x16xf32>
        tpu.vector_store %arg10[%swap3A_101, %swap3A_102], %swap3A_105 {strides = array<i32>} : memref<1000x40xf32, #tpu.memory_space<vmem>>, vector<1x16xf32>,
        %mul3A_106 = arith.mulf %get3A_98, %get3A_98 : vector<16xf32>
        %add3A_107 = arith.constant 2 : i32
        %add3A_108 = arith.addi %add3A_52, %add3A_107 : i32
        %swap3A_109 = arith.index_cast %add3A_108 : i32 to index
        %swap3A_110 = arith.constant 16 : index
        %swap3A_111 = tpu.vector_load %arg10[%swap3A_109, %swap3A_110] {strides = array<i32>} : memref<1000x40xf32, #tpu.memory_space<vmem>>, vector<1x16xf32>,
        %swap3A_112 = vector.shape_cast %swap3A_111 : vector<1x16xf32> to vector<16xf32>
        %swap3A_113 = vector.shape_cast %mul3A_106 : vector<16xf32> to vector<1x16xf32>
        tpu.vector_store %arg10[%swap3A_109, %swap3A_110], %swap3A_113 {strides = array<i32>} : memref<1000x40xf32, #tpu.memory_space<vmem>>, vector<1x16xf32>,
        %add3A_114 = arith.constant 3 : i32
        %add3A_115 = arith.addi %add3A_52, %add3A_114 : i32
        %get3A_116 = arith.index_cast %add3A_115 : i32 to index
        %get3A_117 = arith.constant 0 : index
        %get3A_118 = tpu.vector_load %arg9[%get3A_116, %get3A_117] {strides = array<i32>} : memref<1000x16xf32, #tpu.memory_space<vmem>>, vector<1x16xf32>,
        %get3A_119 = vector.shape_cast %get3A_118 : vector<1x16xf32> to vector<16xf32>
        %add3A_120 = arith.constant 3 : i32
        %add3A_121 = arith.addi %add3A_52, %add3A_120 : i32
        %swap3A_122 = arith.index_cast %add3A_121 : i32 to index
        %swap3A_123 = arith.constant 0 : index
        %swap3A_124 = tpu.vector_load %arg10[%swap3A_122, %swap3A_123] {strides = array<i32>} : memref<1000x40xf32, #tpu.memory_space<vmem>>, vector<1x16xf32>,
        %swap3A_125 = vector.shape_cast %swap3A_124 : vector<1x16xf32> to vector<16xf32>
        %swap3A_126 = vector.shape_cast %get3A_119 : vector<16xf32> to vector<1x16xf32>
        tpu.vector_store %arg10[%swap3A_122, %swap3A_123], %swap3A_126 {strides = array<i32>} : memref<1000x40xf32, #tpu.memory_space<vmem>>, vector<1x16xf32>,
        %mul3A_127 = arith.mulf %get3A_119, %get3A_119 : vector<16xf32>
        %add3A_128 = arith.constant 3 : i32
        %add3A_129 = arith.addi %add3A_52, %add3A_128 : i32
        %swap3A_130 = arith.index_cast %add3A_129 : i32 to index
        %swap3A_131 = arith.constant 16 : index
        %swap3A_132 = tpu.vector_load %arg10[%swap3A_130, %swap3A_131] {strides = array<i32>} : memref<1000x40xf32, #tpu.memory_space<vmem>>, vector<1x16xf32>,
        %swap3A_133 = vector.shape_cast %swap3A_132 : vector<1x16xf32> to vector<16xf32>
        %swap3A_134 = vector.shape_cast %mul3A_127 : vector<16xf32> to vector<1x16xf32>
        tpu.vector_store %arg10[%swap3A_130, %swap3A_131], %swap3A_134 {strides = array<i32>} : memref<1000x40xf32, #tpu.memory_space<vmem>>, vector<1x16xf32>,
        %add3A_135 = arith.constant 4 : i32
        %add3A_136 = arith.addi %add3A_52, %add3A_135 : i32
        %get3A_137 = arith.index_cast %add3A_136 : i32 to index
        %get3A_138 = arith.constant 0 : index
        %get3A_139 = tpu.vector_load %arg9[%get3A_137, %get3A_138] {strides = array<i32>} : memref<1000x16xf32, #tpu.memory_space<vmem>>, vector<1x16xf32>,
        %get3A_140 = vector.shape_cast %get3A_139 : vector<1x16xf32> to vector<16xf32>
        %add3A_141 = arith.constant 4 : i32
        %add3A_142 = arith.addi %add3A_52, %add3A_141 : i32
        %swap3A_143 = arith.index_cast %add3A_142 : i32 to index
        %swap3A_144 = arith.constant 0 : index
        %swap3A_145 = tpu.vector_load %arg10[%swap3A_143, %swap3A_144] {strides = array<i32>} : memref<1000x40xf32, #tpu.memory_space<vmem>>, vector<1x16xf32>,
        %swap3A_146 = vector.shape_cast %swap3A_145 : vector<1x16xf32> to vector<16xf32>
        %swap3A_147 = vector.shape_cast %get3A_140 : vector<16xf32> to vector<1x16xf32>
        tpu.vector_store %arg10[%swap3A_143, %swap3A_144], %swap3A_147 {strides = array<i32>} : memref<1000x40xf32, #tpu.memory_space<vmem>>, vector<1x16xf32>,
        %mul3A_148 = arith.mulf %get3A_140, %get3A_140 : vector<16xf32>
        %add3A_149 = arith.constant 4 : i32
        %add3A_150 = arith.addi %add3A_52, %add3A_149 : i32
        %swap3A_151 = arith.index_cast %add3A_150 : i32 to index
        %swap3A_152 = arith.constant 16 : index
        %swap3A_153 = tpu.vector_load %arg10[%swap3A_151, %swap3A_152] {strides = array<i32>} : memref<1000x40xf32, #tpu.memory_space<vmem>>, vector<1x16xf32>,
        %swap3A_154 = vector.shape_cast %swap3A_153 : vector<1x16xf32> to vector<16xf32>
        %swap3A_155 = vector.shape_cast %mul3A_148 : vector<16xf32> to vector<1x16xf32>
        tpu.vector_store %arg10[%swap3A_151, %swap3A_152], %swap3A_155 {strides = array<i32>} : memref<1000x40xf32, #tpu.memory_space<vmem>>, vector<1x16xf32>,
        %add3A_156 = arith.constant 5 : i32
        %add3A_157 = arith.addi %add3A_52, %add3A_156 : i32
        %get3A_158 = arith.index_cast %add3A_157 : i32 to index
        %get3A_159 = arith.constant 0 : index
        %get3A_160 = tpu.vector_load %arg9[%get3A_158, %get3A_159] {strides = array<i32>} : memref<1000x16xf32, #tpu.memory_space<vmem>>, vector<1x16xf32>,
        %get3A_161 = vector.shape_cast %get3A_160 : vector<1x16xf32> to vector<16xf32>
        %add3A_162 = arith.constant 5 : i32
        %add3A_163 = arith.addi %add3A_52, %add3A_162 : i32
        %swap3A_164 = arith.index_cast %add3A_163 : i32 to index
        %swap3A_165 = arith.constant 0 : index
        %swap3A_166 = tpu.vector_load %arg10[%swap3A_164, %swap3A_165] {strides = array<i32>} : memref<1000x40xf32, #tpu.memory_space<vmem>>, vector<1x16xf32>,
        %swap3A_167 = vector.shape_cast %swap3A_166 : vector<1x16xf32> to vector<16xf32>
        %swap3A_168 = vector.shape_cast %get3A_161 : vector<16xf32> to vector<1x16xf32>
        tpu.vector_store %arg10[%swap3A_164, %swap3A_165], %swap3A_168 {strides = array<i32>} : memref<1000x40xf32, #tpu.memory_space<vmem>>, vector<1x16xf32>,
        %mul3A_169 = arith.mulf %get3A_161, %get3A_161 : vector<16xf32>
        %add3A_170 = arith.constant 5 : i32
        %add3A_171 = arith.addi %add3A_52, %add3A_170 : i32
        %swap3A_172 = arith.index_cast %add3A_171 : i32 to index
        %swap3A_173 = arith.constant 16 : index
        %swap3A_174 = tpu.vector_load %arg10[%swap3A_172, %swap3A_173] {strides = array<i32>} : memref<1000x40xf32, #tpu.memory_space<vmem>>, vector<1x16xf32>,
        %swap3A_175 = vector.shape_cast %swap3A_174 : vector<1x16xf32> to vector<16xf32>
        %swap3A_176 = vector.shape_cast %mul3A_169 : vector<16xf32> to vector<1x16xf32>
        tpu.vector_store %arg10[%swap3A_172, %swap3A_173], %swap3A_176 {strides = array<i32>} : memref<1000x40xf32, #tpu.memory_space<vmem>>, vector<1x16xf32>,
        %add3A_177 = arith.constant 6 : i32
        %add3A_178 = arith.addi %add3A_52, %add3A_177 : i32
        %get3A_179 = arith.index_cast %add3A_178 : i32 to index
        %get3A_180 = arith.constant 0 : index
        %get3A_181 = tpu.vector_load %arg9[%get3A_179, %get3A_180] {strides = array<i32>} : memref<1000x16xf32, #tpu.memory_space<vmem>>, vector<1x16xf32>,
        %get3A_182 = vector.shape_cast %get3A_181 : vector<1x16xf32> to vector<16xf32>
        %add3A_183 = arith.constant 6 : i32
        %add3A_184 = arith.addi %add3A_52, %add3A_183 : i32
        %swap3A_185 = arith.index_cast %add3A_184 : i32 to index
        %swap3A_186 = arith.constant 0 : index
        %swap3A_187 = tpu.vector_load %arg10[%swap3A_185, %swap3A_186] {strides = array<i32>} : memref<1000x40xf32, #tpu.memory_space<vmem>>, vector<1x16xf32>,
        %swap3A_188 = vector.shape_cast %swap3A_187 : vector<1x16xf32> to vector<16xf32>
        %swap3A_189 = vector.shape_cast %get3A_182 : vector<16xf32> to vector<1x16xf32>
        tpu.vector_store %arg10[%swap3A_185, %swap3A_186], %swap3A_189 {strides = array<i32>} : memref<1000x40xf32, #tpu.memory_space<vmem>>, vector<1x16xf32>,
        %mul3A_190 = arith.mulf %get3A_182, %get3A_182 : vector<16xf32>
        %add3A_191 = arith.constant 6 : i32
        %add3A_192 = arith.addi %add3A_52, %add3A_191 : i32
        %swap3A_193 = arith.index_cast %add3A_192 : i32 to index
        %swap3A_194 = arith.constant 16 : index
        %swap3A_195 = tpu.vector_load %arg10[%swap3A_193, %swap3A_194] {strides = array<i32>} : memref<1000x40xf32, #tpu.memory_space<vmem>>, vector<1x16xf32>,
        %swap3A_196 = vector.shape_cast %swap3A_195 : vector<1x16xf32> to vector<16xf32>
        %swap3A_197 = vector.shape_cast %mul3A_190 : vector<16xf32> to vector<1x16xf32>
        tpu.vector_store %arg10[%swap3A_193, %swap3A_194], %swap3A_197 {strides = array<i32>} : memref<1000x40xf32, #tpu.memory_space<vmem>>, vector<1x16xf32>,
        %add3A_198 = arith.constant 7 : i32
        %add3A_199 = arith.addi %add3A_52, %add3A_198 : i32
        %get3A_200 = arith.index_cast %add3A_199 : i32 to index
        %get3A_201 = arith.constant 0 : index
        %get3A_202 = tpu.vector_load %arg9[%get3A_200, %get3A_201] {strides = array<i32>} : memref<1000x16xf32, #tpu.memory_space<vmem>>, vector<1x16xf32>,
        %get3A_203 = vector.shape_cast %get3A_202 : vector<1x16xf32> to vector<16xf32>
        %add3A_204 = arith.constant 7 : i32
        %add3A_205 = arith.addi %add3A_52, %add3A_204 : i32
        %swap3A_206 = arith.index_cast %add3A_205 : i32 to index
        %swap3A_207 = arith.constant 0 : index
        %swap3A_208 = tpu.vector_load %arg10[%swap3A_206, %swap3A_207] {strides = array<i32>} : memref<1000x40xf32, #tpu.memory_space<vmem>>, vector<1x16xf32>,
        %swap3A_209 = vector.shape_cast %swap3A_208 : vector<1x16xf32> to vector<16xf32>
        %swap3A_210 = vector.shape_cast %get3A_203 : vector<16xf32> to vector<1x16xf32>
        tpu.vector_store %arg10[%swap3A_206, %swap3A_207], %swap3A_210 {strides = array<i32>} : memref<1000x40xf32, #tpu.memory_space<vmem>>, vector<1x16xf32>,
        %mul3A_211 = arith.mulf %get3A_203, %get3A_203 : vector<16xf32>
        %add3A_212 = arith.constant 7 : i32
        %add3A_213 = arith.addi %add3A_52, %add3A_212 : i32
        %swap3A_214 = arith.index_cast %add3A_213 : i32 to index
        %swap3A_215 = arith.constant 16 : index
        %swap3A_216 = tpu.vector_load %arg10[%swap3A_214, %swap3A_215] {strides = array<i32>} : memref<1000x40xf32, #tpu.memory_space<vmem>>, vector<1x16xf32>,
        %swap3A_217 = vector.shape_cast %swap3A_216 : vector<1x16xf32> to vector<16xf32>
        %swap3A_218 = vector.shape_cast %mul3A_211 : vector<16xf32> to vector<1x16xf32>
        tpu.vector_store %arg10[%swap3A_214, %swap3A_215], %swap3A_218 {strides = array<i32>} : memref<1000x40xf32, #tpu.memory_space<vmem>>, vector<1x16xf32>,
      }
      %scan3A_47 = arith.constant 125 : i32
      "tpu.region"() ({
        %run_scoped3A = tpu.sem_alloc : memref<!tpu.dma_semaphore, #tpu.memory_space<semaphore_mem>>
        %dma_start3A_48 = arith.constant 0 : i32
        %dma_start3A_49 = arith.constant 0 : i32
        %dma_start3A_50 = tpu.memref_slice %arg11[%dma_start3A_48, %dma_start3A_49] : memref<5120x40xf32, #tpu.memory_space<vmem_shared>> -> memref<5120x40xf32, #tpu.memory_space<vmem_shared>>
        tpu.enqueue_indirect_dma source(%arg10 : memref<1000x40xf32, #tpu.memory_space<vmem>>) target(%dma_start3A_50 : memref<5120x40xf32, #tpu.memory_space<vmem_shared>>) offsets(%arg8 : memref<1000xi32, #tpu.memory_space<vmem>>) semaphore(%run_scoped3A : memref<!tpu.dma_semaphore, #tpu.memory_space<semaphore_mem>>) {add = true}
        %dma_wait3A_51 = arith.constant 0 : i32
        %dma_wait3A_52 = arith.constant 0 : i32
        %dma_wait3A_53 = tpu.memref_slice %arg11[%dma_wait3A_51, %dma_wait3A_52] : memref<5120x40xf32, #tpu.memory_space<vmem_shared>> -> memref<5120x40xf32, #tpu.memory_space<vmem_shared>>
        tpu.wait_indirect_dma semaphore(%run_scoped3A : memref<!tpu.dma_semaphore, #tpu.memory_space<semaphore_mem>>) src(%arg10 : memref<1000x40xf32, #tpu.memory_space<vmem>>) dst(%dma_wait3A_53 : memref<5120x40xf32, #tpu.memory_space<vmem_shared>>)
        tpu.yield
      }) : () -> ()
    }
    %while3A_30 = arith.constant 1 : i32
    scf.for %while3A_36 = %while3A_28 to %while3A_24 step %while3A_30  : i32 {
      %mul3A_37 = arith.muli %while3A_36, %while3A : i32
      %add3A_38 = arith.addi %add3A, %mul3A_37 : i32
      %mul3A_39 = arith.constant 1000 : i32
      %mul3A_40 = arith.muli %add3A_38, %mul3A_39 : i32
      "tpu.region"() ({
        %run_scoped3A = tpu.sem_alloc : memref<!tpu.dma_semaphore, #tpu.memory_space<semaphore_mem>>
        %dma_start3A_48 = tpu.memref_slice %arg2[%mul3A_40] : memref<1600000xi32, #tpu.memory_space<hbm>> -> memref<1000xi32, #tpu.memory_space<hbm>>
        %dma_start3A_49 = tpu.memref_slice %arg2[%mul3A_40] : memref<1600000xi32, #tpu.memory_space<hbm>> -> memref<1000xi32, #tpu.memory_space<hbm>>
        tpu.enqueue_dma source(%dma_start3A_49 : memref<1000xi32, #tpu.memory_space<hbm>>) target(%arg7 : memref<1000xi32, #tpu.memory_space<vmem>>) target_semaphore(%run_scoped3A : memref<!tpu.dma_semaphore, #tpu.memory_space<semaphore_mem>>)
        %dma_wait3A_50 = tpu.memref_slice %arg2[%mul3A_40] : memref<1600000xi32, #tpu.memory_space<hbm>> -> memref<1000xi32, #tpu.memory_space<hbm>>
        %dma_wait3A_51 = tpu.memref_slice %arg2[%mul3A_40] : memref<1600000xi32, #tpu.memory_space<hbm>> -> memref<1000xi32, #tpu.memory_space<hbm>>
        tpu.wait_dma2 semaphore(%run_scoped3A : memref<!tpu.dma_semaphore, #tpu.memory_space<semaphore_mem>>) src(%dma_wait3A_51 : memref<1000xi32, #tpu.memory_space<hbm>>) dst(%arg7 : memref<1000xi32, #tpu.memory_space<vmem>>)
        tpu.yield
      }) : () -> ()
      %dma_start3A = arith.constant 0 : i32
      %dma_start3A_41 = tpu.memref_slice %arg3[%dma_start3A] : memref<100000xi32, #tpu.memory_space<hbm>> -> memref<100000xi32, #tpu.memory_space<hbm>>
      tpu.enqueue_indirect_dma source(%dma_start3A_41 : memref<100000xi32, #tpu.memory_space<hbm>>) target(%arg8 : memref<1000xi32, #tpu.memory_space<vmem>>) offsets(%arg7 : memref<1000xi32, #tpu.memory_space<vmem>>) semaphore(%arg12 : memref<!tpu.dma_semaphore, #tpu.memory_space<semaphore_mem>>)
      %dma_wait3A = arith.constant 0 : i32
      %dma_wait3A_42 = tpu.memref_slice %arg3[%dma_wait3A] : memref<100000xi32, #tpu.memory_space<hbm>> -> memref<100000xi32, #tpu.memory_space<hbm>>
      tpu.wait_indirect_dma semaphore(%arg12 : memref<!tpu.dma_semaphore, #tpu.memory_space<semaphore_mem>>) src(%dma_wait3A_42 : memref<100000xi32, #tpu.memory_space<hbm>>) dst(%arg8 : memref<1000xi32, #tpu.memory_space<vmem>>)
      "tpu.region"() ({
        %run_scoped3A = tpu.sem_alloc : memref<!tpu.dma_semaphore, #tpu.memory_space<semaphore_mem>>
        %dma_start3A_48 = arith.constant 0 : i32
        %dma_start3A_49 = tpu.memref_slice %arg4[%mul3A_40, %dma_start3A_48] : memref<1600000x16xf32, #tpu.memory_space<hbm>> -> memref<1000x16xf32, #tpu.memory_space<hbm>>
        %dma_start3A_50 = arith.constant 0 : i32
        %dma_start3A_51 = tpu.memref_slice %arg4[%mul3A_40, %dma_start3A_50] : memref<1600000x16xf32, #tpu.memory_space<hbm>> -> memref<1000x16xf32, #tpu.memory_space<hbm>>
        tpu.enqueue_dma source(%dma_start3A_51 : memref<1000x16xf32, #tpu.memory_space<hbm>>) target(%arg9 : memref<1000x16xf32, #tpu.memory_space<vmem>>) target_semaphore(%run_scoped3A : memref<!tpu.dma_semaphore, #tpu.memory_space<semaphore_mem>>)
        %dma_wait3A_52 = arith.constant 0 : i32
        %dma_wait3A_53 = tpu.memref_slice %arg4[%mul3A_40, %dma_wait3A_52] : memref<1600000x16xf32, #tpu.memory_space<hbm>> -> memref<1000x16xf32, #tpu.memory_space<hbm>>
        %dma_wait3A_54 = arith.constant 0 : i32
        %dma_wait3A_55 = tpu.memref_slice %arg4[%mul3A_40, %dma_wait3A_54] : memref<1600000x16xf32, #tpu.memory_space<hbm>> -> memref<1000x16xf32, #tpu.memory_space<hbm>>
        tpu.wait_dma2 semaphore(%run_scoped3A : memref<!tpu.dma_semaphore, #tpu.memory_space<semaphore_mem>>) src(%dma_wait3A_55 : memref<1000x16xf32, #tpu.memory_space<hbm>>) dst(%arg9 : memref<1000x16xf32, #tpu.memory_space<vmem>>)
        tpu.yield
      }) : () -> ()
      %scan3A_43 = arith.constant 0 : i32
      %scan3A_44 = arith.constant 125 : i32
      %scan3A_45 = arith.addi %scan3A_43, %scan3A_44 : i32
      %scan3A_46 = arith.constant 1 : i32
      scf.for %scan3A_48 = %scan3A_43 to %scan3A_45 step %scan3A_46  : i32 {
        %mul3A_49 = arith.constant 8 : i32
        %mul3A_50 = arith.muli %scan3A_48, %mul3A_49 : i32
        %add3A_51 = arith.constant 0 : i32
        %add3A_52 = arith.addi %add3A_51, %mul3A_50 : i32
        %add3A_53 = arith.constant 0 : i32
        %add3A_54 = arith.addi %add3A_52, %add3A_53 : i32
        %get3A = arith.index_cast %add3A_54 : i32 to index
        %get3A_55 = arith.constant 0 : index
        %get3A_56 = tpu.vector_load %arg9[%get3A, %get3A_55] {strides = array<i32>} : memref<1000x16xf32, #tpu.memory_space<vmem>>, vector<1x16xf32>,
        %get3A_57 = vector.shape_cast %get3A_56 : vector<1x16xf32> to vector<16xf32>
        %add3A_58 = arith.constant 0 : i32
        %add3A_59 = arith.addi %add3A_52, %add3A_58 : i32
        %swap3A = arith.index_cast %add3A_59 : i32 to index
        %swap3A_60 = arith.constant 0 : index
        %swap3A_61 = tpu.vector_load %arg10[%swap3A, %swap3A_60] {strides = array<i32>} : memref<1000x40xf32, #tpu.memory_space<vmem>>, vector<1x16xf32>,
        %swap3A_62 = vector.shape_cast %swap3A_61 : vector<1x16xf32> to vector<16xf32>
        %swap3A_63 = vector.shape_cast %get3A_57 : vector<16xf32> to vector<1x16xf32>
        tpu.vector_store %arg10[%swap3A, %swap3A_60], %swap3A_63 {strides = array<i32>} : memref<1000x40xf32, #tpu.memory_space<vmem>>, vector<1x16xf32>,
        %mul3A_64 = arith.mulf %get3A_57, %get3A_57 : vector<16xf32>
        %add3A_65 = arith.constant 0 : i32
        %add3A_66 = arith.addi %add3A_52, %add3A_65 : i32
        %swap3A_67 = arith.index_cast %add3A_66 : i32 to index
        %swap3A_68 = arith.constant 16 : index
        %swap3A_69 = tpu.vector_load %arg10[%swap3A_67, %swap3A_68] {strides = array<i32>} : memref<1000x40xf32, #tpu.memory_space<vmem>>, vector<1x16xf32>,
        %swap3A_70 = vector.shape_cast %swap3A_69 : vector<1x16xf32> to vector<16xf32>
        %swap3A_71 = vector.shape_cast %mul3A_64 : vector<16xf32> to vector<1x16xf32>
        tpu.vector_store %arg10[%swap3A_67, %swap3A_68], %swap3A_71 {strides = array<i32>} : memref<1000x40xf32, #tpu.memory_space<vmem>>, vector<1x16xf32>,
        %add3A_72 = arith.constant 1 : i32
        %add3A_73 = arith.addi %add3A_52, %add3A_72 : i32
        %get3A_74 = arith.index_cast %add3A_73 : i32 to index
        %get3A_75 = arith.constant 0 : index
        %get3A_76 = tpu.vector_load %arg9[%get3A_74, %get3A_75] {strides = array<i32>} : memref<1000x16xf32, #tpu.memory_space<vmem>>, vector<1x16xf32>,
        %get3A_77 = vector.shape_cast %get3A_76 : vector<1x16xf32> to vector<16xf32>
        %add3A_78 = arith.constant 1 : i32
        %add3A_79 = arith.addi %add3A_52, %add3A_78 : i32
        %swap3A_80 = arith.index_cast %add3A_79 : i32 to index
        %swap3A_81 = arith.constant 0 : index
        %swap3A_82 = tpu.vector_load %arg10[%swap3A_80, %swap3A_81] {strides = array<i32>} : memref<1000x40xf32, #tpu.memory_space<vmem>>, vector<1x16xf32>,
        %swap3A_83 = vector.shape_cast %swap3A_82 : vector<1x16xf32> to vector<16xf32>
        %swap3A_84 = vector.shape_cast %get3A_77 : vector<16xf32> to vector<1x16xf32>
        tpu.vector_store %arg10[%swap3A_80, %swap3A_81], %swap3A_84 {strides = array<i32>} : memref<1000x40xf32, #tpu.memory_space<vmem>>, vector<1x16xf32>,
        %mul3A_85 = arith.mulf %get3A_77, %get3A_77 : vector<16xf32>
        %add3A_86 = arith.constant 1 : i32
        %add3A_87 = arith.addi %add3A_52, %add3A_86 : i32
        %swap3A_88 = arith.index_cast %add3A_87 : i32 to index
        %swap3A_89 = arith.constant 16 : index
        %swap3A_90 = tpu.vector_load %arg10[%swap3A_88, %swap3A_89] {strides = array<i32>} : memref<1000x40xf32, #tpu.memory_space<vmem>>, vector<1x16xf32>,
        %swap3A_91 = vector.shape_cast %swap3A_90 : vector<1x16xf32> to vector<16xf32>
        %swap3A_92 = vector.shape_cast %mul3A_85 : vector<16xf32> to vector<1x16xf32>
        tpu.vector_store %arg10[%swap3A_88, %swap3A_89], %swap3A_92 {strides = array<i32>} : memref<1000x40xf32, #tpu.memory_space<vmem>>, vector<1x16xf32>,
        %add3A_93 = arith.constant 2 : i32
        %add3A_94 = arith.addi %add3A_52, %add3A_93 : i32
        %get3A_95 = arith.index_cast %add3A_94 : i32 to index
        %get3A_96 = arith.constant 0 : index
        %get3A_97 = tpu.vector_load %arg9[%get3A_95, %get3A_96] {strides = array<i32>} : memref<1000x16xf32, #tpu.memory_space<vmem>>, vector<1x16xf32>,
        %get3A_98 = vector.shape_cast %get3A_97 : vector<1x16xf32> to vector<16xf32>
        %add3A_99 = arith.constant 2 : i32
        %add3A_100 = arith.addi %add3A_52, %add3A_99 : i32
        %swap3A_101 = arith.index_cast %add3A_100 : i32 to index
        %swap3A_102 = arith.constant 0 : index
        %swap3A_103 = tpu.vector_load %arg10[%swap3A_101, %swap3A_102] {strides = array<i32>} : memref<1000x40xf32, #tpu.memory_space<vmem>>, vector<1x16xf32>,
        %swap3A_104 = vector.shape_cast %swap3A_103 : vector<1x16xf32> to vector<16xf32>
        %swap3A_105 = vector.shape_cast %get3A_98 : vector<16xf32> to vector<1x16xf32>
        tpu.vector_store %arg10[%swap3A_101, %swap3A_102], %swap3A_105 {strides = array<i32>} : memref<1000x40xf32, #tpu.memory_space<vmem>>, vector<1x16xf32>,
        %mul3A_106 = arith.mulf %get3A_98, %get3A_98 : vector<16xf32>
        %add3A_107 = arith.constant 2 : i32
        %add3A_108 = arith.addi %add3A_52, %add3A_107 : i32
        %swap3A_109 = arith.index_cast %add3A_108 : i32 to index
        %swap3A_110 = arith.constant 16 : index
        %swap3A_111 = tpu.vector_load %arg10[%swap3A_109, %swap3A_110] {strides = array<i32>} : memref<1000x40xf32, #tpu.memory_space<vmem>>, vector<1x16xf32>,
        %swap3A_112 = vector.shape_cast %swap3A_111 : vector<1x16xf32> to vector<16xf32>
        %swap3A_113 = vector.shape_cast %mul3A_106 : vector<16xf32> to vector<1x16xf32>
        tpu.vector_store %arg10[%swap3A_109, %swap3A_110], %swap3A_113 {strides = array<i32>} : memref<1000x40xf32, #tpu.memory_space<vmem>>, vector<1x16xf32>,
        %add3A_114 = arith.constant 3 : i32
        %add3A_115 = arith.addi %add3A_52, %add3A_114 : i32
        %get3A_116 = arith.index_cast %add3A_115 : i32 to index
        %get3A_117 = arith.constant 0 : index
        %get3A_118 = tpu.vector_load %arg9[%get3A_116, %get3A_117] {strides = array<i32>} : memref<1000x16xf32, #tpu.memory_space<vmem>>, vector<1x16xf32>,
        %get3A_119 = vector.shape_cast %get3A_118 : vector<1x16xf32> to vector<16xf32>
        %add3A_120 = arith.constant 3 : i32
        %add3A_121 = arith.addi %add3A_52, %add3A_120 : i32
        %swap3A_122 = arith.index_cast %add3A_121 : i32 to index
        %swap3A_123 = arith.constant 0 : index
        %swap3A_124 = tpu.vector_load %arg10[%swap3A_122, %swap3A_123] {strides = array<i32>} : memref<1000x40xf32, #tpu.memory_space<vmem>>, vector<1x16xf32>,
        %swap3A_125 = vector.shape_cast %swap3A_124 : vector<1x16xf32> to vector<16xf32>
        %swap3A_126 = vector.shape_cast %get3A_119 : vector<16xf32> to vector<1x16xf32>
        tpu.vector_store %arg10[%swap3A_122, %swap3A_123], %swap3A_126 {strides = array<i32>} : memref<1000x40xf32, #tpu.memory_space<vmem>>, vector<1x16xf32>,
        %mul3A_127 = arith.mulf %get3A_119, %get3A_119 : vector<16xf32>
        %add3A_128 = arith.constant 3 : i32
        %add3A_129 = arith.addi %add3A_52, %add3A_128 : i32
        %swap3A_130 = arith.index_cast %add3A_129 : i32 to index
        %swap3A_131 = arith.constant 16 : index
        %swap3A_132 = tpu.vector_load %arg10[%swap3A_130, %swap3A_131] {strides = array<i32>} : memref<1000x40xf32, #tpu.memory_space<vmem>>, vector<1x16xf32>,
        %swap3A_133 = vector.shape_cast %swap3A_132 : vector<1x16xf32> to vector<16xf32>
        %swap3A_134 = vector.shape_cast %mul3A_127 : vector<16xf32> to vector<1x16xf32>
        tpu.vector_store %arg10[%swap3A_130, %swap3A_131], %swap3A_134 {strides = array<i32>} : memref<1000x40xf32, #tpu.memory_space<vmem>>, vector<1x16xf32>,
        %add3A_135 = arith.constant 4 : i32
        %add3A_136 = arith.addi %add3A_52, %add3A_135 : i32
        %get3A_137 = arith.index_cast %add3A_136 : i32 to index
        %get3A_138 = arith.constant 0 : index
        %get3A_139 = tpu.vector_load %arg9[%get3A_137, %get3A_138] {strides = array<i32>} : memref<1000x16xf32, #tpu.memory_space<vmem>>, vector<1x16xf32>,
        %get3A_140 = vector.shape_cast %get3A_139 : vector<1x16xf32> to vector<16xf32>
        %add3A_141 = arith.constant 4 : i32
        %add3A_142 = arith.addi %add3A_52, %add3A_141 : i32
        %swap3A_143 = arith.index_cast %add3A_142 : i32 to index
        %swap3A_144 = arith.constant 0 : index
        %swap3A_145 = tpu.vector_load %arg10[%swap3A_143, %swap3A_144] {strides = array<i32>} : memref<1000x40xf32, #tpu.memory_space<vmem>>, vector<1x16xf32>,
        %swap3A_146 = vector.shape_cast %swap3A_145 : vector<1x16xf32> to vector<16xf32>
        %swap3A_147 = vector.shape_cast %get3A_140 : vector<16xf32> to vector<1x16xf32>
        tpu.vector_store %arg10[%swap3A_143, %swap3A_144], %swap3A_147 {strides = array<i32>} : memref<1000x40xf32, #tpu.memory_space<vmem>>, vector<1x16xf32>,
        %mul3A_148 = arith.mulf %get3A_140, %get3A_140 : vector<16xf32>
        %add3A_149 = arith.constant 4 : i32
        %add3A_150 = arith.addi %add3A_52, %add3A_149 : i32
        %swap3A_151 = arith.index_cast %add3A_150 : i32 to index
        %swap3A_152 = arith.constant 16 : index
        %swap3A_153 = tpu.vector_load %arg10[%swap3A_151, %swap3A_152] {strides = array<i32>} : memref<1000x40xf32, #tpu.memory_space<vmem>>, vector<1x16xf32>,
        %swap3A_154 = vector.shape_cast %swap3A_153 : vector<1x16xf32> to vector<16xf32>
        %swap3A_155 = vector.shape_cast %mul3A_148 : vector<16xf32> to vector<1x16xf32>
        tpu.vector_store %arg10[%swap3A_151, %swap3A_152], %swap3A_155 {strides = array<i32>} : memref<1000x40xf32, #tpu.memory_space<vmem>>, vector<1x16xf32>,
        %add3A_156 = arith.constant 5 : i32
        %add3A_157 = arith.addi %add3A_52, %add3A_156 : i32
        %get3A_158 = arith.index_cast %add3A_157 : i32 to index
        %get3A_159 = arith.constant 0 : index
        %get3A_160 = tpu.vector_load %arg9[%get3A_158, %get3A_159] {strides = array<i32>} : memref<1000x16xf32, #tpu.memory_space<vmem>>, vector<1x16xf32>,
        %get3A_161 = vector.shape_cast %get3A_160 : vector<1x16xf32> to vector<16xf32>
        %add3A_162 = arith.constant 5 : i32
        %add3A_163 = arith.addi %add3A_52, %add3A_162 : i32
        %swap3A_164 = arith.index_cast %add3A_163 : i32 to index
        %swap3A_165 = arith.constant 0 : index
        %swap3A_166 = tpu.vector_load %arg10[%swap3A_164, %swap3A_165] {strides = array<i32>} : memref<1000x40xf32, #tpu.memory_space<vmem>>, vector<1x16xf32>,
        %swap3A_167 = vector.shape_cast %swap3A_166 : vector<1x16xf32> to vector<16xf32>
        %swap3A_168 = vector.shape_cast %get3A_161 : vector<16xf32> to vector<1x16xf32>
        tpu.vector_store %arg10[%swap3A_164, %swap3A_165], %swap3A_168 {strides = array<i32>} : memref<1000x40xf32, #tpu.memory_space<vmem>>, vector<1x16xf32>,
        %mul3A_169 = arith.mulf %get3A_161, %get3A_161 : vector<16xf32>
        %add3A_170 = arith.constant 5 : i32
        %add3A_171 = arith.addi %add3A_52, %add3A_170 : i32
        %swap3A_172 = arith.index_cast %add3A_171 : i32 to index
        %swap3A_173 = arith.constant 16 : index
        %swap3A_174 = tpu.vector_load %arg10[%swap3A_172, %swap3A_173] {strides = array<i32>} : memref<1000x40xf32, #tpu.memory_space<vmem>>, vector<1x16xf32>,
        %swap3A_175 = vector.shape_cast %swap3A_174 : vector<1x16xf32> to vector<16xf32>
        %swap3A_176 = vector.shape_cast %mul3A_169 : vector<16xf32> to vector<1x16xf32>
        tpu.vector_store %arg10[%swap3A_172, %swap3A_173], %swap3A_176 {strides = array<i32>} : memref<1000x40xf32, #tpu.memory_space<vmem>>, vector<1x16xf32>,
        %add3A_177 = arith.constant 6 : i32
        %add3A_178 = arith.addi %add3A_52, %add3A_177 : i32
        %get3A_179 = arith.index_cast %add3A_178 : i32 to index
        %get3A_180 = arith.constant 0 : index
        %get3A_181 = tpu.vector_load %arg9[%get3A_179, %get3A_180] {strides = array<i32>} : memref<1000x16xf32, #tpu.memory_space<vmem>>, vector<1x16xf32>,
        %get3A_182 = vector.shape_cast %get3A_181 : vector<1x16xf32> to vector<16xf32>
        %add3A_183 = arith.constant 6 : i32
        %add3A_184 = arith.addi %add3A_52, %add3A_183 : i32
        %swap3A_185 = arith.index_cast %add3A_184 : i32 to index
        %swap3A_186 = arith.constant 0 : index
        %swap3A_187 = tpu.vector_load %arg10[%swap3A_185, %swap3A_186] {strides = array<i32>} : memref<1000x40xf32, #tpu.memory_space<vmem>>, vector<1x16xf32>,
        %swap3A_188 = vector.shape_cast %swap3A_187 : vector<1x16xf32> to vector<16xf32>
        %swap3A_189 = vector.shape_cast %get3A_182 : vector<16xf32> to vector<1x16xf32>
        tpu.vector_store %arg10[%swap3A_185, %swap3A_186], %swap3A_189 {strides = array<i32>} : memref<1000x40xf32, #tpu.memory_space<vmem>>, vector<1x16xf32>,
        %mul3A_190 = arith.mulf %get3A_182, %get3A_182 : vector<16xf32>
        %add3A_191 = arith.constant 6 : i32
        %add3A_192 = arith.addi %add3A_52, %add3A_191 : i32
        %swap3A_193 = arith.index_cast %add3A_192 : i32 to index
        %swap3A_194 = arith.constant 16 : index
        %swap3A_195 = tpu.vector_load %arg10[%swap3A_193, %swap3A_194] {strides = array<i32>} : memref<1000x40xf32, #tpu.memory_space<vmem>>, vector<1x16xf32>,
        %swap3A_196 = vector.shape_cast %swap3A_195 : vector<1x16xf32> to vector<16xf32>
        %swap3A_197 = vector.shape_cast %mul3A_190 : vector<16xf32> to vector<1x16xf32>
        tpu.vector_store %arg10[%swap3A_193, %swap3A_194], %swap3A_197 {strides = array<i32>} : memref<1000x40xf32, #tpu.memory_space<vmem>>, vector<1x16xf32>,
        %add3A_198 = arith.constant 7 : i32
        %add3A_199 = arith.addi %add3A_52, %add3A_198 : i32
        %get3A_200 = arith.index_cast %add3A_199 : i32 to index
        %get3A_201 = arith.constant 0 : index
        %get3A_202 = tpu.vector_load %arg9[%get3A_200, %get3A_201] {strides = array<i32>} : memref<1000x16xf32, #tpu.memory_space<vmem>>, vector<1x16xf32>,
        %get3A_203 = vector.shape_cast %get3A_202 : vector<1x16xf32> to vector<16xf32>
        %add3A_204 = arith.constant 7 : i32
        %add3A_205 = arith.addi %add3A_52, %add3A_204 : i32
        %swap3A_206 = arith.index_cast %add3A_205 : i32 to index
        %swap3A_207 = arith.constant 0 : index
        %swap3A_208 = tpu.vector_load %arg10[%swap3A_206, %swap3A_207] {strides = array<i32>} : memref<1000x40xf32, #tpu.memory_space<vmem>>, vector<1x16xf32>,
        %swap3A_209 = vector.shape_cast %swap3A_208 : vector<1x16xf32> to vector<16xf32>
        %swap3A_210 = vector.shape_cast %get3A_203 : vector<16xf32> to vector<1x16xf32>
        tpu.vector_store %arg10[%swap3A_206, %swap3A_207], %swap3A_210 {strides = array<i32>} : memref<1000x40xf32, #tpu.memory_space<vmem>>, vector<1x16xf32>,
        %mul3A_211 = arith.mulf %get3A_203, %get3A_203 : vector<16xf32>
        %add3A_212 = arith.constant 7 : i32
        %add3A_213 = arith.addi %add3A_52, %add3A_212 : i32
        %swap3A_214 = arith.index_cast %add3A_213 : i32 to index
        %swap3A_215 = arith.constant 16 : index
        %swap3A_216 = tpu.vector_load %arg10[%swap3A_214, %swap3A_215] {strides = array<i32>} : memref<1000x40xf32, #tpu.memory_space<vmem>>, vector<1x16xf32>,
        %swap3A_217 = vector.shape_cast %swap3A_216 : vector<1x16xf32> to vector<16xf32>
        %swap3A_218 = vector.shape_cast %mul3A_211 : vector<16xf32> to vector<1x16xf32>
        tpu.vector_store %arg10[%swap3A_214, %swap3A_215], %swap3A_218 {strides = array<i32>} : memref<1000x40xf32, #tpu.memory_space<vmem>>, vector<1x16xf32>,
      }
      %scan3A_47 = arith.constant 125 : i32
      "tpu.region"() ({
        %run_scoped3A = tpu.sem_alloc : memref<!tpu.dma_semaphore, #tpu.memory_space<semaphore_mem>>
        %dma_start3A_48 = arith.constant 0 : i32
        %dma_start3A_49 = arith.constant 0 : i32
        %dma_start3A_50 = tpu.memref_slice %arg11[%dma_start3A_48, %dma_start3A_49] : memref<5120x40xf32, #tpu.memory_space<vmem_shared>> -> memref<5120x40xf32, #tpu.memory_space<vmem_shared>>
        tpu.enqueue_indirect_dma source(%arg10 : memref<1000x40xf32, #tpu.memory_space<vmem>>) target(%dma_start3A_50 : memref<5120x40xf32, #tpu.memory_space<vmem_shared>>) offsets(%arg8 : memref<1000xi32, #tpu.memory_space<vmem>>) semaphore(%run_scoped3A : memref<!tpu.dma_semaphore, #tpu.memory_space<semaphore_mem>>) {add = true}
        %dma_wait3A_51 = arith.constant 0 : i32
        %dma_wait3A_52 = arith.constant 0 : i32
        %dma_wait3A_53 = tpu.memref_slice %arg11[%dma_wait3A_51, %dma_wait3A_52] : memref<5120x40xf32, #tpu.memory_space<vmem_shared>> -> memref<5120x40xf32, #tpu.memory_space<vmem_shared>>
        tpu.wait_indirect_dma semaphore(%run_scoped3A : memref<!tpu.dma_semaphore, #tpu.memory_space<semaphore_mem>>) src(%arg10 : memref<1000x40xf32, #tpu.memory_space<vmem>>) dst(%dma_wait3A_53 : memref<5120x40xf32, #tpu.memory_space<vmem_shared>>)
        tpu.yield
      }) : () -> ()
    }
    %barrier3A_31 = arith.constant 0 : index
    tpu.barrier barrier_id(%barrier3A_31)
    %mul3A_32 = arith.constant 320 : i32
    %mul3A_33 = arith.muli %arg1, %mul3A_32 : i32
    %mul3A_34 = arith.constant 320 : i32
    %mul3A_35 = arith.muli %arg1, %mul3A_34 : i32
    "tpu.region"() ({
      %run_scoped3A = tpu.sem_alloc : memref<!tpu.dma_semaphore, #tpu.memory_space<semaphore_mem>>
      %dma_start3A = arith.constant 0 : i32
      %dma_start3A_36 = tpu.memref_slice %arg6[%arg0, %mul3A_35, %dma_start3A] : memref<2x5120x40xf32, #tpu.memory_space<hbm>> -> memref<1x320x40xf32, #tpu.memory_space<hbm>>
      %dma_start3A_37 = tpu.memref_squeeze %dma_start3A_36 : memref<1x320x40xf32, #tpu.memory_space<hbm>> -> memref<320x40xf32, #tpu.memory_space<hbm>>
      %dma_start3A_38 = arith.constant 0 : i32
      %dma_start3A_39 = tpu.memref_slice %arg11[%mul3A_33, %dma_start3A_38] : memref<5120x40xf32, #tpu.memory_space<vmem_shared>> -> memref<320x40xf32, #tpu.memory_space<vmem_shared>>
      tpu.enqueue_dma source(%dma_start3A_39 : memref<320x40xf32, #tpu.memory_space<vmem_shared>>) target(%dma_start3A_37 : memref<320x40xf32, #tpu.memory_space<hbm>>) target_semaphore(%run_scoped3A : memref<!tpu.dma_semaphore, #tpu.memory_space<semaphore_mem>>)
      %dma_wait3A = arith.constant 0 : i32
      %dma_wait3A_40 = tpu.memref_slice %arg6[%arg0, %mul3A_35, %dma_wait3A] : memref<2x5120x40xf32, #tpu.memory_space<hbm>> -> memref<1x320x40xf32, #tpu.memory_space<hbm>>
      %dma_wait3A_41 = tpu.memref_squeeze %dma_wait3A_40 : memref<1x320x40xf32, #tpu.memory_space<hbm>> -> memref<320x40xf32, #tpu.memory_space<hbm>>
      %dma_wait3A_42 = arith.constant 0 : i32
      %dma_wait3A_43 = tpu.memref_slice %arg11[%mul3A_33, %dma_wait3A_42] : memref<5120x40xf32, #tpu.memory_space<vmem_shared>> -> memref<320x40xf32, #tpu.memory_space<vmem_shared>>
      tpu.wait_dma2 semaphore(%run_scoped3A : memref<!tpu.dma_semaphore, #tpu.memory_space<semaphore_mem>>) src(%dma_wait3A_43 : memref<320x40xf32, #tpu.memory_space<vmem_shared>>) dst(%dma_wait3A_41 : memref<320x40xf32, #tpu.memory_space<hbm>>)
      tpu.yield
    }) : () -> ()
    return
  }
}

#map = affine_map<(d0, d1) -> (0, 0)>
#map1 = affine_map<(d0, d1) -> (0)>
module attributes {stable_mosaic.version = 14 : i64} {
  func.func @_norm(%arg0: i32, %arg1: i32, %arg2: memref<100000x128xf32, #tpu.memory_space<hbm>>, %arg3: memref<100000x16xf32, #tpu.memory_space<hbm>>, %arg4: memref<100000xi32, #tpu.memory_space<hbm>>, %arg5: memref<1600000xi32, #tpu.memory_space<hbm>>, %arg6: memref<1600000x16xf32, #tpu.memory_space<hbm>>, %arg7: memref<5120x256xf32, #tpu.memory_space<hbm>>, %arg8: memref<5120x16xf32, #tpu.memory_space<hbm>>, %arg9: memref<5120x32xf32, #tpu.memory_space<hbm>>, %arg10: memref<100000x128xf32, #tpu.memory_space<hbm>>, %arg11: memref<100000x16xf32, #tpu.memory_space<hbm>>, %arg12: memref<1600000x16xf32, #tpu.memory_space<hbm>>, %arg13: memref<80xi32, #tpu.memory_space<vmem>>, %arg14: memref<80x128xf32, #tpu.memory_space<vmem>>, %arg15: memref<80x16xf32, #tpu.memory_space<vmem>>, %arg16: memref<80x256xf32, #tpu.memory_space<vmem>>, %arg17: memref<80x16xf32, #tpu.memory_space<vmem>>, %arg18: memref<80x128xf32, #tpu.memory_space<vmem>>, %arg19: memref<80x16xf32, #tpu.memory_space<vmem>>, %arg20: memref<1000xi32, #tpu.memory_space<vmem>>, %arg21: memref<1000xi32, #tpu.memory_space<vmem>>, %arg22: memref<1000x16xf32, #tpu.memory_space<vmem>>, %arg23: memref<1000x32xf32, #tpu.memory_space<vmem>>, %arg24: memref<1000x16xf32, #tpu.memory_space<vmem>>, %arg25: memref<!tpu.dma_semaphore, #tpu.memory_space<semaphore_mem>>, %arg26: memref<!tpu.dma_semaphore, #tpu.memory_space<semaphore_mem>>) attributes {dimension_semantics = [#tpu.dimension_semantics<core_parallel>, #tpu.dimension_semantics<subcore_parallel>], iteration_bounds = array<i64: 2, 16>, scalar_prefetch = 0 : i64, scratch_operands = 14 : i64, tpu.core_type = #tpu.core_type<sc_vector_subcore>, window_params = [{transform_indices = #map}, {transform_indices = #map}, {transform_indices = #map1}, {transform_indices = #map1}, {transform_indices = #map}, {transform_indices = #map}, {transform_indices = #map}, {transform_indices = #map}, {transform_indices = #map}, {transform_indices = #map}, {transform_indices = #map}]} {
    %iota3A = tpu.iota {dimensions = array<i32: 0>} : vector<16xi32>
    %add3A = arith.constant 3 : i32
    %add3A_0 = vector.broadcast %add3A : i32 to vector<16xi32>
    %add3A_1 = arith.addi %iota3A, %add3A_0 : vector<16xi32>
    %and3A = arith.constant 15 : i32
    %and3A_2 = vector.broadcast %and3A : i32 to vector<16xi32>
    %and3A_3 = arith.andi %add3A_1, %and3A_2 : vector<16xi32>
    %mul3A = arith.constant 625 : i32
    %mul3A_4 = arith.muli %arg0, %mul3A : i32
    %add3A_5 = arith.addi %mul3A_4, %arg1 : i32
    %add3A_6 = arith.constant 1 : i32
    %add3A_7 = arith.addi %arg0, %add3A_6 : i32
    %mul3A_8 = arith.constant 625 : i32
    %mul3A_9 = arith.muli %add3A_7, %mul3A_8 : i32
    %sub3A = arith.subi %mul3A_9, %add3A_5 : i32
    %sub3A_10 = arith.constant 16 : i32
    %sub3A_11 = arith.constant 1 : i32
    %sub3A_12 = arith.subi %sub3A_10, %sub3A_11 : i32
    %add3A_13 = arith.addi %sub3A, %sub3A_12 : i32
    %div3A = arith.constant 16 : i32
    %div3A_14 = arith.divsi %add3A_13, %div3A : i32
    %while3A = arith.constant 16 : i32
    %while3A_15 = arith.constant 0 : i32
    %while3A_16 = arith.subi %div3A_14, %while3A_15 : i32
    %while3A_17 = arith.addi %while3A_15, %while3A_16 : i32
    %while3A_18 = arith.constant 1 : i32
    %while3A_19 = arith.divsi %while3A_16, %while3A_18 : i32
    %while3A_20 = arith.muli %while3A_19, %while3A_18 : i32
    %while3A_21 = arith.addi %while3A_15, %while3A_20 : i32
    %while3A_22 = arith.constant 1 : i32
    scf.for %while3A_48 = %while3A_15 to %while3A_21 step %while3A_22  : i32 {
      %mul3A_49 = arith.muli %while3A_48, %while3A : i32
      %add3A_50 = arith.addi %add3A_5, %mul3A_49 : i32
      %mul3A_51 = arith.constant 80 : i32
      %mul3A_52 = arith.muli %add3A_50, %mul3A_51 : i32
      "tpu.region"() ({
        %run_scoped3A = tpu.sem_alloc : memref<!tpu.dma_semaphore, #tpu.memory_space<semaphore_mem>>
        %dma_start3A_67 = tpu.memref_slice %arg4[%mul3A_52] : memref<100000xi32, #tpu.memory_space<hbm>> -> memref<80xi32, #tpu.memory_space<hbm>>
        %dma_start3A_68 = tpu.memref_slice %arg4[%mul3A_52] : memref<100000xi32, #tpu.memory_space<hbm>> -> memref<80xi32, #tpu.memory_space<hbm>>
        tpu.enqueue_dma source(%dma_start3A_68 : memref<80xi32, #tpu.memory_space<hbm>>) target(%arg13 : memref<80xi32, #tpu.memory_space<vmem>>) target_semaphore(%run_scoped3A : memref<!tpu.dma_semaphore, #tpu.memory_space<semaphore_mem>>)
        %dma_wait3A_69 = tpu.memref_slice %arg4[%mul3A_52] : memref<100000xi32, #tpu.memory_space<hbm>> -> memref<80xi32, #tpu.memory_space<hbm>>
        %dma_wait3A_70 = tpu.memref_slice %arg4[%mul3A_52] : memref<100000xi32, #tpu.memory_space<hbm>> -> memref<80xi32, #tpu.memory_space<hbm>>
        tpu.wait_dma2 semaphore(%run_scoped3A : memref<!tpu.dma_semaphore, #tpu.memory_space<semaphore_mem>>) src(%dma_wait3A_70 : memref<80xi32, #tpu.memory_space<hbm>>) dst(%arg13 : memref<80xi32, #tpu.memory_space<vmem>>)
        tpu.yield
      }) : () -> ()
      %dma_start3A = arith.constant 0 : i32
      %dma_start3A_53 = arith.constant 0 : i32
      %dma_start3A_54 = tpu.memref_slice %arg7[%dma_start3A, %dma_start3A_53] : memref<5120x256xf32, #tpu.memory_space<hbm>> -> memref<5120x256xf32, #tpu.memory_space<hbm>>
      tpu.enqueue_indirect_dma source(%dma_start3A_54 : memref<5120x256xf32, #tpu.memory_space<hbm>>) target(%arg16 : memref<80x256xf32, #tpu.memory_space<vmem>>) offsets(%arg13 : memref<80xi32, #tpu.memory_space<vmem>>) semaphore(%arg25 : memref<!tpu.dma_semaphore, #tpu.memory_space<semaphore_mem>>)
      %dma_start3A_55 = arith.constant 0 : i32
      %dma_start3A_56 = arith.constant 0 : i32
      %dma_start3A_57 = tpu.memref_slice %arg8[%dma_start3A_55, %dma_start3A_56] : memref<5120x16xf32, #tpu.memory_space<hbm>> -> memref<5120x16xf32, #tpu.memory_space<hbm>>
      tpu.enqueue_indirect_dma source(%dma_start3A_57 : memref<5120x16xf32, #tpu.memory_space<hbm>>) target(%arg17 : memref<80x16xf32, #tpu.memory_space<vmem>>) offsets(%arg13 : memref<80xi32, #tpu.memory_space<vmem>>) semaphore(%arg26 : memref<!tpu.dma_semaphore, #tpu.memory_space<semaphore_mem>>)
      "tpu.region"() ({
        %run_scoped3A = tpu.sem_alloc : memref<!tpu.dma_semaphore, #tpu.memory_space<semaphore_mem>>
        %dma_start3A_67 = arith.constant 0 : i32
        %dma_start3A_68 = tpu.memref_slice %arg2[%mul3A_52, %dma_start3A_67] : memref<100000x128xf32, #tpu.memory_space<hbm>> -> memref<80x128xf32, #tpu.memory_space<hbm>>
        %dma_start3A_69 = arith.constant 0 : i32
        %dma_start3A_70 = tpu.memref_slice %arg2[%mul3A_52, %dma_start3A_69] : memref<100000x128xf32, #tpu.memory_space<hbm>> -> memref<80x128xf32, #tpu.memory_space<hbm>>
        tpu.enqueue_dma source(%dma_start3A_70 : memref<80x128xf32, #tpu.memory_space<hbm>>) target(%arg14 : memref<80x128xf32, #tpu.memory_space<vmem>>) target_semaphore(%run_scoped3A : memref<!tpu.dma_semaphore, #tpu.memory_space<semaphore_mem>>)
        %dma_wait3A_71 = arith.constant 0 : i32
        %dma_wait3A_72 = tpu.memref_slice %arg2[%mul3A_52, %dma_wait3A_71] : memref<100000x128xf32, #tpu.memory_space<hbm>> -> memref<80x128xf32, #tpu.memory_space<hbm>>
        %dma_wait3A_73 = arith.constant 0 : i32
        %dma_wait3A_74 = tpu.memref_slice %arg2[%mul3A_52, %dma_wait3A_73] : memref<100000x128xf32, #tpu.memory_space<hbm>> -> memref<80x128xf32, #tpu.memory_space<hbm>>
        tpu.wait_dma2 semaphore(%run_scoped3A : memref<!tpu.dma_semaphore, #tpu.memory_space<semaphore_mem>>) src(%dma_wait3A_74 : memref<80x128xf32, #tpu.memory_space<hbm>>) dst(%arg14 : memref<80x128xf32, #tpu.memory_space<vmem>>)
        tpu.yield
      }) : () -> ()
      "tpu.region"() ({
        %run_scoped3A = tpu.sem_alloc : memref<!tpu.dma_semaphore, #tpu.memory_space<semaphore_mem>>
        %dma_start3A_67 = arith.constant 0 : i32
        %dma_start3A_68 = tpu.memref_slice %arg3[%mul3A_52, %dma_start3A_67] : memref<100000x16xf32, #tpu.memory_space<hbm>> -> memref<80x16xf32, #tpu.memory_space<hbm>>
        %dma_start3A_69 = arith.constant 0 : i32
        %dma_start3A_70 = tpu.memref_slice %arg3[%mul3A_52, %dma_start3A_69] : memref<100000x16xf32, #tpu.memory_space<hbm>> -> memref<80x16xf32, #tpu.memory_space<hbm>>
        tpu.enqueue_dma source(%dma_start3A_70 : memref<80x16xf32, #tpu.memory_space<hbm>>) target(%arg15 : memref<80x16xf32, #tpu.memory_space<vmem>>) target_semaphore(%run_scoped3A : memref<!tpu.dma_semaphore, #tpu.memory_space<semaphore_mem>>)
        %dma_wait3A_71 = arith.constant 0 : i32
        %dma_wait3A_72 = tpu.memref_slice %arg3[%mul3A_52, %dma_wait3A_71] : memref<100000x16xf32, #tpu.memory_space<hbm>> -> memref<80x16xf32, #tpu.memory_space<hbm>>
        %dma_wait3A_73 = arith.constant 0 : i32
        %dma_wait3A_74 = tpu.memref_slice %arg3[%mul3A_52, %dma_wait3A_73] : memref<100000x16xf32, #tpu.memory_space<hbm>> -> memref<80x16xf32, #tpu.memory_space<hbm>>
        tpu.wait_dma2 semaphore(%run_scoped3A : memref<!tpu.dma_semaphore, #tpu.memory_space<semaphore_mem>>) src(%dma_wait3A_74 : memref<80x16xf32, #tpu.memory_space<hbm>>) dst(%arg15 : memref<80x16xf32, #tpu.memory_space<vmem>>)
        tpu.yield
      }) : () -> ()
      %dma_wait3A = arith.constant 0 : i32
      %dma_wait3A_58 = arith.constant 0 : i32
      %dma_wait3A_59 = tpu.memref_slice %arg7[%dma_wait3A, %dma_wait3A_58] : memref<5120x256xf32, #tpu.memory_space<hbm>> -> memref<5120x256xf32, #tpu.memory_space<hbm>>
      tpu.wait_indirect_dma semaphore(%arg25 : memref<!tpu.dma_semaphore, #tpu.memory_space<semaphore_mem>>) src(%dma_wait3A_59 : memref<5120x256xf32, #tpu.memory_space<hbm>>) dst(%arg16 : memref<80x256xf32, #tpu.memory_space<vmem>>)
      %dma_wait3A_60 = arith.constant 0 : i32
      %dma_wait3A_61 = arith.constant 0 : i32
      %dma_wait3A_62 = tpu.memref_slice %arg8[%dma_wait3A_60, %dma_wait3A_61] : memref<5120x16xf32, #tpu.memory_space<hbm>> -> memref<5120x16xf32, #tpu.memory_space<hbm>>
      tpu.wait_indirect_dma semaphore(%arg26 : memref<!tpu.dma_semaphore, #tpu.memory_space<semaphore_mem>>) src(%dma_wait3A_62 : memref<5120x16xf32, #tpu.memory_space<hbm>>) dst(%arg17 : memref<80x16xf32, #tpu.memory_space<vmem>>)
      %scan3A = arith.constant 0 : i32
      %scan3A_63 = arith.constant 40 : i32
      %scan3A_64 = arith.addi %scan3A, %scan3A_63 : i32
      %scan3A_65 = arith.constant 1 : i32
      scf.for %scan3A_67 = %scan3A to %scan3A_64 step %scan3A_65  : i32 {
        %mul3A_68 = arith.constant 2 : i32
        %mul3A_69 = arith.muli %scan3A_67, %mul3A_68 : i32
        %add3A_70 = arith.constant 0 : i32
        %add3A_71 = arith.addi %add3A_70, %mul3A_69 : i32
        %add3A_72 = arith.constant 0 : i32
        %add3A_73 = arith.addi %add3A_71, %add3A_72 : i32
        %get3A = arith.index_cast %add3A_73 : i32 to index
        %get3A_74 = arith.constant 0 : index
        %get3A_75 = tpu.vector_load %arg14[%get3A, %get3A_74] {strides = array<i32>} : memref<80x128xf32, #tpu.memory_space<vmem>>, vector<1x16xf32>,
        %get3A_76 = vector.shape_cast %get3A_75 : vector<1x16xf32> to vector<16xf32>
        %add3A_77 = arith.constant 0 : i32
        %add3A_78 = arith.addi %add3A_71, %add3A_77 : i32
        %get3A_79 = arith.index_cast %add3A_78 : i32 to index
        %get3A_80 = arith.constant 0 : index
        %get3A_81 = tpu.vector_load %arg16[%get3A_79, %get3A_80] {strides = array<i32>} : memref<80x256xf32, #tpu.memory_space<vmem>>, vector<1x16xf32>,
        %get3A_82 = vector.shape_cast %get3A_81 : vector<1x16xf32> to vector<16xf32>
        %add3A_83 = arith.constant 0 : i32
        %add3A_84 = arith.addi %add3A_71, %add3A_83 : i32
        %get3A_85 = arith.index_cast %add3A_84 : i32 to index
        %get3A_86 = arith.constant 128 : index
        %get3A_87 = tpu.vector_load %arg16[%get3A_85, %get3A_86] {strides = array<i32>} : memref<80x256xf32, #tpu.memory_space<vmem>>, vector<1x16xf32>,
        %get3A_88 = vector.shape_cast %get3A_87 : vector<1x16xf32> to vector<16xf32>
        %mul3A_89 = arith.mulf %get3A_76, %get3A_82 : vector<16xf32>
        %add3A_90 = arith.addf %mul3A_89, %get3A_88 : vector<16xf32>
        %add3A_91 = arith.constant 0 : i32
        %add3A_92 = arith.addi %add3A_71, %add3A_91 : i32
        %swap3A = arith.index_cast %add3A_92 : i32 to index
        %swap3A_93 = arith.constant 0 : index
        %swap3A_94 = tpu.vector_load %arg18[%swap3A, %swap3A_93] {strides = array<i32>} : memref<80x128xf32, #tpu.memory_space<vmem>>, vector<1x16xf32>,
        %swap3A_95 = vector.shape_cast %swap3A_94 : vector<1x16xf32> to vector<16xf32>
        %swap3A_96 = vector.shape_cast %add3A_90 : vector<16xf32> to vector<1x16xf32>
        tpu.vector_store %arg18[%swap3A, %swap3A_93], %swap3A_96 {strides = array<i32>} : memref<80x128xf32, #tpu.memory_space<vmem>>, vector<1x16xf32>,
        %add3A_97 = arith.constant 0 : i32
        %add3A_98 = arith.addi %add3A_71, %add3A_97 : i32
        %get3A_99 = arith.index_cast %add3A_98 : i32 to index
        %get3A_100 = arith.constant 16 : index
        %get3A_101 = tpu.vector_load %arg14[%get3A_99, %get3A_100] {strides = array<i32>} : memref<80x128xf32, #tpu.memory_space<vmem>>, vector<1x16xf32>,
        %get3A_102 = vector.shape_cast %get3A_101 : vector<1x16xf32> to vector<16xf32>
        %add3A_103 = arith.constant 0 : i32
        %add3A_104 = arith.addi %add3A_71, %add3A_103 : i32
        %get3A_105 = arith.index_cast %add3A_104 : i32 to index
        %get3A_106 = arith.constant 16 : index
        %get3A_107 = tpu.vector_load %arg16[%get3A_105, %get3A_106] {strides = array<i32>} : memref<80x256xf32, #tpu.memory_space<vmem>>, vector<1x16xf32>,
        %get3A_108 = vector.shape_cast %get3A_107 : vector<1x16xf32> to vector<16xf32>
        %add3A_109 = arith.constant 0 : i32
        %add3A_110 = arith.addi %add3A_71, %add3A_109 : i32
        %get3A_111 = arith.index_cast %add3A_110 : i32 to index
        %get3A_112 = arith.constant 144 : index
        %get3A_113 = tpu.vector_load %arg16[%get3A_111, %get3A_112] {strides = array<i32>} : memref<80x256xf32, #tpu.memory_space<vmem>>, vector<1x16xf32>,
        %get3A_114 = vector.shape_cast %get3A_113 : vector<1x16xf32> to vector<16xf32>
        %mul3A_115 = arith.mulf %get3A_102, %get3A_108 : vector<16xf32>
        %add3A_116 = arith.addf %mul3A_115, %get3A_114 : vector<16xf32>
        %add3A_117 = arith.constant 0 : i32
        %add3A_118 = arith.addi %add3A_71, %add3A_117 : i32
        %swap3A_119 = arith.index_cast %add3A_118 : i32 to index
        %swap3A_120 = arith.constant 16 : index
        %swap3A_121 = tpu.vector_load %arg18[%swap3A_119, %swap3A_120] {strides = array<i32>} : memref<80x128xf32, #tpu.memory_space<vmem>>, vector<1x16xf32>,
        %swap3A_122 = vector.shape_cast %swap3A_121 : vector<1x16xf32> to vector<16xf32>
        %swap3A_123 = vector.shape_cast %add3A_116 : vector<16xf32> to vector<1x16xf32>
        tpu.vector_store %arg18[%swap3A_119, %swap3A_120], %swap3A_123 {strides = array<i32>} : memref<80x128xf32, #tpu.memory_space<vmem>>, vector<1x16xf32>,
        %add3A_124 = arith.constant 0 : i32
        %add3A_125 = arith.addi %add3A_71, %add3A_124 : i32
        %get3A_126 = arith.index_cast %add3A_125 : i32 to index
        %get3A_127 = arith.constant 32 : index
        %get3A_128 = tpu.vector_load %arg14[%get3A_126, %get3A_127] {strides = array<i32>} : memref<80x128xf32, #tpu.memory_space<vmem>>, vector<1x16xf32>,
        %get3A_129 = vector.shape_cast %get3A_128 : vector<1x16xf32> to vector<16xf32>
        %add3A_130 = arith.constant 0 : i32
        %add3A_131 = arith.addi %add3A_71, %add3A_130 : i32
        %get3A_132 = arith.index_cast %add3A_131 : i32 to index
        %get3A_133 = arith.constant 32 : index
        %get3A_134 = tpu.vector_load %arg16[%get3A_132, %get3A_133] {strides = array<i32>} : memref<80x256xf32, #tpu.memory_space<vmem>>, vector<1x16xf32>,
        %get3A_135 = vector.shape_cast %get3A_134 : vector<1x16xf32> to vector<16xf32>
        %add3A_136 = arith.constant 0 : i32
        %add3A_137 = arith.addi %add3A_71, %add3A_136 : i32
        %get3A_138 = arith.index_cast %add3A_137 : i32 to index
        %get3A_139 = arith.constant 160 : index
        %get3A_140 = tpu.vector_load %arg16[%get3A_138, %get3A_139] {strides = array<i32>} : memref<80x256xf32, #tpu.memory_space<vmem>>, vector<1x16xf32>,
        %get3A_141 = vector.shape_cast %get3A_140 : vector<1x16xf32> to vector<16xf32>
        %mul3A_142 = arith.mulf %get3A_129, %get3A_135 : vector<16xf32>
        %add3A_143 = arith.addf %mul3A_142, %get3A_141 : vector<16xf32>
        %add3A_144 = arith.constant 0 : i32
        %add3A_145 = arith.addi %add3A_71, %add3A_144 : i32
        %swap3A_146 = arith.index_cast %add3A_145 : i32 to index
        %swap3A_147 = arith.constant 32 : index
        %swap3A_148 = tpu.vector_load %arg18[%swap3A_146, %swap3A_147] {strides = array<i32>} : memref<80x128xf32, #tpu.memory_space<vmem>>, vector<1x16xf32>,
        %swap3A_149 = vector.shape_cast %swap3A_148 : vector<1x16xf32> to vector<16xf32>
        %swap3A_150 = vector.shape_cast %add3A_143 : vector<16xf32> to vector<1x16xf32>
        tpu.vector_store %arg18[%swap3A_146, %swap3A_147], %swap3A_150 {strides = array<i32>} : memref<80x128xf32, #tpu.memory_space<vmem>>, vector<1x16xf32>,
        %add3A_151 = arith.constant 0 : i32
        %add3A_152 = arith.addi %add3A_71, %add3A_151 : i32
        %get3A_153 = arith.index_cast %add3A_152 : i32 to index
        %get3A_154 = arith.constant 48 : index
        %get3A_155 = tpu.vector_load %arg14[%get3A_153, %get3A_154] {strides = array<i32>} : memref<80x128xf32, #tpu.memory_space<vmem>>, vector<1x16xf32>,
        %get3A_156 = vector.shape_cast %get3A_155 : vector<1x16xf32> to vector<16xf32>
        %add3A_157 = arith.constant 0 : i32
        %add3A_158 = arith.addi %add3A_71, %add3A_157 : i32
        %get3A_159 = arith.index_cast %add3A_158 : i32 to index
        %get3A_160 = arith.constant 48 : index
        %get3A_161 = tpu.vector_load %arg16[%get3A_159, %get3A_160] {strides = array<i32>} : memref<80x256xf32, #tpu.memory_space<vmem>>, vector<1x16xf32>,
        %get3A_162 = vector.shape_cast %get3A_161 : vector<1x16xf32> to vector<16xf32>
        %add3A_163 = arith.constant 0 : i32
        %add3A_164 = arith.addi %add3A_71, %add3A_163 : i32
        %get3A_165 = arith.index_cast %add3A_164 : i32 to index
        %get3A_166 = arith.constant 176 : index
        %get3A_167 = tpu.vector_load %arg16[%get3A_165, %get3A_166] {strides = array<i32>} : memref<80x256xf32, #tpu.memory_space<vmem>>, vector<1x16xf32>,
        %get3A_168 = vector.shape_cast %get3A_167 : vector<1x16xf32> to vector<16xf32>
        %mul3A_169 = arith.mulf %get3A_156, %get3A_162 : vector<16xf32>
        %add3A_170 = arith.addf %mul3A_169, %get3A_168 : vector<16xf32>
        %add3A_171 = arith.constant 0 : i32
        %add3A_172 = arith.addi %add3A_71, %add3A_171 : i32
        %swap3A_173 = arith.index_cast %add3A_172 : i32 to index
        %swap3A_174 = arith.constant 48 : index
        %swap3A_175 = tpu.vector_load %arg18[%swap3A_173, %swap3A_174] {strides = array<i32>} : memref<80x128xf32, #tpu.memory_space<vmem>>, vector<1x16xf32>,
        %swap3A_176 = vector.shape_cast %swap3A_175 : vector<1x16xf32> to vector<16xf32>
        %swap3A_177 = vector.shape_cast %add3A_170 : vector<16xf32> to vector<1x16xf32>
        tpu.vector_store %arg18[%swap3A_173, %swap3A_174], %swap3A_177 {strides = array<i32>} : memref<80x128xf32, #tpu.memory_space<vmem>>, vector<1x16xf32>,
        %add3A_178 = arith.constant 0 : i32
        %add3A_179 = arith.addi %add3A_71, %add3A_178 : i32
        %get3A_180 = arith.index_cast %add3A_179 : i32 to index
        %get3A_181 = arith.constant 64 : index
        %get3A_182 = tpu.vector_load %arg14[%get3A_180, %get3A_181] {strides = array<i32>} : memref<80x128xf32, #tpu.memory_space<vmem>>, vector<1x16xf32>,
        %get3A_183 = vector.shape_cast %get3A_182 : vector<1x16xf32> to vector<16xf32>
        %add3A_184 = arith.constant 0 : i32
        %add3A_185 = arith.addi %add3A_71, %add3A_184 : i32
        %get3A_186 = arith.index_cast %add3A_185 : i32 to index
        %get3A_187 = arith.constant 64 : index
        %get3A_188 = tpu.vector_load %arg16[%get3A_186, %get3A_187] {strides = array<i32>} : memref<80x256xf32, #tpu.memory_space<vmem>>, vector<1x16xf32>,
        %get3A_189 = vector.shape_cast %get3A_188 : vector<1x16xf32> to vector<16xf32>
        %add3A_190 = arith.constant 0 : i32
        %add3A_191 = arith.addi %add3A_71, %add3A_190 : i32
        %get3A_192 = arith.index_cast %add3A_191 : i32 to index
        %get3A_193 = arith.constant 192 : index
        %get3A_194 = tpu.vector_load %arg16[%get3A_192, %get3A_193] {strides = array<i32>} : memref<80x256xf32, #tpu.memory_space<vmem>>, vector<1x16xf32>,
        %get3A_195 = vector.shape_cast %get3A_194 : vector<1x16xf32> to vector<16xf32>
        %mul3A_196 = arith.mulf %get3A_183, %get3A_189 : vector<16xf32>
        %add3A_197 = arith.addf %mul3A_196, %get3A_195 : vector<16xf32>
        %add3A_198 = arith.constant 0 : i32
        %add3A_199 = arith.addi %add3A_71, %add3A_198 : i32
        %swap3A_200 = arith.index_cast %add3A_199 : i32 to index
        %swap3A_201 = arith.constant 64 : index
        %swap3A_202 = tpu.vector_load %arg18[%swap3A_200, %swap3A_201] {strides = array<i32>} : memref<80x128xf32, #tpu.memory_space<vmem>>, vector<1x16xf32>,
        %swap3A_203 = vector.shape_cast %swap3A_202 : vector<1x16xf32> to vector<16xf32>
        %swap3A_204 = vector.shape_cast %add3A_197 : vector<16xf32> to vector<1x16xf32>
        tpu.vector_store %arg18[%swap3A_200, %swap3A_201], %swap3A_204 {strides = array<i32>} : memref<80x128xf32, #tpu.memory_space<vmem>>, vector<1x16xf32>,
        %add3A_205 = arith.constant 0 : i32
        %add3A_206 = arith.addi %add3A_71, %add3A_205 : i32
        %get3A_207 = arith.index_cast %add3A_206 : i32 to index
        %get3A_208 = arith.constant 80 : index
        %get3A_209 = tpu.vector_load %arg14[%get3A_207, %get3A_208] {strides = array<i32>} : memref<80x128xf32, #tpu.memory_space<vmem>>, vector<1x16xf32>,
        %get3A_210 = vector.shape_cast %get3A_209 : vector<1x16xf32> to vector<16xf32>
        %add3A_211 = arith.constant 0 : i32
        %add3A_212 = arith.addi %add3A_71, %add3A_211 : i32
        %get3A_213 = arith.index_cast %add3A_212 : i32 to index
        %get3A_214 = arith.constant 80 : index
        %get3A_215 = tpu.vector_load %arg16[%get3A_213, %get3A_214] {strides = array<i32>} : memref<80x256xf32, #tpu.memory_space<vmem>>, vector<1x16xf32>,
        %get3A_216 = vector.shape_cast %get3A_215 : vector<1x16xf32> to vector<16xf32>
        %add3A_217 = arith.constant 0 : i32
        %add3A_218 = arith.addi %add3A_71, %add3A_217 : i32
        %get3A_219 = arith.index_cast %add3A_218 : i32 to index
        %get3A_220 = arith.constant 208 : index
        %get3A_221 = tpu.vector_load %arg16[%get3A_219, %get3A_220] {strides = array<i32>} : memref<80x256xf32, #tpu.memory_space<vmem>>, vector<1x16xf32>,
        %get3A_222 = vector.shape_cast %get3A_221 : vector<1x16xf32> to vector<16xf32>
        %mul3A_223 = arith.mulf %get3A_210, %get3A_216 : vector<16xf32>
        %add3A_224 = arith.addf %mul3A_223, %get3A_222 : vector<16xf32>
        %add3A_225 = arith.constant 0 : i32
        %add3A_226 = arith.addi %add3A_71, %add3A_225 : i32
        %swap3A_227 = arith.index_cast %add3A_226 : i32 to index
        %swap3A_228 = arith.constant 80 : index
        %swap3A_229 = tpu.vector_load %arg18[%swap3A_227, %swap3A_228] {strides = array<i32>} : memref<80x128xf32, #tpu.memory_space<vmem>>, vector<1x16xf32>,
        %swap3A_230 = vector.shape_cast %swap3A_229 : vector<1x16xf32> to vector<16xf32>
        %swap3A_231 = vector.shape_cast %add3A_224 : vector<16xf32> to vector<1x16xf32>
        tpu.vector_store %arg18[%swap3A_227, %swap3A_228], %swap3A_231 {strides = array<i32>} : memref<80x128xf32, #tpu.memory_space<vmem>>, vector<1x16xf32>,
        %add3A_232 = arith.constant 0 : i32
        %add3A_233 = arith.addi %add3A_71, %add3A_232 : i32
        %get3A_234 = arith.index_cast %add3A_233 : i32 to index
        %get3A_235 = arith.constant 96 : index
        %get3A_236 = tpu.vector_load %arg14[%get3A_234, %get3A_235] {strides = array<i32>} : memref<80x128xf32, #tpu.memory_space<vmem>>, vector<1x16xf32>,
        %get3A_237 = vector.shape_cast %get3A_236 : vector<1x16xf32> to vector<16xf32>
        %add3A_238 = arith.constant 0 : i32
        %add3A_239 = arith.addi %add3A_71, %add3A_238 : i32
        %get3A_240 = arith.index_cast %add3A_239 : i32 to index
        %get3A_241 = arith.constant 96 : index
        %get3A_242 = tpu.vector_load %arg16[%get3A_240, %get3A_241] {strides = array<i32>} : memref<80x256xf32, #tpu.memory_space<vmem>>, vector<1x16xf32>,
        %get3A_243 = vector.shape_cast %get3A_242 : vector<1x16xf32> to vector<16xf32>
        %add3A_244 = arith.constant 0 : i32
        %add3A_245 = arith.addi %add3A_71, %add3A_244 : i32
        %get3A_246 = arith.index_cast %add3A_245 : i32 to index
        %get3A_247 = arith.constant 224 : index
        %get3A_248 = tpu.vector_load %arg16[%get3A_246, %get3A_247] {strides = array<i32>} : memref<80x256xf32, #tpu.memory_space<vmem>>, vector<1x16xf32>,
        %get3A_249 = vector.shape_cast %get3A_248 : vector<1x16xf32> to vector<16xf32>
        %mul3A_250 = arith.mulf %get3A_237, %get3A_243 : vector<16xf32>
        %add3A_251 = arith.addf %mul3A_250, %get3A_249 : vector<16xf32>
        %add3A_252 = arith.constant 0 : i32
        %add3A_253 = arith.addi %add3A_71, %add3A_252 : i32
        %swap3A_254 = arith.index_cast %add3A_253 : i32 to index
        %swap3A_255 = arith.constant 96 : index
        %swap3A_256 = tpu.vector_load %arg18[%swap3A_254, %swap3A_255] {strides = array<i32>} : memref<80x128xf32, #tpu.memory_space<vmem>>, vector<1x16xf32>,
        %swap3A_257 = vector.shape_cast %swap3A_256 : vector<1x16xf32> to vector<16xf32>
        %swap3A_258 = vector.shape_cast %add3A_251 : vector<16xf32> to vector<1x16xf32>
        tpu.vector_store %arg18[%swap3A_254, %swap3A_255], %swap3A_258 {strides = array<i32>} : memref<80x128xf32, #tpu.memory_space<vmem>>, vector<1x16xf32>,
        %add3A_259 = arith.constant 0 : i32
        %add3A_260 = arith.addi %add3A_71, %add3A_259 : i32
        %get3A_261 = arith.index_cast %add3A_260 : i32 to index
        %get3A_262 = arith.constant 112 : index
        %get3A_263 = tpu.vector_load %arg14[%get3A_261, %get3A_262] {strides = array<i32>} : memref<80x128xf32, #tpu.memory_space<vmem>>, vector<1x16xf32>,
        %get3A_264 = vector.shape_cast %get3A_263 : vector<1x16xf32> to vector<16xf32>
        %add3A_265 = arith.constant 0 : i32
        %add3A_266 = arith.addi %add3A_71, %add3A_265 : i32
        %get3A_267 = arith.index_cast %add3A_266 : i32 to index
        %get3A_268 = arith.constant 112 : index
        %get3A_269 = tpu.vector_load %arg16[%get3A_267, %get3A_268] {strides = array<i32>} : memref<80x256xf32, #tpu.memory_space<vmem>>, vector<1x16xf32>,
        %get3A_270 = vector.shape_cast %get3A_269 : vector<1x16xf32> to vector<16xf32>
        %add3A_271 = arith.constant 0 : i32
        %add3A_272 = arith.addi %add3A_71, %add3A_271 : i32
        %get3A_273 = arith.index_cast %add3A_272 : i32 to index
        %get3A_274 = arith.constant 240 : index
        %get3A_275 = tpu.vector_load %arg16[%get3A_273, %get3A_274] {strides = array<i32>} : memref<80x256xf32, #tpu.memory_space<vmem>>, vector<1x16xf32>,
        %get3A_276 = vector.shape_cast %get3A_275 : vector<1x16xf32> to vector<16xf32>
        %mul3A_277 = arith.mulf %get3A_264, %get3A_270 : vector<16xf32>
        %add3A_278 = arith.addf %mul3A_277, %get3A_276 : vector<16xf32>
        %add3A_279 = arith.constant 0 : i32
        %add3A_280 = arith.addi %add3A_71, %add3A_279 : i32
        %swap3A_281 = arith.index_cast %add3A_280 : i32 to index
        %swap3A_282 = arith.constant 112 : index
        %swap3A_283 = tpu.vector_load %arg18[%swap3A_281, %swap3A_282] {strides = array<i32>} : memref<80x128xf32, #tpu.memory_space<vmem>>, vector<1x16xf32>,
        %swap3A_284 = vector.shape_cast %swap3A_283 : vector<1x16xf32> to vector<16xf32>
        %swap3A_285 = vector.shape_cast %add3A_278 : vector<16xf32> to vector<1x16xf32>
        tpu.vector_store %arg18[%swap3A_281, %swap3A_282], %swap3A_285 {strides = array<i32>} : memref<80x128xf32, #tpu.memory_space<vmem>>, vector<1x16xf32>,
        %add3A_286 = arith.constant 0 : i32
        %add3A_287 = arith.addi %add3A_71, %add3A_286 : i32
        %get3A_288 = arith.index_cast %add3A_287 : i32 to index
        %get3A_289 = arith.constant 0 : index
        %get3A_290 = tpu.vector_load %arg15[%get3A_288, %get3A_289] {strides = array<i32>} : memref<80x16xf32, #tpu.memory_space<vmem>>, vector<1x16xf32>,
        %get3A_291 = vector.shape_cast %get3A_290 : vector<1x16xf32> to vector<16xf32>
        %add3A_292 = arith.constant 0 : i32
        %add3A_293 = arith.addi %add3A_71, %add3A_292 : i32
        %get3A_294 = arith.index_cast %add3A_293 : i32 to index
        %get3A_295 = arith.constant 0 : index
        %get3A_296 = tpu.vector_load %arg17[%get3A_294, %get3A_295] {strides = array<i32>} : memref<80x16xf32, #tpu.memory_space<vmem>>, vector<1x16xf32>,
        %get3A_297 = vector.shape_cast %get3A_296 : vector<1x16xf32> to vector<16xf32>
        %broadcast_in_dim3A = vector.shape_cast %and3A_3 : vector<16xi32> to vector<16x1xi32>
        %gather3A = vector.shape_cast %broadcast_in_dim3A : vector<16x1xi32> to vector<16xi32>
        %gather3A_298 = tpu.dynamic_gather %get3A_297[%gather3A] in [0] : vector<16xf32>, vector<16xi32> -> vector<16xf32>
        %mul3A_299 = arith.mulf %get3A_291, %get3A_297 : vector<16xf32>
        %add3A_300 = arith.addf %mul3A_299, %gather3A_298 : vector<16xf32>
        %add3A_301 = arith.constant 0 : i32
        %add3A_302 = arith.addi %add3A_71, %add3A_301 : i32
        %swap3A_303 = arith.index_cast %add3A_302 : i32 to index
        %swap3A_304 = arith.constant 0 : index
        %swap3A_305 = tpu.vector_load %arg19[%swap3A_303, %swap3A_304] {strides = array<i32>} : memref<80x16xf32, #tpu.memory_space<vmem>>, vector<1x16xf32>,
        %swap3A_306 = vector.shape_cast %swap3A_305 : vector<1x16xf32> to vector<16xf32>
        %swap3A_307 = vector.shape_cast %add3A_300 : vector<16xf32> to vector<1x16xf32>
        tpu.vector_store %arg19[%swap3A_303, %swap3A_304], %swap3A_307 {strides = array<i32>} : memref<80x16xf32, #tpu.memory_space<vmem>>, vector<1x16xf32>,
        %add3A_308 = arith.constant 1 : i32
        %add3A_309 = arith.addi %add3A_71, %add3A_308 : i32
        %get3A_310 = arith.index_cast %add3A_309 : i32 to index
        %get3A_311 = arith.constant 0 : index
        %get3A_312 = tpu.vector_load %arg14[%get3A_310, %get3A_311] {strides = array<i32>} : memref<80x128xf32, #tpu.memory_space<vmem>>, vector<1x16xf32>,
        %get3A_313 = vector.shape_cast %get3A_312 : vector<1x16xf32> to vector<16xf32>
        %add3A_314 = arith.constant 1 : i32
        %add3A_315 = arith.addi %add3A_71, %add3A_314 : i32
        %get3A_316 = arith.index_cast %add3A_315 : i32 to index
        %get3A_317 = arith.constant 0 : index
        %get3A_318 = tpu.vector_load %arg16[%get3A_316, %get3A_317] {strides = array<i32>} : memref<80x256xf32, #tpu.memory_space<vmem>>, vector<1x16xf32>,
        %get3A_319 = vector.shape_cast %get3A_318 : vector<1x16xf32> to vector<16xf32>
        %add3A_320 = arith.constant 1 : i32
        %add3A_321 = arith.addi %add3A_71, %add3A_320 : i32
        %get3A_322 = arith.index_cast %add3A_321 : i32 to index
        %get3A_323 = arith.constant 128 : index
        %get3A_324 = tpu.vector_load %arg16[%get3A_322, %get3A_323] {strides = array<i32>} : memref<80x256xf32, #tpu.memory_space<vmem>>, vector<1x16xf32>,
        %get3A_325 = vector.shape_cast %get3A_324 : vector<1x16xf32> to vector<16xf32>
        %mul3A_326 = arith.mulf %get3A_313, %get3A_319 : vector<16xf32>
        %add3A_327 = arith.addf %mul3A_326, %get3A_325 : vector<16xf32>
        %add3A_328 = arith.constant 1 : i32
        %add3A_329 = arith.addi %add3A_71, %add3A_328 : i32
        %swap3A_330 = arith.index_cast %add3A_329 : i32 to index
        %swap3A_331 = arith.constant 0 : index
        %swap3A_332 = tpu.vector_load %arg18[%swap3A_330, %swap3A_331] {strides = array<i32>} : memref<80x128xf32, #tpu.memory_space<vmem>>, vector<1x16xf32>,
        %swap3A_333 = vector.shape_cast %swap3A_332 : vector<1x16xf32> to vector<16xf32>
        %swap3A_334 = vector.shape_cast %add3A_327 : vector<16xf32> to vector<1x16xf32>
        tpu.vector_store %arg18[%swap3A_330, %swap3A_331], %swap3A_334 {strides = array<i32>} : memref<80x128xf32, #tpu.memory_space<vmem>>, vector<1x16xf32>,
        %add3A_335 = arith.constant 1 : i32
        %add3A_336 = arith.addi %add3A_71, %add3A_335 : i32
        %get3A_337 = arith.index_cast %add3A_336 : i32 to index
        %get3A_338 = arith.constant 16 : index
        %get3A_339 = tpu.vector_load %arg14[%get3A_337, %get3A_338] {strides = array<i32>} : memref<80x128xf32, #tpu.memory_space<vmem>>, vector<1x16xf32>,
        %get3A_340 = vector.shape_cast %get3A_339 : vector<1x16xf32> to vector<16xf32>
        %add3A_341 = arith.constant 1 : i32
        %add3A_342 = arith.addi %add3A_71, %add3A_341 : i32
        %get3A_343 = arith.index_cast %add3A_342 : i32 to index
        %get3A_344 = arith.constant 16 : index
        %get3A_345 = tpu.vector_load %arg16[%get3A_343, %get3A_344] {strides = array<i32>} : memref<80x256xf32, #tpu.memory_space<vmem>>, vector<1x16xf32>,
        %get3A_346 = vector.shape_cast %get3A_345 : vector<1x16xf32> to vector<16xf32>
        %add3A_347 = arith.constant 1 : i32
        %add3A_348 = arith.addi %add3A_71, %add3A_347 : i32
        %get3A_349 = arith.index_cast %add3A_348 : i32 to index
        %get3A_350 = arith.constant 144 : index
        %get3A_351 = tpu.vector_load %arg16[%get3A_349, %get3A_350] {strides = array<i32>} : memref<80x256xf32, #tpu.memory_space<vmem>>, vector<1x16xf32>,
        %get3A_352 = vector.shape_cast %get3A_351 : vector<1x16xf32> to vector<16xf32>
        %mul3A_353 = arith.mulf %get3A_340, %get3A_346 : vector<16xf32>
        %add3A_354 = arith.addf %mul3A_353, %get3A_352 : vector<16xf32>
        %add3A_355 = arith.constant 1 : i32
        %add3A_356 = arith.addi %add3A_71, %add3A_355 : i32
        %swap3A_357 = arith.index_cast %add3A_356 : i32 to index
        %swap3A_358 = arith.constant 16 : index
        %swap3A_359 = tpu.vector_load %arg18[%swap3A_357, %swap3A_358] {strides = array<i32>} : memref<80x128xf32, #tpu.memory_space<vmem>>, vector<1x16xf32>,
        %swap3A_360 = vector.shape_cast %swap3A_359 : vector<1x16xf32> to vector<16xf32>
        %swap3A_361 = vector.shape_cast %add3A_354 : vector<16xf32> to vector<1x16xf32>
        tpu.vector_store %arg18[%swap3A_357, %swap3A_358], %swap3A_361 {strides = array<i32>} : memref<80x128xf32, #tpu.memory_space<vmem>>, vector<1x16xf32>,
        %add3A_362 = arith.constant 1 : i32
        %add3A_363 = arith.addi %add3A_71, %add3A_362 : i32
        %get3A_364 = arith.index_cast %add3A_363 : i32 to index
        %get3A_365 = arith.constant 32 : index
        %get3A_366 = tpu.vector_load %arg14[%get3A_364, %get3A_365] {strides = array<i32>} : memref<80x128xf32, #tpu.memory_space<vmem>>, vector<1x16xf32>,
        %get3A_367 = vector.shape_cast %get3A_366 : vector<1x16xf32> to vector<16xf32>
        %add3A_368 = arith.constant 1 : i32
        %add3A_369 = arith.addi %add3A_71, %add3A_368 : i32
        %get3A_370 = arith.index_cast %add3A_369 : i32 to index
        %get3A_371 = arith.constant 32 : index
        %get3A_372 = tpu.vector_load %arg16[%get3A_370, %get3A_371] {strides = array<i32>} : memref<80x256xf32, #tpu.memory_space<vmem>>, vector<1x16xf32>,
        %get3A_373 = vector.shape_cast %get3A_372 : vector<1x16xf32> to vector<16xf32>
        %add3A_374 = arith.constant 1 : i32
        %add3A_375 = arith.addi %add3A_71, %add3A_374 : i32
        %get3A_376 = arith.index_cast %add3A_375 : i32 to index
        %get3A_377 = arith.constant 160 : index
        %get3A_378 = tpu.vector_load %arg16[%get3A_376, %get3A_377] {strides = array<i32>} : memref<80x256xf32, #tpu.memory_space<vmem>>, vector<1x16xf32>,
        %get3A_379 = vector.shape_cast %get3A_378 : vector<1x16xf32> to vector<16xf32>
        %mul3A_380 = arith.mulf %get3A_367, %get3A_373 : vector<16xf32>
        %add3A_381 = arith.addf %mul3A_380, %get3A_379 : vector<16xf32>
        %add3A_382 = arith.constant 1 : i32
        %add3A_383 = arith.addi %add3A_71, %add3A_382 : i32
        %swap3A_384 = arith.index_cast %add3A_383 : i32 to index
        %swap3A_385 = arith.constant 32 : index
        %swap3A_386 = tpu.vector_load %arg18[%swap3A_384, %swap3A_385] {strides = array<i32>} : memref<80x128xf32, #tpu.memory_space<vmem>>, vector<1x16xf32>,
        %swap3A_387 = vector.shape_cast %swap3A_386 : vector<1x16xf32> to vector<16xf32>
        %swap3A_388 = vector.shape_cast %add3A_381 : vector<16xf32> to vector<1x16xf32>
        tpu.vector_store %arg18[%swap3A_384, %swap3A_385], %swap3A_388 {strides = array<i32>} : memref<80x128xf32, #tpu.memory_space<vmem>>, vector<1x16xf32>,
        %add3A_389 = arith.constant 1 : i32
        %add3A_390 = arith.addi %add3A_71, %add3A_389 : i32
        %get3A_391 = arith.index_cast %add3A_390 : i32 to index
        %get3A_392 = arith.constant 48 : index
        %get3A_393 = tpu.vector_load %arg14[%get3A_391, %get3A_392] {strides = array<i32>} : memref<80x128xf32, #tpu.memory_space<vmem>>, vector<1x16xf32>,
        %get3A_394 = vector.shape_cast %get3A_393 : vector<1x16xf32> to vector<16xf32>
        %add3A_395 = arith.constant 1 : i32
        %add3A_396 = arith.addi %add3A_71, %add3A_395 : i32
        %get3A_397 = arith.index_cast %add3A_396 : i32 to index
        %get3A_398 = arith.constant 48 : index
        %get3A_399 = tpu.vector_load %arg16[%get3A_397, %get3A_398] {strides = array<i32>} : memref<80x256xf32, #tpu.memory_space<vmem>>, vector<1x16xf32>,
        %get3A_400 = vector.shape_cast %get3A_399 : vector<1x16xf32> to vector<16xf32>
        %add3A_401 = arith.constant 1 : i32
        %add3A_402 = arith.addi %add3A_71, %add3A_401 : i32
        %get3A_403 = arith.index_cast %add3A_402 : i32 to index
        %get3A_404 = arith.constant 176 : index
        %get3A_405 = tpu.vector_load %arg16[%get3A_403, %get3A_404] {strides = array<i32>} : memref<80x256xf32, #tpu.memory_space<vmem>>, vector<1x16xf32>,
        %get3A_406 = vector.shape_cast %get3A_405 : vector<1x16xf32> to vector<16xf32>
        %mul3A_407 = arith.mulf %get3A_394, %get3A_400 : vector<16xf32>
        %add3A_408 = arith.addf %mul3A_407, %get3A_406 : vector<16xf32>
        %add3A_409 = arith.constant 1 : i32
        %add3A_410 = arith.addi %add3A_71, %add3A_409 : i32
        %swap3A_411 = arith.index_cast %add3A_410 : i32 to index
        %swap3A_412 = arith.constant 48 : index
        %swap3A_413 = tpu.vector_load %arg18[%swap3A_411, %swap3A_412] {strides = array<i32>} : memref<80x128xf32, #tpu.memory_space<vmem>>, vector<1x16xf32>,
        %swap3A_414 = vector.shape_cast %swap3A_413 : vector<1x16xf32> to vector<16xf32>
        %swap3A_415 = vector.shape_cast %add3A_408 : vector<16xf32> to vector<1x16xf32>
        tpu.vector_store %arg18[%swap3A_411, %swap3A_412], %swap3A_415 {strides = array<i32>} : memref<80x128xf32, #tpu.memory_space<vmem>>, vector<1x16xf32>,
        %add3A_416 = arith.constant 1 : i32
        %add3A_417 = arith.addi %add3A_71, %add3A_416 : i32
        %get3A_418 = arith.index_cast %add3A_417 : i32 to index
        %get3A_419 = arith.constant 64 : index
        %get3A_420 = tpu.vector_load %arg14[%get3A_418, %get3A_419] {strides = array<i32>} : memref<80x128xf32, #tpu.memory_space<vmem>>, vector<1x16xf32>,
        %get3A_421 = vector.shape_cast %get3A_420 : vector<1x16xf32> to vector<16xf32>
        %add3A_422 = arith.constant 1 : i32
        %add3A_423 = arith.addi %add3A_71, %add3A_422 : i32
        %get3A_424 = arith.index_cast %add3A_423 : i32 to index
        %get3A_425 = arith.constant 64 : index
        %get3A_426 = tpu.vector_load %arg16[%get3A_424, %get3A_425] {strides = array<i32>} : memref<80x256xf32, #tpu.memory_space<vmem>>, vector<1x16xf32>,
        %get3A_427 = vector.shape_cast %get3A_426 : vector<1x16xf32> to vector<16xf32>
        %add3A_428 = arith.constant 1 : i32
        %add3A_429 = arith.addi %add3A_71, %add3A_428 : i32
        %get3A_430 = arith.index_cast %add3A_429 : i32 to index
        %get3A_431 = arith.constant 192 : index
        %get3A_432 = tpu.vector_load %arg16[%get3A_430, %get3A_431] {strides = array<i32>} : memref<80x256xf32, #tpu.memory_space<vmem>>, vector<1x16xf32>,
        %get3A_433 = vector.shape_cast %get3A_432 : vector<1x16xf32> to vector<16xf32>
        %mul3A_434 = arith.mulf %get3A_421, %get3A_427 : vector<16xf32>
        %add3A_435 = arith.addf %mul3A_434, %get3A_433 : vector<16xf32>
        %add3A_436 = arith.constant 1 : i32
        %add3A_437 = arith.addi %add3A_71, %add3A_436 : i32
        %swap3A_438 = arith.index_cast %add3A_437 : i32 to index
        %swap3A_439 = arith.constant 64 : index
        %swap3A_440 = tpu.vector_load %arg18[%swap3A_438, %swap3A_439] {strides = array<i32>} : memref<80x128xf32, #tpu.memory_space<vmem>>, vector<1x16xf32>,
        %swap3A_441 = vector.shape_cast %swap3A_440 : vector<1x16xf32> to vector<16xf32>
        %swap3A_442 = vector.shape_cast %add3A_435 : vector<16xf32> to vector<1x16xf32>
        tpu.vector_store %arg18[%swap3A_438, %swap3A_439], %swap3A_442 {strides = array<i32>} : memref<80x128xf32, #tpu.memory_space<vmem>>, vector<1x16xf32>,
        %add3A_443 = arith.constant 1 : i32
        %add3A_444 = arith.addi %add3A_71, %add3A_443 : i32
        %get3A_445 = arith.index_cast %add3A_444 : i32 to index
        %get3A_446 = arith.constant 80 : index
        %get3A_447 = tpu.vector_load %arg14[%get3A_445, %get3A_446] {strides = array<i32>} : memref<80x128xf32, #tpu.memory_space<vmem>>, vector<1x16xf32>,
        %get3A_448 = vector.shape_cast %get3A_447 : vector<1x16xf32> to vector<16xf32>
        %add3A_449 = arith.constant 1 : i32
        %add3A_450 = arith.addi %add3A_71, %add3A_449 : i32
        %get3A_451 = arith.index_cast %add3A_450 : i32 to index
        %get3A_452 = arith.constant 80 : index
        %get3A_453 = tpu.vector_load %arg16[%get3A_451, %get3A_452] {strides = array<i32>} : memref<80x256xf32, #tpu.memory_space<vmem>>, vector<1x16xf32>,
        %get3A_454 = vector.shape_cast %get3A_453 : vector<1x16xf32> to vector<16xf32>
        %add3A_455 = arith.constant 1 : i32
        %add3A_456 = arith.addi %add3A_71, %add3A_455 : i32
        %get3A_457 = arith.index_cast %add3A_456 : i32 to index
        %get3A_458 = arith.constant 208 : index
        %get3A_459 = tpu.vector_load %arg16[%get3A_457, %get3A_458] {strides = array<i32>} : memref<80x256xf32, #tpu.memory_space<vmem>>, vector<1x16xf32>,
        %get3A_460 = vector.shape_cast %get3A_459 : vector<1x16xf32> to vector<16xf32>
        %mul3A_461 = arith.mulf %get3A_448, %get3A_454 : vector<16xf32>
        %add3A_462 = arith.addf %mul3A_461, %get3A_460 : vector<16xf32>
        %add3A_463 = arith.constant 1 : i32
        %add3A_464 = arith.addi %add3A_71, %add3A_463 : i32
        %swap3A_465 = arith.index_cast %add3A_464 : i32 to index
        %swap3A_466 = arith.constant 80 : index
        %swap3A_467 = tpu.vector_load %arg18[%swap3A_465, %swap3A_466] {strides = array<i32>} : memref<80x128xf32, #tpu.memory_space<vmem>>, vector<1x16xf32>,
        %swap3A_468 = vector.shape_cast %swap3A_467 : vector<1x16xf32> to vector<16xf32>
        %swap3A_469 = vector.shape_cast %add3A_462 : vector<16xf32> to vector<1x16xf32>
        tpu.vector_store %arg18[%swap3A_465, %swap3A_466], %swap3A_469 {strides = array<i32>} : memref<80x128xf32, #tpu.memory_space<vmem>>, vector<1x16xf32>,
        %add3A_470 = arith.constant 1 : i32
        %add3A_471 = arith.addi %add3A_71, %add3A_470 : i32
        %get3A_472 = arith.index_cast %add3A_471 : i32 to index
        %get3A_473 = arith.constant 96 : index
        %get3A_474 = tpu.vector_load %arg14[%get3A_472, %get3A_473] {strides = array<i32>} : memref<80x128xf32, #tpu.memory_space<vmem>>, vector<1x16xf32>,
        %get3A_475 = vector.shape_cast %get3A_474 : vector<1x16xf32> to vector<16xf32>
        %add3A_476 = arith.constant 1 : i32
        %add3A_477 = arith.addi %add3A_71, %add3A_476 : i32
        %get3A_478 = arith.index_cast %add3A_477 : i32 to index
        %get3A_479 = arith.constant 96 : index
        %get3A_480 = tpu.vector_load %arg16[%get3A_478, %get3A_479] {strides = array<i32>} : memref<80x256xf32, #tpu.memory_space<vmem>>, vector<1x16xf32>,
        %get3A_481 = vector.shape_cast %get3A_480 : vector<1x16xf32> to vector<16xf32>
        %add3A_482 = arith.constant 1 : i32
        %add3A_483 = arith.addi %add3A_71, %add3A_482 : i32
        %get3A_484 = arith.index_cast %add3A_483 : i32 to index
        %get3A_485 = arith.constant 224 : index
        %get3A_486 = tpu.vector_load %arg16[%get3A_484, %get3A_485] {strides = array<i32>} : memref<80x256xf32, #tpu.memory_space<vmem>>, vector<1x16xf32>,
        %get3A_487 = vector.shape_cast %get3A_486 : vector<1x16xf32> to vector<16xf32>
        %mul3A_488 = arith.mulf %get3A_475, %get3A_481 : vector<16xf32>
        %add3A_489 = arith.addf %mul3A_488, %get3A_487 : vector<16xf32>
        %add3A_490 = arith.constant 1 : i32
        %add3A_491 = arith.addi %add3A_71, %add3A_490 : i32
        %swap3A_492 = arith.index_cast %add3A_491 : i32 to index
        %swap3A_493 = arith.constant 96 : index
        %swap3A_494 = tpu.vector_load %arg18[%swap3A_492, %swap3A_493] {strides = array<i32>} : memref<80x128xf32, #tpu.memory_space<vmem>>, vector<1x16xf32>,
        %swap3A_495 = vector.shape_cast %swap3A_494 : vector<1x16xf32> to vector<16xf32>
        %swap3A_496 = vector.shape_cast %add3A_489 : vector<16xf32> to vector<1x16xf32>
        tpu.vector_store %arg18[%swap3A_492, %swap3A_493], %swap3A_496 {strides = array<i32>} : memref<80x128xf32, #tpu.memory_space<vmem>>, vector<1x16xf32>,
        %add3A_497 = arith.constant 1 : i32
        %add3A_498 = arith.addi %add3A_71, %add3A_497 : i32
        %get3A_499 = arith.index_cast %add3A_498 : i32 to index
        %get3A_500 = arith.constant 112 : index
        %get3A_501 = tpu.vector_load %arg14[%get3A_499, %get3A_500] {strides = array<i32>} : memref<80x128xf32, #tpu.memory_space<vmem>>, vector<1x16xf32>,
        %get3A_502 = vector.shape_cast %get3A_501 : vector<1x16xf32> to vector<16xf32>
        %add3A_503 = arith.constant 1 : i32
        %add3A_504 = arith.addi %add3A_71, %add3A_503 : i32
        %get3A_505 = arith.index_cast %add3A_504 : i32 to index
        %get3A_506 = arith.constant 112 : index
        %get3A_507 = tpu.vector_load %arg16[%get3A_505, %get3A_506] {strides = array<i32>} : memref<80x256xf32, #tpu.memory_space<vmem>>, vector<1x16xf32>,
        %get3A_508 = vector.shape_cast %get3A_507 : vector<1x16xf32> to vector<16xf32>
        %add3A_509 = arith.constant 1 : i32
        %add3A_510 = arith.addi %add3A_71, %add3A_509 : i32
        %get3A_511 = arith.index_cast %add3A_510 : i32 to index
        %get3A_512 = arith.constant 240 : index
        %get3A_513 = tpu.vector_load %arg16[%get3A_511, %get3A_512] {strides = array<i32>} : memref<80x256xf32, #tpu.memory_space<vmem>>, vector<1x16xf32>,
        %get3A_514 = vector.shape_cast %get3A_513 : vector<1x16xf32> to vector<16xf32>
        %mul3A_515 = arith.mulf %get3A_502, %get3A_508 : vector<16xf32>
        %add3A_516 = arith.addf %mul3A_515, %get3A_514 : vector<16xf32>
        %add3A_517 = arith.constant 1 : i32
        %add3A_518 = arith.addi %add3A_71, %add3A_517 : i32
        %swap3A_519 = arith.index_cast %add3A_518 : i32 to index
        %swap3A_520 = arith.constant 112 : index
        %swap3A_521 = tpu.vector_load %arg18[%swap3A_519, %swap3A_520] {strides = array<i32>} : memref<80x128xf32, #tpu.memory_space<vmem>>, vector<1x16xf32>,
        %swap3A_522 = vector.shape_cast %swap3A_521 : vector<1x16xf32> to vector<16xf32>
        %swap3A_523 = vector.shape_cast %add3A_516 : vector<16xf32> to vector<1x16xf32>
        tpu.vector_store %arg18[%swap3A_519, %swap3A_520], %swap3A_523 {strides = array<i32>} : memref<80x128xf32, #tpu.memory_space<vmem>>, vector<1x16xf32>,
        %add3A_524 = arith.constant 1 : i32
        %add3A_525 = arith.addi %add3A_71, %add3A_524 : i32
        %get3A_526 = arith.index_cast %add3A_525 : i32 to index
        %get3A_527 = arith.constant 0 : index
        %get3A_528 = tpu.vector_load %arg15[%get3A_526, %get3A_527] {strides = array<i32>} : memref<80x16xf32, #tpu.memory_space<vmem>>, vector<1x16xf32>,
        %get3A_529 = vector.shape_cast %get3A_528 : vector<1x16xf32> to vector<16xf32>
        %add3A_530 = arith.constant 1 : i32
        %add3A_531 = arith.addi %add3A_71, %add3A_530 : i32
        %get3A_532 = arith.index_cast %add3A_531 : i32 to index
        %get3A_533 = arith.constant 0 : index
        %get3A_534 = tpu.vector_load %arg17[%get3A_532, %get3A_533] {strides = array<i32>} : memref<80x16xf32, #tpu.memory_space<vmem>>, vector<1x16xf32>,
        %get3A_535 = vector.shape_cast %get3A_534 : vector<1x16xf32> to vector<16xf32>
        %broadcast_in_dim3A_536 = vector.shape_cast %and3A_3 : vector<16xi32> to vector<16x1xi32>
        %gather3A_537 = vector.shape_cast %broadcast_in_dim3A_536 : vector<16x1xi32> to vector<16xi32>
        %gather3A_538 = tpu.dynamic_gather %get3A_535[%gather3A_537] in [0] : vector<16xf32>, vector<16xi32> -> vector<16xf32>
        %mul3A_539 = arith.mulf %get3A_529, %get3A_535 : vector<16xf32>
        %add3A_540 = arith.addf %mul3A_539, %gather3A_538 : vector<16xf32>
        %add3A_541 = arith.constant 1 : i32
        %add3A_542 = arith.addi %add3A_71, %add3A_541 : i32
        %swap3A_543 = arith.index_cast %add3A_542 : i32 to index
        %swap3A_544 = arith.constant 0 : index
        %swap3A_545 = tpu.vector_load %arg19[%swap3A_543, %swap3A_544] {strides = array<i32>} : memref<80x16xf32, #tpu.memory_space<vmem>>, vector<1x16xf32>,
        %swap3A_546 = vector.shape_cast %swap3A_545 : vector<1x16xf32> to vector<16xf32>
        %swap3A_547 = vector.shape_cast %add3A_540 : vector<16xf32> to vector<1x16xf32>
        tpu.vector_store %arg19[%swap3A_543, %swap3A_544], %swap3A_547 {strides = array<i32>} : memref<80x16xf32, #tpu.memory_space<vmem>>, vector<1x16xf32>,
      }
      %scan3A_66 = arith.constant 40 : i32
      "tpu.region"() ({
        %run_scoped3A = tpu.sem_alloc : memref<!tpu.dma_semaphore, #tpu.memory_space<semaphore_mem>>
        %dma_start3A_67 = arith.constant 0 : i32
        %dma_start3A_68 = tpu.memref_slice %arg10[%mul3A_52, %dma_start3A_67] : memref<100000x128xf32, #tpu.memory_space<hbm>> -> memref<80x128xf32, #tpu.memory_space<hbm>>
        %dma_start3A_69 = arith.constant 0 : i32
        %dma_start3A_70 = tpu.memref_slice %arg10[%mul3A_52, %dma_start3A_69] : memref<100000x128xf32, #tpu.memory_space<hbm>> -> memref<80x128xf32, #tpu.memory_space<hbm>>
        tpu.enqueue_dma source(%arg18 : memref<80x128xf32, #tpu.memory_space<vmem>>) target(%dma_start3A_70 : memref<80x128xf32, #tpu.memory_space<hbm>>) target_semaphore(%run_scoped3A : memref<!tpu.dma_semaphore, #tpu.memory_space<semaphore_mem>>)
        %dma_wait3A_71 = arith.constant 0 : i32
        %dma_wait3A_72 = tpu.memref_slice %arg10[%mul3A_52, %dma_wait3A_71] : memref<100000x128xf32, #tpu.memory_space<hbm>> -> memref<80x128xf32, #tpu.memory_space<hbm>>
        %dma_wait3A_73 = arith.constant 0 : i32
        %dma_wait3A_74 = tpu.memref_slice %arg10[%mul3A_52, %dma_wait3A_73] : memref<100000x128xf32, #tpu.memory_space<hbm>> -> memref<80x128xf32, #tpu.memory_space<hbm>>
        tpu.wait_dma2 semaphore(%run_scoped3A : memref<!tpu.dma_semaphore, #tpu.memory_space<semaphore_mem>>) src(%arg18 : memref<80x128xf32, #tpu.memory_space<vmem>>) dst(%dma_wait3A_74 : memref<80x128xf32, #tpu.memory_space<hbm>>)
        tpu.yield
      }) : () -> ()
      "tpu.region"() ({
        %run_scoped3A = tpu.sem_alloc : memref<!tpu.dma_semaphore, #tpu.memory_space<semaphore_mem>>
        %dma_start3A_67 = arith.constant 0 : i32
        %dma_start3A_68 = tpu.memref_slice %arg11[%mul3A_52, %dma_start3A_67] : memref<100000x16xf32, #tpu.memory_space<hbm>> -> memref<80x16xf32, #tpu.memory_space<hbm>>
        %dma_start3A_69 = arith.constant 0 : i32
        %dma_start3A_70 = tpu.memref_slice %arg11[%mul3A_52, %dma_start3A_69] : memref<100000x16xf32, #tpu.memory_space<hbm>> -> memref<80x16xf32, #tpu.memory_space<hbm>>
        tpu.enqueue_dma source(%arg19 : memref<80x16xf32, #tpu.memory_space<vmem>>) target(%dma_start3A_70 : memref<80x16xf32, #tpu.memory_space<hbm>>) target_semaphore(%run_scoped3A : memref<!tpu.dma_semaphore, #tpu.memory_space<semaphore_mem>>)
        %dma_wait3A_71 = arith.constant 0 : i32
        %dma_wait3A_72 = tpu.memref_slice %arg11[%mul3A_52, %dma_wait3A_71] : memref<100000x16xf32, #tpu.memory_space<hbm>> -> memref<80x16xf32, #tpu.memory_space<hbm>>
        %dma_wait3A_73 = arith.constant 0 : i32
        %dma_wait3A_74 = tpu.memref_slice %arg11[%mul3A_52, %dma_wait3A_73] : memref<100000x16xf32, #tpu.memory_space<hbm>> -> memref<80x16xf32, #tpu.memory_space<hbm>>
        tpu.wait_dma2 semaphore(%run_scoped3A : memref<!tpu.dma_semaphore, #tpu.memory_space<semaphore_mem>>) src(%arg19 : memref<80x16xf32, #tpu.memory_space<vmem>>) dst(%dma_wait3A_74 : memref<80x16xf32, #tpu.memory_space<hbm>>)
        tpu.yield
      }) : () -> ()
    }
    %while3A_23 = arith.constant 1 : i32
    scf.for %while3A_48 = %while3A_21 to %while3A_17 step %while3A_23  : i32 {
      %mul3A_49 = arith.muli %while3A_48, %while3A : i32
      %add3A_50 = arith.addi %add3A_5, %mul3A_49 : i32
      %mul3A_51 = arith.constant 80 : i32
      %mul3A_52 = arith.muli %add3A_50, %mul3A_51 : i32
      "tpu.region"() ({
        %run_scoped3A = tpu.sem_alloc : memref<!tpu.dma_semaphore, #tpu.memory_space<semaphore_mem>>
        %dma_start3A_67 = tpu.memref_slice %arg4[%mul3A_52] : memref<100000xi32, #tpu.memory_space<hbm>> -> memref<80xi32, #tpu.memory_space<hbm>>
        %dma_start3A_68 = tpu.memref_slice %arg4[%mul3A_52] : memref<100000xi32, #tpu.memory_space<hbm>> -> memref<80xi32, #tpu.memory_space<hbm>>
        tpu.enqueue_dma source(%dma_start3A_68 : memref<80xi32, #tpu.memory_space<hbm>>) target(%arg13 : memref<80xi32, #tpu.memory_space<vmem>>) target_semaphore(%run_scoped3A : memref<!tpu.dma_semaphore, #tpu.memory_space<semaphore_mem>>)
        %dma_wait3A_69 = tpu.memref_slice %arg4[%mul3A_52] : memref<100000xi32, #tpu.memory_space<hbm>> -> memref<80xi32, #tpu.memory_space<hbm>>
        %dma_wait3A_70 = tpu.memref_slice %arg4[%mul3A_52] : memref<100000xi32, #tpu.memory_space<hbm>> -> memref<80xi32, #tpu.memory_space<hbm>>
        tpu.wait_dma2 semaphore(%run_scoped3A : memref<!tpu.dma_semaphore, #tpu.memory_space<semaphore_mem>>) src(%dma_wait3A_70 : memref<80xi32, #tpu.memory_space<hbm>>) dst(%arg13 : memref<80xi32, #tpu.memory_space<vmem>>)
        tpu.yield
      }) : () -> ()
      %dma_start3A = arith.constant 0 : i32
      %dma_start3A_53 = arith.constant 0 : i32
      %dma_start3A_54 = tpu.memref_slice %arg7[%dma_start3A, %dma_start3A_53] : memref<5120x256xf32, #tpu.memory_space<hbm>> -> memref<5120x256xf32, #tpu.memory_space<hbm>>
      tpu.enqueue_indirect_dma source(%dma_start3A_54 : memref<5120x256xf32, #tpu.memory_space<hbm>>) target(%arg16 : memref<80x256xf32, #tpu.memory_space<vmem>>) offsets(%arg13 : memref<80xi32, #tpu.memory_space<vmem>>) semaphore(%arg25 : memref<!tpu.dma_semaphore, #tpu.memory_space<semaphore_mem>>)
      %dma_start3A_55 = arith.constant 0 : i32
      %dma_start3A_56 = arith.constant 0 : i32
      %dma_start3A_57 = tpu.memref_slice %arg8[%dma_start3A_55, %dma_start3A_56] : memref<5120x16xf32, #tpu.memory_space<hbm>> -> memref<5120x16xf32, #tpu.memory_space<hbm>>
      tpu.enqueue_indirect_dma source(%dma_start3A_57 : memref<5120x16xf32, #tpu.memory_space<hbm>>) target(%arg17 : memref<80x16xf32, #tpu.memory_space<vmem>>) offsets(%arg13 : memref<80xi32, #tpu.memory_space<vmem>>) semaphore(%arg26 : memref<!tpu.dma_semaphore, #tpu.memory_space<semaphore_mem>>)
      "tpu.region"() ({
        %run_scoped3A = tpu.sem_alloc : memref<!tpu.dma_semaphore, #tpu.memory_space<semaphore_mem>>
        %dma_start3A_67 = arith.constant 0 : i32
        %dma_start3A_68 = tpu.memref_slice %arg2[%mul3A_52, %dma_start3A_67] : memref<100000x128xf32, #tpu.memory_space<hbm>> -> memref<80x128xf32, #tpu.memory_space<hbm>>
        %dma_start3A_69 = arith.constant 0 : i32
        %dma_start3A_70 = tpu.memref_slice %arg2[%mul3A_52, %dma_start3A_69] : memref<100000x128xf32, #tpu.memory_space<hbm>> -> memref<80x128xf32, #tpu.memory_space<hbm>>
        tpu.enqueue_dma source(%dma_start3A_70 : memref<80x128xf32, #tpu.memory_space<hbm>>) target(%arg14 : memref<80x128xf32, #tpu.memory_space<vmem>>) target_semaphore(%run_scoped3A : memref<!tpu.dma_semaphore, #tpu.memory_space<semaphore_mem>>)
        %dma_wait3A_71 = arith.constant 0 : i32
        %dma_wait3A_72 = tpu.memref_slice %arg2[%mul3A_52, %dma_wait3A_71] : memref<100000x128xf32, #tpu.memory_space<hbm>> -> memref<80x128xf32, #tpu.memory_space<hbm>>
        %dma_wait3A_73 = arith.constant 0 : i32
        %dma_wait3A_74 = tpu.memref_slice %arg2[%mul3A_52, %dma_wait3A_73] : memref<100000x128xf32, #tpu.memory_space<hbm>> -> memref<80x128xf32, #tpu.memory_space<hbm>>
        tpu.wait_dma2 semaphore(%run_scoped3A : memref<!tpu.dma_semaphore, #tpu.memory_space<semaphore_mem>>) src(%dma_wait3A_74 : memref<80x128xf32, #tpu.memory_space<hbm>>) dst(%arg14 : memref<80x128xf32, #tpu.memory_space<vmem>>)
        tpu.yield
      }) : () -> ()
      "tpu.region"() ({
        %run_scoped3A = tpu.sem_alloc : memref<!tpu.dma_semaphore, #tpu.memory_space<semaphore_mem>>
        %dma_start3A_67 = arith.constant 0 : i32
        %dma_start3A_68 = tpu.memref_slice %arg3[%mul3A_52, %dma_start3A_67] : memref<100000x16xf32, #tpu.memory_space<hbm>> -> memref<80x16xf32, #tpu.memory_space<hbm>>
        %dma_start3A_69 = arith.constant 0 : i32
        %dma_start3A_70 = tpu.memref_slice %arg3[%mul3A_52, %dma_start3A_69] : memref<100000x16xf32, #tpu.memory_space<hbm>> -> memref<80x16xf32, #tpu.memory_space<hbm>>
        tpu.enqueue_dma source(%dma_start3A_70 : memref<80x16xf32, #tpu.memory_space<hbm>>) target(%arg15 : memref<80x16xf32, #tpu.memory_space<vmem>>) target_semaphore(%run_scoped3A : memref<!tpu.dma_semaphore, #tpu.memory_space<semaphore_mem>>)
        %dma_wait3A_71 = arith.constant 0 : i32
        %dma_wait3A_72 = tpu.memref_slice %arg3[%mul3A_52, %dma_wait3A_71] : memref<100000x16xf32, #tpu.memory_space<hbm>> -> memref<80x16xf32, #tpu.memory_space<hbm>>
        %dma_wait3A_73 = arith.constant 0 : i32
        %dma_wait3A_74 = tpu.memref_slice %arg3[%mul3A_52, %dma_wait3A_73] : memref<100000x16xf32, #tpu.memory_space<hbm>> -> memref<80x16xf32, #tpu.memory_space<hbm>>
        tpu.wait_dma2 semaphore(%run_scoped3A : memref<!tpu.dma_semaphore, #tpu.memory_space<semaphore_mem>>) src(%dma_wait3A_74 : memref<80x16xf32, #tpu.memory_space<hbm>>) dst(%arg15 : memref<80x16xf32, #tpu.memory_space<vmem>>)
        tpu.yield
      }) : () -> ()
      %dma_wait3A = arith.constant 0 : i32
      %dma_wait3A_58 = arith.constant 0 : i32
      %dma_wait3A_59 = tpu.memref_slice %arg7[%dma_wait3A, %dma_wait3A_58] : memref<5120x256xf32, #tpu.memory_space<hbm>> -> memref<5120x256xf32, #tpu.memory_space<hbm>>
      tpu.wait_indirect_dma semaphore(%arg25 : memref<!tpu.dma_semaphore, #tpu.memory_space<semaphore_mem>>) src(%dma_wait3A_59 : memref<5120x256xf32, #tpu.memory_space<hbm>>) dst(%arg16 : memref<80x256xf32, #tpu.memory_space<vmem>>)
      %dma_wait3A_60 = arith.constant 0 : i32
      %dma_wait3A_61 = arith.constant 0 : i32
      %dma_wait3A_62 = tpu.memref_slice %arg8[%dma_wait3A_60, %dma_wait3A_61] : memref<5120x16xf32, #tpu.memory_space<hbm>> -> memref<5120x16xf32, #tpu.memory_space<hbm>>
      tpu.wait_indirect_dma semaphore(%arg26 : memref<!tpu.dma_semaphore, #tpu.memory_space<semaphore_mem>>) src(%dma_wait3A_62 : memref<5120x16xf32, #tpu.memory_space<hbm>>) dst(%arg17 : memref<80x16xf32, #tpu.memory_space<vmem>>)
      %scan3A = arith.constant 0 : i32
      %scan3A_63 = arith.constant 40 : i32
      %scan3A_64 = arith.addi %scan3A, %scan3A_63 : i32
      %scan3A_65 = arith.constant 1 : i32
      scf.for %scan3A_67 = %scan3A to %scan3A_64 step %scan3A_65  : i32 {
        %mul3A_68 = arith.constant 2 : i32
        %mul3A_69 = arith.muli %scan3A_67, %mul3A_68 : i32
        %add3A_70 = arith.constant 0 : i32
        %add3A_71 = arith.addi %add3A_70, %mul3A_69 : i32
        %add3A_72 = arith.constant 0 : i32
        %add3A_73 = arith.addi %add3A_71, %add3A_72 : i32
        %get3A = arith.index_cast %add3A_73 : i32 to index
        %get3A_74 = arith.constant 0 : index
        %get3A_75 = tpu.vector_load %arg14[%get3A, %get3A_74] {strides = array<i32>} : memref<80x128xf32, #tpu.memory_space<vmem>>, vector<1x16xf32>,
        %get3A_76 = vector.shape_cast %get3A_75 : vector<1x16xf32> to vector<16xf32>
        %add3A_77 = arith.constant 0 : i32
        %add3A_78 = arith.addi %add3A_71, %add3A_77 : i32
        %get3A_79 = arith.index_cast %add3A_78 : i32 to index
        %get3A_80 = arith.constant 0 : index
        %get3A_81 = tpu.vector_load %arg16[%get3A_79, %get3A_80] {strides = array<i32>} : memref<80x256xf32, #tpu.memory_space<vmem>>, vector<1x16xf32>,
        %get3A_82 = vector.shape_cast %get3A_81 : vector<1x16xf32> to vector<16xf32>
        %add3A_83 = arith.constant 0 : i32
        %add3A_84 = arith.addi %add3A_71, %add3A_83 : i32
        %get3A_85 = arith.index_cast %add3A_84 : i32 to index
        %get3A_86 = arith.constant 128 : index
        %get3A_87 = tpu.vector_load %arg16[%get3A_85, %get3A_86] {strides = array<i32>} : memref<80x256xf32, #tpu.memory_space<vmem>>, vector<1x16xf32>,
        %get3A_88 = vector.shape_cast %get3A_87 : vector<1x16xf32> to vector<16xf32>
        %mul3A_89 = arith.mulf %get3A_76, %get3A_82 : vector<16xf32>
        %add3A_90 = arith.addf %mul3A_89, %get3A_88 : vector<16xf32>
        %add3A_91 = arith.constant 0 : i32
        %add3A_92 = arith.addi %add3A_71, %add3A_91 : i32
        %swap3A = arith.index_cast %add3A_92 : i32 to index
        %swap3A_93 = arith.constant 0 : index
        %swap3A_94 = tpu.vector_load %arg18[%swap3A, %swap3A_93] {strides = array<i32>} : memref<80x128xf32, #tpu.memory_space<vmem>>, vector<1x16xf32>,
        %swap3A_95 = vector.shape_cast %swap3A_94 : vector<1x16xf32> to vector<16xf32>
        %swap3A_96 = vector.shape_cast %add3A_90 : vector<16xf32> to vector<1x16xf32>
        tpu.vector_store %arg18[%swap3A, %swap3A_93], %swap3A_96 {strides = array<i32>} : memref<80x128xf32, #tpu.memory_space<vmem>>, vector<1x16xf32>,
        %add3A_97 = arith.constant 0 : i32
        %add3A_98 = arith.addi %add3A_71, %add3A_97 : i32
        %get3A_99 = arith.index_cast %add3A_98 : i32 to index
        %get3A_100 = arith.constant 16 : index
        %get3A_101 = tpu.vector_load %arg14[%get3A_99, %get3A_100] {strides = array<i32>} : memref<80x128xf32, #tpu.memory_space<vmem>>, vector<1x16xf32>,
        %get3A_102 = vector.shape_cast %get3A_101 : vector<1x16xf32> to vector<16xf32>
        %add3A_103 = arith.constant 0 : i32
        %add3A_104 = arith.addi %add3A_71, %add3A_103 : i32
        %get3A_105 = arith.index_cast %add3A_104 : i32 to index
        %get3A_106 = arith.constant 16 : index
        %get3A_107 = tpu.vector_load %arg16[%get3A_105, %get3A_106] {strides = array<i32>} : memref<80x256xf32, #tpu.memory_space<vmem>>, vector<1x16xf32>,
        %get3A_108 = vector.shape_cast %get3A_107 : vector<1x16xf32> to vector<16xf32>
        %add3A_109 = arith.constant 0 : i32
        %add3A_110 = arith.addi %add3A_71, %add3A_109 : i32
        %get3A_111 = arith.index_cast %add3A_110 : i32 to index
        %get3A_112 = arith.constant 144 : index
        %get3A_113 = tpu.vector_load %arg16[%get3A_111, %get3A_112] {strides = array<i32>} : memref<80x256xf32, #tpu.memory_space<vmem>>, vector<1x16xf32>,
        %get3A_114 = vector.shape_cast %get3A_113 : vector<1x16xf32> to vector<16xf32>
        %mul3A_115 = arith.mulf %get3A_102, %get3A_108 : vector<16xf32>
        %add3A_116 = arith.addf %mul3A_115, %get3A_114 : vector<16xf32>
        %add3A_117 = arith.constant 0 : i32
        %add3A_118 = arith.addi %add3A_71, %add3A_117 : i32
        %swap3A_119 = arith.index_cast %add3A_118 : i32 to index
        %swap3A_120 = arith.constant 16 : index
        %swap3A_121 = tpu.vector_load %arg18[%swap3A_119, %swap3A_120] {strides = array<i32>} : memref<80x128xf32, #tpu.memory_space<vmem>>, vector<1x16xf32>,
        %swap3A_122 = vector.shape_cast %swap3A_121 : vector<1x16xf32> to vector<16xf32>
        %swap3A_123 = vector.shape_cast %add3A_116 : vector<16xf32> to vector<1x16xf32>
        tpu.vector_store %arg18[%swap3A_119, %swap3A_120], %swap3A_123 {strides = array<i32>} : memref<80x128xf32, #tpu.memory_space<vmem>>, vector<1x16xf32>,
        %add3A_124 = arith.constant 0 : i32
        %add3A_125 = arith.addi %add3A_71, %add3A_124 : i32
        %get3A_126 = arith.index_cast %add3A_125 : i32 to index
        %get3A_127 = arith.constant 32 : index
        %get3A_128 = tpu.vector_load %arg14[%get3A_126, %get3A_127] {strides = array<i32>} : memref<80x128xf32, #tpu.memory_space<vmem>>, vector<1x16xf32>,
        %get3A_129 = vector.shape_cast %get3A_128 : vector<1x16xf32> to vector<16xf32>
        %add3A_130 = arith.constant 0 : i32
        %add3A_131 = arith.addi %add3A_71, %add3A_130 : i32
        %get3A_132 = arith.index_cast %add3A_131 : i32 to index
        %get3A_133 = arith.constant 32 : index
        %get3A_134 = tpu.vector_load %arg16[%get3A_132, %get3A_133] {strides = array<i32>} : memref<80x256xf32, #tpu.memory_space<vmem>>, vector<1x16xf32>,
        %get3A_135 = vector.shape_cast %get3A_134 : vector<1x16xf32> to vector<16xf32>
        %add3A_136 = arith.constant 0 : i32
        %add3A_137 = arith.addi %add3A_71, %add3A_136 : i32
        %get3A_138 = arith.index_cast %add3A_137 : i32 to index
        %get3A_139 = arith.constant 160 : index
        %get3A_140 = tpu.vector_load %arg16[%get3A_138, %get3A_139] {strides = array<i32>} : memref<80x256xf32, #tpu.memory_space<vmem>>, vector<1x16xf32>,
        %get3A_141 = vector.shape_cast %get3A_140 : vector<1x16xf32> to vector<16xf32>
        %mul3A_142 = arith.mulf %get3A_129, %get3A_135 : vector<16xf32>
        %add3A_143 = arith.addf %mul3A_142, %get3A_141 : vector<16xf32>
        %add3A_144 = arith.constant 0 : i32
        %add3A_145 = arith.addi %add3A_71, %add3A_144 : i32
        %swap3A_146 = arith.index_cast %add3A_145 : i32 to index
        %swap3A_147 = arith.constant 32 : index
        %swap3A_148 = tpu.vector_load %arg18[%swap3A_146, %swap3A_147] {strides = array<i32>} : memref<80x128xf32, #tpu.memory_space<vmem>>, vector<1x16xf32>,
        %swap3A_149 = vector.shape_cast %swap3A_148 : vector<1x16xf32> to vector<16xf32>
        %swap3A_150 = vector.shape_cast %add3A_143 : vector<16xf32> to vector<1x16xf32>
        tpu.vector_store %arg18[%swap3A_146, %swap3A_147], %swap3A_150 {strides = array<i32>} : memref<80x128xf32, #tpu.memory_space<vmem>>, vector<1x16xf32>,
        %add3A_151 = arith.constant 0 : i32
        %add3A_152 = arith.addi %add3A_71, %add3A_151 : i32
        %get3A_153 = arith.index_cast %add3A_152 : i32 to index
        %get3A_154 = arith.constant 48 : index
        %get3A_155 = tpu.vector_load %arg14[%get3A_153, %get3A_154] {strides = array<i32>} : memref<80x128xf32, #tpu.memory_space<vmem>>, vector<1x16xf32>,
        %get3A_156 = vector.shape_cast %get3A_155 : vector<1x16xf32> to vector<16xf32>
        %add3A_157 = arith.constant 0 : i32
        %add3A_158 = arith.addi %add3A_71, %add3A_157 : i32
        %get3A_159 = arith.index_cast %add3A_158 : i32 to index
        %get3A_160 = arith.constant 48 : index
        %get3A_161 = tpu.vector_load %arg16[%get3A_159, %get3A_160] {strides = array<i32>} : memref<80x256xf32, #tpu.memory_space<vmem>>, vector<1x16xf32>,
        %get3A_162 = vector.shape_cast %get3A_161 : vector<1x16xf32> to vector<16xf32>
        %add3A_163 = arith.constant 0 : i32
        %add3A_164 = arith.addi %add3A_71, %add3A_163 : i32
        %get3A_165 = arith.index_cast %add3A_164 : i32 to index
        %get3A_166 = arith.constant 176 : index
        %get3A_167 = tpu.vector_load %arg16[%get3A_165, %get3A_166] {strides = array<i32>} : memref<80x256xf32, #tpu.memory_space<vmem>>, vector<1x16xf32>,
        %get3A_168 = vector.shape_cast %get3A_167 : vector<1x16xf32> to vector<16xf32>
        %mul3A_169 = arith.mulf %get3A_156, %get3A_162 : vector<16xf32>
        %add3A_170 = arith.addf %mul3A_169, %get3A_168 : vector<16xf32>
        %add3A_171 = arith.constant 0 : i32
        %add3A_172 = arith.addi %add3A_71, %add3A_171 : i32
        %swap3A_173 = arith.index_cast %add3A_172 : i32 to index
        %swap3A_174 = arith.constant 48 : index
        %swap3A_175 = tpu.vector_load %arg18[%swap3A_173, %swap3A_174] {strides = array<i32>} : memref<80x128xf32, #tpu.memory_space<vmem>>, vector<1x16xf32>,
        %swap3A_176 = vector.shape_cast %swap3A_175 : vector<1x16xf32> to vector<16xf32>
        %swap3A_177 = vector.shape_cast %add3A_170 : vector<16xf32> to vector<1x16xf32>
        tpu.vector_store %arg18[%swap3A_173, %swap3A_174], %swap3A_177 {strides = array<i32>} : memref<80x128xf32, #tpu.memory_space<vmem>>, vector<1x16xf32>,
        %add3A_178 = arith.constant 0 : i32
        %add3A_179 = arith.addi %add3A_71, %add3A_178 : i32
        %get3A_180 = arith.index_cast %add3A_179 : i32 to index
        %get3A_181 = arith.constant 64 : index
        %get3A_182 = tpu.vector_load %arg14[%get3A_180, %get3A_181] {strides = array<i32>} : memref<80x128xf32, #tpu.memory_space<vmem>>, vector<1x16xf32>,
        %get3A_183 = vector.shape_cast %get3A_182 : vector<1x16xf32> to vector<16xf32>
        %add3A_184 = arith.constant 0 : i32
        %add3A_185 = arith.addi %add3A_71, %add3A_184 : i32
        %get3A_186 = arith.index_cast %add3A_185 : i32 to index
        %get3A_187 = arith.constant 64 : index
        %get3A_188 = tpu.vector_load %arg16[%get3A_186, %get3A_187] {strides = array<i32>} : memref<80x256xf32, #tpu.memory_space<vmem>>, vector<1x16xf32>,
        %get3A_189 = vector.shape_cast %get3A_188 : vector<1x16xf32> to vector<16xf32>
        %add3A_190 = arith.constant 0 : i32
        %add3A_191 = arith.addi %add3A_71, %add3A_190 : i32
        %get3A_192 = arith.index_cast %add3A_191 : i32 to index
        %get3A_193 = arith.constant 192 : index
        %get3A_194 = tpu.vector_load %arg16[%get3A_192, %get3A_193] {strides = array<i32>} : memref<80x256xf32, #tpu.memory_space<vmem>>, vector<1x16xf32>,
        %get3A_195 = vector.shape_cast %get3A_194 : vector<1x16xf32> to vector<16xf32>
        %mul3A_196 = arith.mulf %get3A_183, %get3A_189 : vector<16xf32>
        %add3A_197 = arith.addf %mul3A_196, %get3A_195 : vector<16xf32>
        %add3A_198 = arith.constant 0 : i32
        %add3A_199 = arith.addi %add3A_71, %add3A_198 : i32
        %swap3A_200 = arith.index_cast %add3A_199 : i32 to index
        %swap3A_201 = arith.constant 64 : index
        %swap3A_202 = tpu.vector_load %arg18[%swap3A_200, %swap3A_201] {strides = array<i32>} : memref<80x128xf32, #tpu.memory_space<vmem>>, vector<1x16xf32>,
        %swap3A_203 = vector.shape_cast %swap3A_202 : vector<1x16xf32> to vector<16xf32>
        %swap3A_204 = vector.shape_cast %add3A_197 : vector<16xf32> to vector<1x16xf32>
        tpu.vector_store %arg18[%swap3A_200, %swap3A_201], %swap3A_204 {strides = array<i32>} : memref<80x128xf32, #tpu.memory_space<vmem>>, vector<1x16xf32>,
        %add3A_205 = arith.constant 0 : i32
        %add3A_206 = arith.addi %add3A_71, %add3A_205 : i32
        %get3A_207 = arith.index_cast %add3A_206 : i32 to index
        %get3A_208 = arith.constant 80 : index
        %get3A_209 = tpu.vector_load %arg14[%get3A_207, %get3A_208] {strides = array<i32>} : memref<80x128xf32, #tpu.memory_space<vmem>>, vector<1x16xf32>,
        %get3A_210 = vector.shape_cast %get3A_209 : vector<1x16xf32> to vector<16xf32>
        %add3A_211 = arith.constant 0 : i32
        %add3A_212 = arith.addi %add3A_71, %add3A_211 : i32
        %get3A_213 = arith.index_cast %add3A_212 : i32 to index
        %get3A_214 = arith.constant 80 : index
        %get3A_215 = tpu.vector_load %arg16[%get3A_213, %get3A_214] {strides = array<i32>} : memref<80x256xf32, #tpu.memory_space<vmem>>, vector<1x16xf32>,
        %get3A_216 = vector.shape_cast %get3A_215 : vector<1x16xf32> to vector<16xf32>
        %add3A_217 = arith.constant 0 : i32
        %add3A_218 = arith.addi %add3A_71, %add3A_217 : i32
        %get3A_219 = arith.index_cast %add3A_218 : i32 to index
        %get3A_220 = arith.constant 208 : index
        %get3A_221 = tpu.vector_load %arg16[%get3A_219, %get3A_220] {strides = array<i32>} : memref<80x256xf32, #tpu.memory_space<vmem>>, vector<1x16xf32>,
        %get3A_222 = vector.shape_cast %get3A_221 : vector<1x16xf32> to vector<16xf32>
        %mul3A_223 = arith.mulf %get3A_210, %get3A_216 : vector<16xf32>
        %add3A_224 = arith.addf %mul3A_223, %get3A_222 : vector<16xf32>
        %add3A_225 = arith.constant 0 : i32
        %add3A_226 = arith.addi %add3A_71, %add3A_225 : i32
        %swap3A_227 = arith.index_cast %add3A_226 : i32 to index
        %swap3A_228 = arith.constant 80 : index
        %swap3A_229 = tpu.vector_load %arg18[%swap3A_227, %swap3A_228] {strides = array<i32>} : memref<80x128xf32, #tpu.memory_space<vmem>>, vector<1x16xf32>,
        %swap3A_230 = vector.shape_cast %swap3A_229 : vector<1x16xf32> to vector<16xf32>
        %swap3A_231 = vector.shape_cast %add3A_224 : vector<16xf32> to vector<1x16xf32>
        tpu.vector_store %arg18[%swap3A_227, %swap3A_228], %swap3A_231 {strides = array<i32>} : memref<80x128xf32, #tpu.memory_space<vmem>>, vector<1x16xf32>,
        %add3A_232 = arith.constant 0 : i32
        %add3A_233 = arith.addi %add3A_71, %add3A_232 : i32
        %get3A_234 = arith.index_cast %add3A_233 : i32 to index
        %get3A_235 = arith.constant 96 : index
        %get3A_236 = tpu.vector_load %arg14[%get3A_234, %get3A_235] {strides = array<i32>} : memref<80x128xf32, #tpu.memory_space<vmem>>, vector<1x16xf32>,
        %get3A_237 = vector.shape_cast %get3A_236 : vector<1x16xf32> to vector<16xf32>
        %add3A_238 = arith.constant 0 : i32
        %add3A_239 = arith.addi %add3A_71, %add3A_238 : i32
        %get3A_240 = arith.index_cast %add3A_239 : i32 to index
        %get3A_241 = arith.constant 96 : index
        %get3A_242 = tpu.vector_load %arg16[%get3A_240, %get3A_241] {strides = array<i32>} : memref<80x256xf32, #tpu.memory_space<vmem>>, vector<1x16xf32>,
        %get3A_243 = vector.shape_cast %get3A_242 : vector<1x16xf32> to vector<16xf32>
        %add3A_244 = arith.constant 0 : i32
        %add3A_245 = arith.addi %add3A_71, %add3A_244 : i32
        %get3A_246 = arith.index_cast %add3A_245 : i32 to index
        %get3A_247 = arith.constant 224 : index
        %get3A_248 = tpu.vector_load %arg16[%get3A_246, %get3A_247] {strides = array<i32>} : memref<80x256xf32, #tpu.memory_space<vmem>>, vector<1x16xf32>,
        %get3A_249 = vector.shape_cast %get3A_248 : vector<1x16xf32> to vector<16xf32>
        %mul3A_250 = arith.mulf %get3A_237, %get3A_243 : vector<16xf32>
        %add3A_251 = arith.addf %mul3A_250, %get3A_249 : vector<16xf32>
        %add3A_252 = arith.constant 0 : i32
        %add3A_253 = arith.addi %add3A_71, %add3A_252 : i32
        %swap3A_254 = arith.index_cast %add3A_253 : i32 to index
        %swap3A_255 = arith.constant 96 : index
        %swap3A_256 = tpu.vector_load %arg18[%swap3A_254, %swap3A_255] {strides = array<i32>} : memref<80x128xf32, #tpu.memory_space<vmem>>, vector<1x16xf32>,
        %swap3A_257 = vector.shape_cast %swap3A_256 : vector<1x16xf32> to vector<16xf32>
        %swap3A_258 = vector.shape_cast %add3A_251 : vector<16xf32> to vector<1x16xf32>
        tpu.vector_store %arg18[%swap3A_254, %swap3A_255], %swap3A_258 {strides = array<i32>} : memref<80x128xf32, #tpu.memory_space<vmem>>, vector<1x16xf32>,
        %add3A_259 = arith.constant 0 : i32
        %add3A_260 = arith.addi %add3A_71, %add3A_259 : i32
        %get3A_261 = arith.index_cast %add3A_260 : i32 to index
        %get3A_262 = arith.constant 112 : index
        %get3A_263 = tpu.vector_load %arg14[%get3A_261, %get3A_262] {strides = array<i32>} : memref<80x128xf32, #tpu.memory_space<vmem>>, vector<1x16xf32>,
        %get3A_264 = vector.shape_cast %get3A_263 : vector<1x16xf32> to vector<16xf32>
        %add3A_265 = arith.constant 0 : i32
        %add3A_266 = arith.addi %add3A_71, %add3A_265 : i32
        %get3A_267 = arith.index_cast %add3A_266 : i32 to index
        %get3A_268 = arith.constant 112 : index
        %get3A_269 = tpu.vector_load %arg16[%get3A_267, %get3A_268] {strides = array<i32>} : memref<80x256xf32, #tpu.memory_space<vmem>>, vector<1x16xf32>,
        %get3A_270 = vector.shape_cast %get3A_269 : vector<1x16xf32> to vector<16xf32>
        %add3A_271 = arith.constant 0 : i32
        %add3A_272 = arith.addi %add3A_71, %add3A_271 : i32
        %get3A_273 = arith.index_cast %add3A_272 : i32 to index
        %get3A_274 = arith.constant 240 : index
        %get3A_275 = tpu.vector_load %arg16[%get3A_273, %get3A_274] {strides = array<i32>} : memref<80x256xf32, #tpu.memory_space<vmem>>, vector<1x16xf32>,
        %get3A_276 = vector.shape_cast %get3A_275 : vector<1x16xf32> to vector<16xf32>
        %mul3A_277 = arith.mulf %get3A_264, %get3A_270 : vector<16xf32>
        %add3A_278 = arith.addf %mul3A_277, %get3A_276 : vector<16xf32>
        %add3A_279 = arith.constant 0 : i32
        %add3A_280 = arith.addi %add3A_71, %add3A_279 : i32
        %swap3A_281 = arith.index_cast %add3A_280 : i32 to index
        %swap3A_282 = arith.constant 112 : index
        %swap3A_283 = tpu.vector_load %arg18[%swap3A_281, %swap3A_282] {strides = array<i32>} : memref<80x128xf32, #tpu.memory_space<vmem>>, vector<1x16xf32>,
        %swap3A_284 = vector.shape_cast %swap3A_283 : vector<1x16xf32> to vector<16xf32>
        %swap3A_285 = vector.shape_cast %add3A_278 : vector<16xf32> to vector<1x16xf32>
        tpu.vector_store %arg18[%swap3A_281, %swap3A_282], %swap3A_285 {strides = array<i32>} : memref<80x128xf32, #tpu.memory_space<vmem>>, vector<1x16xf32>,
        %add3A_286 = arith.constant 0 : i32
        %add3A_287 = arith.addi %add3A_71, %add3A_286 : i32
        %get3A_288 = arith.index_cast %add3A_287 : i32 to index
        %get3A_289 = arith.constant 0 : index
        %get3A_290 = tpu.vector_load %arg15[%get3A_288, %get3A_289] {strides = array<i32>} : memref<80x16xf32, #tpu.memory_space<vmem>>, vector<1x16xf32>,
        %get3A_291 = vector.shape_cast %get3A_290 : vector<1x16xf32> to vector<16xf32>
        %add3A_292 = arith.constant 0 : i32
        %add3A_293 = arith.addi %add3A_71, %add3A_292 : i32
        %get3A_294 = arith.index_cast %add3A_293 : i32 to index
        %get3A_295 = arith.constant 0 : index
        %get3A_296 = tpu.vector_load %arg17[%get3A_294, %get3A_295] {strides = array<i32>} : memref<80x16xf32, #tpu.memory_space<vmem>>, vector<1x16xf32>,
        %get3A_297 = vector.shape_cast %get3A_296 : vector<1x16xf32> to vector<16xf32>
        %broadcast_in_dim3A = vector.shape_cast %and3A_3 : vector<16xi32> to vector<16x1xi32>
        %gather3A = vector.shape_cast %broadcast_in_dim3A : vector<16x1xi32> to vector<16xi32>
        %gather3A_298 = tpu.dynamic_gather %get3A_297[%gather3A] in [0] : vector<16xf32>, vector<16xi32> -> vector<16xf32>
        %mul3A_299 = arith.mulf %get3A_291, %get3A_297 : vector<16xf32>
        %add3A_300 = arith.addf %mul3A_299, %gather3A_298 : vector<16xf32>
        %add3A_301 = arith.constant 0 : i32
        %add3A_302 = arith.addi %add3A_71, %add3A_301 : i32
        %swap3A_303 = arith.index_cast %add3A_302 : i32 to index
        %swap3A_304 = arith.constant 0 : index
        %swap3A_305 = tpu.vector_load %arg19[%swap3A_303, %swap3A_304] {strides = array<i32>} : memref<80x16xf32, #tpu.memory_space<vmem>>, vector<1x16xf32>,
        %swap3A_306 = vector.shape_cast %swap3A_305 : vector<1x16xf32> to vector<16xf32>
        %swap3A_307 = vector.shape_cast %add3A_300 : vector<16xf32> to vector<1x16xf32>
        tpu.vector_store %arg19[%swap3A_303, %swap3A_304], %swap3A_307 {strides = array<i32>} : memref<80x16xf32, #tpu.memory_space<vmem>>, vector<1x16xf32>,
        %add3A_308 = arith.constant 1 : i32
        %add3A_309 = arith.addi %add3A_71, %add3A_308 : i32
        %get3A_310 = arith.index_cast %add3A_309 : i32 to index
        %get3A_311 = arith.constant 0 : index
        %get3A_312 = tpu.vector_load %arg14[%get3A_310, %get3A_311] {strides = array<i32>} : memref<80x128xf32, #tpu.memory_space<vmem>>, vector<1x16xf32>,
        %get3A_313 = vector.shape_cast %get3A_312 : vector<1x16xf32> to vector<16xf32>
        %add3A_314 = arith.constant 1 : i32
        %add3A_315 = arith.addi %add3A_71, %add3A_314 : i32
        %get3A_316 = arith.index_cast %add3A_315 : i32 to index
        %get3A_317 = arith.constant 0 : index
        %get3A_318 = tpu.vector_load %arg16[%get3A_316, %get3A_317] {strides = array<i32>} : memref<80x256xf32, #tpu.memory_space<vmem>>, vector<1x16xf32>,
        %get3A_319 = vector.shape_cast %get3A_318 : vector<1x16xf32> to vector<16xf32>
        %add3A_320 = arith.constant 1 : i32
        %add3A_321 = arith.addi %add3A_71, %add3A_320 : i32
        %get3A_322 = arith.index_cast %add3A_321 : i32 to index
        %get3A_323 = arith.constant 128 : index
        %get3A_324 = tpu.vector_load %arg16[%get3A_322, %get3A_323] {strides = array<i32>} : memref<80x256xf32, #tpu.memory_space<vmem>>, vector<1x16xf32>,
        %get3A_325 = vector.shape_cast %get3A_324 : vector<1x16xf32> to vector<16xf32>
        %mul3A_326 = arith.mulf %get3A_313, %get3A_319 : vector<16xf32>
        %add3A_327 = arith.addf %mul3A_326, %get3A_325 : vector<16xf32>
        %add3A_328 = arith.constant 1 : i32
        %add3A_329 = arith.addi %add3A_71, %add3A_328 : i32
        %swap3A_330 = arith.index_cast %add3A_329 : i32 to index
        %swap3A_331 = arith.constant 0 : index
        %swap3A_332 = tpu.vector_load %arg18[%swap3A_330, %swap3A_331] {strides = array<i32>} : memref<80x128xf32, #tpu.memory_space<vmem>>, vector<1x16xf32>,
        %swap3A_333 = vector.shape_cast %swap3A_332 : vector<1x16xf32> to vector<16xf32>
        %swap3A_334 = vector.shape_cast %add3A_327 : vector<16xf32> to vector<1x16xf32>
        tpu.vector_store %arg18[%swap3A_330, %swap3A_331], %swap3A_334 {strides = array<i32>} : memref<80x128xf32, #tpu.memory_space<vmem>>, vector<1x16xf32>,
        %add3A_335 = arith.constant 1 : i32
        %add3A_336 = arith.addi %add3A_71, %add3A_335 : i32
        %get3A_337 = arith.index_cast %add3A_336 : i32 to index
        %get3A_338 = arith.constant 16 : index
        %get3A_339 = tpu.vector_load %arg14[%get3A_337, %get3A_338] {strides = array<i32>} : memref<80x128xf32, #tpu.memory_space<vmem>>, vector<1x16xf32>,
        %get3A_340 = vector.shape_cast %get3A_339 : vector<1x16xf32> to vector<16xf32>
        %add3A_341 = arith.constant 1 : i32
        %add3A_342 = arith.addi %add3A_71, %add3A_341 : i32
        %get3A_343 = arith.index_cast %add3A_342 : i32 to index
        %get3A_344 = arith.constant 16 : index
        %get3A_345 = tpu.vector_load %arg16[%get3A_343, %get3A_344] {strides = array<i32>} : memref<80x256xf32, #tpu.memory_space<vmem>>, vector<1x16xf32>,
        %get3A_346 = vector.shape_cast %get3A_345 : vector<1x16xf32> to vector<16xf32>
        %add3A_347 = arith.constant 1 : i32
        %add3A_348 = arith.addi %add3A_71, %add3A_347 : i32
        %get3A_349 = arith.index_cast %add3A_348 : i32 to index
        %get3A_350 = arith.constant 144 : index
        %get3A_351 = tpu.vector_load %arg16[%get3A_349, %get3A_350] {strides = array<i32>} : memref<80x256xf32, #tpu.memory_space<vmem>>, vector<1x16xf32>,
        %get3A_352 = vector.shape_cast %get3A_351 : vector<1x16xf32> to vector<16xf32>
        %mul3A_353 = arith.mulf %get3A_340, %get3A_346 : vector<16xf32>
        %add3A_354 = arith.addf %mul3A_353, %get3A_352 : vector<16xf32>
        %add3A_355 = arith.constant 1 : i32
        %add3A_356 = arith.addi %add3A_71, %add3A_355 : i32
        %swap3A_357 = arith.index_cast %add3A_356 : i32 to index
        %swap3A_358 = arith.constant 16 : index
        %swap3A_359 = tpu.vector_load %arg18[%swap3A_357, %swap3A_358] {strides = array<i32>} : memref<80x128xf32, #tpu.memory_space<vmem>>, vector<1x16xf32>,
        %swap3A_360 = vector.shape_cast %swap3A_359 : vector<1x16xf32> to vector<16xf32>
        %swap3A_361 = vector.shape_cast %add3A_354 : vector<16xf32> to vector<1x16xf32>
        tpu.vector_store %arg18[%swap3A_357, %swap3A_358], %swap3A_361 {strides = array<i32>} : memref<80x128xf32, #tpu.memory_space<vmem>>, vector<1x16xf32>,
        %add3A_362 = arith.constant 1 : i32
        %add3A_363 = arith.addi %add3A_71, %add3A_362 : i32
        %get3A_364 = arith.index_cast %add3A_363 : i32 to index
        %get3A_365 = arith.constant 32 : index
        %get3A_366 = tpu.vector_load %arg14[%get3A_364, %get3A_365] {strides = array<i32>} : memref<80x128xf32, #tpu.memory_space<vmem>>, vector<1x16xf32>,
        %get3A_367 = vector.shape_cast %get3A_366 : vector<1x16xf32> to vector<16xf32>
        %add3A_368 = arith.constant 1 : i32
        %add3A_369 = arith.addi %add3A_71, %add3A_368 : i32
        %get3A_370 = arith.index_cast %add3A_369 : i32 to index
        %get3A_371 = arith.constant 32 : index
        %get3A_372 = tpu.vector_load %arg16[%get3A_370, %get3A_371] {strides = array<i32>} : memref<80x256xf32, #tpu.memory_space<vmem>>, vector<1x16xf32>,
        %get3A_373 = vector.shape_cast %get3A_372 : vector<1x16xf32> to vector<16xf32>
        %add3A_374 = arith.constant 1 : i32
        %add3A_375 = arith.addi %add3A_71, %add3A_374 : i32
        %get3A_376 = arith.index_cast %add3A_375 : i32 to index
        %get3A_377 = arith.constant 160 : index
        %get3A_378 = tpu.vector_load %arg16[%get3A_376, %get3A_377] {strides = array<i32>} : memref<80x256xf32, #tpu.memory_space<vmem>>, vector<1x16xf32>,
        %get3A_379 = vector.shape_cast %get3A_378 : vector<1x16xf32> to vector<16xf32>
        %mul3A_380 = arith.mulf %get3A_367, %get3A_373 : vector<16xf32>
        %add3A_381 = arith.addf %mul3A_380, %get3A_379 : vector<16xf32>
        %add3A_382 = arith.constant 1 : i32
        %add3A_383 = arith.addi %add3A_71, %add3A_382 : i32
        %swap3A_384 = arith.index_cast %add3A_383 : i32 to index
        %swap3A_385 = arith.constant 32 : index
        %swap3A_386 = tpu.vector_load %arg18[%swap3A_384, %swap3A_385] {strides = array<i32>} : memref<80x128xf32, #tpu.memory_space<vmem>>, vector<1x16xf32>,
        %swap3A_387 = vector.shape_cast %swap3A_386 : vector<1x16xf32> to vector<16xf32>
        %swap3A_388 = vector.shape_cast %add3A_381 : vector<16xf32> to vector<1x16xf32>
        tpu.vector_store %arg18[%swap3A_384, %swap3A_385], %swap3A_388 {strides = array<i32>} : memref<80x128xf32, #tpu.memory_space<vmem>>, vector<1x16xf32>,
        %add3A_389 = arith.constant 1 : i32
        %add3A_390 = arith.addi %add3A_71, %add3A_389 : i32
        %get3A_391 = arith.index_cast %add3A_390 : i32 to index
        %get3A_392 = arith.constant 48 : index
        %get3A_393 = tpu.vector_load %arg14[%get3A_391, %get3A_392] {strides = array<i32>} : memref<80x128xf32, #tpu.memory_space<vmem>>, vector<1x16xf32>,
        %get3A_394 = vector.shape_cast %get3A_393 : vector<1x16xf32> to vector<16xf32>
        %add3A_395 = arith.constant 1 : i32
        %add3A_396 = arith.addi %add3A_71, %add3A_395 : i32
        %get3A_397 = arith.index_cast %add3A_396 : i32 to index
        %get3A_398 = arith.constant 48 : index
        %get3A_399 = tpu.vector_load %arg16[%get3A_397, %get3A_398] {strides = array<i32>} : memref<80x256xf32, #tpu.memory_space<vmem>>, vector<1x16xf32>,
        %get3A_400 = vector.shape_cast %get3A_399 : vector<1x16xf32> to vector<16xf32>
        %add3A_401 = arith.constant 1 : i32
        %add3A_402 = arith.addi %add3A_71, %add3A_401 : i32
        %get3A_403 = arith.index_cast %add3A_402 : i32 to index
        %get3A_404 = arith.constant 176 : index
        %get3A_405 = tpu.vector_load %arg16[%get3A_403, %get3A_404] {strides = array<i32>} : memref<80x256xf32, #tpu.memory_space<vmem>>, vector<1x16xf32>,
        %get3A_406 = vector.shape_cast %get3A_405 : vector<1x16xf32> to vector<16xf32>
        %mul3A_407 = arith.mulf %get3A_394, %get3A_400 : vector<16xf32>
        %add3A_408 = arith.addf %mul3A_407, %get3A_406 : vector<16xf32>
        %add3A_409 = arith.constant 1 : i32
        %add3A_410 = arith.addi %add3A_71, %add3A_409 : i32
        %swap3A_411 = arith.index_cast %add3A_410 : i32 to index
        %swap3A_412 = arith.constant 48 : index
        %swap3A_413 = tpu.vector_load %arg18[%swap3A_411, %swap3A_412] {strides = array<i32>} : memref<80x128xf32, #tpu.memory_space<vmem>>, vector<1x16xf32>,
        %swap3A_414 = vector.shape_cast %swap3A_413 : vector<1x16xf32> to vector<16xf32>
        %swap3A_415 = vector.shape_cast %add3A_408 : vector<16xf32> to vector<1x16xf32>
        tpu.vector_store %arg18[%swap3A_411, %swap3A_412], %swap3A_415 {strides = array<i32>} : memref<80x128xf32, #tpu.memory_space<vmem>>, vector<1x16xf32>,
        %add3A_416 = arith.constant 1 : i32
        %add3A_417 = arith.addi %add3A_71, %add3A_416 : i32
        %get3A_418 = arith.index_cast %add3A_417 : i32 to index
        %get3A_419 = arith.constant 64 : index
        %get3A_420 = tpu.vector_load %arg14[%get3A_418, %get3A_419] {strides = array<i32>} : memref<80x128xf32, #tpu.memory_space<vmem>>, vector<1x16xf32>,
        %get3A_421 = vector.shape_cast %get3A_420 : vector<1x16xf32> to vector<16xf32>
        %add3A_422 = arith.constant 1 : i32
        %add3A_423 = arith.addi %add3A_71, %add3A_422 : i32
        %get3A_424 = arith.index_cast %add3A_423 : i32 to index
        %get3A_425 = arith.constant 64 : index
        %get3A_426 = tpu.vector_load %arg16[%get3A_424, %get3A_425] {strides = array<i32>} : memref<80x256xf32, #tpu.memory_space<vmem>>, vector<1x16xf32>,
        %get3A_427 = vector.shape_cast %get3A_426 : vector<1x16xf32> to vector<16xf32>
        %add3A_428 = arith.constant 1 : i32
        %add3A_429 = arith.addi %add3A_71, %add3A_428 : i32
        %get3A_430 = arith.index_cast %add3A_429 : i32 to index
        %get3A_431 = arith.constant 192 : index
        %get3A_432 = tpu.vector_load %arg16[%get3A_430, %get3A_431] {strides = array<i32>} : memref<80x256xf32, #tpu.memory_space<vmem>>, vector<1x16xf32>,
        %get3A_433 = vector.shape_cast %get3A_432 : vector<1x16xf32> to vector<16xf32>
        %mul3A_434 = arith.mulf %get3A_421, %get3A_427 : vector<16xf32>
        %add3A_435 = arith.addf %mul3A_434, %get3A_433 : vector<16xf32>
        %add3A_436 = arith.constant 1 : i32
        %add3A_437 = arith.addi %add3A_71, %add3A_436 : i32
        %swap3A_438 = arith.index_cast %add3A_437 : i32 to index
        %swap3A_439 = arith.constant 64 : index
        %swap3A_440 = tpu.vector_load %arg18[%swap3A_438, %swap3A_439] {strides = array<i32>} : memref<80x128xf32, #tpu.memory_space<vmem>>, vector<1x16xf32>,
        %swap3A_441 = vector.shape_cast %swap3A_440 : vector<1x16xf32> to vector<16xf32>
        %swap3A_442 = vector.shape_cast %add3A_435 : vector<16xf32> to vector<1x16xf32>
        tpu.vector_store %arg18[%swap3A_438, %swap3A_439], %swap3A_442 {strides = array<i32>} : memref<80x128xf32, #tpu.memory_space<vmem>>, vector<1x16xf32>,
        %add3A_443 = arith.constant 1 : i32
        %add3A_444 = arith.addi %add3A_71, %add3A_443 : i32
        %get3A_445 = arith.index_cast %add3A_444 : i32 to index
        %get3A_446 = arith.constant 80 : index
        %get3A_447 = tpu.vector_load %arg14[%get3A_445, %get3A_446] {strides = array<i32>} : memref<80x128xf32, #tpu.memory_space<vmem>>, vector<1x16xf32>,
        %get3A_448 = vector.shape_cast %get3A_447 : vector<1x16xf32> to vector<16xf32>
        %add3A_449 = arith.constant 1 : i32
        %add3A_450 = arith.addi %add3A_71, %add3A_449 : i32
        %get3A_451 = arith.index_cast %add3A_450 : i32 to index
        %get3A_452 = arith.constant 80 : index
        %get3A_453 = tpu.vector_load %arg16[%get3A_451, %get3A_452] {strides = array<i32>} : memref<80x256xf32, #tpu.memory_space<vmem>>, vector<1x16xf32>,
        %get3A_454 = vector.shape_cast %get3A_453 : vector<1x16xf32> to vector<16xf32>
        %add3A_455 = arith.constant 1 : i32
        %add3A_456 = arith.addi %add3A_71, %add3A_455 : i32
        %get3A_457 = arith.index_cast %add3A_456 : i32 to index
        %get3A_458 = arith.constant 208 : index
        %get3A_459 = tpu.vector_load %arg16[%get3A_457, %get3A_458] {strides = array<i32>} : memref<80x256xf32, #tpu.memory_space<vmem>>, vector<1x16xf32>,
        %get3A_460 = vector.shape_cast %get3A_459 : vector<1x16xf32> to vector<16xf32>
        %mul3A_461 = arith.mulf %get3A_448, %get3A_454 : vector<16xf32>
        %add3A_462 = arith.addf %mul3A_461, %get3A_460 : vector<16xf32>
        %add3A_463 = arith.constant 1 : i32
        %add3A_464 = arith.addi %add3A_71, %add3A_463 : i32
        %swap3A_465 = arith.index_cast %add3A_464 : i32 to index
        %swap3A_466 = arith.constant 80 : index
        %swap3A_467 = tpu.vector_load %arg18[%swap3A_465, %swap3A_466] {strides = array<i32>} : memref<80x128xf32, #tpu.memory_space<vmem>>, vector<1x16xf32>,
        %swap3A_468 = vector.shape_cast %swap3A_467 : vector<1x16xf32> to vector<16xf32>
        %swap3A_469 = vector.shape_cast %add3A_462 : vector<16xf32> to vector<1x16xf32>
        tpu.vector_store %arg18[%swap3A_465, %swap3A_466], %swap3A_469 {strides = array<i32>} : memref<80x128xf32, #tpu.memory_space<vmem>>, vector<1x16xf32>,
        %add3A_470 = arith.constant 1 : i32
        %add3A_471 = arith.addi %add3A_71, %add3A_470 : i32
        %get3A_472 = arith.index_cast %add3A_471 : i32 to index
        %get3A_473 = arith.constant 96 : index
        %get3A_474 = tpu.vector_load %arg14[%get3A_472, %get3A_473] {strides = array<i32>} : memref<80x128xf32, #tpu.memory_space<vmem>>, vector<1x16xf32>,
        %get3A_475 = vector.shape_cast %get3A_474 : vector<1x16xf32> to vector<16xf32>
        %add3A_476 = arith.constant 1 : i32
        %add3A_477 = arith.addi %add3A_71, %add3A_476 : i32
        %get3A_478 = arith.index_cast %add3A_477 : i32 to index
        %get3A_479 = arith.constant 96 : index
        %get3A_480 = tpu.vector_load %arg16[%get3A_478, %get3A_479] {strides = array<i32>} : memref<80x256xf32, #tpu.memory_space<vmem>>, vector<1x16xf32>,
        %get3A_481 = vector.shape_cast %get3A_480 : vector<1x16xf32> to vector<16xf32>
        %add3A_482 = arith.constant 1 : i32
        %add3A_483 = arith.addi %add3A_71, %add3A_482 : i32
        %get3A_484 = arith.index_cast %add3A_483 : i32 to index
        %get3A_485 = arith.constant 224 : index
        %get3A_486 = tpu.vector_load %arg16[%get3A_484, %get3A_485] {strides = array<i32>} : memref<80x256xf32, #tpu.memory_space<vmem>>, vector<1x16xf32>,
        %get3A_487 = vector.shape_cast %get3A_486 : vector<1x16xf32> to vector<16xf32>
        %mul3A_488 = arith.mulf %get3A_475, %get3A_481 : vector<16xf32>
        %add3A_489 = arith.addf %mul3A_488, %get3A_487 : vector<16xf32>
        %add3A_490 = arith.constant 1 : i32
        %add3A_491 = arith.addi %add3A_71, %add3A_490 : i32
        %swap3A_492 = arith.index_cast %add3A_491 : i32 to index
        %swap3A_493 = arith.constant 96 : index
        %swap3A_494 = tpu.vector_load %arg18[%swap3A_492, %swap3A_493] {strides = array<i32>} : memref<80x128xf32, #tpu.memory_space<vmem>>, vector<1x16xf32>,
        %swap3A_495 = vector.shape_cast %swap3A_494 : vector<1x16xf32> to vector<16xf32>
        %swap3A_496 = vector.shape_cast %add3A_489 : vector<16xf32> to vector<1x16xf32>
        tpu.vector_store %arg18[%swap3A_492, %swap3A_493], %swap3A_496 {strides = array<i32>} : memref<80x128xf32, #tpu.memory_space<vmem>>, vector<1x16xf32>,
        %add3A_497 = arith.constant 1 : i32
        %add3A_498 = arith.addi %add3A_71, %add3A_497 : i32
        %get3A_499 = arith.index_cast %add3A_498 : i32 to index
        %get3A_500 = arith.constant 112 : index
        %get3A_501 = tpu.vector_load %arg14[%get3A_499, %get3A_500] {strides = array<i32>} : memref<80x128xf32, #tpu.memory_space<vmem>>, vector<1x16xf32>,
        %get3A_502 = vector.shape_cast %get3A_501 : vector<1x16xf32> to vector<16xf32>
        %add3A_503 = arith.constant 1 : i32
        %add3A_504 = arith.addi %add3A_71, %add3A_503 : i32
        %get3A_505 = arith.index_cast %add3A_504 : i32 to index
        %get3A_506 = arith.constant 112 : index
        %get3A_507 = tpu.vector_load %arg16[%get3A_505, %get3A_506] {strides = array<i32>} : memref<80x256xf32, #tpu.memory_space<vmem>>, vector<1x16xf32>,
        %get3A_508 = vector.shape_cast %get3A_507 : vector<1x16xf32> to vector<16xf32>
        %add3A_509 = arith.constant 1 : i32
        %add3A_510 = arith.addi %add3A_71, %add3A_509 : i32
        %get3A_511 = arith.index_cast %add3A_510 : i32 to index
        %get3A_512 = arith.constant 240 : index
        %get3A_513 = tpu.vector_load %arg16[%get3A_511, %get3A_512] {strides = array<i32>} : memref<80x256xf32, #tpu.memory_space<vmem>>, vector<1x16xf32>,
        %get3A_514 = vector.shape_cast %get3A_513 : vector<1x16xf32> to vector<16xf32>
        %mul3A_515 = arith.mulf %get3A_502, %get3A_508 : vector<16xf32>
        %add3A_516 = arith.addf %mul3A_515, %get3A_514 : vector<16xf32>
        %add3A_517 = arith.constant 1 : i32
        %add3A_518 = arith.addi %add3A_71, %add3A_517 : i32
        %swap3A_519 = arith.index_cast %add3A_518 : i32 to index
        %swap3A_520 = arith.constant 112 : index
        %swap3A_521 = tpu.vector_load %arg18[%swap3A_519, %swap3A_520] {strides = array<i32>} : memref<80x128xf32, #tpu.memory_space<vmem>>, vector<1x16xf32>,
        %swap3A_522 = vector.shape_cast %swap3A_521 : vector<1x16xf32> to vector<16xf32>
        %swap3A_523 = vector.shape_cast %add3A_516 : vector<16xf32> to vector<1x16xf32>
        tpu.vector_store %arg18[%swap3A_519, %swap3A_520], %swap3A_523 {strides = array<i32>} : memref<80x128xf32, #tpu.memory_space<vmem>>, vector<1x16xf32>,
        %add3A_524 = arith.constant 1 : i32
        %add3A_525 = arith.addi %add3A_71, %add3A_524 : i32
        %get3A_526 = arith.index_cast %add3A_525 : i32 to index
        %get3A_527 = arith.constant 0 : index
        %get3A_528 = tpu.vector_load %arg15[%get3A_526, %get3A_527] {strides = array<i32>} : memref<80x16xf32, #tpu.memory_space<vmem>>, vector<1x16xf32>,
        %get3A_529 = vector.shape_cast %get3A_528 : vector<1x16xf32> to vector<16xf32>
        %add3A_530 = arith.constant 1 : i32
        %add3A_531 = arith.addi %add3A_71, %add3A_530 : i32
        %get3A_532 = arith.index_cast %add3A_531 : i32 to index
        %get3A_533 = arith.constant 0 : index
        %get3A_534 = tpu.vector_load %arg17[%get3A_532, %get3A_533] {strides = array<i32>} : memref<80x16xf32, #tpu.memory_space<vmem>>, vector<1x16xf32>,
        %get3A_535 = vector.shape_cast %get3A_534 : vector<1x16xf32> to vector<16xf32>
        %broadcast_in_dim3A_536 = vector.shape_cast %and3A_3 : vector<16xi32> to vector<16x1xi32>
        %gather3A_537 = vector.shape_cast %broadcast_in_dim3A_536 : vector<16x1xi32> to vector<16xi32>
        %gather3A_538 = tpu.dynamic_gather %get3A_535[%gather3A_537] in [0] : vector<16xf32>, vector<16xi32> -> vector<16xf32>
        %mul3A_539 = arith.mulf %get3A_529, %get3A_535 : vector<16xf32>
        %add3A_540 = arith.addf %mul3A_539, %gather3A_538 : vector<16xf32>
        %add3A_541 = arith.constant 1 : i32
        %add3A_542 = arith.addi %add3A_71, %add3A_541 : i32
        %swap3A_543 = arith.index_cast %add3A_542 : i32 to index
        %swap3A_544 = arith.constant 0 : index
        %swap3A_545 = tpu.vector_load %arg19[%swap3A_543, %swap3A_544] {strides = array<i32>} : memref<80x16xf32, #tpu.memory_space<vmem>>, vector<1x16xf32>,
        %swap3A_546 = vector.shape_cast %swap3A_545 : vector<1x16xf32> to vector<16xf32>
        %swap3A_547 = vector.shape_cast %add3A_540 : vector<16xf32> to vector<1x16xf32>
        tpu.vector_store %arg19[%swap3A_543, %swap3A_544], %swap3A_547 {strides = array<i32>} : memref<80x16xf32, #tpu.memory_space<vmem>>, vector<1x16xf32>,
      }
      %scan3A_66 = arith.constant 40 : i32
      "tpu.region"() ({
        %run_scoped3A = tpu.sem_alloc : memref<!tpu.dma_semaphore, #tpu.memory_space<semaphore_mem>>
        %dma_start3A_67 = arith.constant 0 : i32
        %dma_start3A_68 = tpu.memref_slice %arg10[%mul3A_52, %dma_start3A_67] : memref<100000x128xf32, #tpu.memory_space<hbm>> -> memref<80x128xf32, #tpu.memory_space<hbm>>
        %dma_start3A_69 = arith.constant 0 : i32
        %dma_start3A_70 = tpu.memref_slice %arg10[%mul3A_52, %dma_start3A_69] : memref<100000x128xf32, #tpu.memory_space<hbm>> -> memref<80x128xf32, #tpu.memory_space<hbm>>
        tpu.enqueue_dma source(%arg18 : memref<80x128xf32, #tpu.memory_space<vmem>>) target(%dma_start3A_70 : memref<80x128xf32, #tpu.memory_space<hbm>>) target_semaphore(%run_scoped3A : memref<!tpu.dma_semaphore, #tpu.memory_space<semaphore_mem>>)
        %dma_wait3A_71 = arith.constant 0 : i32
        %dma_wait3A_72 = tpu.memref_slice %arg10[%mul3A_52, %dma_wait3A_71] : memref<100000x128xf32, #tpu.memory_space<hbm>> -> memref<80x128xf32, #tpu.memory_space<hbm>>
        %dma_wait3A_73 = arith.constant 0 : i32
        %dma_wait3A_74 = tpu.memref_slice %arg10[%mul3A_52, %dma_wait3A_73] : memref<100000x128xf32, #tpu.memory_space<hbm>> -> memref<80x128xf32, #tpu.memory_space<hbm>>
        tpu.wait_dma2 semaphore(%run_scoped3A : memref<!tpu.dma_semaphore, #tpu.memory_space<semaphore_mem>>) src(%arg18 : memref<80x128xf32, #tpu.memory_space<vmem>>) dst(%dma_wait3A_74 : memref<80x128xf32, #tpu.memory_space<hbm>>)
        tpu.yield
      }) : () -> ()
      "tpu.region"() ({
        %run_scoped3A = tpu.sem_alloc : memref<!tpu.dma_semaphore, #tpu.memory_space<semaphore_mem>>
        %dma_start3A_67 = arith.constant 0 : i32
        %dma_start3A_68 = tpu.memref_slice %arg11[%mul3A_52, %dma_start3A_67] : memref<100000x16xf32, #tpu.memory_space<hbm>> -> memref<80x16xf32, #tpu.memory_space<hbm>>
        %dma_start3A_69 = arith.constant 0 : i32
        %dma_start3A_70 = tpu.memref_slice %arg11[%mul3A_52, %dma_start3A_69] : memref<100000x16xf32, #tpu.memory_space<hbm>> -> memref<80x16xf32, #tpu.memory_space<hbm>>
        tpu.enqueue_dma source(%arg19 : memref<80x16xf32, #tpu.memory_space<vmem>>) target(%dma_start3A_70 : memref<80x16xf32, #tpu.memory_space<hbm>>) target_semaphore(%run_scoped3A : memref<!tpu.dma_semaphore, #tpu.memory_space<semaphore_mem>>)
        %dma_wait3A_71 = arith.constant 0 : i32
        %dma_wait3A_72 = tpu.memref_slice %arg11[%mul3A_52, %dma_wait3A_71] : memref<100000x16xf32, #tpu.memory_space<hbm>> -> memref<80x16xf32, #tpu.memory_space<hbm>>
        %dma_wait3A_73 = arith.constant 0 : i32
        %dma_wait3A_74 = tpu.memref_slice %arg11[%mul3A_52, %dma_wait3A_73] : memref<100000x16xf32, #tpu.memory_space<hbm>> -> memref<80x16xf32, #tpu.memory_space<hbm>>
        tpu.wait_dma2 semaphore(%run_scoped3A : memref<!tpu.dma_semaphore, #tpu.memory_space<semaphore_mem>>) src(%arg19 : memref<80x16xf32, #tpu.memory_space<vmem>>) dst(%dma_wait3A_74 : memref<80x16xf32, #tpu.memory_space<hbm>>)
        tpu.yield
      }) : () -> ()
    }
    %mul3A_24 = arith.constant 800 : i32
    %mul3A_25 = arith.muli %arg0, %mul3A_24 : i32
    %add3A_26 = arith.addi %mul3A_25, %arg1 : i32
    %add3A_27 = arith.constant 1 : i32
    %add3A_28 = arith.addi %arg0, %add3A_27 : i32
    %mul3A_29 = arith.constant 800 : i32
    %mul3A_30 = arith.muli %add3A_28, %mul3A_29 : i32
    %sub3A_31 = arith.subi %mul3A_30, %add3A_26 : i32
    %sub3A_32 = arith.constant 16 : i32
    %sub3A_33 = arith.constant 1 : i32
    %sub3A_34 = arith.subi %sub3A_32, %sub3A_33 : i32
    %add3A_35 = arith.addi %sub3A_31, %sub3A_34 : i32
    %div3A_36 = arith.constant 16 : i32
    %div3A_37 = arith.divsi %add3A_35, %div3A_36 : i32
    %while3A_38 = arith.constant 16 : i32
    %while3A_39 = arith.constant 0 : i32
    %while3A_40 = arith.subi %div3A_37, %while3A_39 : i32
    %while3A_41 = arith.addi %while3A_39, %while3A_40 : i32
    %while3A_42 = arith.constant 1 : i32
    %while3A_43 = arith.divsi %while3A_40, %while3A_42 : i32
    %while3A_44 = arith.muli %while3A_43, %while3A_42 : i32
    %while3A_45 = arith.addi %while3A_39, %while3A_44 : i32
    %while3A_46 = arith.constant 1 : i32
    scf.for %while3A_48 = %while3A_39 to %while3A_45 step %while3A_46  : i32 {
      %mul3A_49 = arith.muli %while3A_48, %while3A_38 : i32
      %add3A_50 = arith.addi %add3A_26, %mul3A_49 : i32
      %mul3A_51 = arith.constant 1000 : i32
      %mul3A_52 = arith.muli %add3A_50, %mul3A_51 : i32
      "tpu.region"() ({
        %run_scoped3A = tpu.sem_alloc : memref<!tpu.dma_semaphore, #tpu.memory_space<semaphore_mem>>
        %dma_start3A_65 = tpu.memref_slice %arg5[%mul3A_52] : memref<1600000xi32, #tpu.memory_space<hbm>> -> memref<1000xi32, #tpu.memory_space<hbm>>
        %dma_start3A_66 = tpu.memref_slice %arg5[%mul3A_52] : memref<1600000xi32, #tpu.memory_space<hbm>> -> memref<1000xi32, #tpu.memory_space<hbm>>
        tpu.enqueue_dma source(%dma_start3A_66 : memref<1000xi32, #tpu.memory_space<hbm>>) target(%arg20 : memref<1000xi32, #tpu.memory_space<vmem>>) target_semaphore(%run_scoped3A : memref<!tpu.dma_semaphore, #tpu.memory_space<semaphore_mem>>)
        %dma_wait3A_67 = tpu.memref_slice %arg5[%mul3A_52] : memref<1600000xi32, #tpu.memory_space<hbm>> -> memref<1000xi32, #tpu.memory_space<hbm>>
        %dma_wait3A_68 = tpu.memref_slice %arg5[%mul3A_52] : memref<1600000xi32, #tpu.memory_space<hbm>> -> memref<1000xi32, #tpu.memory_space<hbm>>
        tpu.wait_dma2 semaphore(%run_scoped3A : memref<!tpu.dma_semaphore, #tpu.memory_space<semaphore_mem>>) src(%dma_wait3A_68 : memref<1000xi32, #tpu.memory_space<hbm>>) dst(%arg20 : memref<1000xi32, #tpu.memory_space<vmem>>)
        tpu.yield
      }) : () -> ()
      %dma_start3A = arith.constant 0 : i32
      %dma_start3A_53 = tpu.memref_slice %arg4[%dma_start3A] : memref<100000xi32, #tpu.memory_space<hbm>> -> memref<100000xi32, #tpu.memory_space<hbm>>
      tpu.enqueue_indirect_dma source(%dma_start3A_53 : memref<100000xi32, #tpu.memory_space<hbm>>) target(%arg21 : memref<1000xi32, #tpu.memory_space<vmem>>) offsets(%arg20 : memref<1000xi32, #tpu.memory_space<vmem>>) semaphore(%arg25 : memref<!tpu.dma_semaphore, #tpu.memory_space<semaphore_mem>>)
      %dma_wait3A = arith.constant 0 : i32
      %dma_wait3A_54 = tpu.memref_slice %arg4[%dma_wait3A] : memref<100000xi32, #tpu.memory_space<hbm>> -> memref<100000xi32, #tpu.memory_space<hbm>>
      tpu.wait_indirect_dma semaphore(%arg25 : memref<!tpu.dma_semaphore, #tpu.memory_space<semaphore_mem>>) src(%dma_wait3A_54 : memref<100000xi32, #tpu.memory_space<hbm>>) dst(%arg21 : memref<1000xi32, #tpu.memory_space<vmem>>)
      %dma_start3A_55 = arith.constant 0 : i32
      %dma_start3A_56 = arith.constant 0 : i32
      %dma_start3A_57 = tpu.memref_slice %arg9[%dma_start3A_55, %dma_start3A_56] : memref<5120x32xf32, #tpu.memory_space<hbm>> -> memref<5120x32xf32, #tpu.memory_space<hbm>>
      tpu.enqueue_indirect_dma source(%dma_start3A_57 : memref<5120x32xf32, #tpu.memory_space<hbm>>) target(%arg23 : memref<1000x32xf32, #tpu.memory_space<vmem>>) offsets(%arg21 : memref<1000xi32, #tpu.memory_space<vmem>>) semaphore(%arg25 : memref<!tpu.dma_semaphore, #tpu.memory_space<semaphore_mem>>)
      "tpu.region"() ({
        %run_scoped3A = tpu.sem_alloc : memref<!tpu.dma_semaphore, #tpu.memory_space<semaphore_mem>>
        %dma_start3A_65 = arith.constant 0 : i32
        %dma_start3A_66 = tpu.memref_slice %arg6[%mul3A_52, %dma_start3A_65] : memref<1600000x16xf32, #tpu.memory_space<hbm>> -> memref<1000x16xf32, #tpu.memory_space<hbm>>
        %dma_start3A_67 = arith.constant 0 : i32
        %dma_start3A_68 = tpu.memref_slice %arg6[%mul3A_52, %dma_start3A_67] : memref<1600000x16xf32, #tpu.memory_space<hbm>> -> memref<1000x16xf32, #tpu.memory_space<hbm>>
        tpu.enqueue_dma source(%dma_start3A_68 : memref<1000x16xf32, #tpu.memory_space<hbm>>) target(%arg22 : memref<1000x16xf32, #tpu.memory_space<vmem>>) target_semaphore(%run_scoped3A : memref<!tpu.dma_semaphore, #tpu.memory_space<semaphore_mem>>)
        %dma_wait3A_69 = arith.constant 0 : i32
        %dma_wait3A_70 = tpu.memref_slice %arg6[%mul3A_52, %dma_wait3A_69] : memref<1600000x16xf32, #tpu.memory_space<hbm>> -> memref<1000x16xf32, #tpu.memory_space<hbm>>
        %dma_wait3A_71 = arith.constant 0 : i32
        %dma_wait3A_72 = tpu.memref_slice %arg6[%mul3A_52, %dma_wait3A_71] : memref<1600000x16xf32, #tpu.memory_space<hbm>> -> memref<1000x16xf32, #tpu.memory_space<hbm>>
        tpu.wait_dma2 semaphore(%run_scoped3A : memref<!tpu.dma_semaphore, #tpu.memory_space<semaphore_mem>>) src(%dma_wait3A_72 : memref<1000x16xf32, #tpu.memory_space<hbm>>) dst(%arg22 : memref<1000x16xf32, #tpu.memory_space<vmem>>)
        tpu.yield
      }) : () -> ()
      %dma_wait3A_58 = arith.constant 0 : i32
      %dma_wait3A_59 = arith.constant 0 : i32
      %dma_wait3A_60 = tpu.memref_slice %arg9[%dma_wait3A_58, %dma_wait3A_59] : memref<5120x32xf32, #tpu.memory_space<hbm>> -> memref<5120x32xf32, #tpu.memory_space<hbm>>
      tpu.wait_indirect_dma semaphore(%arg25 : memref<!tpu.dma_semaphore, #tpu.memory_space<semaphore_mem>>) src(%dma_wait3A_60 : memref<5120x32xf32, #tpu.memory_space<hbm>>) dst(%arg23 : memref<1000x32xf32, #tpu.memory_space<vmem>>)
      %scan3A = arith.constant 0 : i32
      %scan3A_61 = arith.constant 125 : i32
      %scan3A_62 = arith.addi %scan3A, %scan3A_61 : i32
      %scan3A_63 = arith.constant 1 : i32
      scf.for %scan3A_65 = %scan3A to %scan3A_62 step %scan3A_63  : i32 {
        %mul3A_66 = arith.constant 8 : i32
        %mul3A_67 = arith.muli %scan3A_65, %mul3A_66 : i32
        %add3A_68 = arith.constant 0 : i32
        %add3A_69 = arith.addi %add3A_68, %mul3A_67 : i32
        %add3A_70 = arith.constant 0 : i32
        %add3A_71 = arith.addi %add3A_69, %add3A_70 : i32
        %get3A = arith.index_cast %add3A_71 : i32 to index
        %get3A_72 = arith.constant 0 : index
        %get3A_73 = tpu.vector_load %arg22[%get3A, %get3A_72] {strides = array<i32>} : memref<1000x16xf32, #tpu.memory_space<vmem>>, vector<1x16xf32>,
        %get3A_74 = vector.shape_cast %get3A_73 : vector<1x16xf32> to vector<16xf32>
        %add3A_75 = arith.constant 0 : i32
        %add3A_76 = arith.addi %add3A_69, %add3A_75 : i32
        %get3A_77 = arith.index_cast %add3A_76 : i32 to index
        %get3A_78 = arith.constant 0 : index
        %get3A_79 = tpu.vector_load %arg23[%get3A_77, %get3A_78] {strides = array<i32>} : memref<1000x32xf32, #tpu.memory_space<vmem>>, vector<1x16xf32>,
        %get3A_80 = vector.shape_cast %get3A_79 : vector<1x16xf32> to vector<16xf32>
        %add3A_81 = arith.constant 0 : i32
        %add3A_82 = arith.addi %add3A_69, %add3A_81 : i32
        %get3A_83 = arith.index_cast %add3A_82 : i32 to index
        %get3A_84 = arith.constant 16 : index
        %get3A_85 = tpu.vector_load %arg23[%get3A_83, %get3A_84] {strides = array<i32>} : memref<1000x32xf32, #tpu.memory_space<vmem>>, vector<1x16xf32>,
        %get3A_86 = vector.shape_cast %get3A_85 : vector<1x16xf32> to vector<16xf32>
        %mul3A_87 = arith.mulf %get3A_74, %get3A_80 : vector<16xf32>
        %add3A_88 = arith.addf %mul3A_87, %get3A_86 : vector<16xf32>
        %add3A_89 = arith.constant 0 : i32
        %add3A_90 = arith.addi %add3A_69, %add3A_89 : i32
        %swap3A = arith.index_cast %add3A_90 : i32 to index
        %swap3A_91 = arith.constant 0 : index
        %swap3A_92 = tpu.vector_load %arg24[%swap3A, %swap3A_91] {strides = array<i32>} : memref<1000x16xf32, #tpu.memory_space<vmem>>, vector<1x16xf32>,
        %swap3A_93 = vector.shape_cast %swap3A_92 : vector<1x16xf32> to vector<16xf32>
        %swap3A_94 = vector.shape_cast %add3A_88 : vector<16xf32> to vector<1x16xf32>
        tpu.vector_store %arg24[%swap3A, %swap3A_91], %swap3A_94 {strides = array<i32>} : memref<1000x16xf32, #tpu.memory_space<vmem>>, vector<1x16xf32>,
        %add3A_95 = arith.constant 1 : i32
        %add3A_96 = arith.addi %add3A_69, %add3A_95 : i32
        %get3A_97 = arith.index_cast %add3A_96 : i32 to index
        %get3A_98 = arith.constant 0 : index
        %get3A_99 = tpu.vector_load %arg22[%get3A_97, %get3A_98] {strides = array<i32>} : memref<1000x16xf32, #tpu.memory_space<vmem>>, vector<1x16xf32>,
        %get3A_100 = vector.shape_cast %get3A_99 : vector<1x16xf32> to vector<16xf32>
        %add3A_101 = arith.constant 1 : i32
        %add3A_102 = arith.addi %add3A_69, %add3A_101 : i32
        %get3A_103 = arith.index_cast %add3A_102 : i32 to index
        %get3A_104 = arith.constant 0 : index
        %get3A_105 = tpu.vector_load %arg23[%get3A_103, %get3A_104] {strides = array<i32>} : memref<1000x32xf32, #tpu.memory_space<vmem>>, vector<1x16xf32>,
        %get3A_106 = vector.shape_cast %get3A_105 : vector<1x16xf32> to vector<16xf32>
        %add3A_107 = arith.constant 1 : i32
        %add3A_108 = arith.addi %add3A_69, %add3A_107 : i32
        %get3A_109 = arith.index_cast %add3A_108 : i32 to index
        %get3A_110 = arith.constant 16 : index
        %get3A_111 = tpu.vector_load %arg23[%get3A_109, %get3A_110] {strides = array<i32>} : memref<1000x32xf32, #tpu.memory_space<vmem>>, vector<1x16xf32>,
        %get3A_112 = vector.shape_cast %get3A_111 : vector<1x16xf32> to vector<16xf32>
        %mul3A_113 = arith.mulf %get3A_100, %get3A_106 : vector<16xf32>
        %add3A_114 = arith.addf %mul3A_113, %get3A_112 : vector<16xf32>
        %add3A_115 = arith.constant 1 : i32
        %add3A_116 = arith.addi %add3A_69, %add3A_115 : i32
        %swap3A_117 = arith.index_cast %add3A_116 : i32 to index
        %swap3A_118 = arith.constant 0 : index
        %swap3A_119 = tpu.vector_load %arg24[%swap3A_117, %swap3A_118] {strides = array<i32>} : memref<1000x16xf32, #tpu.memory_space<vmem>>, vector<1x16xf32>,
        %swap3A_120 = vector.shape_cast %swap3A_119 : vector<1x16xf32> to vector<16xf32>
        %swap3A_121 = vector.shape_cast %add3A_114 : vector<16xf32> to vector<1x16xf32>
        tpu.vector_store %arg24[%swap3A_117, %swap3A_118], %swap3A_121 {strides = array<i32>} : memref<1000x16xf32, #tpu.memory_space<vmem>>, vector<1x16xf32>,
        %add3A_122 = arith.constant 2 : i32
        %add3A_123 = arith.addi %add3A_69, %add3A_122 : i32
        %get3A_124 = arith.index_cast %add3A_123 : i32 to index
        %get3A_125 = arith.constant 0 : index
        %get3A_126 = tpu.vector_load %arg22[%get3A_124, %get3A_125] {strides = array<i32>} : memref<1000x16xf32, #tpu.memory_space<vmem>>, vector<1x16xf32>,
        %get3A_127 = vector.shape_cast %get3A_126 : vector<1x16xf32> to vector<16xf32>
        %add3A_128 = arith.constant 2 : i32
        %add3A_129 = arith.addi %add3A_69, %add3A_128 : i32
        %get3A_130 = arith.index_cast %add3A_129 : i32 to index
        %get3A_131 = arith.constant 0 : index
        %get3A_132 = tpu.vector_load %arg23[%get3A_130, %get3A_131] {strides = array<i32>} : memref<1000x32xf32, #tpu.memory_space<vmem>>, vector<1x16xf32>,
        %get3A_133 = vector.shape_cast %get3A_132 : vector<1x16xf32> to vector<16xf32>
        %add3A_134 = arith.constant 2 : i32
        %add3A_135 = arith.addi %add3A_69, %add3A_134 : i32
        %get3A_136 = arith.index_cast %add3A_135 : i32 to index
        %get3A_137 = arith.constant 16 : index
        %get3A_138 = tpu.vector_load %arg23[%get3A_136, %get3A_137] {strides = array<i32>} : memref<1000x32xf32, #tpu.memory_space<vmem>>, vector<1x16xf32>,
        %get3A_139 = vector.shape_cast %get3A_138 : vector<1x16xf32> to vector<16xf32>
        %mul3A_140 = arith.mulf %get3A_127, %get3A_133 : vector<16xf32>
        %add3A_141 = arith.addf %mul3A_140, %get3A_139 : vector<16xf32>
        %add3A_142 = arith.constant 2 : i32
        %add3A_143 = arith.addi %add3A_69, %add3A_142 : i32
        %swap3A_144 = arith.index_cast %add3A_143 : i32 to index
        %swap3A_145 = arith.constant 0 : index
        %swap3A_146 = tpu.vector_load %arg24[%swap3A_144, %swap3A_145] {strides = array<i32>} : memref<1000x16xf32, #tpu.memory_space<vmem>>, vector<1x16xf32>,
        %swap3A_147 = vector.shape_cast %swap3A_146 : vector<1x16xf32> to vector<16xf32>
        %swap3A_148 = vector.shape_cast %add3A_141 : vector<16xf32> to vector<1x16xf32>
        tpu.vector_store %arg24[%swap3A_144, %swap3A_145], %swap3A_148 {strides = array<i32>} : memref<1000x16xf32, #tpu.memory_space<vmem>>, vector<1x16xf32>,
        %add3A_149 = arith.constant 3 : i32
        %add3A_150 = arith.addi %add3A_69, %add3A_149 : i32
        %get3A_151 = arith.index_cast %add3A_150 : i32 to index
        %get3A_152 = arith.constant 0 : index
        %get3A_153 = tpu.vector_load %arg22[%get3A_151, %get3A_152] {strides = array<i32>} : memref<1000x16xf32, #tpu.memory_space<vmem>>, vector<1x16xf32>,
        %get3A_154 = vector.shape_cast %get3A_153 : vector<1x16xf32> to vector<16xf32>
        %add3A_155 = arith.constant 3 : i32
        %add3A_156 = arith.addi %add3A_69, %add3A_155 : i32
        %get3A_157 = arith.index_cast %add3A_156 : i32 to index
        %get3A_158 = arith.constant 0 : index
        %get3A_159 = tpu.vector_load %arg23[%get3A_157, %get3A_158] {strides = array<i32>} : memref<1000x32xf32, #tpu.memory_space<vmem>>, vector<1x16xf32>,
        %get3A_160 = vector.shape_cast %get3A_159 : vector<1x16xf32> to vector<16xf32>
        %add3A_161 = arith.constant 3 : i32
        %add3A_162 = arith.addi %add3A_69, %add3A_161 : i32
        %get3A_163 = arith.index_cast %add3A_162 : i32 to index
        %get3A_164 = arith.constant 16 : index
        %get3A_165 = tpu.vector_load %arg23[%get3A_163, %get3A_164] {strides = array<i32>} : memref<1000x32xf32, #tpu.memory_space<vmem>>, vector<1x16xf32>,
        %get3A_166 = vector.shape_cast %get3A_165 : vector<1x16xf32> to vector<16xf32>
        %mul3A_167 = arith.mulf %get3A_154, %get3A_160 : vector<16xf32>
        %add3A_168 = arith.addf %mul3A_167, %get3A_166 : vector<16xf32>
        %add3A_169 = arith.constant 3 : i32
        %add3A_170 = arith.addi %add3A_69, %add3A_169 : i32
        %swap3A_171 = arith.index_cast %add3A_170 : i32 to index
        %swap3A_172 = arith.constant 0 : index
        %swap3A_173 = tpu.vector_load %arg24[%swap3A_171, %swap3A_172] {strides = array<i32>} : memref<1000x16xf32, #tpu.memory_space<vmem>>, vector<1x16xf32>,
        %swap3A_174 = vector.shape_cast %swap3A_173 : vector<1x16xf32> to vector<16xf32>
        %swap3A_175 = vector.shape_cast %add3A_168 : vector<16xf32> to vector<1x16xf32>
        tpu.vector_store %arg24[%swap3A_171, %swap3A_172], %swap3A_175 {strides = array<i32>} : memref<1000x16xf32, #tpu.memory_space<vmem>>, vector<1x16xf32>,
        %add3A_176 = arith.constant 4 : i32
        %add3A_177 = arith.addi %add3A_69, %add3A_176 : i32
        %get3A_178 = arith.index_cast %add3A_177 : i32 to index
        %get3A_179 = arith.constant 0 : index
        %get3A_180 = tpu.vector_load %arg22[%get3A_178, %get3A_179] {strides = array<i32>} : memref<1000x16xf32, #tpu.memory_space<vmem>>, vector<1x16xf32>,
        %get3A_181 = vector.shape_cast %get3A_180 : vector<1x16xf32> to vector<16xf32>
        %add3A_182 = arith.constant 4 : i32
        %add3A_183 = arith.addi %add3A_69, %add3A_182 : i32
        %get3A_184 = arith.index_cast %add3A_183 : i32 to index
        %get3A_185 = arith.constant 0 : index
        %get3A_186 = tpu.vector_load %arg23[%get3A_184, %get3A_185] {strides = array<i32>} : memref<1000x32xf32, #tpu.memory_space<vmem>>, vector<1x16xf32>,
        %get3A_187 = vector.shape_cast %get3A_186 : vector<1x16xf32> to vector<16xf32>
        %add3A_188 = arith.constant 4 : i32
        %add3A_189 = arith.addi %add3A_69, %add3A_188 : i32
        %get3A_190 = arith.index_cast %add3A_189 : i32 to index
        %get3A_191 = arith.constant 16 : index
        %get3A_192 = tpu.vector_load %arg23[%get3A_190, %get3A_191] {strides = array<i32>} : memref<1000x32xf32, #tpu.memory_space<vmem>>, vector<1x16xf32>,
        %get3A_193 = vector.shape_cast %get3A_192 : vector<1x16xf32> to vector<16xf32>
        %mul3A_194 = arith.mulf %get3A_181, %get3A_187 : vector<16xf32>
        %add3A_195 = arith.addf %mul3A_194, %get3A_193 : vector<16xf32>
        %add3A_196 = arith.constant 4 : i32
        %add3A_197 = arith.addi %add3A_69, %add3A_196 : i32
        %swap3A_198 = arith.index_cast %add3A_197 : i32 to index
        %swap3A_199 = arith.constant 0 : index
        %swap3A_200 = tpu.vector_load %arg24[%swap3A_198, %swap3A_199] {strides = array<i32>} : memref<1000x16xf32, #tpu.memory_space<vmem>>, vector<1x16xf32>,
        %swap3A_201 = vector.shape_cast %swap3A_200 : vector<1x16xf32> to vector<16xf32>
        %swap3A_202 = vector.shape_cast %add3A_195 : vector<16xf32> to vector<1x16xf32>
        tpu.vector_store %arg24[%swap3A_198, %swap3A_199], %swap3A_202 {strides = array<i32>} : memref<1000x16xf32, #tpu.memory_space<vmem>>, vector<1x16xf32>,
        %add3A_203 = arith.constant 5 : i32
        %add3A_204 = arith.addi %add3A_69, %add3A_203 : i32
        %get3A_205 = arith.index_cast %add3A_204 : i32 to index
        %get3A_206 = arith.constant 0 : index
        %get3A_207 = tpu.vector_load %arg22[%get3A_205, %get3A_206] {strides = array<i32>} : memref<1000x16xf32, #tpu.memory_space<vmem>>, vector<1x16xf32>,
        %get3A_208 = vector.shape_cast %get3A_207 : vector<1x16xf32> to vector<16xf32>
        %add3A_209 = arith.constant 5 : i32
        %add3A_210 = arith.addi %add3A_69, %add3A_209 : i32
        %get3A_211 = arith.index_cast %add3A_210 : i32 to index
        %get3A_212 = arith.constant 0 : index
        %get3A_213 = tpu.vector_load %arg23[%get3A_211, %get3A_212] {strides = array<i32>} : memref<1000x32xf32, #tpu.memory_space<vmem>>, vector<1x16xf32>,
        %get3A_214 = vector.shape_cast %get3A_213 : vector<1x16xf32> to vector<16xf32>
        %add3A_215 = arith.constant 5 : i32
        %add3A_216 = arith.addi %add3A_69, %add3A_215 : i32
        %get3A_217 = arith.index_cast %add3A_216 : i32 to index
        %get3A_218 = arith.constant 16 : index
        %get3A_219 = tpu.vector_load %arg23[%get3A_217, %get3A_218] {strides = array<i32>} : memref<1000x32xf32, #tpu.memory_space<vmem>>, vector<1x16xf32>,
        %get3A_220 = vector.shape_cast %get3A_219 : vector<1x16xf32> to vector<16xf32>
        %mul3A_221 = arith.mulf %get3A_208, %get3A_214 : vector<16xf32>
        %add3A_222 = arith.addf %mul3A_221, %get3A_220 : vector<16xf32>
        %add3A_223 = arith.constant 5 : i32
        %add3A_224 = arith.addi %add3A_69, %add3A_223 : i32
        %swap3A_225 = arith.index_cast %add3A_224 : i32 to index
        %swap3A_226 = arith.constant 0 : index
        %swap3A_227 = tpu.vector_load %arg24[%swap3A_225, %swap3A_226] {strides = array<i32>} : memref<1000x16xf32, #tpu.memory_space<vmem>>, vector<1x16xf32>,
        %swap3A_228 = vector.shape_cast %swap3A_227 : vector<1x16xf32> to vector<16xf32>
        %swap3A_229 = vector.shape_cast %add3A_222 : vector<16xf32> to vector<1x16xf32>
        tpu.vector_store %arg24[%swap3A_225, %swap3A_226], %swap3A_229 {strides = array<i32>} : memref<1000x16xf32, #tpu.memory_space<vmem>>, vector<1x16xf32>,
        %add3A_230 = arith.constant 6 : i32
        %add3A_231 = arith.addi %add3A_69, %add3A_230 : i32
        %get3A_232 = arith.index_cast %add3A_231 : i32 to index
        %get3A_233 = arith.constant 0 : index
        %get3A_234 = tpu.vector_load %arg22[%get3A_232, %get3A_233] {strides = array<i32>} : memref<1000x16xf32, #tpu.memory_space<vmem>>, vector<1x16xf32>,
        %get3A_235 = vector.shape_cast %get3A_234 : vector<1x16xf32> to vector<16xf32>
        %add3A_236 = arith.constant 6 : i32
        %add3A_237 = arith.addi %add3A_69, %add3A_236 : i32
        %get3A_238 = arith.index_cast %add3A_237 : i32 to index
        %get3A_239 = arith.constant 0 : index
        %get3A_240 = tpu.vector_load %arg23[%get3A_238, %get3A_239] {strides = array<i32>} : memref<1000x32xf32, #tpu.memory_space<vmem>>, vector<1x16xf32>,
        %get3A_241 = vector.shape_cast %get3A_240 : vector<1x16xf32> to vector<16xf32>
        %add3A_242 = arith.constant 6 : i32
        %add3A_243 = arith.addi %add3A_69, %add3A_242 : i32
        %get3A_244 = arith.index_cast %add3A_243 : i32 to index
        %get3A_245 = arith.constant 16 : index
        %get3A_246 = tpu.vector_load %arg23[%get3A_244, %get3A_245] {strides = array<i32>} : memref<1000x32xf32, #tpu.memory_space<vmem>>, vector<1x16xf32>,
        %get3A_247 = vector.shape_cast %get3A_246 : vector<1x16xf32> to vector<16xf32>
        %mul3A_248 = arith.mulf %get3A_235, %get3A_241 : vector<16xf32>
        %add3A_249 = arith.addf %mul3A_248, %get3A_247 : vector<16xf32>
        %add3A_250 = arith.constant 6 : i32
        %add3A_251 = arith.addi %add3A_69, %add3A_250 : i32
        %swap3A_252 = arith.index_cast %add3A_251 : i32 to index
        %swap3A_253 = arith.constant 0 : index
        %swap3A_254 = tpu.vector_load %arg24[%swap3A_252, %swap3A_253] {strides = array<i32>} : memref<1000x16xf32, #tpu.memory_space<vmem>>, vector<1x16xf32>,
        %swap3A_255 = vector.shape_cast %swap3A_254 : vector<1x16xf32> to vector<16xf32>
        %swap3A_256 = vector.shape_cast %add3A_249 : vector<16xf32> to vector<1x16xf32>
        tpu.vector_store %arg24[%swap3A_252, %swap3A_253], %swap3A_256 {strides = array<i32>} : memref<1000x16xf32, #tpu.memory_space<vmem>>, vector<1x16xf32>,
        %add3A_257 = arith.constant 7 : i32
        %add3A_258 = arith.addi %add3A_69, %add3A_257 : i32
        %get3A_259 = arith.index_cast %add3A_258 : i32 to index
        %get3A_260 = arith.constant 0 : index
        %get3A_261 = tpu.vector_load %arg22[%get3A_259, %get3A_260] {strides = array<i32>} : memref<1000x16xf32, #tpu.memory_space<vmem>>, vector<1x16xf32>,
        %get3A_262 = vector.shape_cast %get3A_261 : vector<1x16xf32> to vector<16xf32>
        %add3A_263 = arith.constant 7 : i32
        %add3A_264 = arith.addi %add3A_69, %add3A_263 : i32
        %get3A_265 = arith.index_cast %add3A_264 : i32 to index
        %get3A_266 = arith.constant 0 : index
        %get3A_267 = tpu.vector_load %arg23[%get3A_265, %get3A_266] {strides = array<i32>} : memref<1000x32xf32, #tpu.memory_space<vmem>>, vector<1x16xf32>,
        %get3A_268 = vector.shape_cast %get3A_267 : vector<1x16xf32> to vector<16xf32>
        %add3A_269 = arith.constant 7 : i32
        %add3A_270 = arith.addi %add3A_69, %add3A_269 : i32
        %get3A_271 = arith.index_cast %add3A_270 : i32 to index
        %get3A_272 = arith.constant 16 : index
        %get3A_273 = tpu.vector_load %arg23[%get3A_271, %get3A_272] {strides = array<i32>} : memref<1000x32xf32, #tpu.memory_space<vmem>>, vector<1x16xf32>,
        %get3A_274 = vector.shape_cast %get3A_273 : vector<1x16xf32> to vector<16xf32>
        %mul3A_275 = arith.mulf %get3A_262, %get3A_268 : vector<16xf32>
        %add3A_276 = arith.addf %mul3A_275, %get3A_274 : vector<16xf32>
        %add3A_277 = arith.constant 7 : i32
        %add3A_278 = arith.addi %add3A_69, %add3A_277 : i32
        %swap3A_279 = arith.index_cast %add3A_278 : i32 to index
        %swap3A_280 = arith.constant 0 : index
        %swap3A_281 = tpu.vector_load %arg24[%swap3A_279, %swap3A_280] {strides = array<i32>} : memref<1000x16xf32, #tpu.memory_space<vmem>>, vector<1x16xf32>,
        %swap3A_282 = vector.shape_cast %swap3A_281 : vector<1x16xf32> to vector<16xf32>
        %swap3A_283 = vector.shape_cast %add3A_276 : vector<16xf32> to vector<1x16xf32>
        tpu.vector_store %arg24[%swap3A_279, %swap3A_280], %swap3A_283 {strides = array<i32>} : memref<1000x16xf32, #tpu.memory_space<vmem>>, vector<1x16xf32>,
      }
      %scan3A_64 = arith.constant 125 : i32
      "tpu.region"() ({
        %run_scoped3A = tpu.sem_alloc : memref<!tpu.dma_semaphore, #tpu.memory_space<semaphore_mem>>
        %dma_start3A_65 = arith.constant 0 : i32
        %dma_start3A_66 = tpu.memref_slice %arg12[%mul3A_52, %dma_start3A_65] : memref<1600000x16xf32, #tpu.memory_space<hbm>> -> memref<1000x16xf32, #tpu.memory_space<hbm>>
        %dma_start3A_67 = arith.constant 0 : i32
        %dma_start3A_68 = tpu.memref_slice %arg12[%mul3A_52, %dma_start3A_67] : memref<1600000x16xf32, #tpu.memory_space<hbm>> -> memref<1000x16xf32, #tpu.memory_space<hbm>>
        tpu.enqueue_dma source(%arg24 : memref<1000x16xf32, #tpu.memory_space<vmem>>) target(%dma_start3A_68 : memref<1000x16xf32, #tpu.memory_space<hbm>>) target_semaphore(%run_scoped3A : memref<!tpu.dma_semaphore, #tpu.memory_space<semaphore_mem>>)
        %dma_wait3A_69 = arith.constant 0 : i32
        %dma_wait3A_70 = tpu.memref_slice %arg12[%mul3A_52, %dma_wait3A_69] : memref<1600000x16xf32, #tpu.memory_space<hbm>> -> memref<1000x16xf32, #tpu.memory_space<hbm>>
        %dma_wait3A_71 = arith.constant 0 : i32
        %dma_wait3A_72 = tpu.memref_slice %arg12[%mul3A_52, %dma_wait3A_71] : memref<1600000x16xf32, #tpu.memory_space<hbm>> -> memref<1000x16xf32, #tpu.memory_space<hbm>>
        tpu.wait_dma2 semaphore(%run_scoped3A : memref<!tpu.dma_semaphore, #tpu.memory_space<semaphore_mem>>) src(%arg24 : memref<1000x16xf32, #tpu.memory_space<vmem>>) dst(%dma_wait3A_72 : memref<1000x16xf32, #tpu.memory_space<hbm>>)
        tpu.yield
      }) : () -> ()
    }
    %while3A_47 = arith.constant 1 : i32
    scf.for %while3A_48 = %while3A_45 to %while3A_41 step %while3A_47  : i32 {
      %mul3A_49 = arith.muli %while3A_48, %while3A_38 : i32
      %add3A_50 = arith.addi %add3A_26, %mul3A_49 : i32
      %mul3A_51 = arith.constant 1000 : i32
      %mul3A_52 = arith.muli %add3A_50, %mul3A_51 : i32
      "tpu.region"() ({
        %run_scoped3A = tpu.sem_alloc : memref<!tpu.dma_semaphore, #tpu.memory_space<semaphore_mem>>
        %dma_start3A_65 = tpu.memref_slice %arg5[%mul3A_52] : memref<1600000xi32, #tpu.memory_space<hbm>> -> memref<1000xi32, #tpu.memory_space<hbm>>
        %dma_start3A_66 = tpu.memref_slice %arg5[%mul3A_52] : memref<1600000xi32, #tpu.memory_space<hbm>> -> memref<1000xi32, #tpu.memory_space<hbm>>
        tpu.enqueue_dma source(%dma_start3A_66 : memref<1000xi32, #tpu.memory_space<hbm>>) target(%arg20 : memref<1000xi32, #tpu.memory_space<vmem>>) target_semaphore(%run_scoped3A : memref<!tpu.dma_semaphore, #tpu.memory_space<semaphore_mem>>)
        %dma_wait3A_67 = tpu.memref_slice %arg5[%mul3A_52] : memref<1600000xi32, #tpu.memory_space<hbm>> -> memref<1000xi32, #tpu.memory_space<hbm>>
        %dma_wait3A_68 = tpu.memref_slice %arg5[%mul3A_52] : memref<1600000xi32, #tpu.memory_space<hbm>> -> memref<1000xi32, #tpu.memory_space<hbm>>
        tpu.wait_dma2 semaphore(%run_scoped3A : memref<!tpu.dma_semaphore, #tpu.memory_space<semaphore_mem>>) src(%dma_wait3A_68 : memref<1000xi32, #tpu.memory_space<hbm>>) dst(%arg20 : memref<1000xi32, #tpu.memory_space<vmem>>)
        tpu.yield
      }) : () -> ()
      %dma_start3A = arith.constant 0 : i32
      %dma_start3A_53 = tpu.memref_slice %arg4[%dma_start3A] : memref<100000xi32, #tpu.memory_space<hbm>> -> memref<100000xi32, #tpu.memory_space<hbm>>
      tpu.enqueue_indirect_dma source(%dma_start3A_53 : memref<100000xi32, #tpu.memory_space<hbm>>) target(%arg21 : memref<1000xi32, #tpu.memory_space<vmem>>) offsets(%arg20 : memref<1000xi32, #tpu.memory_space<vmem>>) semaphore(%arg25 : memref<!tpu.dma_semaphore, #tpu.memory_space<semaphore_mem>>)
      %dma_wait3A = arith.constant 0 : i32
      %dma_wait3A_54 = tpu.memref_slice %arg4[%dma_wait3A] : memref<100000xi32, #tpu.memory_space<hbm>> -> memref<100000xi32, #tpu.memory_space<hbm>>
      tpu.wait_indirect_dma semaphore(%arg25 : memref<!tpu.dma_semaphore, #tpu.memory_space<semaphore_mem>>) src(%dma_wait3A_54 : memref<100000xi32, #tpu.memory_space<hbm>>) dst(%arg21 : memref<1000xi32, #tpu.memory_space<vmem>>)
      %dma_start3A_55 = arith.constant 0 : i32
      %dma_start3A_56 = arith.constant 0 : i32
      %dma_start3A_57 = tpu.memref_slice %arg9[%dma_start3A_55, %dma_start3A_56] : memref<5120x32xf32, #tpu.memory_space<hbm>> -> memref<5120x32xf32, #tpu.memory_space<hbm>>
      tpu.enqueue_indirect_dma source(%dma_start3A_57 : memref<5120x32xf32, #tpu.memory_space<hbm>>) target(%arg23 : memref<1000x32xf32, #tpu.memory_space<vmem>>) offsets(%arg21 : memref<1000xi32, #tpu.memory_space<vmem>>) semaphore(%arg25 : memref<!tpu.dma_semaphore, #tpu.memory_space<semaphore_mem>>)
      "tpu.region"() ({
        %run_scoped3A = tpu.sem_alloc : memref<!tpu.dma_semaphore, #tpu.memory_space<semaphore_mem>>
        %dma_start3A_65 = arith.constant 0 : i32
        %dma_start3A_66 = tpu.memref_slice %arg6[%mul3A_52, %dma_start3A_65] : memref<1600000x16xf32, #tpu.memory_space<hbm>> -> memref<1000x16xf32, #tpu.memory_space<hbm>>
        %dma_start3A_67 = arith.constant 0 : i32
        %dma_start3A_68 = tpu.memref_slice %arg6[%mul3A_52, %dma_start3A_67] : memref<1600000x16xf32, #tpu.memory_space<hbm>> -> memref<1000x16xf32, #tpu.memory_space<hbm>>
        tpu.enqueue_dma source(%dma_start3A_68 : memref<1000x16xf32, #tpu.memory_space<hbm>>) target(%arg22 : memref<1000x16xf32, #tpu.memory_space<vmem>>) target_semaphore(%run_scoped3A : memref<!tpu.dma_semaphore, #tpu.memory_space<semaphore_mem>>)
        %dma_wait3A_69 = arith.constant 0 : i32
        %dma_wait3A_70 = tpu.memref_slice %arg6[%mul3A_52, %dma_wait3A_69] : memref<1600000x16xf32, #tpu.memory_space<hbm>> -> memref<1000x16xf32, #tpu.memory_space<hbm>>
        %dma_wait3A_71 = arith.constant 0 : i32
        %dma_wait3A_72 = tpu.memref_slice %arg6[%mul3A_52, %dma_wait3A_71] : memref<1600000x16xf32, #tpu.memory_space<hbm>> -> memref<1000x16xf32, #tpu.memory_space<hbm>>
        tpu.wait_dma2 semaphore(%run_scoped3A : memref<!tpu.dma_semaphore, #tpu.memory_space<semaphore_mem>>) src(%dma_wait3A_72 : memref<1000x16xf32, #tpu.memory_space<hbm>>) dst(%arg22 : memref<1000x16xf32, #tpu.memory_space<vmem>>)
        tpu.yield
      }) : () -> ()
      %dma_wait3A_58 = arith.constant 0 : i32
      %dma_wait3A_59 = arith.constant 0 : i32
      %dma_wait3A_60 = tpu.memref_slice %arg9[%dma_wait3A_58, %dma_wait3A_59] : memref<5120x32xf32, #tpu.memory_space<hbm>> -> memref<5120x32xf32, #tpu.memory_space<hbm>>
      tpu.wait_indirect_dma semaphore(%arg25 : memref<!tpu.dma_semaphore, #tpu.memory_space<semaphore_mem>>) src(%dma_wait3A_60 : memref<5120x32xf32, #tpu.memory_space<hbm>>) dst(%arg23 : memref<1000x32xf32, #tpu.memory_space<vmem>>)
      %scan3A = arith.constant 0 : i32
      %scan3A_61 = arith.constant 125 : i32
      %scan3A_62 = arith.addi %scan3A, %scan3A_61 : i32
      %scan3A_63 = arith.constant 1 : i32
      scf.for %scan3A_65 = %scan3A to %scan3A_62 step %scan3A_63  : i32 {
        %mul3A_66 = arith.constant 8 : i32
        %mul3A_67 = arith.muli %scan3A_65, %mul3A_66 : i32
        %add3A_68 = arith.constant 0 : i32
        %add3A_69 = arith.addi %add3A_68, %mul3A_67 : i32
        %add3A_70 = arith.constant 0 : i32
        %add3A_71 = arith.addi %add3A_69, %add3A_70 : i32
        %get3A = arith.index_cast %add3A_71 : i32 to index
        %get3A_72 = arith.constant 0 : index
        %get3A_73 = tpu.vector_load %arg22[%get3A, %get3A_72] {strides = array<i32>} : memref<1000x16xf32, #tpu.memory_space<vmem>>, vector<1x16xf32>,
        %get3A_74 = vector.shape_cast %get3A_73 : vector<1x16xf32> to vector<16xf32>
        %add3A_75 = arith.constant 0 : i32
        %add3A_76 = arith.addi %add3A_69, %add3A_75 : i32
        %get3A_77 = arith.index_cast %add3A_76 : i32 to index
        %get3A_78 = arith.constant 0 : index
        %get3A_79 = tpu.vector_load %arg23[%get3A_77, %get3A_78] {strides = array<i32>} : memref<1000x32xf32, #tpu.memory_space<vmem>>, vector<1x16xf32>,
        %get3A_80 = vector.shape_cast %get3A_79 : vector<1x16xf32> to vector<16xf32>
        %add3A_81 = arith.constant 0 : i32
        %add3A_82 = arith.addi %add3A_69, %add3A_81 : i32
        %get3A_83 = arith.index_cast %add3A_82 : i32 to index
        %get3A_84 = arith.constant 16 : index
        %get3A_85 = tpu.vector_load %arg23[%get3A_83, %get3A_84] {strides = array<i32>} : memref<1000x32xf32, #tpu.memory_space<vmem>>, vector<1x16xf32>,
        %get3A_86 = vector.shape_cast %get3A_85 : vector<1x16xf32> to vector<16xf32>
        %mul3A_87 = arith.mulf %get3A_74, %get3A_80 : vector<16xf32>
        %add3A_88 = arith.addf %mul3A_87, %get3A_86 : vector<16xf32>
        %add3A_89 = arith.constant 0 : i32
        %add3A_90 = arith.addi %add3A_69, %add3A_89 : i32
        %swap3A = arith.index_cast %add3A_90 : i32 to index
        %swap3A_91 = arith.constant 0 : index
        %swap3A_92 = tpu.vector_load %arg24[%swap3A, %swap3A_91] {strides = array<i32>} : memref<1000x16xf32, #tpu.memory_space<vmem>>, vector<1x16xf32>,
        %swap3A_93 = vector.shape_cast %swap3A_92 : vector<1x16xf32> to vector<16xf32>
        %swap3A_94 = vector.shape_cast %add3A_88 : vector<16xf32> to vector<1x16xf32>
        tpu.vector_store %arg24[%swap3A, %swap3A_91], %swap3A_94 {strides = array<i32>} : memref<1000x16xf32, #tpu.memory_space<vmem>>, vector<1x16xf32>,
        %add3A_95 = arith.constant 1 : i32
        %add3A_96 = arith.addi %add3A_69, %add3A_95 : i32
        %get3A_97 = arith.index_cast %add3A_96 : i32 to index
        %get3A_98 = arith.constant 0 : index
        %get3A_99 = tpu.vector_load %arg22[%get3A_97, %get3A_98] {strides = array<i32>} : memref<1000x16xf32, #tpu.memory_space<vmem>>, vector<1x16xf32>,
        %get3A_100 = vector.shape_cast %get3A_99 : vector<1x16xf32> to vector<16xf32>
        %add3A_101 = arith.constant 1 : i32
        %add3A_102 = arith.addi %add3A_69, %add3A_101 : i32
        %get3A_103 = arith.index_cast %add3A_102 : i32 to index
        %get3A_104 = arith.constant 0 : index
        %get3A_105 = tpu.vector_load %arg23[%get3A_103, %get3A_104] {strides = array<i32>} : memref<1000x32xf32, #tpu.memory_space<vmem>>, vector<1x16xf32>,
        %get3A_106 = vector.shape_cast %get3A_105 : vector<1x16xf32> to vector<16xf32>
        %add3A_107 = arith.constant 1 : i32
        %add3A_108 = arith.addi %add3A_69, %add3A_107 : i32
        %get3A_109 = arith.index_cast %add3A_108 : i32 to index
        %get3A_110 = arith.constant 16 : index
        %get3A_111 = tpu.vector_load %arg23[%get3A_109, %get3A_110] {strides = array<i32>} : memref<1000x32xf32, #tpu.memory_space<vmem>>, vector<1x16xf32>,
        %get3A_112 = vector.shape_cast %get3A_111 : vector<1x16xf32> to vector<16xf32>
        %mul3A_113 = arith.mulf %get3A_100, %get3A_106 : vector<16xf32>
        %add3A_114 = arith.addf %mul3A_113, %get3A_112 : vector<16xf32>
        %add3A_115 = arith.constant 1 : i32
        %add3A_116 = arith.addi %add3A_69, %add3A_115 : i32
        %swap3A_117 = arith.index_cast %add3A_116 : i32 to index
        %swap3A_118 = arith.constant 0 : index
        %swap3A_119 = tpu.vector_load %arg24[%swap3A_117, %swap3A_118] {strides = array<i32>} : memref<1000x16xf32, #tpu.memory_space<vmem>>, vector<1x16xf32>,
        %swap3A_120 = vector.shape_cast %swap3A_119 : vector<1x16xf32> to vector<16xf32>
        %swap3A_121 = vector.shape_cast %add3A_114 : vector<16xf32> to vector<1x16xf32>
        tpu.vector_store %arg24[%swap3A_117, %swap3A_118], %swap3A_121 {strides = array<i32>} : memref<1000x16xf32, #tpu.memory_space<vmem>>, vector<1x16xf32>,
        %add3A_122 = arith.constant 2 : i32
        %add3A_123 = arith.addi %add3A_69, %add3A_122 : i32
        %get3A_124 = arith.index_cast %add3A_123 : i32 to index
        %get3A_125 = arith.constant 0 : index
        %get3A_126 = tpu.vector_load %arg22[%get3A_124, %get3A_125] {strides = array<i32>} : memref<1000x16xf32, #tpu.memory_space<vmem>>, vector<1x16xf32>,
        %get3A_127 = vector.shape_cast %get3A_126 : vector<1x16xf32> to vector<16xf32>
        %add3A_128 = arith.constant 2 : i32
        %add3A_129 = arith.addi %add3A_69, %add3A_128 : i32
        %get3A_130 = arith.index_cast %add3A_129 : i32 to index
        %get3A_131 = arith.constant 0 : index
        %get3A_132 = tpu.vector_load %arg23[%get3A_130, %get3A_131] {strides = array<i32>} : memref<1000x32xf32, #tpu.memory_space<vmem>>, vector<1x16xf32>,
        %get3A_133 = vector.shape_cast %get3A_132 : vector<1x16xf32> to vector<16xf32>
        %add3A_134 = arith.constant 2 : i32
        %add3A_135 = arith.addi %add3A_69, %add3A_134 : i32
        %get3A_136 = arith.index_cast %add3A_135 : i32 to index
        %get3A_137 = arith.constant 16 : index
        %get3A_138 = tpu.vector_load %arg23[%get3A_136, %get3A_137] {strides = array<i32>} : memref<1000x32xf32, #tpu.memory_space<vmem>>, vector<1x16xf32>,
        %get3A_139 = vector.shape_cast %get3A_138 : vector<1x16xf32> to vector<16xf32>
        %mul3A_140 = arith.mulf %get3A_127, %get3A_133 : vector<16xf32>
        %add3A_141 = arith.addf %mul3A_140, %get3A_139 : vector<16xf32>
        %add3A_142 = arith.constant 2 : i32
        %add3A_143 = arith.addi %add3A_69, %add3A_142 : i32
        %swap3A_144 = arith.index_cast %add3A_143 : i32 to index
        %swap3A_145 = arith.constant 0 : index
        %swap3A_146 = tpu.vector_load %arg24[%swap3A_144, %swap3A_145] {strides = array<i32>} : memref<1000x16xf32, #tpu.memory_space<vmem>>, vector<1x16xf32>,
        %swap3A_147 = vector.shape_cast %swap3A_146 : vector<1x16xf32> to vector<16xf32>
        %swap3A_148 = vector.shape_cast %add3A_141 : vector<16xf32> to vector<1x16xf32>
        tpu.vector_store %arg24[%swap3A_144, %swap3A_145], %swap3A_148 {strides = array<i32>} : memref<1000x16xf32, #tpu.memory_space<vmem>>, vector<1x16xf32>,
        %add3A_149 = arith.constant 3 : i32
        %add3A_150 = arith.addi %add3A_69, %add3A_149 : i32
        %get3A_151 = arith.index_cast %add3A_150 : i32 to index
        %get3A_152 = arith.constant 0 : index
        %get3A_153 = tpu.vector_load %arg22[%get3A_151, %get3A_152] {strides = array<i32>} : memref<1000x16xf32, #tpu.memory_space<vmem>>, vector<1x16xf32>,
        %get3A_154 = vector.shape_cast %get3A_153 : vector<1x16xf32> to vector<16xf32>
        %add3A_155 = arith.constant 3 : i32
        %add3A_156 = arith.addi %add3A_69, %add3A_155 : i32
        %get3A_157 = arith.index_cast %add3A_156 : i32 to index
        %get3A_158 = arith.constant 0 : index
        %get3A_159 = tpu.vector_load %arg23[%get3A_157, %get3A_158] {strides = array<i32>} : memref<1000x32xf32, #tpu.memory_space<vmem>>, vector<1x16xf32>,
        %get3A_160 = vector.shape_cast %get3A_159 : vector<1x16xf32> to vector<16xf32>
        %add3A_161 = arith.constant 3 : i32
        %add3A_162 = arith.addi %add3A_69, %add3A_161 : i32
        %get3A_163 = arith.index_cast %add3A_162 : i32 to index
        %get3A_164 = arith.constant 16 : index
        %get3A_165 = tpu.vector_load %arg23[%get3A_163, %get3A_164] {strides = array<i32>} : memref<1000x32xf32, #tpu.memory_space<vmem>>, vector<1x16xf32>,
        %get3A_166 = vector.shape_cast %get3A_165 : vector<1x16xf32> to vector<16xf32>
        %mul3A_167 = arith.mulf %get3A_154, %get3A_160 : vector<16xf32>
        %add3A_168 = arith.addf %mul3A_167, %get3A_166 : vector<16xf32>
        %add3A_169 = arith.constant 3 : i32
        %add3A_170 = arith.addi %add3A_69, %add3A_169 : i32
        %swap3A_171 = arith.index_cast %add3A_170 : i32 to index
        %swap3A_172 = arith.constant 0 : index
        %swap3A_173 = tpu.vector_load %arg24[%swap3A_171, %swap3A_172] {strides = array<i32>} : memref<1000x16xf32, #tpu.memory_space<vmem>>, vector<1x16xf32>,
        %swap3A_174 = vector.shape_cast %swap3A_173 : vector<1x16xf32> to vector<16xf32>
        %swap3A_175 = vector.shape_cast %add3A_168 : vector<16xf32> to vector<1x16xf32>
        tpu.vector_store %arg24[%swap3A_171, %swap3A_172], %swap3A_175 {strides = array<i32>} : memref<1000x16xf32, #tpu.memory_space<vmem>>, vector<1x16xf32>,
        %add3A_176 = arith.constant 4 : i32
        %add3A_177 = arith.addi %add3A_69, %add3A_176 : i32
        %get3A_178 = arith.index_cast %add3A_177 : i32 to index
        %get3A_179 = arith.constant 0 : index
        %get3A_180 = tpu.vector_load %arg22[%get3A_178, %get3A_179] {strides = array<i32>} : memref<1000x16xf32, #tpu.memory_space<vmem>>, vector<1x16xf32>,
        %get3A_181 = vector.shape_cast %get3A_180 : vector<1x16xf32> to vector<16xf32>
        %add3A_182 = arith.constant 4 : i32
        %add3A_183 = arith.addi %add3A_69, %add3A_182 : i32
        %get3A_184 = arith.index_cast %add3A_183 : i32 to index
        %get3A_185 = arith.constant 0 : index
        %get3A_186 = tpu.vector_load %arg23[%get3A_184, %get3A_185] {strides = array<i32>} : memref<1000x32xf32, #tpu.memory_space<vmem>>, vector<1x16xf32>,
        %get3A_187 = vector.shape_cast %get3A_186 : vector<1x16xf32> to vector<16xf32>
        %add3A_188 = arith.constant 4 : i32
        %add3A_189 = arith.addi %add3A_69, %add3A_188 : i32
        %get3A_190 = arith.index_cast %add3A_189 : i32 to index
        %get3A_191 = arith.constant 16 : index
        %get3A_192 = tpu.vector_load %arg23[%get3A_190, %get3A_191] {strides = array<i32>} : memref<1000x32xf32, #tpu.memory_space<vmem>>, vector<1x16xf32>,
        %get3A_193 = vector.shape_cast %get3A_192 : vector<1x16xf32> to vector<16xf32>
        %mul3A_194 = arith.mulf %get3A_181, %get3A_187 : vector<16xf32>
        %add3A_195 = arith.addf %mul3A_194, %get3A_193 : vector<16xf32>
        %add3A_196 = arith.constant 4 : i32
        %add3A_197 = arith.addi %add3A_69, %add3A_196 : i32
        %swap3A_198 = arith.index_cast %add3A_197 : i32 to index
        %swap3A_199 = arith.constant 0 : index
        %swap3A_200 = tpu.vector_load %arg24[%swap3A_198, %swap3A_199] {strides = array<i32>} : memref<1000x16xf32, #tpu.memory_space<vmem>>, vector<1x16xf32>,
        %swap3A_201 = vector.shape_cast %swap3A_200 : vector<1x16xf32> to vector<16xf32>
        %swap3A_202 = vector.shape_cast %add3A_195 : vector<16xf32> to vector<1x16xf32>
        tpu.vector_store %arg24[%swap3A_198, %swap3A_199], %swap3A_202 {strides = array<i32>} : memref<1000x16xf32, #tpu.memory_space<vmem>>, vector<1x16xf32>,
        %add3A_203 = arith.constant 5 : i32
        %add3A_204 = arith.addi %add3A_69, %add3A_203 : i32
        %get3A_205 = arith.index_cast %add3A_204 : i32 to index
        %get3A_206 = arith.constant 0 : index
        %get3A_207 = tpu.vector_load %arg22[%get3A_205, %get3A_206] {strides = array<i32>} : memref<1000x16xf32, #tpu.memory_space<vmem>>, vector<1x16xf32>,
        %get3A_208 = vector.shape_cast %get3A_207 : vector<1x16xf32> to vector<16xf32>
        %add3A_209 = arith.constant 5 : i32
        %add3A_210 = arith.addi %add3A_69, %add3A_209 : i32
        %get3A_211 = arith.index_cast %add3A_210 : i32 to index
        %get3A_212 = arith.constant 0 : index
        %get3A_213 = tpu.vector_load %arg23[%get3A_211, %get3A_212] {strides = array<i32>} : memref<1000x32xf32, #tpu.memory_space<vmem>>, vector<1x16xf32>,
        %get3A_214 = vector.shape_cast %get3A_213 : vector<1x16xf32> to vector<16xf32>
        %add3A_215 = arith.constant 5 : i32
        %add3A_216 = arith.addi %add3A_69, %add3A_215 : i32
        %get3A_217 = arith.index_cast %add3A_216 : i32 to index
        %get3A_218 = arith.constant 16 : index
        %get3A_219 = tpu.vector_load %arg23[%get3A_217, %get3A_218] {strides = array<i32>} : memref<1000x32xf32, #tpu.memory_space<vmem>>, vector<1x16xf32>,
        %get3A_220 = vector.shape_cast %get3A_219 : vector<1x16xf32> to vector<16xf32>
        %mul3A_221 = arith.mulf %get3A_208, %get3A_214 : vector<16xf32>
        %add3A_222 = arith.addf %mul3A_221, %get3A_220 : vector<16xf32>
        %add3A_223 = arith.constant 5 : i32
        %add3A_224 = arith.addi %add3A_69, %add3A_223 : i32
        %swap3A_225 = arith.index_cast %add3A_224 : i32 to index
        %swap3A_226 = arith.constant 0 : index
        %swap3A_227 = tpu.vector_load %arg24[%swap3A_225, %swap3A_226] {strides = array<i32>} : memref<1000x16xf32, #tpu.memory_space<vmem>>, vector<1x16xf32>,
        %swap3A_228 = vector.shape_cast %swap3A_227 : vector<1x16xf32> to vector<16xf32>
        %swap3A_229 = vector.shape_cast %add3A_222 : vector<16xf32> to vector<1x16xf32>
        tpu.vector_store %arg24[%swap3A_225, %swap3A_226], %swap3A_229 {strides = array<i32>} : memref<1000x16xf32, #tpu.memory_space<vmem>>, vector<1x16xf32>,
        %add3A_230 = arith.constant 6 : i32
        %add3A_231 = arith.addi %add3A_69, %add3A_230 : i32
        %get3A_232 = arith.index_cast %add3A_231 : i32 to index
        %get3A_233 = arith.constant 0 : index
        %get3A_234 = tpu.vector_load %arg22[%get3A_232, %get3A_233] {strides = array<i32>} : memref<1000x16xf32, #tpu.memory_space<vmem>>, vector<1x16xf32>,
        %get3A_235 = vector.shape_cast %get3A_234 : vector<1x16xf32> to vector<16xf32>
        %add3A_236 = arith.constant 6 : i32
        %add3A_237 = arith.addi %add3A_69, %add3A_236 : i32
        %get3A_238 = arith.index_cast %add3A_237 : i32 to index
        %get3A_239 = arith.constant 0 : index
        %get3A_240 = tpu.vector_load %arg23[%get3A_238, %get3A_239] {strides = array<i32>} : memref<1000x32xf32, #tpu.memory_space<vmem>>, vector<1x16xf32>,
        %get3A_241 = vector.shape_cast %get3A_240 : vector<1x16xf32> to vector<16xf32>
        %add3A_242 = arith.constant 6 : i32
        %add3A_243 = arith.addi %add3A_69, %add3A_242 : i32
        %get3A_244 = arith.index_cast %add3A_243 : i32 to index
        %get3A_245 = arith.constant 16 : index
        %get3A_246 = tpu.vector_load %arg23[%get3A_244, %get3A_245] {strides = array<i32>} : memref<1000x32xf32, #tpu.memory_space<vmem>>, vector<1x16xf32>,
        %get3A_247 = vector.shape_cast %get3A_246 : vector<1x16xf32> to vector<16xf32>
        %mul3A_248 = arith.mulf %get3A_235, %get3A_241 : vector<16xf32>
        %add3A_249 = arith.addf %mul3A_248, %get3A_247 : vector<16xf32>
        %add3A_250 = arith.constant 6 : i32
        %add3A_251 = arith.addi %add3A_69, %add3A_250 : i32
        %swap3A_252 = arith.index_cast %add3A_251 : i32 to index
        %swap3A_253 = arith.constant 0 : index
        %swap3A_254 = tpu.vector_load %arg24[%swap3A_252, %swap3A_253] {strides = array<i32>} : memref<1000x16xf32, #tpu.memory_space<vmem>>, vector<1x16xf32>,
        %swap3A_255 = vector.shape_cast %swap3A_254 : vector<1x16xf32> to vector<16xf32>
        %swap3A_256 = vector.shape_cast %add3A_249 : vector<16xf32> to vector<1x16xf32>
        tpu.vector_store %arg24[%swap3A_252, %swap3A_253], %swap3A_256 {strides = array<i32>} : memref<1000x16xf32, #tpu.memory_space<vmem>>, vector<1x16xf32>,
        %add3A_257 = arith.constant 7 : i32
        %add3A_258 = arith.addi %add3A_69, %add3A_257 : i32
        %get3A_259 = arith.index_cast %add3A_258 : i32 to index
        %get3A_260 = arith.constant 0 : index
        %get3A_261 = tpu.vector_load %arg22[%get3A_259, %get3A_260] {strides = array<i32>} : memref<1000x16xf32, #tpu.memory_space<vmem>>, vector<1x16xf32>,
        %get3A_262 = vector.shape_cast %get3A_261 : vector<1x16xf32> to vector<16xf32>
        %add3A_263 = arith.constant 7 : i32
        %add3A_264 = arith.addi %add3A_69, %add3A_263 : i32
        %get3A_265 = arith.index_cast %add3A_264 : i32 to index
        %get3A_266 = arith.constant 0 : index
        %get3A_267 = tpu.vector_load %arg23[%get3A_265, %get3A_266] {strides = array<i32>} : memref<1000x32xf32, #tpu.memory_space<vmem>>, vector<1x16xf32>,
        %get3A_268 = vector.shape_cast %get3A_267 : vector<1x16xf32> to vector<16xf32>
        %add3A_269 = arith.constant 7 : i32
        %add3A_270 = arith.addi %add3A_69, %add3A_269 : i32
        %get3A_271 = arith.index_cast %add3A_270 : i32 to index
        %get3A_272 = arith.constant 16 : index
        %get3A_273 = tpu.vector_load %arg23[%get3A_271, %get3A_272] {strides = array<i32>} : memref<1000x32xf32, #tpu.memory_space<vmem>>, vector<1x16xf32>,
        %get3A_274 = vector.shape_cast %get3A_273 : vector<1x16xf32> to vector<16xf32>
        %mul3A_275 = arith.mulf %get3A_262, %get3A_268 : vector<16xf32>
        %add3A_276 = arith.addf %mul3A_275, %get3A_274 : vector<16xf32>
        %add3A_277 = arith.constant 7 : i32
        %add3A_278 = arith.addi %add3A_69, %add3A_277 : i32
        %swap3A_279 = arith.index_cast %add3A_278 : i32 to index
        %swap3A_280 = arith.constant 0 : index
        %swap3A_281 = tpu.vector_load %arg24[%swap3A_279, %swap3A_280] {strides = array<i32>} : memref<1000x16xf32, #tpu.memory_space<vmem>>, vector<1x16xf32>,
        %swap3A_282 = vector.shape_cast %swap3A_281 : vector<1x16xf32> to vector<16xf32>
        %swap3A_283 = vector.shape_cast %add3A_276 : vector<16xf32> to vector<1x16xf32>
        tpu.vector_store %arg24[%swap3A_279, %swap3A_280], %swap3A_283 {strides = array<i32>} : memref<1000x16xf32, #tpu.memory_space<vmem>>, vector<1x16xf32>,
      }
      %scan3A_64 = arith.constant 125 : i32
      "tpu.region"() ({
        %run_scoped3A = tpu.sem_alloc : memref<!tpu.dma_semaphore, #tpu.memory_space<semaphore_mem>>
        %dma_start3A_65 = arith.constant 0 : i32
        %dma_start3A_66 = tpu.memref_slice %arg12[%mul3A_52, %dma_start3A_65] : memref<1600000x16xf32, #tpu.memory_space<hbm>> -> memref<1000x16xf32, #tpu.memory_space<hbm>>
        %dma_start3A_67 = arith.constant 0 : i32
        %dma_start3A_68 = tpu.memref_slice %arg12[%mul3A_52, %dma_start3A_67] : memref<1600000x16xf32, #tpu.memory_space<hbm>> -> memref<1000x16xf32, #tpu.memory_space<hbm>>
        tpu.enqueue_dma source(%arg24 : memref<1000x16xf32, #tpu.memory_space<vmem>>) target(%dma_start3A_68 : memref<1000x16xf32, #tpu.memory_space<hbm>>) target_semaphore(%run_scoped3A : memref<!tpu.dma_semaphore, #tpu.memory_space<semaphore_mem>>)
        %dma_wait3A_69 = arith.constant 0 : i32
        %dma_wait3A_70 = tpu.memref_slice %arg12[%mul3A_52, %dma_wait3A_69] : memref<1600000x16xf32, #tpu.memory_space<hbm>> -> memref<1000x16xf32, #tpu.memory_space<hbm>>
        %dma_wait3A_71 = arith.constant 0 : i32
        %dma_wait3A_72 = tpu.memref_slice %arg12[%mul3A_52, %dma_wait3A_71] : memref<1600000x16xf32, #tpu.memory_space<hbm>> -> memref<1000x16xf32, #tpu.memory_space<hbm>>
        tpu.wait_dma2 semaphore(%run_scoped3A : memref<!tpu.dma_semaphore, #tpu.memory_space<semaphore_mem>>) src(%arg24 : memref<1000x16xf32, #tpu.memory_space<vmem>>) dst(%dma_wait3A_72 : memref<1000x16xf32, #tpu.memory_space<hbm>>)
        tpu.yield
      }) : () -> ()
    }
    return
  }
}

#map = affine_map<(d0, d1) -> (0, 0)>
#map1 = affine_map<(d0, d1) -> (0)>
#map2 = affine_map<(d0, d1) -> (0, 0, 0)>
module attributes {stable_mosaic.version = 14 : i64} {
  func.func @_node_stats(%arg0: i32, %arg1: i32, %arg2: memref<100000x128xf32, #tpu.memory_space<hbm>>, %arg3: memref<100000x16xf32, #tpu.memory_space<hbm>>, %arg4: memref<100000xi32, #tpu.memory_space<hbm>>, %arg5: memref<5120x272xf32, #tpu.memory_space<hbm>>, %arg6: memref<2x5120x272xf32, #tpu.memory_space<hbm>>, %arg7: memref<80xi32, #tpu.memory_space<vmem>>, %arg8: memref<80x128xf32, #tpu.memory_space<vmem>>, %arg9: memref<80x16xf32, #tpu.memory_space<vmem>>, %arg10: memref<80x272xf32, #tpu.memory_space<vmem>>, %arg11: memref<5120x272xf32, #tpu.memory_space<vmem_shared>>, %arg12: memref<!tpu.dma_semaphore, #tpu.memory_space<semaphore_mem>>) attributes {dimension_semantics = [#tpu.dimension_semantics<core_parallel>, #tpu.dimension_semantics<subcore_parallel>], iteration_bounds = array<i64: 2, 16>, scalar_prefetch = 0 : i64, scratch_operands = 6 : i64, tpu.core_type = #tpu.core_type<sc_vector_subcore>, window_params = [{transform_indices = #map}, {transform_indices = #map}, {transform_indices = #map1}, {transform_indices = #map}, {transform_indices = #map2}]} {
    %mul3A = arith.constant 320 : i32
    %mul3A_0 = arith.muli %arg1, %mul3A : i32
    %mul3A_1 = arith.constant 320 : i32
    %mul3A_2 = arith.muli %arg1, %mul3A_1 : i32
    "tpu.region"() ({
      %run_scoped3A = tpu.sem_alloc : memref<!tpu.dma_semaphore, #tpu.memory_space<semaphore_mem>>
      %dma_start3A = arith.constant 0 : i32
      %dma_start3A_37 = tpu.memref_slice %arg11[%mul3A_2, %dma_start3A] : memref<5120x272xf32, #tpu.memory_space<vmem_shared>> -> memref<320x272xf32, #tpu.memory_space<vmem_shared>>
      %dma_start3A_38 = arith.constant 0 : i32
      %dma_start3A_39 = tpu.memref_slice %arg5[%mul3A_0, %dma_start3A_38] : memref<5120x272xf32, #tpu.memory_space<hbm>> -> memref<320x272xf32, #tpu.memory_space<hbm>>
      tpu.enqueue_dma source(%dma_start3A_39 : memref<320x272xf32, #tpu.memory_space<hbm>>) target(%dma_start3A_37 : memref<320x272xf32, #tpu.memory_space<vmem_shared>>) target_semaphore(%run_scoped3A : memref<!tpu.dma_semaphore, #tpu.memory_space<semaphore_mem>>)
      %dma_wait3A = arith.constant 0 : i32
      %dma_wait3A_40 = tpu.memref_slice %arg11[%mul3A_2, %dma_wait3A] : memref<5120x272xf32, #tpu.memory_space<vmem_shared>> -> memref<320x272xf32, #tpu.memory_space<vmem_shared>>
      %dma_wait3A_41 = arith.constant 0 : i32
      %dma_wait3A_42 = tpu.memref_slice %arg5[%mul3A_0, %dma_wait3A_41] : memref<5120x272xf32, #tpu.memory_space<hbm>> -> memref<320x272xf32, #tpu.memory_space<hbm>>
      tpu.wait_dma2 semaphore(%run_scoped3A : memref<!tpu.dma_semaphore, #tpu.memory_space<semaphore_mem>>) src(%dma_wait3A_42 : memref<320x272xf32, #tpu.memory_space<hbm>>) dst(%dma_wait3A_40 : memref<320x272xf32, #tpu.memory_space<vmem_shared>>)
      tpu.yield
    }) : () -> ()
    %iota3A = tpu.iota {dimensions = array<i32: 0>} : vector<16xi32>
    %eq3A = arith.constant 6 : i32
    %eq3A_3 = vector.broadcast %eq3A : i32 to vector<16xi32>
    %eq3A_4 = arith.cmpi eq, %iota3A, %eq3A_3 : vector<16xi32>
    %jit3A = arith.constant 1.000000e+00 : f32
    %jit3A_5 = arith.constant 0.000000e+00 : f32
    %broadcast_in_dim3A = vector.broadcast %jit3A : f32 to vector<16xf32>
    %broadcast_in_dim3A_6 = vector.broadcast %jit3A_5 : f32 to vector<16xf32>
    %select_n3A = arith.select %eq3A_4, %broadcast_in_dim3A, %broadcast_in_dim3A_6 : vector<16xi1>, vector<16xf32>
    %sub3A = arith.constant 3 : i32
    %sub3A_7 = vector.broadcast %sub3A : i32 to vector<16xi32>
    %sub3A_8 = arith.subi %iota3A, %sub3A_7 : vector<16xi32>
    %and3A = arith.constant 15 : i32
    %and3A_9 = vector.broadcast %and3A : i32 to vector<16xi32>
    %and3A_10 = arith.andi %sub3A_8, %and3A_9 : vector<16xi32>
    %barrier3A = arith.constant 0 : index
    tpu.barrier barrier_id(%barrier3A)
    %mul3A_11 = arith.constant 625 : i32
    %mul3A_12 = arith.muli %arg0, %mul3A_11 : i32
    %add3A = arith.addi %mul3A_12, %arg1 : i32
    %add3A_13 = arith.constant 1 : i32
    %add3A_14 = arith.addi %arg0, %add3A_13 : i32
    %mul3A_15 = arith.constant 625 : i32
    %mul3A_16 = arith.muli %add3A_14, %mul3A_15 : i32
    %sub3A_17 = arith.subi %mul3A_16, %add3A : i32
    %sub3A_18 = arith.constant 16 : i32
    %sub3A_19 = arith.constant 1 : i32
    %sub3A_20 = arith.subi %sub3A_18, %sub3A_19 : i32
    %add3A_21 = arith.addi %sub3A_17, %sub3A_20 : i32
    %div3A = arith.constant 16 : i32
    %div3A_22 = arith.divsi %add3A_21, %div3A : i32
    %while3A = arith.constant 16 : i32
    %while3A_23 = arith.constant 0 : i32
    %while3A_24 = arith.subi %div3A_22, %while3A_23 : i32
    %while3A_25 = arith.addi %while3A_23, %while3A_24 : i32
    %while3A_26 = arith.constant 1 : i32
    %while3A_27 = arith.divsi %while3A_24, %while3A_26 : i32
    %while3A_28 = arith.muli %while3A_27, %while3A_26 : i32
    %while3A_29 = arith.addi %while3A_23, %while3A_28 : i32
    %while3A_30 = arith.constant 1 : i32
    scf.for %while3A_37 = %while3A_23 to %while3A_29 step %while3A_30  : i32 {
      %mul3A_38 = arith.muli %while3A_37, %while3A : i32
      %add3A_39 = arith.addi %add3A, %mul3A_38 : i32
      %mul3A_40 = arith.constant 80 : i32
      %mul3A_41 = arith.muli %add3A_39, %mul3A_40 : i32
      "tpu.region"() ({
        %run_scoped3A = tpu.sem_alloc : memref<!tpu.dma_semaphore, #tpu.memory_space<semaphore_mem>>
        %dma_start3A = tpu.memref_slice %arg4[%mul3A_41] : memref<100000xi32, #tpu.memory_space<hbm>> -> memref<80xi32, #tpu.memory_space<hbm>>
        %dma_start3A_46 = tpu.memref_slice %arg4[%mul3A_41] : memref<100000xi32, #tpu.memory_space<hbm>> -> memref<80xi32, #tpu.memory_space<hbm>>
        tpu.enqueue_dma source(%dma_start3A_46 : memref<80xi32, #tpu.memory_space<hbm>>) target(%arg7 : memref<80xi32, #tpu.memory_space<vmem>>) target_semaphore(%run_scoped3A : memref<!tpu.dma_semaphore, #tpu.memory_space<semaphore_mem>>)
        %dma_wait3A = tpu.memref_slice %arg4[%mul3A_41] : memref<100000xi32, #tpu.memory_space<hbm>> -> memref<80xi32, #tpu.memory_space<hbm>>
        %dma_wait3A_47 = tpu.memref_slice %arg4[%mul3A_41] : memref<100000xi32, #tpu.memory_space<hbm>> -> memref<80xi32, #tpu.memory_space<hbm>>
        tpu.wait_dma2 semaphore(%run_scoped3A : memref<!tpu.dma_semaphore, #tpu.memory_space<semaphore_mem>>) src(%dma_wait3A_47 : memref<80xi32, #tpu.memory_space<hbm>>) dst(%arg7 : memref<80xi32, #tpu.memory_space<vmem>>)
        tpu.yield
      }) : () -> ()
      "tpu.region"() ({
        %run_scoped3A = tpu.sem_alloc : memref<!tpu.dma_semaphore, #tpu.memory_space<semaphore_mem>>
        %dma_start3A = arith.constant 0 : i32
        %dma_start3A_46 = tpu.memref_slice %arg2[%mul3A_41, %dma_start3A] : memref<100000x128xf32, #tpu.memory_space<hbm>> -> memref<80x128xf32, #tpu.memory_space<hbm>>
        %dma_start3A_47 = arith.constant 0 : i32
        %dma_start3A_48 = tpu.memref_slice %arg2[%mul3A_41, %dma_start3A_47] : memref<100000x128xf32, #tpu.memory_space<hbm>> -> memref<80x128xf32, #tpu.memory_space<hbm>>
        tpu.enqueue_dma source(%dma_start3A_48 : memref<80x128xf32, #tpu.memory_space<hbm>>) target(%arg8 : memref<80x128xf32, #tpu.memory_space<vmem>>) target_semaphore(%run_scoped3A : memref<!tpu.dma_semaphore, #tpu.memory_space<semaphore_mem>>)
        %dma_wait3A = arith.constant 0 : i32
        %dma_wait3A_49 = tpu.memref_slice %arg2[%mul3A_41, %dma_wait3A] : memref<100000x128xf32, #tpu.memory_space<hbm>> -> memref<80x128xf32, #tpu.memory_space<hbm>>
        %dma_wait3A_50 = arith.constant 0 : i32
        %dma_wait3A_51 = tpu.memref_slice %arg2[%mul3A_41, %dma_wait3A_50] : memref<100000x128xf32, #tpu.memory_space<hbm>> -> memref<80x128xf32, #tpu.memory_space<hbm>>
        tpu.wait_dma2 semaphore(%run_scoped3A : memref<!tpu.dma_semaphore, #tpu.memory_space<semaphore_mem>>) src(%dma_wait3A_51 : memref<80x128xf32, #tpu.memory_space<hbm>>) dst(%arg8 : memref<80x128xf32, #tpu.memory_space<vmem>>)
        tpu.yield
      }) : () -> ()
      "tpu.region"() ({
        %run_scoped3A = tpu.sem_alloc : memref<!tpu.dma_semaphore, #tpu.memory_space<semaphore_mem>>
        %dma_start3A = arith.constant 0 : i32
        %dma_start3A_46 = tpu.memref_slice %arg3[%mul3A_41, %dma_start3A] : memref<100000x16xf32, #tpu.memory_space<hbm>> -> memref<80x16xf32, #tpu.memory_space<hbm>>
        %dma_start3A_47 = arith.constant 0 : i32
        %dma_start3A_48 = tpu.memref_slice %arg3[%mul3A_41, %dma_start3A_47] : memref<100000x16xf32, #tpu.memory_space<hbm>> -> memref<80x16xf32, #tpu.memory_space<hbm>>
        tpu.enqueue_dma source(%dma_start3A_48 : memref<80x16xf32, #tpu.memory_space<hbm>>) target(%arg9 : memref<80x16xf32, #tpu.memory_space<vmem>>) target_semaphore(%run_scoped3A : memref<!tpu.dma_semaphore, #tpu.memory_space<semaphore_mem>>)
        %dma_wait3A = arith.constant 0 : i32
        %dma_wait3A_49 = tpu.memref_slice %arg3[%mul3A_41, %dma_wait3A] : memref<100000x16xf32, #tpu.memory_space<hbm>> -> memref<80x16xf32, #tpu.memory_space<hbm>>
        %dma_wait3A_50 = arith.constant 0 : i32
        %dma_wait3A_51 = tpu.memref_slice %arg3[%mul3A_41, %dma_wait3A_50] : memref<100000x16xf32, #tpu.memory_space<hbm>> -> memref<80x16xf32, #tpu.memory_space<hbm>>
        tpu.wait_dma2 semaphore(%run_scoped3A : memref<!tpu.dma_semaphore, #tpu.memory_space<semaphore_mem>>) src(%dma_wait3A_51 : memref<80x16xf32, #tpu.memory_space<hbm>>) dst(%arg9 : memref<80x16xf32, #tpu.memory_space<vmem>>)
        tpu.yield
      }) : () -> ()
      %scan3A = arith.constant 0 : i32
      %scan3A_42 = arith.constant 40 : i32
      %scan3A_43 = arith.addi %scan3A, %scan3A_42 : i32
      %scan3A_44 = arith.constant 1 : i32
      scf.for %scan3A_46 = %scan3A to %scan3A_43 step %scan3A_44  : i32 {
        %mul3A_47 = arith.constant 2 : i32
        %mul3A_48 = arith.muli %scan3A_46, %mul3A_47 : i32
        %add3A_49 = arith.constant 0 : i32
        %add3A_50 = arith.addi %add3A_49, %mul3A_48 : i32
        %add3A_51 = arith.constant 0 : i32
        %add3A_52 = arith.addi %add3A_50, %add3A_51 : i32
        %get3A = arith.index_cast %add3A_52 : i32 to index
        %get3A_53 = arith.constant 0 : index
        %get3A_54 = tpu.vector_load %arg8[%get3A, %get3A_53] {strides = array<i32>} : memref<80x128xf32, #tpu.memory_space<vmem>>, vector<1x16xf32>,
        %get3A_55 = vector.shape_cast %get3A_54 : vector<1x16xf32> to vector<16xf32>
        %add3A_56 = arith.constant 0 : i32
        %add3A_57 = arith.addi %add3A_50, %add3A_56 : i32
        %swap3A = arith.index_cast %add3A_57 : i32 to index
        %swap3A_58 = arith.constant 0 : index
        %swap3A_59 = tpu.vector_load %arg10[%swap3A, %swap3A_58] {strides = array<i32>} : memref<80x272xf32, #tpu.memory_space<vmem>>, vector<1x16xf32>,
        %swap3A_60 = vector.shape_cast %swap3A_59 : vector<1x16xf32> to vector<16xf32>
        %swap3A_61 = vector.shape_cast %get3A_55 : vector<16xf32> to vector<1x16xf32>
        tpu.vector_store %arg10[%swap3A, %swap3A_58], %swap3A_61 {strides = array<i32>} : memref<80x272xf32, #tpu.memory_space<vmem>>, vector<1x16xf32>,
        %mul3A_62 = arith.mulf %get3A_55, %get3A_55 : vector<16xf32>
        %add3A_63 = arith.constant 0 : i32
        %add3A_64 = arith.addi %add3A_50, %add3A_63 : i32
        %swap3A_65 = arith.index_cast %add3A_64 : i32 to index
        %swap3A_66 = arith.constant 128 : index
        %swap3A_67 = tpu.vector_load %arg10[%swap3A_65, %swap3A_66] {strides = array<i32>} : memref<80x272xf32, #tpu.memory_space<vmem>>, vector<1x16xf32>,
        %swap3A_68 = vector.shape_cast %swap3A_67 : vector<1x16xf32> to vector<16xf32>
        %swap3A_69 = vector.shape_cast %mul3A_62 : vector<16xf32> to vector<1x16xf32>
        tpu.vector_store %arg10[%swap3A_65, %swap3A_66], %swap3A_69 {strides = array<i32>} : memref<80x272xf32, #tpu.memory_space<vmem>>, vector<1x16xf32>,
        %add3A_70 = arith.constant 0 : i32
        %add3A_71 = arith.addi %add3A_50, %add3A_70 : i32
        %get3A_72 = arith.index_cast %add3A_71 : i32 to index
        %get3A_73 = arith.constant 16 : index
        %get3A_74 = tpu.vector_load %arg8[%get3A_72, %get3A_73] {strides = array<i32>} : memref<80x128xf32, #tpu.memory_space<vmem>>, vector<1x16xf32>,
        %get3A_75 = vector.shape_cast %get3A_74 : vector<1x16xf32> to vector<16xf32>
        %add3A_76 = arith.constant 0 : i32
        %add3A_77 = arith.addi %add3A_50, %add3A_76 : i32
        %swap3A_78 = arith.index_cast %add3A_77 : i32 to index
        %swap3A_79 = arith.constant 16 : index
        %swap3A_80 = tpu.vector_load %arg10[%swap3A_78, %swap3A_79] {strides = array<i32>} : memref<80x272xf32, #tpu.memory_space<vmem>>, vector<1x16xf32>,
        %swap3A_81 = vector.shape_cast %swap3A_80 : vector<1x16xf32> to vector<16xf32>
        %swap3A_82 = vector.shape_cast %get3A_75 : vector<16xf32> to vector<1x16xf32>
        tpu.vector_store %arg10[%swap3A_78, %swap3A_79], %swap3A_82 {strides = array<i32>} : memref<80x272xf32, #tpu.memory_space<vmem>>, vector<1x16xf32>,
        %mul3A_83 = arith.mulf %get3A_75, %get3A_75 : vector<16xf32>
        %add3A_84 = arith.constant 0 : i32
        %add3A_85 = arith.addi %add3A_50, %add3A_84 : i32
        %swap3A_86 = arith.index_cast %add3A_85 : i32 to index
        %swap3A_87 = arith.constant 144 : index
        %swap3A_88 = tpu.vector_load %arg10[%swap3A_86, %swap3A_87] {strides = array<i32>} : memref<80x272xf32, #tpu.memory_space<vmem>>, vector<1x16xf32>,
        %swap3A_89 = vector.shape_cast %swap3A_88 : vector<1x16xf32> to vector<16xf32>
        %swap3A_90 = vector.shape_cast %mul3A_83 : vector<16xf32> to vector<1x16xf32>
        tpu.vector_store %arg10[%swap3A_86, %swap3A_87], %swap3A_90 {strides = array<i32>} : memref<80x272xf32, #tpu.memory_space<vmem>>, vector<1x16xf32>,
        %add3A_91 = arith.constant 0 : i32
        %add3A_92 = arith.addi %add3A_50, %add3A_91 : i32
        %get3A_93 = arith.index_cast %add3A_92 : i32 to index
        %get3A_94 = arith.constant 32 : index
        %get3A_95 = tpu.vector_load %arg8[%get3A_93, %get3A_94] {strides = array<i32>} : memref<80x128xf32, #tpu.memory_space<vmem>>, vector<1x16xf32>,
        %get3A_96 = vector.shape_cast %get3A_95 : vector<1x16xf32> to vector<16xf32>
        %add3A_97 = arith.constant 0 : i32
        %add3A_98 = arith.addi %add3A_50, %add3A_97 : i32
        %swap3A_99 = arith.index_cast %add3A_98 : i32 to index
        %swap3A_100 = arith.constant 32 : index
        %swap3A_101 = tpu.vector_load %arg10[%swap3A_99, %swap3A_100] {strides = array<i32>} : memref<80x272xf32, #tpu.memory_space<vmem>>, vector<1x16xf32>,
        %swap3A_102 = vector.shape_cast %swap3A_101 : vector<1x16xf32> to vector<16xf32>
        %swap3A_103 = vector.shape_cast %get3A_96 : vector<16xf32> to vector<1x16xf32>
        tpu.vector_store %arg10[%swap3A_99, %swap3A_100], %swap3A_103 {strides = array<i32>} : memref<80x272xf32, #tpu.memory_space<vmem>>, vector<1x16xf32>,
        %mul3A_104 = arith.mulf %get3A_96, %get3A_96 : vector<16xf32>
        %add3A_105 = arith.constant 0 : i32
        %add3A_106 = arith.addi %add3A_50, %add3A_105 : i32
        %swap3A_107 = arith.index_cast %add3A_106 : i32 to index
        %swap3A_108 = arith.constant 160 : index
        %swap3A_109 = tpu.vector_load %arg10[%swap3A_107, %swap3A_108] {strides = array<i32>} : memref<80x272xf32, #tpu.memory_space<vmem>>, vector<1x16xf32>,
        %swap3A_110 = vector.shape_cast %swap3A_109 : vector<1x16xf32> to vector<16xf32>
        %swap3A_111 = vector.shape_cast %mul3A_104 : vector<16xf32> to vector<1x16xf32>
        tpu.vector_store %arg10[%swap3A_107, %swap3A_108], %swap3A_111 {strides = array<i32>} : memref<80x272xf32, #tpu.memory_space<vmem>>, vector<1x16xf32>,
        %add3A_112 = arith.constant 0 : i32
        %add3A_113 = arith.addi %add3A_50, %add3A_112 : i32
        %get3A_114 = arith.index_cast %add3A_113 : i32 to index
        %get3A_115 = arith.constant 48 : index
        %get3A_116 = tpu.vector_load %arg8[%get3A_114, %get3A_115] {strides = array<i32>} : memref<80x128xf32, #tpu.memory_space<vmem>>, vector<1x16xf32>,
        %get3A_117 = vector.shape_cast %get3A_116 : vector<1x16xf32> to vector<16xf32>
        %add3A_118 = arith.constant 0 : i32
        %add3A_119 = arith.addi %add3A_50, %add3A_118 : i32
        %swap3A_120 = arith.index_cast %add3A_119 : i32 to index
        %swap3A_121 = arith.constant 48 : index
        %swap3A_122 = tpu.vector_load %arg10[%swap3A_120, %swap3A_121] {strides = array<i32>} : memref<80x272xf32, #tpu.memory_space<vmem>>, vector<1x16xf32>,
        %swap3A_123 = vector.shape_cast %swap3A_122 : vector<1x16xf32> to vector<16xf32>
        %swap3A_124 = vector.shape_cast %get3A_117 : vector<16xf32> to vector<1x16xf32>
        tpu.vector_store %arg10[%swap3A_120, %swap3A_121], %swap3A_124 {strides = array<i32>} : memref<80x272xf32, #tpu.memory_space<vmem>>, vector<1x16xf32>,
        %mul3A_125 = arith.mulf %get3A_117, %get3A_117 : vector<16xf32>
        %add3A_126 = arith.constant 0 : i32
        %add3A_127 = arith.addi %add3A_50, %add3A_126 : i32
        %swap3A_128 = arith.index_cast %add3A_127 : i32 to index
        %swap3A_129 = arith.constant 176 : index
        %swap3A_130 = tpu.vector_load %arg10[%swap3A_128, %swap3A_129] {strides = array<i32>} : memref<80x272xf32, #tpu.memory_space<vmem>>, vector<1x16xf32>,
        %swap3A_131 = vector.shape_cast %swap3A_130 : vector<1x16xf32> to vector<16xf32>
        %swap3A_132 = vector.shape_cast %mul3A_125 : vector<16xf32> to vector<1x16xf32>
        tpu.vector_store %arg10[%swap3A_128, %swap3A_129], %swap3A_132 {strides = array<i32>} : memref<80x272xf32, #tpu.memory_space<vmem>>, vector<1x16xf32>,
        %add3A_133 = arith.constant 0 : i32
        %add3A_134 = arith.addi %add3A_50, %add3A_133 : i32
        %get3A_135 = arith.index_cast %add3A_134 : i32 to index
        %get3A_136 = arith.constant 64 : index
        %get3A_137 = tpu.vector_load %arg8[%get3A_135, %get3A_136] {strides = array<i32>} : memref<80x128xf32, #tpu.memory_space<vmem>>, vector<1x16xf32>,
        %get3A_138 = vector.shape_cast %get3A_137 : vector<1x16xf32> to vector<16xf32>
        %add3A_139 = arith.constant 0 : i32
        %add3A_140 = arith.addi %add3A_50, %add3A_139 : i32
        %swap3A_141 = arith.index_cast %add3A_140 : i32 to index
        %swap3A_142 = arith.constant 64 : index
        %swap3A_143 = tpu.vector_load %arg10[%swap3A_141, %swap3A_142] {strides = array<i32>} : memref<80x272xf32, #tpu.memory_space<vmem>>, vector<1x16xf32>,
        %swap3A_144 = vector.shape_cast %swap3A_143 : vector<1x16xf32> to vector<16xf32>
        %swap3A_145 = vector.shape_cast %get3A_138 : vector<16xf32> to vector<1x16xf32>
        tpu.vector_store %arg10[%swap3A_141, %swap3A_142], %swap3A_145 {strides = array<i32>} : memref<80x272xf32, #tpu.memory_space<vmem>>, vector<1x16xf32>,
        %mul3A_146 = arith.mulf %get3A_138, %get3A_138 : vector<16xf32>
        %add3A_147 = arith.constant 0 : i32
        %add3A_148 = arith.addi %add3A_50, %add3A_147 : i32
        %swap3A_149 = arith.index_cast %add3A_148 : i32 to index
        %swap3A_150 = arith.constant 192 : index
        %swap3A_151 = tpu.vector_load %arg10[%swap3A_149, %swap3A_150] {strides = array<i32>} : memref<80x272xf32, #tpu.memory_space<vmem>>, vector<1x16xf32>,
        %swap3A_152 = vector.shape_cast %swap3A_151 : vector<1x16xf32> to vector<16xf32>
        %swap3A_153 = vector.shape_cast %mul3A_146 : vector<16xf32> to vector<1x16xf32>
        tpu.vector_store %arg10[%swap3A_149, %swap3A_150], %swap3A_153 {strides = array<i32>} : memref<80x272xf32, #tpu.memory_space<vmem>>, vector<1x16xf32>,
        %add3A_154 = arith.constant 0 : i32
        %add3A_155 = arith.addi %add3A_50, %add3A_154 : i32
        %get3A_156 = arith.index_cast %add3A_155 : i32 to index
        %get3A_157 = arith.constant 80 : index
        %get3A_158 = tpu.vector_load %arg8[%get3A_156, %get3A_157] {strides = array<i32>} : memref<80x128xf32, #tpu.memory_space<vmem>>, vector<1x16xf32>,
        %get3A_159 = vector.shape_cast %get3A_158 : vector<1x16xf32> to vector<16xf32>
        %add3A_160 = arith.constant 0 : i32
        %add3A_161 = arith.addi %add3A_50, %add3A_160 : i32
        %swap3A_162 = arith.index_cast %add3A_161 : i32 to index
        %swap3A_163 = arith.constant 80 : index
        %swap3A_164 = tpu.vector_load %arg10[%swap3A_162, %swap3A_163] {strides = array<i32>} : memref<80x272xf32, #tpu.memory_space<vmem>>, vector<1x16xf32>,
        %swap3A_165 = vector.shape_cast %swap3A_164 : vector<1x16xf32> to vector<16xf32>
        %swap3A_166 = vector.shape_cast %get3A_159 : vector<16xf32> to vector<1x16xf32>
        tpu.vector_store %arg10[%swap3A_162, %swap3A_163], %swap3A_166 {strides = array<i32>} : memref<80x272xf32, #tpu.memory_space<vmem>>, vector<1x16xf32>,
        %mul3A_167 = arith.mulf %get3A_159, %get3A_159 : vector<16xf32>
        %add3A_168 = arith.constant 0 : i32
        %add3A_169 = arith.addi %add3A_50, %add3A_168 : i32
        %swap3A_170 = arith.index_cast %add3A_169 : i32 to index
        %swap3A_171 = arith.constant 208 : index
        %swap3A_172 = tpu.vector_load %arg10[%swap3A_170, %swap3A_171] {strides = array<i32>} : memref<80x272xf32, #tpu.memory_space<vmem>>, vector<1x16xf32>,
        %swap3A_173 = vector.shape_cast %swap3A_172 : vector<1x16xf32> to vector<16xf32>
        %swap3A_174 = vector.shape_cast %mul3A_167 : vector<16xf32> to vector<1x16xf32>
        tpu.vector_store %arg10[%swap3A_170, %swap3A_171], %swap3A_174 {strides = array<i32>} : memref<80x272xf32, #tpu.memory_space<vmem>>, vector<1x16xf32>,
        %add3A_175 = arith.constant 0 : i32
        %add3A_176 = arith.addi %add3A_50, %add3A_175 : i32
        %get3A_177 = arith.index_cast %add3A_176 : i32 to index
        %get3A_178 = arith.constant 96 : index
        %get3A_179 = tpu.vector_load %arg8[%get3A_177, %get3A_178] {strides = array<i32>} : memref<80x128xf32, #tpu.memory_space<vmem>>, vector<1x16xf32>,
        %get3A_180 = vector.shape_cast %get3A_179 : vector<1x16xf32> to vector<16xf32>
        %add3A_181 = arith.constant 0 : i32
        %add3A_182 = arith.addi %add3A_50, %add3A_181 : i32
        %swap3A_183 = arith.index_cast %add3A_182 : i32 to index
        %swap3A_184 = arith.constant 96 : index
        %swap3A_185 = tpu.vector_load %arg10[%swap3A_183, %swap3A_184] {strides = array<i32>} : memref<80x272xf32, #tpu.memory_space<vmem>>, vector<1x16xf32>,
        %swap3A_186 = vector.shape_cast %swap3A_185 : vector<1x16xf32> to vector<16xf32>
        %swap3A_187 = vector.shape_cast %get3A_180 : vector<16xf32> to vector<1x16xf32>
        tpu.vector_store %arg10[%swap3A_183, %swap3A_184], %swap3A_187 {strides = array<i32>} : memref<80x272xf32, #tpu.memory_space<vmem>>, vector<1x16xf32>,
        %mul3A_188 = arith.mulf %get3A_180, %get3A_180 : vector<16xf32>
        %add3A_189 = arith.constant 0 : i32
        %add3A_190 = arith.addi %add3A_50, %add3A_189 : i32
        %swap3A_191 = arith.index_cast %add3A_190 : i32 to index
        %swap3A_192 = arith.constant 224 : index
        %swap3A_193 = tpu.vector_load %arg10[%swap3A_191, %swap3A_192] {strides = array<i32>} : memref<80x272xf32, #tpu.memory_space<vmem>>, vector<1x16xf32>,
        %swap3A_194 = vector.shape_cast %swap3A_193 : vector<1x16xf32> to vector<16xf32>
        %swap3A_195 = vector.shape_cast %mul3A_188 : vector<16xf32> to vector<1x16xf32>
        tpu.vector_store %arg10[%swap3A_191, %swap3A_192], %swap3A_195 {strides = array<i32>} : memref<80x272xf32, #tpu.memory_space<vmem>>, vector<1x16xf32>,
        %add3A_196 = arith.constant 0 : i32
        %add3A_197 = arith.addi %add3A_50, %add3A_196 : i32
        %get3A_198 = arith.index_cast %add3A_197 : i32 to index
        %get3A_199 = arith.constant 112 : index
        %get3A_200 = tpu.vector_load %arg8[%get3A_198, %get3A_199] {strides = array<i32>} : memref<80x128xf32, #tpu.memory_space<vmem>>, vector<1x16xf32>,
        %get3A_201 = vector.shape_cast %get3A_200 : vector<1x16xf32> to vector<16xf32>
        %add3A_202 = arith.constant 0 : i32
        %add3A_203 = arith.addi %add3A_50, %add3A_202 : i32
        %swap3A_204 = arith.index_cast %add3A_203 : i32 to index
        %swap3A_205 = arith.constant 112 : index
        %swap3A_206 = tpu.vector_load %arg10[%swap3A_204, %swap3A_205] {strides = array<i32>} : memref<80x272xf32, #tpu.memory_space<vmem>>, vector<1x16xf32>,
        %swap3A_207 = vector.shape_cast %swap3A_206 : vector<1x16xf32> to vector<16xf32>
        %swap3A_208 = vector.shape_cast %get3A_201 : vector<16xf32> to vector<1x16xf32>
        tpu.vector_store %arg10[%swap3A_204, %swap3A_205], %swap3A_208 {strides = array<i32>} : memref<80x272xf32, #tpu.memory_space<vmem>>, vector<1x16xf32>,
        %mul3A_209 = arith.mulf %get3A_201, %get3A_201 : vector<16xf32>
        %add3A_210 = arith.constant 0 : i32
        %add3A_211 = arith.addi %add3A_50, %add3A_210 : i32
        %swap3A_212 = arith.index_cast %add3A_211 : i32 to index
        %swap3A_213 = arith.constant 240 : index
        %swap3A_214 = tpu.vector_load %arg10[%swap3A_212, %swap3A_213] {strides = array<i32>} : memref<80x272xf32, #tpu.memory_space<vmem>>, vector<1x16xf32>,
        %swap3A_215 = vector.shape_cast %swap3A_214 : vector<1x16xf32> to vector<16xf32>
        %swap3A_216 = vector.shape_cast %mul3A_209 : vector<16xf32> to vector<1x16xf32>
        tpu.vector_store %arg10[%swap3A_212, %swap3A_213], %swap3A_216 {strides = array<i32>} : memref<80x272xf32, #tpu.memory_space<vmem>>, vector<1x16xf32>,
        %add3A_217 = arith.constant 0 : i32
        %add3A_218 = arith.addi %add3A_50, %add3A_217 : i32
        %get3A_219 = arith.index_cast %add3A_218 : i32 to index
        %get3A_220 = arith.constant 0 : index
        %get3A_221 = tpu.vector_load %arg9[%get3A_219, %get3A_220] {strides = array<i32>} : memref<80x16xf32, #tpu.memory_space<vmem>>, vector<1x16xf32>,
        %get3A_222 = vector.shape_cast %get3A_221 : vector<1x16xf32> to vector<16xf32>
        %mul3A_223 = arith.mulf %get3A_222, %get3A_222 : vector<16xf32>
        %broadcast_in_dim3A_224 = vector.shape_cast %and3A_10 : vector<16xi32> to vector<16x1xi32>
        %gather3A = vector.shape_cast %broadcast_in_dim3A_224 : vector<16x1xi32> to vector<16xi32>
        %gather3A_225 = tpu.dynamic_gather %mul3A_223[%gather3A] in [0] : vector<16xf32>, vector<16xi32> -> vector<16xf32>
        %add3A_226 = arith.addf %get3A_222, %gather3A_225 : vector<16xf32>
        %add3A_227 = arith.addf %add3A_226, %select_n3A : vector<16xf32>
        %add3A_228 = arith.constant 0 : i32
        %add3A_229 = arith.addi %add3A_50, %add3A_228 : i32
        %swap3A_230 = arith.index_cast %add3A_229 : i32 to index
        %swap3A_231 = arith.constant 256 : index
        %swap3A_232 = tpu.vector_load %arg10[%swap3A_230, %swap3A_231] {strides = array<i32>} : memref<80x272xf32, #tpu.memory_space<vmem>>, vector<1x16xf32>,
        %swap3A_233 = vector.shape_cast %swap3A_232 : vector<1x16xf32> to vector<16xf32>
        %swap3A_234 = vector.shape_cast %add3A_227 : vector<16xf32> to vector<1x16xf32>
        tpu.vector_store %arg10[%swap3A_230, %swap3A_231], %swap3A_234 {strides = array<i32>} : memref<80x272xf32, #tpu.memory_space<vmem>>, vector<1x16xf32>,
        %add3A_235 = arith.constant 1 : i32
        %add3A_236 = arith.addi %add3A_50, %add3A_235 : i32
        %get3A_237 = arith.index_cast %add3A_236 : i32 to index
        %get3A_238 = arith.constant 0 : index
        %get3A_239 = tpu.vector_load %arg8[%get3A_237, %get3A_238] {strides = array<i32>} : memref<80x128xf32, #tpu.memory_space<vmem>>, vector<1x16xf32>,
        %get3A_240 = vector.shape_cast %get3A_239 : vector<1x16xf32> to vector<16xf32>
        %add3A_241 = arith.constant 1 : i32
        %add3A_242 = arith.addi %add3A_50, %add3A_241 : i32
        %swap3A_243 = arith.index_cast %add3A_242 : i32 to index
        %swap3A_244 = arith.constant 0 : index
        %swap3A_245 = tpu.vector_load %arg10[%swap3A_243, %swap3A_244] {strides = array<i32>} : memref<80x272xf32, #tpu.memory_space<vmem>>, vector<1x16xf32>,
        %swap3A_246 = vector.shape_cast %swap3A_245 : vector<1x16xf32> to vector<16xf32>
        %swap3A_247 = vector.shape_cast %get3A_240 : vector<16xf32> to vector<1x16xf32>
        tpu.vector_store %arg10[%swap3A_243, %swap3A_244], %swap3A_247 {strides = array<i32>} : memref<80x272xf32, #tpu.memory_space<vmem>>, vector<1x16xf32>,
        %mul3A_248 = arith.mulf %get3A_240, %get3A_240 : vector<16xf32>
        %add3A_249 = arith.constant 1 : i32
        %add3A_250 = arith.addi %add3A_50, %add3A_249 : i32
        %swap3A_251 = arith.index_cast %add3A_250 : i32 to index
        %swap3A_252 = arith.constant 128 : index
        %swap3A_253 = tpu.vector_load %arg10[%swap3A_251, %swap3A_252] {strides = array<i32>} : memref<80x272xf32, #tpu.memory_space<vmem>>, vector<1x16xf32>,
        %swap3A_254 = vector.shape_cast %swap3A_253 : vector<1x16xf32> to vector<16xf32>
        %swap3A_255 = vector.shape_cast %mul3A_248 : vector<16xf32> to vector<1x16xf32>
        tpu.vector_store %arg10[%swap3A_251, %swap3A_252], %swap3A_255 {strides = array<i32>} : memref<80x272xf32, #tpu.memory_space<vmem>>, vector<1x16xf32>,
        %add3A_256 = arith.constant 1 : i32
        %add3A_257 = arith.addi %add3A_50, %add3A_256 : i32
        %get3A_258 = arith.index_cast %add3A_257 : i32 to index
        %get3A_259 = arith.constant 16 : index
        %get3A_260 = tpu.vector_load %arg8[%get3A_258, %get3A_259] {strides = array<i32>} : memref<80x128xf32, #tpu.memory_space<vmem>>, vector<1x16xf32>,
        %get3A_261 = vector.shape_cast %get3A_260 : vector<1x16xf32> to vector<16xf32>
        %add3A_262 = arith.constant 1 : i32
        %add3A_263 = arith.addi %add3A_50, %add3A_262 : i32
        %swap3A_264 = arith.index_cast %add3A_263 : i32 to index
        %swap3A_265 = arith.constant 16 : index
        %swap3A_266 = tpu.vector_load %arg10[%swap3A_264, %swap3A_265] {strides = array<i32>} : memref<80x272xf32, #tpu.memory_space<vmem>>, vector<1x16xf32>,
        %swap3A_267 = vector.shape_cast %swap3A_266 : vector<1x16xf32> to vector<16xf32>
        %swap3A_268 = vector.shape_cast %get3A_261 : vector<16xf32> to vector<1x16xf32>
        tpu.vector_store %arg10[%swap3A_264, %swap3A_265], %swap3A_268 {strides = array<i32>} : memref<80x272xf32, #tpu.memory_space<vmem>>, vector<1x16xf32>,
        %mul3A_269 = arith.mulf %get3A_261, %get3A_261 : vector<16xf32>
        %add3A_270 = arith.constant 1 : i32
        %add3A_271 = arith.addi %add3A_50, %add3A_270 : i32
        %swap3A_272 = arith.index_cast %add3A_271 : i32 to index
        %swap3A_273 = arith.constant 144 : index
        %swap3A_274 = tpu.vector_load %arg10[%swap3A_272, %swap3A_273] {strides = array<i32>} : memref<80x272xf32, #tpu.memory_space<vmem>>, vector<1x16xf32>,
        %swap3A_275 = vector.shape_cast %swap3A_274 : vector<1x16xf32> to vector<16xf32>
        %swap3A_276 = vector.shape_cast %mul3A_269 : vector<16xf32> to vector<1x16xf32>
        tpu.vector_store %arg10[%swap3A_272, %swap3A_273], %swap3A_276 {strides = array<i32>} : memref<80x272xf32, #tpu.memory_space<vmem>>, vector<1x16xf32>,
        %add3A_277 = arith.constant 1 : i32
        %add3A_278 = arith.addi %add3A_50, %add3A_277 : i32
        %get3A_279 = arith.index_cast %add3A_278 : i32 to index
        %get3A_280 = arith.constant 32 : index
        %get3A_281 = tpu.vector_load %arg8[%get3A_279, %get3A_280] {strides = array<i32>} : memref<80x128xf32, #tpu.memory_space<vmem>>, vector<1x16xf32>,
        %get3A_282 = vector.shape_cast %get3A_281 : vector<1x16xf32> to vector<16xf32>
        %add3A_283 = arith.constant 1 : i32
        %add3A_284 = arith.addi %add3A_50, %add3A_283 : i32
        %swap3A_285 = arith.index_cast %add3A_284 : i32 to index
        %swap3A_286 = arith.constant 32 : index
        %swap3A_287 = tpu.vector_load %arg10[%swap3A_285, %swap3A_286] {strides = array<i32>} : memref<80x272xf32, #tpu.memory_space<vmem>>, vector<1x16xf32>,
        %swap3A_288 = vector.shape_cast %swap3A_287 : vector<1x16xf32> to vector<16xf32>
        %swap3A_289 = vector.shape_cast %get3A_282 : vector<16xf32> to vector<1x16xf32>
        tpu.vector_store %arg10[%swap3A_285, %swap3A_286], %swap3A_289 {strides = array<i32>} : memref<80x272xf32, #tpu.memory_space<vmem>>, vector<1x16xf32>,
        %mul3A_290 = arith.mulf %get3A_282, %get3A_282 : vector<16xf32>
        %add3A_291 = arith.constant 1 : i32
        %add3A_292 = arith.addi %add3A_50, %add3A_291 : i32
        %swap3A_293 = arith.index_cast %add3A_292 : i32 to index
        %swap3A_294 = arith.constant 160 : index
        %swap3A_295 = tpu.vector_load %arg10[%swap3A_293, %swap3A_294] {strides = array<i32>} : memref<80x272xf32, #tpu.memory_space<vmem>>, vector<1x16xf32>,
        %swap3A_296 = vector.shape_cast %swap3A_295 : vector<1x16xf32> to vector<16xf32>
        %swap3A_297 = vector.shape_cast %mul3A_290 : vector<16xf32> to vector<1x16xf32>
        tpu.vector_store %arg10[%swap3A_293, %swap3A_294], %swap3A_297 {strides = array<i32>} : memref<80x272xf32, #tpu.memory_space<vmem>>, vector<1x16xf32>,
        %add3A_298 = arith.constant 1 : i32
        %add3A_299 = arith.addi %add3A_50, %add3A_298 : i32
        %get3A_300 = arith.index_cast %add3A_299 : i32 to index
        %get3A_301 = arith.constant 48 : index
        %get3A_302 = tpu.vector_load %arg8[%get3A_300, %get3A_301] {strides = array<i32>} : memref<80x128xf32, #tpu.memory_space<vmem>>, vector<1x16xf32>,
        %get3A_303 = vector.shape_cast %get3A_302 : vector<1x16xf32> to vector<16xf32>
        %add3A_304 = arith.constant 1 : i32
        %add3A_305 = arith.addi %add3A_50, %add3A_304 : i32
        %swap3A_306 = arith.index_cast %add3A_305 : i32 to index
        %swap3A_307 = arith.constant 48 : index
        %swap3A_308 = tpu.vector_load %arg10[%swap3A_306, %swap3A_307] {strides = array<i32>} : memref<80x272xf32, #tpu.memory_space<vmem>>, vector<1x16xf32>,
        %swap3A_309 = vector.shape_cast %swap3A_308 : vector<1x16xf32> to vector<16xf32>
        %swap3A_310 = vector.shape_cast %get3A_303 : vector<16xf32> to vector<1x16xf32>
        tpu.vector_store %arg10[%swap3A_306, %swap3A_307], %swap3A_310 {strides = array<i32>} : memref<80x272xf32, #tpu.memory_space<vmem>>, vector<1x16xf32>,
        %mul3A_311 = arith.mulf %get3A_303, %get3A_303 : vector<16xf32>
        %add3A_312 = arith.constant 1 : i32
        %add3A_313 = arith.addi %add3A_50, %add3A_312 : i32
        %swap3A_314 = arith.index_cast %add3A_313 : i32 to index
        %swap3A_315 = arith.constant 176 : index
        %swap3A_316 = tpu.vector_load %arg10[%swap3A_314, %swap3A_315] {strides = array<i32>} : memref<80x272xf32, #tpu.memory_space<vmem>>, vector<1x16xf32>,
        %swap3A_317 = vector.shape_cast %swap3A_316 : vector<1x16xf32> to vector<16xf32>
        %swap3A_318 = vector.shape_cast %mul3A_311 : vector<16xf32> to vector<1x16xf32>
        tpu.vector_store %arg10[%swap3A_314, %swap3A_315], %swap3A_318 {strides = array<i32>} : memref<80x272xf32, #tpu.memory_space<vmem>>, vector<1x16xf32>,
        %add3A_319 = arith.constant 1 : i32
        %add3A_320 = arith.addi %add3A_50, %add3A_319 : i32
        %get3A_321 = arith.index_cast %add3A_320 : i32 to index
        %get3A_322 = arith.constant 64 : index
        %get3A_323 = tpu.vector_load %arg8[%get3A_321, %get3A_322] {strides = array<i32>} : memref<80x128xf32, #tpu.memory_space<vmem>>, vector<1x16xf32>,
        %get3A_324 = vector.shape_cast %get3A_323 : vector<1x16xf32> to vector<16xf32>
        %add3A_325 = arith.constant 1 : i32
        %add3A_326 = arith.addi %add3A_50, %add3A_325 : i32
        %swap3A_327 = arith.index_cast %add3A_326 : i32 to index
        %swap3A_328 = arith.constant 64 : index
        %swap3A_329 = tpu.vector_load %arg10[%swap3A_327, %swap3A_328] {strides = array<i32>} : memref<80x272xf32, #tpu.memory_space<vmem>>, vector<1x16xf32>,
        %swap3A_330 = vector.shape_cast %swap3A_329 : vector<1x16xf32> to vector<16xf32>
        %swap3A_331 = vector.shape_cast %get3A_324 : vector<16xf32> to vector<1x16xf32>
        tpu.vector_store %arg10[%swap3A_327, %swap3A_328], %swap3A_331 {strides = array<i32>} : memref<80x272xf32, #tpu.memory_space<vmem>>, vector<1x16xf32>,
        %mul3A_332 = arith.mulf %get3A_324, %get3A_324 : vector<16xf32>
        %add3A_333 = arith.constant 1 : i32
        %add3A_334 = arith.addi %add3A_50, %add3A_333 : i32
        %swap3A_335 = arith.index_cast %add3A_334 : i32 to index
        %swap3A_336 = arith.constant 192 : index
        %swap3A_337 = tpu.vector_load %arg10[%swap3A_335, %swap3A_336] {strides = array<i32>} : memref<80x272xf32, #tpu.memory_space<vmem>>, vector<1x16xf32>,
        %swap3A_338 = vector.shape_cast %swap3A_337 : vector<1x16xf32> to vector<16xf32>
        %swap3A_339 = vector.shape_cast %mul3A_332 : vector<16xf32> to vector<1x16xf32>
        tpu.vector_store %arg10[%swap3A_335, %swap3A_336], %swap3A_339 {strides = array<i32>} : memref<80x272xf32, #tpu.memory_space<vmem>>, vector<1x16xf32>,
        %add3A_340 = arith.constant 1 : i32
        %add3A_341 = arith.addi %add3A_50, %add3A_340 : i32
        %get3A_342 = arith.index_cast %add3A_341 : i32 to index
        %get3A_343 = arith.constant 80 : index
        %get3A_344 = tpu.vector_load %arg8[%get3A_342, %get3A_343] {strides = array<i32>} : memref<80x128xf32, #tpu.memory_space<vmem>>, vector<1x16xf32>,
        %get3A_345 = vector.shape_cast %get3A_344 : vector<1x16xf32> to vector<16xf32>
        %add3A_346 = arith.constant 1 : i32
        %add3A_347 = arith.addi %add3A_50, %add3A_346 : i32
        %swap3A_348 = arith.index_cast %add3A_347 : i32 to index
        %swap3A_349 = arith.constant 80 : index
        %swap3A_350 = tpu.vector_load %arg10[%swap3A_348, %swap3A_349] {strides = array<i32>} : memref<80x272xf32, #tpu.memory_space<vmem>>, vector<1x16xf32>,
        %swap3A_351 = vector.shape_cast %swap3A_350 : vector<1x16xf32> to vector<16xf32>
        %swap3A_352 = vector.shape_cast %get3A_345 : vector<16xf32> to vector<1x16xf32>
        tpu.vector_store %arg10[%swap3A_348, %swap3A_349], %swap3A_352 {strides = array<i32>} : memref<80x272xf32, #tpu.memory_space<vmem>>, vector<1x16xf32>,
        %mul3A_353 = arith.mulf %get3A_345, %get3A_345 : vector<16xf32>
        %add3A_354 = arith.constant 1 : i32
        %add3A_355 = arith.addi %add3A_50, %add3A_354 : i32
        %swap3A_356 = arith.index_cast %add3A_355 : i32 to index
        %swap3A_357 = arith.constant 208 : index
        %swap3A_358 = tpu.vector_load %arg10[%swap3A_356, %swap3A_357] {strides = array<i32>} : memref<80x272xf32, #tpu.memory_space<vmem>>, vector<1x16xf32>,
        %swap3A_359 = vector.shape_cast %swap3A_358 : vector<1x16xf32> to vector<16xf32>
        %swap3A_360 = vector.shape_cast %mul3A_353 : vector<16xf32> to vector<1x16xf32>
        tpu.vector_store %arg10[%swap3A_356, %swap3A_357], %swap3A_360 {strides = array<i32>} : memref<80x272xf32, #tpu.memory_space<vmem>>, vector<1x16xf32>,
        %add3A_361 = arith.constant 1 : i32
        %add3A_362 = arith.addi %add3A_50, %add3A_361 : i32
        %get3A_363 = arith.index_cast %add3A_362 : i32 to index
        %get3A_364 = arith.constant 96 : index
        %get3A_365 = tpu.vector_load %arg8[%get3A_363, %get3A_364] {strides = array<i32>} : memref<80x128xf32, #tpu.memory_space<vmem>>, vector<1x16xf32>,
        %get3A_366 = vector.shape_cast %get3A_365 : vector<1x16xf32> to vector<16xf32>
        %add3A_367 = arith.constant 1 : i32
        %add3A_368 = arith.addi %add3A_50, %add3A_367 : i32
        %swap3A_369 = arith.index_cast %add3A_368 : i32 to index
        %swap3A_370 = arith.constant 96 : index
        %swap3A_371 = tpu.vector_load %arg10[%swap3A_369, %swap3A_370] {strides = array<i32>} : memref<80x272xf32, #tpu.memory_space<vmem>>, vector<1x16xf32>,
        %swap3A_372 = vector.shape_cast %swap3A_371 : vector<1x16xf32> to vector<16xf32>
        %swap3A_373 = vector.shape_cast %get3A_366 : vector<16xf32> to vector<1x16xf32>
        tpu.vector_store %arg10[%swap3A_369, %swap3A_370], %swap3A_373 {strides = array<i32>} : memref<80x272xf32, #tpu.memory_space<vmem>>, vector<1x16xf32>,
        %mul3A_374 = arith.mulf %get3A_366, %get3A_366 : vector<16xf32>
        %add3A_375 = arith.constant 1 : i32
        %add3A_376 = arith.addi %add3A_50, %add3A_375 : i32
        %swap3A_377 = arith.index_cast %add3A_376 : i32 to index
        %swap3A_378 = arith.constant 224 : index
        %swap3A_379 = tpu.vector_load %arg10[%swap3A_377, %swap3A_378] {strides = array<i32>} : memref<80x272xf32, #tpu.memory_space<vmem>>, vector<1x16xf32>,
        %swap3A_380 = vector.shape_cast %swap3A_379 : vector<1x16xf32> to vector<16xf32>
        %swap3A_381 = vector.shape_cast %mul3A_374 : vector<16xf32> to vector<1x16xf32>
        tpu.vector_store %arg10[%swap3A_377, %swap3A_378], %swap3A_381 {strides = array<i32>} : memref<80x272xf32, #tpu.memory_space<vmem>>, vector<1x16xf32>,
        %add3A_382 = arith.constant 1 : i32
        %add3A_383 = arith.addi %add3A_50, %add3A_382 : i32
        %get3A_384 = arith.index_cast %add3A_383 : i32 to index
        %get3A_385 = arith.constant 112 : index
        %get3A_386 = tpu.vector_load %arg8[%get3A_384, %get3A_385] {strides = array<i32>} : memref<80x128xf32, #tpu.memory_space<vmem>>, vector<1x16xf32>,
        %get3A_387 = vector.shape_cast %get3A_386 : vector<1x16xf32> to vector<16xf32>
        %add3A_388 = arith.constant 1 : i32
        %add3A_389 = arith.addi %add3A_50, %add3A_388 : i32
        %swap3A_390 = arith.index_cast %add3A_389 : i32 to index
        %swap3A_391 = arith.constant 112 : index
        %swap3A_392 = tpu.vector_load %arg10[%swap3A_390, %swap3A_391] {strides = array<i32>} : memref<80x272xf32, #tpu.memory_space<vmem>>, vector<1x16xf32>,
        %swap3A_393 = vector.shape_cast %swap3A_392 : vector<1x16xf32> to vector<16xf32>
        %swap3A_394 = vector.shape_cast %get3A_387 : vector<16xf32> to vector<1x16xf32>
        tpu.vector_store %arg10[%swap3A_390, %swap3A_391], %swap3A_394 {strides = array<i32>} : memref<80x272xf32, #tpu.memory_space<vmem>>, vector<1x16xf32>,
        %mul3A_395 = arith.mulf %get3A_387, %get3A_387 : vector<16xf32>
        %add3A_396 = arith.constant 1 : i32
        %add3A_397 = arith.addi %add3A_50, %add3A_396 : i32
        %swap3A_398 = arith.index_cast %add3A_397 : i32 to index
        %swap3A_399 = arith.constant 240 : index
        %swap3A_400 = tpu.vector_load %arg10[%swap3A_398, %swap3A_399] {strides = array<i32>} : memref<80x272xf32, #tpu.memory_space<vmem>>, vector<1x16xf32>,
        %swap3A_401 = vector.shape_cast %swap3A_400 : vector<1x16xf32> to vector<16xf32>
        %swap3A_402 = vector.shape_cast %mul3A_395 : vector<16xf32> to vector<1x16xf32>
        tpu.vector_store %arg10[%swap3A_398, %swap3A_399], %swap3A_402 {strides = array<i32>} : memref<80x272xf32, #tpu.memory_space<vmem>>, vector<1x16xf32>,
        %add3A_403 = arith.constant 1 : i32
        %add3A_404 = arith.addi %add3A_50, %add3A_403 : i32
        %get3A_405 = arith.index_cast %add3A_404 : i32 to index
        %get3A_406 = arith.constant 0 : index
        %get3A_407 = tpu.vector_load %arg9[%get3A_405, %get3A_406] {strides = array<i32>} : memref<80x16xf32, #tpu.memory_space<vmem>>, vector<1x16xf32>,
        %get3A_408 = vector.shape_cast %get3A_407 : vector<1x16xf32> to vector<16xf32>
        %mul3A_409 = arith.mulf %get3A_408, %get3A_408 : vector<16xf32>
        %broadcast_in_dim3A_410 = vector.shape_cast %and3A_10 : vector<16xi32> to vector<16x1xi32>
        %gather3A_411 = vector.shape_cast %broadcast_in_dim3A_410 : vector<16x1xi32> to vector<16xi32>
        %gather3A_412 = tpu.dynamic_gather %mul3A_409[%gather3A_411] in [0] : vector<16xf32>, vector<16xi32> -> vector<16xf32>
        %add3A_413 = arith.addf %get3A_408, %gather3A_412 : vector<16xf32>
        %add3A_414 = arith.addf %add3A_413, %select_n3A : vector<16xf32>
        %add3A_415 = arith.constant 1 : i32
        %add3A_416 = arith.addi %add3A_50, %add3A_415 : i32
        %swap3A_417 = arith.index_cast %add3A_416 : i32 to index
        %swap3A_418 = arith.constant 256 : index
        %swap3A_419 = tpu.vector_load %arg10[%swap3A_417, %swap3A_418] {strides = array<i32>} : memref<80x272xf32, #tpu.memory_space<vmem>>, vector<1x16xf32>,
        %swap3A_420 = vector.shape_cast %swap3A_419 : vector<1x16xf32> to vector<16xf32>
        %swap3A_421 = vector.shape_cast %add3A_414 : vector<16xf32> to vector<1x16xf32>
        tpu.vector_store %arg10[%swap3A_417, %swap3A_418], %swap3A_421 {strides = array<i32>} : memref<80x272xf32, #tpu.memory_space<vmem>>, vector<1x16xf32>,
      }
      %scan3A_45 = arith.constant 40 : i32
      "tpu.region"() ({
        %run_scoped3A = tpu.sem_alloc : memref<!tpu.dma_semaphore, #tpu.memory_space<semaphore_mem>>
        %dma_start3A = arith.constant 0 : i32
        %dma_start3A_46 = arith.constant 0 : i32
        %dma_start3A_47 = tpu.memref_slice %arg11[%dma_start3A, %dma_start3A_46] : memref<5120x272xf32, #tpu.memory_space<vmem_shared>> -> memref<5120x272xf32, #tpu.memory_space<vmem_shared>>
        tpu.enqueue_indirect_dma source(%arg10 : memref<80x272xf32, #tpu.memory_space<vmem>>) target(%dma_start3A_47 : memref<5120x272xf32, #tpu.memory_space<vmem_shared>>) offsets(%arg7 : memref<80xi32, #tpu.memory_space<vmem>>) semaphore(%run_scoped3A : memref<!tpu.dma_semaphore, #tpu.memory_space<semaphore_mem>>) {add = true}
        %dma_wait3A = arith.constant 0 : i32
        %dma_wait3A_48 = arith.constant 0 : i32
        %dma_wait3A_49 = tpu.memref_slice %arg11[%dma_wait3A, %dma_wait3A_48] : memref<5120x272xf32, #tpu.memory_space<vmem_shared>> -> memref<5120x272xf32, #tpu.memory_space<vmem_shared>>
        tpu.wait_indirect_dma semaphore(%run_scoped3A : memref<!tpu.dma_semaphore, #tpu.memory_space<semaphore_mem>>) src(%arg10 : memref<80x272xf32, #tpu.memory_space<vmem>>) dst(%dma_wait3A_49 : memref<5120x272xf32, #tpu.memory_space<vmem_shared>>)
        tpu.yield
      }) : () -> ()
    }
    %while3A_31 = arith.constant 1 : i32
    scf.for %while3A_37 = %while3A_29 to %while3A_25 step %while3A_31  : i32 {
      %mul3A_38 = arith.muli %while3A_37, %while3A : i32
      %add3A_39 = arith.addi %add3A, %mul3A_38 : i32
      %mul3A_40 = arith.constant 80 : i32
      %mul3A_41 = arith.muli %add3A_39, %mul3A_40 : i32
      "tpu.region"() ({
        %run_scoped3A = tpu.sem_alloc : memref<!tpu.dma_semaphore, #tpu.memory_space<semaphore_mem>>
        %dma_start3A = tpu.memref_slice %arg4[%mul3A_41] : memref<100000xi32, #tpu.memory_space<hbm>> -> memref<80xi32, #tpu.memory_space<hbm>>
        %dma_start3A_46 = tpu.memref_slice %arg4[%mul3A_41] : memref<100000xi32, #tpu.memory_space<hbm>> -> memref<80xi32, #tpu.memory_space<hbm>>
        tpu.enqueue_dma source(%dma_start3A_46 : memref<80xi32, #tpu.memory_space<hbm>>) target(%arg7 : memref<80xi32, #tpu.memory_space<vmem>>) target_semaphore(%run_scoped3A : memref<!tpu.dma_semaphore, #tpu.memory_space<semaphore_mem>>)
        %dma_wait3A = tpu.memref_slice %arg4[%mul3A_41] : memref<100000xi32, #tpu.memory_space<hbm>> -> memref<80xi32, #tpu.memory_space<hbm>>
        %dma_wait3A_47 = tpu.memref_slice %arg4[%mul3A_41] : memref<100000xi32, #tpu.memory_space<hbm>> -> memref<80xi32, #tpu.memory_space<hbm>>
        tpu.wait_dma2 semaphore(%run_scoped3A : memref<!tpu.dma_semaphore, #tpu.memory_space<semaphore_mem>>) src(%dma_wait3A_47 : memref<80xi32, #tpu.memory_space<hbm>>) dst(%arg7 : memref<80xi32, #tpu.memory_space<vmem>>)
        tpu.yield
      }) : () -> ()
      "tpu.region"() ({
        %run_scoped3A = tpu.sem_alloc : memref<!tpu.dma_semaphore, #tpu.memory_space<semaphore_mem>>
        %dma_start3A = arith.constant 0 : i32
        %dma_start3A_46 = tpu.memref_slice %arg2[%mul3A_41, %dma_start3A] : memref<100000x128xf32, #tpu.memory_space<hbm>> -> memref<80x128xf32, #tpu.memory_space<hbm>>
        %dma_start3A_47 = arith.constant 0 : i32
        %dma_start3A_48 = tpu.memref_slice %arg2[%mul3A_41, %dma_start3A_47] : memref<100000x128xf32, #tpu.memory_space<hbm>> -> memref<80x128xf32, #tpu.memory_space<hbm>>
        tpu.enqueue_dma source(%dma_start3A_48 : memref<80x128xf32, #tpu.memory_space<hbm>>) target(%arg8 : memref<80x128xf32, #tpu.memory_space<vmem>>) target_semaphore(%run_scoped3A : memref<!tpu.dma_semaphore, #tpu.memory_space<semaphore_mem>>)
        %dma_wait3A = arith.constant 0 : i32
        %dma_wait3A_49 = tpu.memref_slice %arg2[%mul3A_41, %dma_wait3A] : memref<100000x128xf32, #tpu.memory_space<hbm>> -> memref<80x128xf32, #tpu.memory_space<hbm>>
        %dma_wait3A_50 = arith.constant 0 : i32
        %dma_wait3A_51 = tpu.memref_slice %arg2[%mul3A_41, %dma_wait3A_50] : memref<100000x128xf32, #tpu.memory_space<hbm>> -> memref<80x128xf32, #tpu.memory_space<hbm>>
        tpu.wait_dma2 semaphore(%run_scoped3A : memref<!tpu.dma_semaphore, #tpu.memory_space<semaphore_mem>>) src(%dma_wait3A_51 : memref<80x128xf32, #tpu.memory_space<hbm>>) dst(%arg8 : memref<80x128xf32, #tpu.memory_space<vmem>>)
        tpu.yield
      }) : () -> ()
      "tpu.region"() ({
        %run_scoped3A = tpu.sem_alloc : memref<!tpu.dma_semaphore, #tpu.memory_space<semaphore_mem>>
        %dma_start3A = arith.constant 0 : i32
        %dma_start3A_46 = tpu.memref_slice %arg3[%mul3A_41, %dma_start3A] : memref<100000x16xf32, #tpu.memory_space<hbm>> -> memref<80x16xf32, #tpu.memory_space<hbm>>
        %dma_start3A_47 = arith.constant 0 : i32
        %dma_start3A_48 = tpu.memref_slice %arg3[%mul3A_41, %dma_start3A_47] : memref<100000x16xf32, #tpu.memory_space<hbm>> -> memref<80x16xf32, #tpu.memory_space<hbm>>
        tpu.enqueue_dma source(%dma_start3A_48 : memref<80x16xf32, #tpu.memory_space<hbm>>) target(%arg9 : memref<80x16xf32, #tpu.memory_space<vmem>>) target_semaphore(%run_scoped3A : memref<!tpu.dma_semaphore, #tpu.memory_space<semaphore_mem>>)
        %dma_wait3A = arith.constant 0 : i32
        %dma_wait3A_49 = tpu.memref_slice %arg3[%mul3A_41, %dma_wait3A] : memref<100000x16xf32, #tpu.memory_space<hbm>> -> memref<80x16xf32, #tpu.memory_space<hbm>>
        %dma_wait3A_50 = arith.constant 0 : i32
        %dma_wait3A_51 = tpu.memref_slice %arg3[%mul3A_41, %dma_wait3A_50] : memref<100000x16xf32, #tpu.memory_space<hbm>> -> memref<80x16xf32, #tpu.memory_space<hbm>>
        tpu.wait_dma2 semaphore(%run_scoped3A : memref<!tpu.dma_semaphore, #tpu.memory_space<semaphore_mem>>) src(%dma_wait3A_51 : memref<80x16xf32, #tpu.memory_space<hbm>>) dst(%arg9 : memref<80x16xf32, #tpu.memory_space<vmem>>)
        tpu.yield
      }) : () -> ()
      %scan3A = arith.constant 0 : i32
      %scan3A_42 = arith.constant 40 : i32
      %scan3A_43 = arith.addi %scan3A, %scan3A_42 : i32
      %scan3A_44 = arith.constant 1 : i32
      scf.for %scan3A_46 = %scan3A to %scan3A_43 step %scan3A_44  : i32 {
        %mul3A_47 = arith.constant 2 : i32
        %mul3A_48 = arith.muli %scan3A_46, %mul3A_47 : i32
        %add3A_49 = arith.constant 0 : i32
        %add3A_50 = arith.addi %add3A_49, %mul3A_48 : i32
        %add3A_51 = arith.constant 0 : i32
        %add3A_52 = arith.addi %add3A_50, %add3A_51 : i32
        %get3A = arith.index_cast %add3A_52 : i32 to index
        %get3A_53 = arith.constant 0 : index
        %get3A_54 = tpu.vector_load %arg8[%get3A, %get3A_53] {strides = array<i32>} : memref<80x128xf32, #tpu.memory_space<vmem>>, vector<1x16xf32>,
        %get3A_55 = vector.shape_cast %get3A_54 : vector<1x16xf32> to vector<16xf32>
        %add3A_56 = arith.constant 0 : i32
        %add3A_57 = arith.addi %add3A_50, %add3A_56 : i32
        %swap3A = arith.index_cast %add3A_57 : i32 to index
        %swap3A_58 = arith.constant 0 : index
        %swap3A_59 = tpu.vector_load %arg10[%swap3A, %swap3A_58] {strides = array<i32>} : memref<80x272xf32, #tpu.memory_space<vmem>>, vector<1x16xf32>,
        %swap3A_60 = vector.shape_cast %swap3A_59 : vector<1x16xf32> to vector<16xf32>
        %swap3A_61 = vector.shape_cast %get3A_55 : vector<16xf32> to vector<1x16xf32>
        tpu.vector_store %arg10[%swap3A, %swap3A_58], %swap3A_61 {strides = array<i32>} : memref<80x272xf32, #tpu.memory_space<vmem>>, vector<1x16xf32>,
        %mul3A_62 = arith.mulf %get3A_55, %get3A_55 : vector<16xf32>
        %add3A_63 = arith.constant 0 : i32
        %add3A_64 = arith.addi %add3A_50, %add3A_63 : i32
        %swap3A_65 = arith.index_cast %add3A_64 : i32 to index
        %swap3A_66 = arith.constant 128 : index
        %swap3A_67 = tpu.vector_load %arg10[%swap3A_65, %swap3A_66] {strides = array<i32>} : memref<80x272xf32, #tpu.memory_space<vmem>>, vector<1x16xf32>,
        %swap3A_68 = vector.shape_cast %swap3A_67 : vector<1x16xf32> to vector<16xf32>
        %swap3A_69 = vector.shape_cast %mul3A_62 : vector<16xf32> to vector<1x16xf32>
        tpu.vector_store %arg10[%swap3A_65, %swap3A_66], %swap3A_69 {strides = array<i32>} : memref<80x272xf32, #tpu.memory_space<vmem>>, vector<1x16xf32>,
        %add3A_70 = arith.constant 0 : i32
        %add3A_71 = arith.addi %add3A_50, %add3A_70 : i32
        %get3A_72 = arith.index_cast %add3A_71 : i32 to index
        %get3A_73 = arith.constant 16 : index
        %get3A_74 = tpu.vector_load %arg8[%get3A_72, %get3A_73] {strides = array<i32>} : memref<80x128xf32, #tpu.memory_space<vmem>>, vector<1x16xf32>,
        %get3A_75 = vector.shape_cast %get3A_74 : vector<1x16xf32> to vector<16xf32>
        %add3A_76 = arith.constant 0 : i32
        %add3A_77 = arith.addi %add3A_50, %add3A_76 : i32
        %swap3A_78 = arith.index_cast %add3A_77 : i32 to index
        %swap3A_79 = arith.constant 16 : index
        %swap3A_80 = tpu.vector_load %arg10[%swap3A_78, %swap3A_79] {strides = array<i32>} : memref<80x272xf32, #tpu.memory_space<vmem>>, vector<1x16xf32>,
        %swap3A_81 = vector.shape_cast %swap3A_80 : vector<1x16xf32> to vector<16xf32>
        %swap3A_82 = vector.shape_cast %get3A_75 : vector<16xf32> to vector<1x16xf32>
        tpu.vector_store %arg10[%swap3A_78, %swap3A_79], %swap3A_82 {strides = array<i32>} : memref<80x272xf32, #tpu.memory_space<vmem>>, vector<1x16xf32>,
        %mul3A_83 = arith.mulf %get3A_75, %get3A_75 : vector<16xf32>
        %add3A_84 = arith.constant 0 : i32
        %add3A_85 = arith.addi %add3A_50, %add3A_84 : i32
        %swap3A_86 = arith.index_cast %add3A_85 : i32 to index
        %swap3A_87 = arith.constant 144 : index
        %swap3A_88 = tpu.vector_load %arg10[%swap3A_86, %swap3A_87] {strides = array<i32>} : memref<80x272xf32, #tpu.memory_space<vmem>>, vector<1x16xf32>,
        %swap3A_89 = vector.shape_cast %swap3A_88 : vector<1x16xf32> to vector<16xf32>
        %swap3A_90 = vector.shape_cast %mul3A_83 : vector<16xf32> to vector<1x16xf32>
        tpu.vector_store %arg10[%swap3A_86, %swap3A_87], %swap3A_90 {strides = array<i32>} : memref<80x272xf32, #tpu.memory_space<vmem>>, vector<1x16xf32>,
        %add3A_91 = arith.constant 0 : i32
        %add3A_92 = arith.addi %add3A_50, %add3A_91 : i32
        %get3A_93 = arith.index_cast %add3A_92 : i32 to index
        %get3A_94 = arith.constant 32 : index
        %get3A_95 = tpu.vector_load %arg8[%get3A_93, %get3A_94] {strides = array<i32>} : memref<80x128xf32, #tpu.memory_space<vmem>>, vector<1x16xf32>,
        %get3A_96 = vector.shape_cast %get3A_95 : vector<1x16xf32> to vector<16xf32>
        %add3A_97 = arith.constant 0 : i32
        %add3A_98 = arith.addi %add3A_50, %add3A_97 : i32
        %swap3A_99 = arith.index_cast %add3A_98 : i32 to index
        %swap3A_100 = arith.constant 32 : index
        %swap3A_101 = tpu.vector_load %arg10[%swap3A_99, %swap3A_100] {strides = array<i32>} : memref<80x272xf32, #tpu.memory_space<vmem>>, vector<1x16xf32>,
        %swap3A_102 = vector.shape_cast %swap3A_101 : vector<1x16xf32> to vector<16xf32>
        %swap3A_103 = vector.shape_cast %get3A_96 : vector<16xf32> to vector<1x16xf32>
        tpu.vector_store %arg10[%swap3A_99, %swap3A_100], %swap3A_103 {strides = array<i32>} : memref<80x272xf32, #tpu.memory_space<vmem>>, vector<1x16xf32>,
        %mul3A_104 = arith.mulf %get3A_96, %get3A_96 : vector<16xf32>
        %add3A_105 = arith.constant 0 : i32
        %add3A_106 = arith.addi %add3A_50, %add3A_105 : i32
        %swap3A_107 = arith.index_cast %add3A_106 : i32 to index
        %swap3A_108 = arith.constant 160 : index
        %swap3A_109 = tpu.vector_load %arg10[%swap3A_107, %swap3A_108] {strides = array<i32>} : memref<80x272xf32, #tpu.memory_space<vmem>>, vector<1x16xf32>,
        %swap3A_110 = vector.shape_cast %swap3A_109 : vector<1x16xf32> to vector<16xf32>
        %swap3A_111 = vector.shape_cast %mul3A_104 : vector<16xf32> to vector<1x16xf32>
        tpu.vector_store %arg10[%swap3A_107, %swap3A_108], %swap3A_111 {strides = array<i32>} : memref<80x272xf32, #tpu.memory_space<vmem>>, vector<1x16xf32>,
        %add3A_112 = arith.constant 0 : i32
        %add3A_113 = arith.addi %add3A_50, %add3A_112 : i32
        %get3A_114 = arith.index_cast %add3A_113 : i32 to index
        %get3A_115 = arith.constant 48 : index
        %get3A_116 = tpu.vector_load %arg8[%get3A_114, %get3A_115] {strides = array<i32>} : memref<80x128xf32, #tpu.memory_space<vmem>>, vector<1x16xf32>,
        %get3A_117 = vector.shape_cast %get3A_116 : vector<1x16xf32> to vector<16xf32>
        %add3A_118 = arith.constant 0 : i32
        %add3A_119 = arith.addi %add3A_50, %add3A_118 : i32
        %swap3A_120 = arith.index_cast %add3A_119 : i32 to index
        %swap3A_121 = arith.constant 48 : index
        %swap3A_122 = tpu.vector_load %arg10[%swap3A_120, %swap3A_121] {strides = array<i32>} : memref<80x272xf32, #tpu.memory_space<vmem>>, vector<1x16xf32>,
        %swap3A_123 = vector.shape_cast %swap3A_122 : vector<1x16xf32> to vector<16xf32>
        %swap3A_124 = vector.shape_cast %get3A_117 : vector<16xf32> to vector<1x16xf32>
        tpu.vector_store %arg10[%swap3A_120, %swap3A_121], %swap3A_124 {strides = array<i32>} : memref<80x272xf32, #tpu.memory_space<vmem>>, vector<1x16xf32>,
        %mul3A_125 = arith.mulf %get3A_117, %get3A_117 : vector<16xf32>
        %add3A_126 = arith.constant 0 : i32
        %add3A_127 = arith.addi %add3A_50, %add3A_126 : i32
        %swap3A_128 = arith.index_cast %add3A_127 : i32 to index
        %swap3A_129 = arith.constant 176 : index
        %swap3A_130 = tpu.vector_load %arg10[%swap3A_128, %swap3A_129] {strides = array<i32>} : memref<80x272xf32, #tpu.memory_space<vmem>>, vector<1x16xf32>,
        %swap3A_131 = vector.shape_cast %swap3A_130 : vector<1x16xf32> to vector<16xf32>
        %swap3A_132 = vector.shape_cast %mul3A_125 : vector<16xf32> to vector<1x16xf32>
        tpu.vector_store %arg10[%swap3A_128, %swap3A_129], %swap3A_132 {strides = array<i32>} : memref<80x272xf32, #tpu.memory_space<vmem>>, vector<1x16xf32>,
        %add3A_133 = arith.constant 0 : i32
        %add3A_134 = arith.addi %add3A_50, %add3A_133 : i32
        %get3A_135 = arith.index_cast %add3A_134 : i32 to index
        %get3A_136 = arith.constant 64 : index
        %get3A_137 = tpu.vector_load %arg8[%get3A_135, %get3A_136] {strides = array<i32>} : memref<80x128xf32, #tpu.memory_space<vmem>>, vector<1x16xf32>,
        %get3A_138 = vector.shape_cast %get3A_137 : vector<1x16xf32> to vector<16xf32>
        %add3A_139 = arith.constant 0 : i32
        %add3A_140 = arith.addi %add3A_50, %add3A_139 : i32
        %swap3A_141 = arith.index_cast %add3A_140 : i32 to index
        %swap3A_142 = arith.constant 64 : index
        %swap3A_143 = tpu.vector_load %arg10[%swap3A_141, %swap3A_142] {strides = array<i32>} : memref<80x272xf32, #tpu.memory_space<vmem>>, vector<1x16xf32>,
        %swap3A_144 = vector.shape_cast %swap3A_143 : vector<1x16xf32> to vector<16xf32>
        %swap3A_145 = vector.shape_cast %get3A_138 : vector<16xf32> to vector<1x16xf32>
        tpu.vector_store %arg10[%swap3A_141, %swap3A_142], %swap3A_145 {strides = array<i32>} : memref<80x272xf32, #tpu.memory_space<vmem>>, vector<1x16xf32>,
        %mul3A_146 = arith.mulf %get3A_138, %get3A_138 : vector<16xf32>
        %add3A_147 = arith.constant 0 : i32
        %add3A_148 = arith.addi %add3A_50, %add3A_147 : i32
        %swap3A_149 = arith.index_cast %add3A_148 : i32 to index
        %swap3A_150 = arith.constant 192 : index
        %swap3A_151 = tpu.vector_load %arg10[%swap3A_149, %swap3A_150] {strides = array<i32>} : memref<80x272xf32, #tpu.memory_space<vmem>>, vector<1x16xf32>,
        %swap3A_152 = vector.shape_cast %swap3A_151 : vector<1x16xf32> to vector<16xf32>
        %swap3A_153 = vector.shape_cast %mul3A_146 : vector<16xf32> to vector<1x16xf32>
        tpu.vector_store %arg10[%swap3A_149, %swap3A_150], %swap3A_153 {strides = array<i32>} : memref<80x272xf32, #tpu.memory_space<vmem>>, vector<1x16xf32>,
        %add3A_154 = arith.constant 0 : i32
        %add3A_155 = arith.addi %add3A_50, %add3A_154 : i32
        %get3A_156 = arith.index_cast %add3A_155 : i32 to index
        %get3A_157 = arith.constant 80 : index
        %get3A_158 = tpu.vector_load %arg8[%get3A_156, %get3A_157] {strides = array<i32>} : memref<80x128xf32, #tpu.memory_space<vmem>>, vector<1x16xf32>,
        %get3A_159 = vector.shape_cast %get3A_158 : vector<1x16xf32> to vector<16xf32>
        %add3A_160 = arith.constant 0 : i32
        %add3A_161 = arith.addi %add3A_50, %add3A_160 : i32
        %swap3A_162 = arith.index_cast %add3A_161 : i32 to index
        %swap3A_163 = arith.constant 80 : index
        %swap3A_164 = tpu.vector_load %arg10[%swap3A_162, %swap3A_163] {strides = array<i32>} : memref<80x272xf32, #tpu.memory_space<vmem>>, vector<1x16xf32>,
        %swap3A_165 = vector.shape_cast %swap3A_164 : vector<1x16xf32> to vector<16xf32>
        %swap3A_166 = vector.shape_cast %get3A_159 : vector<16xf32> to vector<1x16xf32>
        tpu.vector_store %arg10[%swap3A_162, %swap3A_163], %swap3A_166 {strides = array<i32>} : memref<80x272xf32, #tpu.memory_space<vmem>>, vector<1x16xf32>,
        %mul3A_167 = arith.mulf %get3A_159, %get3A_159 : vector<16xf32>
        %add3A_168 = arith.constant 0 : i32
        %add3A_169 = arith.addi %add3A_50, %add3A_168 : i32
        %swap3A_170 = arith.index_cast %add3A_169 : i32 to index
        %swap3A_171 = arith.constant 208 : index
        %swap3A_172 = tpu.vector_load %arg10[%swap3A_170, %swap3A_171] {strides = array<i32>} : memref<80x272xf32, #tpu.memory_space<vmem>>, vector<1x16xf32>,
        %swap3A_173 = vector.shape_cast %swap3A_172 : vector<1x16xf32> to vector<16xf32>
        %swap3A_174 = vector.shape_cast %mul3A_167 : vector<16xf32> to vector<1x16xf32>
        tpu.vector_store %arg10[%swap3A_170, %swap3A_171], %swap3A_174 {strides = array<i32>} : memref<80x272xf32, #tpu.memory_space<vmem>>, vector<1x16xf32>,
        %add3A_175 = arith.constant 0 : i32
        %add3A_176 = arith.addi %add3A_50, %add3A_175 : i32
        %get3A_177 = arith.index_cast %add3A_176 : i32 to index
        %get3A_178 = arith.constant 96 : index
        %get3A_179 = tpu.vector_load %arg8[%get3A_177, %get3A_178] {strides = array<i32>} : memref<80x128xf32, #tpu.memory_space<vmem>>, vector<1x16xf32>,
        %get3A_180 = vector.shape_cast %get3A_179 : vector<1x16xf32> to vector<16xf32>
        %add3A_181 = arith.constant 0 : i32
        %add3A_182 = arith.addi %add3A_50, %add3A_181 : i32
        %swap3A_183 = arith.index_cast %add3A_182 : i32 to index
        %swap3A_184 = arith.constant 96 : index
        %swap3A_185 = tpu.vector_load %arg10[%swap3A_183, %swap3A_184] {strides = array<i32>} : memref<80x272xf32, #tpu.memory_space<vmem>>, vector<1x16xf32>,
        %swap3A_186 = vector.shape_cast %swap3A_185 : vector<1x16xf32> to vector<16xf32>
        %swap3A_187 = vector.shape_cast %get3A_180 : vector<16xf32> to vector<1x16xf32>
        tpu.vector_store %arg10[%swap3A_183, %swap3A_184], %swap3A_187 {strides = array<i32>} : memref<80x272xf32, #tpu.memory_space<vmem>>, vector<1x16xf32>,
        %mul3A_188 = arith.mulf %get3A_180, %get3A_180 : vector<16xf32>
        %add3A_189 = arith.constant 0 : i32
        %add3A_190 = arith.addi %add3A_50, %add3A_189 : i32
        %swap3A_191 = arith.index_cast %add3A_190 : i32 to index
        %swap3A_192 = arith.constant 224 : index
        %swap3A_193 = tpu.vector_load %arg10[%swap3A_191, %swap3A_192] {strides = array<i32>} : memref<80x272xf32, #tpu.memory_space<vmem>>, vector<1x16xf32>,
        %swap3A_194 = vector.shape_cast %swap3A_193 : vector<1x16xf32> to vector<16xf32>
        %swap3A_195 = vector.shape_cast %mul3A_188 : vector<16xf32> to vector<1x16xf32>
        tpu.vector_store %arg10[%swap3A_191, %swap3A_192], %swap3A_195 {strides = array<i32>} : memref<80x272xf32, #tpu.memory_space<vmem>>, vector<1x16xf32>,
        %add3A_196 = arith.constant 0 : i32
        %add3A_197 = arith.addi %add3A_50, %add3A_196 : i32
        %get3A_198 = arith.index_cast %add3A_197 : i32 to index
        %get3A_199 = arith.constant 112 : index
        %get3A_200 = tpu.vector_load %arg8[%get3A_198, %get3A_199] {strides = array<i32>} : memref<80x128xf32, #tpu.memory_space<vmem>>, vector<1x16xf32>,
        %get3A_201 = vector.shape_cast %get3A_200 : vector<1x16xf32> to vector<16xf32>
        %add3A_202 = arith.constant 0 : i32
        %add3A_203 = arith.addi %add3A_50, %add3A_202 : i32
        %swap3A_204 = arith.index_cast %add3A_203 : i32 to index
        %swap3A_205 = arith.constant 112 : index
        %swap3A_206 = tpu.vector_load %arg10[%swap3A_204, %swap3A_205] {strides = array<i32>} : memref<80x272xf32, #tpu.memory_space<vmem>>, vector<1x16xf32>,
        %swap3A_207 = vector.shape_cast %swap3A_206 : vector<1x16xf32> to vector<16xf32>
        %swap3A_208 = vector.shape_cast %get3A_201 : vector<16xf32> to vector<1x16xf32>
        tpu.vector_store %arg10[%swap3A_204, %swap3A_205], %swap3A_208 {strides = array<i32>} : memref<80x272xf32, #tpu.memory_space<vmem>>, vector<1x16xf32>,
        %mul3A_209 = arith.mulf %get3A_201, %get3A_201 : vector<16xf32>
        %add3A_210 = arith.constant 0 : i32
        %add3A_211 = arith.addi %add3A_50, %add3A_210 : i32
        %swap3A_212 = arith.index_cast %add3A_211 : i32 to index
        %swap3A_213 = arith.constant 240 : index
        %swap3A_214 = tpu.vector_load %arg10[%swap3A_212, %swap3A_213] {strides = array<i32>} : memref<80x272xf32, #tpu.memory_space<vmem>>, vector<1x16xf32>,
        %swap3A_215 = vector.shape_cast %swap3A_214 : vector<1x16xf32> to vector<16xf32>
        %swap3A_216 = vector.shape_cast %mul3A_209 : vector<16xf32> to vector<1x16xf32>
        tpu.vector_store %arg10[%swap3A_212, %swap3A_213], %swap3A_216 {strides = array<i32>} : memref<80x272xf32, #tpu.memory_space<vmem>>, vector<1x16xf32>,
        %add3A_217 = arith.constant 0 : i32
        %add3A_218 = arith.addi %add3A_50, %add3A_217 : i32
        %get3A_219 = arith.index_cast %add3A_218 : i32 to index
        %get3A_220 = arith.constant 0 : index
        %get3A_221 = tpu.vector_load %arg9[%get3A_219, %get3A_220] {strides = array<i32>} : memref<80x16xf32, #tpu.memory_space<vmem>>, vector<1x16xf32>,
        %get3A_222 = vector.shape_cast %get3A_221 : vector<1x16xf32> to vector<16xf32>
        %mul3A_223 = arith.mulf %get3A_222, %get3A_222 : vector<16xf32>
        %broadcast_in_dim3A_224 = vector.shape_cast %and3A_10 : vector<16xi32> to vector<16x1xi32>
        %gather3A = vector.shape_cast %broadcast_in_dim3A_224 : vector<16x1xi32> to vector<16xi32>
        %gather3A_225 = tpu.dynamic_gather %mul3A_223[%gather3A] in [0] : vector<16xf32>, vector<16xi32> -> vector<16xf32>
        %add3A_226 = arith.addf %get3A_222, %gather3A_225 : vector<16xf32>
        %add3A_227 = arith.addf %add3A_226, %select_n3A : vector<16xf32>
        %add3A_228 = arith.constant 0 : i32
        %add3A_229 = arith.addi %add3A_50, %add3A_228 : i32
        %swap3A_230 = arith.index_cast %add3A_229 : i32 to index
        %swap3A_231 = arith.constant 256 : index
        %swap3A_232 = tpu.vector_load %arg10[%swap3A_230, %swap3A_231] {strides = array<i32>} : memref<80x272xf32, #tpu.memory_space<vmem>>, vector<1x16xf32>,
        %swap3A_233 = vector.shape_cast %swap3A_232 : vector<1x16xf32> to vector<16xf32>
        %swap3A_234 = vector.shape_cast %add3A_227 : vector<16xf32> to vector<1x16xf32>
        tpu.vector_store %arg10[%swap3A_230, %swap3A_231], %swap3A_234 {strides = array<i32>} : memref<80x272xf32, #tpu.memory_space<vmem>>, vector<1x16xf32>,
        %add3A_235 = arith.constant 1 : i32
        %add3A_236 = arith.addi %add3A_50, %add3A_235 : i32
        %get3A_237 = arith.index_cast %add3A_236 : i32 to index
        %get3A_238 = arith.constant 0 : index
        %get3A_239 = tpu.vector_load %arg8[%get3A_237, %get3A_238] {strides = array<i32>} : memref<80x128xf32, #tpu.memory_space<vmem>>, vector<1x16xf32>,
        %get3A_240 = vector.shape_cast %get3A_239 : vector<1x16xf32> to vector<16xf32>
        %add3A_241 = arith.constant 1 : i32
        %add3A_242 = arith.addi %add3A_50, %add3A_241 : i32
        %swap3A_243 = arith.index_cast %add3A_242 : i32 to index
        %swap3A_244 = arith.constant 0 : index
        %swap3A_245 = tpu.vector_load %arg10[%swap3A_243, %swap3A_244] {strides = array<i32>} : memref<80x272xf32, #tpu.memory_space<vmem>>, vector<1x16xf32>,
        %swap3A_246 = vector.shape_cast %swap3A_245 : vector<1x16xf32> to vector<16xf32>
        %swap3A_247 = vector.shape_cast %get3A_240 : vector<16xf32> to vector<1x16xf32>
        tpu.vector_store %arg10[%swap3A_243, %swap3A_244], %swap3A_247 {strides = array<i32>} : memref<80x272xf32, #tpu.memory_space<vmem>>, vector<1x16xf32>,
        %mul3A_248 = arith.mulf %get3A_240, %get3A_240 : vector<16xf32>
        %add3A_249 = arith.constant 1 : i32
        %add3A_250 = arith.addi %add3A_50, %add3A_249 : i32
        %swap3A_251 = arith.index_cast %add3A_250 : i32 to index
        %swap3A_252 = arith.constant 128 : index
        %swap3A_253 = tpu.vector_load %arg10[%swap3A_251, %swap3A_252] {strides = array<i32>} : memref<80x272xf32, #tpu.memory_space<vmem>>, vector<1x16xf32>,
        %swap3A_254 = vector.shape_cast %swap3A_253 : vector<1x16xf32> to vector<16xf32>
        %swap3A_255 = vector.shape_cast %mul3A_248 : vector<16xf32> to vector<1x16xf32>
        tpu.vector_store %arg10[%swap3A_251, %swap3A_252], %swap3A_255 {strides = array<i32>} : memref<80x272xf32, #tpu.memory_space<vmem>>, vector<1x16xf32>,
        %add3A_256 = arith.constant 1 : i32
        %add3A_257 = arith.addi %add3A_50, %add3A_256 : i32
        %get3A_258 = arith.index_cast %add3A_257 : i32 to index
        %get3A_259 = arith.constant 16 : index
        %get3A_260 = tpu.vector_load %arg8[%get3A_258, %get3A_259] {strides = array<i32>} : memref<80x128xf32, #tpu.memory_space<vmem>>, vector<1x16xf32>,
        %get3A_261 = vector.shape_cast %get3A_260 : vector<1x16xf32> to vector<16xf32>
        %add3A_262 = arith.constant 1 : i32
        %add3A_263 = arith.addi %add3A_50, %add3A_262 : i32
        %swap3A_264 = arith.index_cast %add3A_263 : i32 to index
        %swap3A_265 = arith.constant 16 : index
        %swap3A_266 = tpu.vector_load %arg10[%swap3A_264, %swap3A_265] {strides = array<i32>} : memref<80x272xf32, #tpu.memory_space<vmem>>, vector<1x16xf32>,
        %swap3A_267 = vector.shape_cast %swap3A_266 : vector<1x16xf32> to vector<16xf32>
        %swap3A_268 = vector.shape_cast %get3A_261 : vector<16xf32> to vector<1x16xf32>
        tpu.vector_store %arg10[%swap3A_264, %swap3A_265], %swap3A_268 {strides = array<i32>} : memref<80x272xf32, #tpu.memory_space<vmem>>, vector<1x16xf32>,
        %mul3A_269 = arith.mulf %get3A_261, %get3A_261 : vector<16xf32>
        %add3A_270 = arith.constant 1 : i32
        %add3A_271 = arith.addi %add3A_50, %add3A_270 : i32
        %swap3A_272 = arith.index_cast %add3A_271 : i32 to index
        %swap3A_273 = arith.constant 144 : index
        %swap3A_274 = tpu.vector_load %arg10[%swap3A_272, %swap3A_273] {strides = array<i32>} : memref<80x272xf32, #tpu.memory_space<vmem>>, vector<1x16xf32>,
        %swap3A_275 = vector.shape_cast %swap3A_274 : vector<1x16xf32> to vector<16xf32>
        %swap3A_276 = vector.shape_cast %mul3A_269 : vector<16xf32> to vector<1x16xf32>
        tpu.vector_store %arg10[%swap3A_272, %swap3A_273], %swap3A_276 {strides = array<i32>} : memref<80x272xf32, #tpu.memory_space<vmem>>, vector<1x16xf32>,
        %add3A_277 = arith.constant 1 : i32
        %add3A_278 = arith.addi %add3A_50, %add3A_277 : i32
        %get3A_279 = arith.index_cast %add3A_278 : i32 to index
        %get3A_280 = arith.constant 32 : index
        %get3A_281 = tpu.vector_load %arg8[%get3A_279, %get3A_280] {strides = array<i32>} : memref<80x128xf32, #tpu.memory_space<vmem>>, vector<1x16xf32>,
        %get3A_282 = vector.shape_cast %get3A_281 : vector<1x16xf32> to vector<16xf32>
        %add3A_283 = arith.constant 1 : i32
        %add3A_284 = arith.addi %add3A_50, %add3A_283 : i32
        %swap3A_285 = arith.index_cast %add3A_284 : i32 to index
        %swap3A_286 = arith.constant 32 : index
        %swap3A_287 = tpu.vector_load %arg10[%swap3A_285, %swap3A_286] {strides = array<i32>} : memref<80x272xf32, #tpu.memory_space<vmem>>, vector<1x16xf32>,
        %swap3A_288 = vector.shape_cast %swap3A_287 : vector<1x16xf32> to vector<16xf32>
        %swap3A_289 = vector.shape_cast %get3A_282 : vector<16xf32> to vector<1x16xf32>
        tpu.vector_store %arg10[%swap3A_285, %swap3A_286], %swap3A_289 {strides = array<i32>} : memref<80x272xf32, #tpu.memory_space<vmem>>, vector<1x16xf32>,
        %mul3A_290 = arith.mulf %get3A_282, %get3A_282 : vector<16xf32>
        %add3A_291 = arith.constant 1 : i32
        %add3A_292 = arith.addi %add3A_50, %add3A_291 : i32
        %swap3A_293 = arith.index_cast %add3A_292 : i32 to index
        %swap3A_294 = arith.constant 160 : index
        %swap3A_295 = tpu.vector_load %arg10[%swap3A_293, %swap3A_294] {strides = array<i32>} : memref<80x272xf32, #tpu.memory_space<vmem>>, vector<1x16xf32>,
        %swap3A_296 = vector.shape_cast %swap3A_295 : vector<1x16xf32> to vector<16xf32>
        %swap3A_297 = vector.shape_cast %mul3A_290 : vector<16xf32> to vector<1x16xf32>
        tpu.vector_store %arg10[%swap3A_293, %swap3A_294], %swap3A_297 {strides = array<i32>} : memref<80x272xf32, #tpu.memory_space<vmem>>, vector<1x16xf32>,
        %add3A_298 = arith.constant 1 : i32
        %add3A_299 = arith.addi %add3A_50, %add3A_298 : i32
        %get3A_300 = arith.index_cast %add3A_299 : i32 to index
        %get3A_301 = arith.constant 48 : index
        %get3A_302 = tpu.vector_load %arg8[%get3A_300, %get3A_301] {strides = array<i32>} : memref<80x128xf32, #tpu.memory_space<vmem>>, vector<1x16xf32>,
        %get3A_303 = vector.shape_cast %get3A_302 : vector<1x16xf32> to vector<16xf32>
        %add3A_304 = arith.constant 1 : i32
        %add3A_305 = arith.addi %add3A_50, %add3A_304 : i32
        %swap3A_306 = arith.index_cast %add3A_305 : i32 to index
        %swap3A_307 = arith.constant 48 : index
        %swap3A_308 = tpu.vector_load %arg10[%swap3A_306, %swap3A_307] {strides = array<i32>} : memref<80x272xf32, #tpu.memory_space<vmem>>, vector<1x16xf32>,
        %swap3A_309 = vector.shape_cast %swap3A_308 : vector<1x16xf32> to vector<16xf32>
        %swap3A_310 = vector.shape_cast %get3A_303 : vector<16xf32> to vector<1x16xf32>
        tpu.vector_store %arg10[%swap3A_306, %swap3A_307], %swap3A_310 {strides = array<i32>} : memref<80x272xf32, #tpu.memory_space<vmem>>, vector<1x16xf32>,
        %mul3A_311 = arith.mulf %get3A_303, %get3A_303 : vector<16xf32>
        %add3A_312 = arith.constant 1 : i32
        %add3A_313 = arith.addi %add3A_50, %add3A_312 : i32
        %swap3A_314 = arith.index_cast %add3A_313 : i32 to index
        %swap3A_315 = arith.constant 176 : index
        %swap3A_316 = tpu.vector_load %arg10[%swap3A_314, %swap3A_315] {strides = array<i32>} : memref<80x272xf32, #tpu.memory_space<vmem>>, vector<1x16xf32>,
        %swap3A_317 = vector.shape_cast %swap3A_316 : vector<1x16xf32> to vector<16xf32>
        %swap3A_318 = vector.shape_cast %mul3A_311 : vector<16xf32> to vector<1x16xf32>
        tpu.vector_store %arg10[%swap3A_314, %swap3A_315], %swap3A_318 {strides = array<i32>} : memref<80x272xf32, #tpu.memory_space<vmem>>, vector<1x16xf32>,
        %add3A_319 = arith.constant 1 : i32
        %add3A_320 = arith.addi %add3A_50, %add3A_319 : i32
        %get3A_321 = arith.index_cast %add3A_320 : i32 to index
        %get3A_322 = arith.constant 64 : index
        %get3A_323 = tpu.vector_load %arg8[%get3A_321, %get3A_322] {strides = array<i32>} : memref<80x128xf32, #tpu.memory_space<vmem>>, vector<1x16xf32>,
        %get3A_324 = vector.shape_cast %get3A_323 : vector<1x16xf32> to vector<16xf32>
        %add3A_325 = arith.constant 1 : i32
        %add3A_326 = arith.addi %add3A_50, %add3A_325 : i32
        %swap3A_327 = arith.index_cast %add3A_326 : i32 to index
        %swap3A_328 = arith.constant 64 : index
        %swap3A_329 = tpu.vector_load %arg10[%swap3A_327, %swap3A_328] {strides = array<i32>} : memref<80x272xf32, #tpu.memory_space<vmem>>, vector<1x16xf32>,
        %swap3A_330 = vector.shape_cast %swap3A_329 : vector<1x16xf32> to vector<16xf32>
        %swap3A_331 = vector.shape_cast %get3A_324 : vector<16xf32> to vector<1x16xf32>
        tpu.vector_store %arg10[%swap3A_327, %swap3A_328], %swap3A_331 {strides = array<i32>} : memref<80x272xf32, #tpu.memory_space<vmem>>, vector<1x16xf32>,
        %mul3A_332 = arith.mulf %get3A_324, %get3A_324 : vector<16xf32>
        %add3A_333 = arith.constant 1 : i32
        %add3A_334 = arith.addi %add3A_50, %add3A_333 : i32
        %swap3A_335 = arith.index_cast %add3A_334 : i32 to index
        %swap3A_336 = arith.constant 192 : index
        %swap3A_337 = tpu.vector_load %arg10[%swap3A_335, %swap3A_336] {strides = array<i32>} : memref<80x272xf32, #tpu.memory_space<vmem>>, vector<1x16xf32>,
        %swap3A_338 = vector.shape_cast %swap3A_337 : vector<1x16xf32> to vector<16xf32>
        %swap3A_339 = vector.shape_cast %mul3A_332 : vector<16xf32> to vector<1x16xf32>
        tpu.vector_store %arg10[%swap3A_335, %swap3A_336], %swap3A_339 {strides = array<i32>} : memref<80x272xf32, #tpu.memory_space<vmem>>, vector<1x16xf32>,
        %add3A_340 = arith.constant 1 : i32
        %add3A_341 = arith.addi %add3A_50, %add3A_340 : i32
        %get3A_342 = arith.index_cast %add3A_341 : i32 to index
        %get3A_343 = arith.constant 80 : index
        %get3A_344 = tpu.vector_load %arg8[%get3A_342, %get3A_343] {strides = array<i32>} : memref<80x128xf32, #tpu.memory_space<vmem>>, vector<1x16xf32>,
        %get3A_345 = vector.shape_cast %get3A_344 : vector<1x16xf32> to vector<16xf32>
        %add3A_346 = arith.constant 1 : i32
        %add3A_347 = arith.addi %add3A_50, %add3A_346 : i32
        %swap3A_348 = arith.index_cast %add3A_347 : i32 to index
        %swap3A_349 = arith.constant 80 : index
        %swap3A_350 = tpu.vector_load %arg10[%swap3A_348, %swap3A_349] {strides = array<i32>} : memref<80x272xf32, #tpu.memory_space<vmem>>, vector<1x16xf32>,
        %swap3A_351 = vector.shape_cast %swap3A_350 : vector<1x16xf32> to vector<16xf32>
        %swap3A_352 = vector.shape_cast %get3A_345 : vector<16xf32> to vector<1x16xf32>
        tpu.vector_store %arg10[%swap3A_348, %swap3A_349], %swap3A_352 {strides = array<i32>} : memref<80x272xf32, #tpu.memory_space<vmem>>, vector<1x16xf32>,
        %mul3A_353 = arith.mulf %get3A_345, %get3A_345 : vector<16xf32>
        %add3A_354 = arith.constant 1 : i32
        %add3A_355 = arith.addi %add3A_50, %add3A_354 : i32
        %swap3A_356 = arith.index_cast %add3A_355 : i32 to index
        %swap3A_357 = arith.constant 208 : index
        %swap3A_358 = tpu.vector_load %arg10[%swap3A_356, %swap3A_357] {strides = array<i32>} : memref<80x272xf32, #tpu.memory_space<vmem>>, vector<1x16xf32>,
        %swap3A_359 = vector.shape_cast %swap3A_358 : vector<1x16xf32> to vector<16xf32>
        %swap3A_360 = vector.shape_cast %mul3A_353 : vector<16xf32> to vector<1x16xf32>
        tpu.vector_store %arg10[%swap3A_356, %swap3A_357], %swap3A_360 {strides = array<i32>} : memref<80x272xf32, #tpu.memory_space<vmem>>, vector<1x16xf32>,
        %add3A_361 = arith.constant 1 : i32
        %add3A_362 = arith.addi %add3A_50, %add3A_361 : i32
        %get3A_363 = arith.index_cast %add3A_362 : i32 to index
        %get3A_364 = arith.constant 96 : index
        %get3A_365 = tpu.vector_load %arg8[%get3A_363, %get3A_364] {strides = array<i32>} : memref<80x128xf32, #tpu.memory_space<vmem>>, vector<1x16xf32>,
        %get3A_366 = vector.shape_cast %get3A_365 : vector<1x16xf32> to vector<16xf32>
        %add3A_367 = arith.constant 1 : i32
        %add3A_368 = arith.addi %add3A_50, %add3A_367 : i32
        %swap3A_369 = arith.index_cast %add3A_368 : i32 to index
        %swap3A_370 = arith.constant 96 : index
        %swap3A_371 = tpu.vector_load %arg10[%swap3A_369, %swap3A_370] {strides = array<i32>} : memref<80x272xf32, #tpu.memory_space<vmem>>, vector<1x16xf32>,
        %swap3A_372 = vector.shape_cast %swap3A_371 : vector<1x16xf32> to vector<16xf32>
        %swap3A_373 = vector.shape_cast %get3A_366 : vector<16xf32> to vector<1x16xf32>
        tpu.vector_store %arg10[%swap3A_369, %swap3A_370], %swap3A_373 {strides = array<i32>} : memref<80x272xf32, #tpu.memory_space<vmem>>, vector<1x16xf32>,
        %mul3A_374 = arith.mulf %get3A_366, %get3A_366 : vector<16xf32>
        %add3A_375 = arith.constant 1 : i32
        %add3A_376 = arith.addi %add3A_50, %add3A_375 : i32
        %swap3A_377 = arith.index_cast %add3A_376 : i32 to index
        %swap3A_378 = arith.constant 224 : index
        %swap3A_379 = tpu.vector_load %arg10[%swap3A_377, %swap3A_378] {strides = array<i32>} : memref<80x272xf32, #tpu.memory_space<vmem>>, vector<1x16xf32>,
        %swap3A_380 = vector.shape_cast %swap3A_379 : vector<1x16xf32> to vector<16xf32>
        %swap3A_381 = vector.shape_cast %mul3A_374 : vector<16xf32> to vector<1x16xf32>
        tpu.vector_store %arg10[%swap3A_377, %swap3A_378], %swap3A_381 {strides = array<i32>} : memref<80x272xf32, #tpu.memory_space<vmem>>, vector<1x16xf32>,
        %add3A_382 = arith.constant 1 : i32
        %add3A_383 = arith.addi %add3A_50, %add3A_382 : i32
        %get3A_384 = arith.index_cast %add3A_383 : i32 to index
        %get3A_385 = arith.constant 112 : index
        %get3A_386 = tpu.vector_load %arg8[%get3A_384, %get3A_385] {strides = array<i32>} : memref<80x128xf32, #tpu.memory_space<vmem>>, vector<1x16xf32>,
        %get3A_387 = vector.shape_cast %get3A_386 : vector<1x16xf32> to vector<16xf32>
        %add3A_388 = arith.constant 1 : i32
        %add3A_389 = arith.addi %add3A_50, %add3A_388 : i32
        %swap3A_390 = arith.index_cast %add3A_389 : i32 to index
        %swap3A_391 = arith.constant 112 : index
        %swap3A_392 = tpu.vector_load %arg10[%swap3A_390, %swap3A_391] {strides = array<i32>} : memref<80x272xf32, #tpu.memory_space<vmem>>, vector<1x16xf32>,
        %swap3A_393 = vector.shape_cast %swap3A_392 : vector<1x16xf32> to vector<16xf32>
        %swap3A_394 = vector.shape_cast %get3A_387 : vector<16xf32> to vector<1x16xf32>
        tpu.vector_store %arg10[%swap3A_390, %swap3A_391], %swap3A_394 {strides = array<i32>} : memref<80x272xf32, #tpu.memory_space<vmem>>, vector<1x16xf32>,
        %mul3A_395 = arith.mulf %get3A_387, %get3A_387 : vector<16xf32>
        %add3A_396 = arith.constant 1 : i32
        %add3A_397 = arith.addi %add3A_50, %add3A_396 : i32
        %swap3A_398 = arith.index_cast %add3A_397 : i32 to index
        %swap3A_399 = arith.constant 240 : index
        %swap3A_400 = tpu.vector_load %arg10[%swap3A_398, %swap3A_399] {strides = array<i32>} : memref<80x272xf32, #tpu.memory_space<vmem>>, vector<1x16xf32>,
        %swap3A_401 = vector.shape_cast %swap3A_400 : vector<1x16xf32> to vector<16xf32>
        %swap3A_402 = vector.shape_cast %mul3A_395 : vector<16xf32> to vector<1x16xf32>
        tpu.vector_store %arg10[%swap3A_398, %swap3A_399], %swap3A_402 {strides = array<i32>} : memref<80x272xf32, #tpu.memory_space<vmem>>, vector<1x16xf32>,
        %add3A_403 = arith.constant 1 : i32
        %add3A_404 = arith.addi %add3A_50, %add3A_403 : i32
        %get3A_405 = arith.index_cast %add3A_404 : i32 to index
        %get3A_406 = arith.constant 0 : index
        %get3A_407 = tpu.vector_load %arg9[%get3A_405, %get3A_406] {strides = array<i32>} : memref<80x16xf32, #tpu.memory_space<vmem>>, vector<1x16xf32>,
        %get3A_408 = vector.shape_cast %get3A_407 : vector<1x16xf32> to vector<16xf32>
        %mul3A_409 = arith.mulf %get3A_408, %get3A_408 : vector<16xf32>
        %broadcast_in_dim3A_410 = vector.shape_cast %and3A_10 : vector<16xi32> to vector<16x1xi32>
        %gather3A_411 = vector.shape_cast %broadcast_in_dim3A_410 : vector<16x1xi32> to vector<16xi32>
        %gather3A_412 = tpu.dynamic_gather %mul3A_409[%gather3A_411] in [0] : vector<16xf32>, vector<16xi32> -> vector<16xf32>
        %add3A_413 = arith.addf %get3A_408, %gather3A_412 : vector<16xf32>
        %add3A_414 = arith.addf %add3A_413, %select_n3A : vector<16xf32>
        %add3A_415 = arith.constant 1 : i32
        %add3A_416 = arith.addi %add3A_50, %add3A_415 : i32
        %swap3A_417 = arith.index_cast %add3A_416 : i32 to index
        %swap3A_418 = arith.constant 256 : index
        %swap3A_419 = tpu.vector_load %arg10[%swap3A_417, %swap3A_418] {strides = array<i32>} : memref<80x272xf32, #tpu.memory_space<vmem>>, vector<1x16xf32>,
        %swap3A_420 = vector.shape_cast %swap3A_419 : vector<1x16xf32> to vector<16xf32>
        %swap3A_421 = vector.shape_cast %add3A_414 : vector<16xf32> to vector<1x16xf32>
        tpu.vector_store %arg10[%swap3A_417, %swap3A_418], %swap3A_421 {strides = array<i32>} : memref<80x272xf32, #tpu.memory_space<vmem>>, vector<1x16xf32>,
      }
      %scan3A_45 = arith.constant 40 : i32
      "tpu.region"() ({
        %run_scoped3A = tpu.sem_alloc : memref<!tpu.dma_semaphore, #tpu.memory_space<semaphore_mem>>
        %dma_start3A = arith.constant 0 : i32
        %dma_start3A_46 = arith.constant 0 : i32
        %dma_start3A_47 = tpu.memref_slice %arg11[%dma_start3A, %dma_start3A_46] : memref<5120x272xf32, #tpu.memory_space<vmem_shared>> -> memref<5120x272xf32, #tpu.memory_space<vmem_shared>>
        tpu.enqueue_indirect_dma source(%arg10 : memref<80x272xf32, #tpu.memory_space<vmem>>) target(%dma_start3A_47 : memref<5120x272xf32, #tpu.memory_space<vmem_shared>>) offsets(%arg7 : memref<80xi32, #tpu.memory_space<vmem>>) semaphore(%run_scoped3A : memref<!tpu.dma_semaphore, #tpu.memory_space<semaphore_mem>>) {add = true}
        %dma_wait3A = arith.constant 0 : i32
        %dma_wait3A_48 = arith.constant 0 : i32
        %dma_wait3A_49 = tpu.memref_slice %arg11[%dma_wait3A, %dma_wait3A_48] : memref<5120x272xf32, #tpu.memory_space<vmem_shared>> -> memref<5120x272xf32, #tpu.memory_space<vmem_shared>>
        tpu.wait_indirect_dma semaphore(%run_scoped3A : memref<!tpu.dma_semaphore, #tpu.memory_space<semaphore_mem>>) src(%arg10 : memref<80x272xf32, #tpu.memory_space<vmem>>) dst(%dma_wait3A_49 : memref<5120x272xf32, #tpu.memory_space<vmem_shared>>)
        tpu.yield
      }) : () -> ()
    }
    %barrier3A_32 = arith.constant 0 : index
    tpu.barrier barrier_id(%barrier3A_32)
    %mul3A_33 = arith.constant 320 : i32
    %mul3A_34 = arith.muli %arg1, %mul3A_33 : i32
    %mul3A_35 = arith.constant 320 : i32
    %mul3A_36 = arith.muli %arg1, %mul3A_35 : i32
    "tpu.region"() ({
      %run_scoped3A = tpu.sem_alloc : memref<!tpu.dma_semaphore, #tpu.memory_space<semaphore_mem>>
      %dma_start3A = arith.constant 0 : i32
      %dma_start3A_37 = tpu.memref_slice %arg6[%arg0, %mul3A_36, %dma_start3A] : memref<2x5120x272xf32, #tpu.memory_space<hbm>> -> memref<1x320x272xf32, #tpu.memory_space<hbm>>
      %dma_start3A_38 = tpu.memref_squeeze %dma_start3A_37 : memref<1x320x272xf32, #tpu.memory_space<hbm>> -> memref<320x272xf32, #tpu.memory_space<hbm>>
      %dma_start3A_39 = arith.constant 0 : i32
      %dma_start3A_40 = tpu.memref_slice %arg11[%mul3A_34, %dma_start3A_39] : memref<5120x272xf32, #tpu.memory_space<vmem_shared>> -> memref<320x272xf32, #tpu.memory_space<vmem_shared>>
      tpu.enqueue_dma source(%dma_start3A_40 : memref<320x272xf32, #tpu.memory_space<vmem_shared>>) target(%dma_start3A_38 : memref<320x272xf32, #tpu.memory_space<hbm>>) target_semaphore(%run_scoped3A : memref<!tpu.dma_semaphore, #tpu.memory_space<semaphore_mem>>)
      %dma_wait3A = arith.constant 0 : i32
      %dma_wait3A_41 = tpu.memref_slice %arg6[%arg0, %mul3A_36, %dma_wait3A] : memref<2x5120x272xf32, #tpu.memory_space<hbm>> -> memref<1x320x272xf32, #tpu.memory_space<hbm>>
      %dma_wait3A_42 = tpu.memref_squeeze %dma_wait3A_41 : memref<1x320x272xf32, #tpu.memory_space<hbm>> -> memref<320x272xf32, #tpu.memory_space<hbm>>
      %dma_wait3A_43 = arith.constant 0 : i32
      %dma_wait3A_44 = tpu.memref_slice %arg11[%mul3A_34, %dma_wait3A_43] : memref<5120x272xf32, #tpu.memory_space<vmem_shared>> -> memref<320x272xf32, #tpu.memory_space<vmem_shared>>
      tpu.wait_dma2 semaphore(%run_scoped3A : memref<!tpu.dma_semaphore, #tpu.memory_space<semaphore_mem>>) src(%dma_wait3A_44 : memref<320x272xf32, #tpu.memory_space<vmem_shared>>) dst(%dma_wait3A_42 : memref<320x272xf32, #tpu.memory_space<hbm>>)
      tpu.yield
    }) : () -> ()
    return
  }
}

module attributes {stable_mosaic.version = 14 : i64} {
  func.func @_finalize_body(%arg0: memref<2x5120x272xf32, #tpu.memory_space<vmem>>, %arg1: memref<2x5120x40xf32, #tpu.memory_space<vmem>>, %arg2: memref<1x3xf32, #tpu.memory_space<vmem>>, %arg3: memref<1x128xf32, #tpu.memory_space<vmem>>, %arg4: memref<1x128xf32, #tpu.memory_space<vmem>>, %arg5: memref<1x16xf32, #tpu.memory_space<vmem>>, %arg6: memref<1x16xf32, #tpu.memory_space<vmem>>, %arg7: memref<5120x256xf32, #tpu.memory_space<vmem>>, %arg8: memref<5120x16xf32, #tpu.memory_space<vmem>>, %arg9: memref<5120x32xf32, #tpu.memory_space<vmem>>) attributes {dimension_semantics = [], scalar_prefetch = 0 : i64, scratch_operands = 0 : i64, tpu.core_type = #tpu.core_type<tc>} {
    %get3A = arith.constant 0 : index
    %get3A_0 = arith.constant 0 : index
    %get3A_1 = arith.constant 0 : index
    %get3A_2 = vector.load %arg0[%get3A, %get3A_0, %get3A_1] : memref<2x5120x272xf32, #tpu.memory_space<vmem>>, vector<1x5120x272xf32>
    %get3A_3 = vector.shape_cast %get3A_2 : vector<1x5120x272xf32> to vector<5120x272xf32>
    %get3A_4 = arith.constant 1 : index
    %get3A_5 = arith.constant 0 : index
    %get3A_6 = arith.constant 0 : index
    %get3A_7 = vector.load %arg0[%get3A_4, %get3A_5, %get3A_6] : memref<2x5120x272xf32, #tpu.memory_space<vmem>>, vector<1x5120x272xf32>
    %get3A_8 = vector.shape_cast %get3A_7 : vector<1x5120x272xf32> to vector<5120x272xf32>
    %add3A = arith.addf %get3A_3, %get3A_8 : vector<5120x272xf32>
    %slice3A = vector.extract_strided_slice %add3A {offsets = [0, 0], sizes = [5120, 128], strides = [1, 1]} : vector<5120x272xf32> to vector<5120x128xf32>
    %slice3A_9 = vector.extract_strided_slice %add3A {offsets = [0, 128], sizes = [5120, 128], strides = [1, 1]} : vector<5120x272xf32> to vector<5120x128xf32>
    %slice3A_10 = vector.extract_strided_slice %add3A {offsets = [0, 256], sizes = [5120, 3], strides = [1, 1]} : vector<5120x272xf32> to vector<5120x3xf32>
    %slice3A_11 = vector.extract_strided_slice %add3A {offsets = [0, 259], sizes = [5120, 3], strides = [1, 1]} : vector<5120x272xf32> to vector<5120x3xf32>
    %slice3A_12 = vector.extract_strided_slice %add3A {offsets = [0, 262], sizes = [5120, 1], strides = [1, 1]} : vector<5120x272xf32> to vector<5120x1xf32>
    %max3A = arith.constant 1.000000e+00 : f32
    %max3A_13 = vector.broadcast %max3A : f32 to vector<5120x1xf32>
    %max3A_14 = arith.maximumf %slice3A_12, %max3A_13 : vector<5120x1xf32>
    %div3A = vector.broadcast %max3A_14 : vector<5120x1xf32> to vector<5120x128xf32>
    %div3A_15 = arith.divf %slice3A, %div3A : vector<5120x128xf32>
    %mul3A = vector.broadcast %slice3A_12 : vector<5120x1xf32> to vector<5120x128xf32>
    %mul3A_16 = arith.mulf %mul3A, %div3A_15 : vector<5120x128xf32>
    %mul3A_17 = arith.mulf %mul3A_16, %div3A_15 : vector<5120x128xf32>
    %sub3A = arith.subf %slice3A_9, %mul3A_17 : vector<5120x128xf32>
    %max3A_18 = arith.constant 0.000000e+00 : f32
    %max3A_19 = vector.broadcast %max3A_18 : f32 to vector<5120x128xf32>
    %max3A_20 = arith.maximumf %sub3A, %max3A_19 : vector<5120x128xf32>
    %sub3A_21 = arith.constant 1.000000e+00 : f32
    %sub3A_22 = vector.broadcast %sub3A_21 : f32 to vector<5120x1xf32>
    %sub3A_23 = arith.subf %slice3A_12, %sub3A_22 : vector<5120x1xf32>
    %max3A_24 = arith.constant 1.000000e+00 : f32
    %max3A_25 = vector.broadcast %max3A_24 : f32 to vector<5120x1xf32>
    %max3A_26 = arith.maximumf %sub3A_23, %max3A_25 : vector<5120x1xf32>
    %div3A_27 = vector.broadcast %max3A_26 : vector<5120x1xf32> to vector<5120x128xf32>
    %div3A_28 = arith.divf %max3A_20, %div3A_27 : vector<5120x128xf32>
    %add3A_29 = arith.constant 9.99999996E-13 : f32
    %add3A_30 = vector.broadcast %add3A_29 : f32 to vector<5120x128xf32>
    %add3A_31 = arith.addf %div3A_28, %add3A_30 : vector<5120x128xf32>
    %sqrt3A = math.sqrt %add3A_31 : vector<5120x128xf32>
    %get3A_32 = arith.constant 0 : index
    %get3A_33 = arith.constant 0 : index
    %get3A_34 = vector.load %arg3[%get3A_32, %get3A_33] : memref<1x128xf32, #tpu.memory_space<vmem>>, vector<1x128xf32>
    %add3A_35 = arith.constant 9.99999993E-9 : f32
    %add3A_36 = vector.broadcast %add3A_35 : f32 to vector<5120x128xf32>
    %add3A_37 = arith.addf %sqrt3A, %add3A_36 : vector<5120x128xf32>
    %div3A_38 = vector.broadcast %get3A_34 : vector<1x128xf32> to vector<5120x128xf32>
    %div3A_39 = arith.divf %div3A_38, %add3A_37 : vector<5120x128xf32>
    %get3A_40 = arith.constant 0 : index
    %get3A_41 = arith.constant 0 : index
    %get3A_42 = vector.load %arg4[%get3A_40, %get3A_41] : memref<1x128xf32, #tpu.memory_space<vmem>>, vector<1x128xf32>
    %mul3A_43 = arith.mulf %div3A_15, %div3A_39 : vector<5120x128xf32>
    %sub3A_44 = vector.broadcast %get3A_42 : vector<1x128xf32> to vector<5120x128xf32>
    %sub3A_45 = arith.subf %sub3A_44, %mul3A_43 : vector<5120x128xf32>
    %concatenate3A = tpu.concatenate %div3A_39, %sub3A_45 in 1 : vector<5120x128xf32>, vector<5120x128xf32> -> vector<5120x256xf32>
    %swap3A = arith.constant 0 : index
    %swap3A_46 = arith.constant 0 : index
    %swap3A_47 = vector.load %arg7[%swap3A, %swap3A_46] : memref<5120x256xf32, #tpu.memory_space<vmem>>, vector<5120x256xf32>
    tpu.vector_store %arg7[%swap3A, %swap3A_46], %concatenate3A {strides = array<i32>} : memref<5120x256xf32, #tpu.memory_space<vmem>>, vector<5120x256xf32>,
    %div3A_48 = vector.broadcast %max3A_14 : vector<5120x1xf32> to vector<5120x3xf32>
    %div3A_49 = arith.divf %slice3A_10, %div3A_48 : vector<5120x3xf32>
    %mul3A_50 = vector.broadcast %slice3A_12 : vector<5120x1xf32> to vector<5120x3xf32>
    %mul3A_51 = arith.mulf %mul3A_50, %div3A_49 : vector<5120x3xf32>
    %mul3A_52 = arith.mulf %mul3A_51, %div3A_49 : vector<5120x3xf32>
    %sub3A_53 = arith.subf %slice3A_11, %mul3A_52 : vector<5120x3xf32>
    %reduce_sum3A = arith.constant dense<0.000000e+00> : vector<5120xf32>
    %reduce_sum3A_54 = vector.multi_reduction <add>, %sub3A_53, %reduce_sum3A [1] : vector<5120x3xf32> to vector<5120xf32>
    %broadcast_in_dim3A = vector.shape_cast %reduce_sum3A_54 : vector<5120xf32> to vector<5120x1xf32>
    %max3A_55 = arith.constant 0.000000e+00 : f32
    %max3A_56 = vector.broadcast %max3A_55 : f32 to vector<5120x1xf32>
    %max3A_57 = arith.maximumf %broadcast_in_dim3A, %max3A_56 : vector<5120x1xf32>
    %mul3A_58 = arith.constant 3.000000e+00 : f32
    %mul3A_59 = vector.broadcast %mul3A_58 : f32 to vector<5120x1xf32>
    %mul3A_60 = arith.mulf %mul3A_59, %slice3A_12 : vector<5120x1xf32>
    %sub3A_61 = arith.constant 1.000000e+00 : f32
    %sub3A_62 = vector.broadcast %sub3A_61 : f32 to vector<5120x1xf32>
    %sub3A_63 = arith.subf %mul3A_60, %sub3A_62 : vector<5120x1xf32>
    %max3A_64 = arith.constant 1.000000e+00 : f32
    %max3A_65 = vector.broadcast %max3A_64 : f32 to vector<5120x1xf32>
    %max3A_66 = arith.maximumf %sub3A_63, %max3A_65 : vector<5120x1xf32>
    %div3A_67 = arith.divf %max3A_57, %max3A_66 : vector<5120x1xf32>
    %add3A_68 = arith.constant 9.99999996E-13 : f32
    %add3A_69 = vector.broadcast %add3A_68 : f32 to vector<5120x1xf32>
    %add3A_70 = arith.addf %div3A_67, %add3A_69 : vector<5120x1xf32>
    %sqrt3A_71 = math.sqrt %add3A_70 : vector<5120x1xf32>
    %add3A_72 = arith.constant 9.99999993E-9 : f32
    %add3A_73 = vector.broadcast %add3A_72 : f32 to vector<5120x1xf32>
    %add3A_74 = arith.addf %sqrt3A_71, %add3A_73 : vector<5120x1xf32>
    %get3A_75 = arith.constant 0 : index
    %get3A_76 = arith.constant 0 : index
    %get3A_77 = vector.load %arg2[%get3A_75, %get3A_76] : memref<1x3xf32, #tpu.memory_space<vmem>>, vector<1x3xf32>
    %div3A_78 = vector.broadcast %get3A_77 : vector<1x3xf32> to vector<5120x3xf32>
    %div3A_79 = vector.broadcast %add3A_74 : vector<5120x1xf32> to vector<5120x3xf32>
    %div3A_80 = arith.divf %div3A_78, %div3A_79 : vector<5120x3xf32>
    %sub3A_81 = arith.constant 1.000000e+00 : f32
    %sub3A_82 = vector.broadcast %sub3A_81 : f32 to vector<5120x3xf32>
    %sub3A_83 = arith.subf %sub3A_82, %div3A_80 : vector<5120x3xf32>
    %mul3A_84 = arith.mulf %div3A_49, %sub3A_83 : vector<5120x3xf32>
    %broadcast_in_dim3A_85 = arith.constant 0.000000e+00 : f32
    %broadcast_in_dim3A_86 = vector.broadcast %broadcast_in_dim3A_85 : f32 to vector<5120x10xf32>
    %concatenate3A_87 = tpu.concatenate %div3A_80, %mul3A_84, %broadcast_in_dim3A_86 in 1 : vector<5120x3xf32>, vector<5120x3xf32>, vector<5120x10xf32> -> vector<5120x16xf32>
    %swap3A_88 = arith.constant 0 : index
    %swap3A_89 = arith.constant 0 : index
    %swap3A_90 = vector.load %arg8[%swap3A_88, %swap3A_89] : memref<5120x16xf32, #tpu.memory_space<vmem>>, vector<5120x16xf32>
    tpu.vector_store %arg8[%swap3A_88, %swap3A_89], %concatenate3A_87 {strides = array<i32>} : memref<5120x16xf32, #tpu.memory_space<vmem>>, vector<5120x16xf32>,
    %get3A_91 = arith.constant 0 : index
    %get3A_92 = arith.constant 0 : index
    %get3A_93 = arith.constant 0 : index
    %get3A_94 = vector.load %arg1[%get3A_91, %get3A_92, %get3A_93] : memref<2x5120x40xf32, #tpu.memory_space<vmem>>, vector<1x5120x40xf32>
    %get3A_95 = vector.shape_cast %get3A_94 : vector<1x5120x40xf32> to vector<5120x40xf32>
    %get3A_96 = arith.constant 1 : index
    %get3A_97 = arith.constant 0 : index
    %get3A_98 = arith.constant 0 : index
    %get3A_99 = vector.load %arg1[%get3A_96, %get3A_97, %get3A_98] : memref<2x5120x40xf32, #tpu.memory_space<vmem>>, vector<1x5120x40xf32>
    %get3A_100 = vector.shape_cast %get3A_99 : vector<1x5120x40xf32> to vector<5120x40xf32>
    %add3A_101 = arith.addf %get3A_95, %get3A_100 : vector<5120x40xf32>
    %slice3A_102 = vector.extract_strided_slice %add3A_101 {offsets = [0, 0], sizes = [5120, 16], strides = [1, 1]} : vector<5120x40xf32> to vector<5120x16xf32>
    %slice3A_103 = vector.extract_strided_slice %add3A_101 {offsets = [0, 16], sizes = [5120, 16], strides = [1, 1]} : vector<5120x40xf32> to vector<5120x16xf32>
    %slice3A_104 = vector.extract_strided_slice %add3A_101 {offsets = [0, 32], sizes = [5120, 1], strides = [1, 1]} : vector<5120x40xf32> to vector<5120x1xf32>
    %max3A_105 = arith.constant 1.000000e+00 : f32
    %max3A_106 = vector.broadcast %max3A_105 : f32 to vector<5120x1xf32>
    %max3A_107 = arith.maximumf %slice3A_104, %max3A_106 : vector<5120x1xf32>
    %div3A_108 = vector.broadcast %max3A_107 : vector<5120x1xf32> to vector<5120x16xf32>
    %div3A_109 = arith.divf %slice3A_102, %div3A_108 : vector<5120x16xf32>
    %mul3A_110 = vector.broadcast %slice3A_104 : vector<5120x1xf32> to vector<5120x16xf32>
    %mul3A_111 = arith.mulf %mul3A_110, %div3A_109 : vector<5120x16xf32>
    %mul3A_112 = arith.mulf %mul3A_111, %div3A_109 : vector<5120x16xf32>
    %sub3A_113 = arith.subf %slice3A_103, %mul3A_112 : vector<5120x16xf32>
    %max3A_114 = arith.constant 0.000000e+00 : f32
    %max3A_115 = vector.broadcast %max3A_114 : f32 to vector<5120x16xf32>
    %max3A_116 = arith.maximumf %sub3A_113, %max3A_115 : vector<5120x16xf32>
    %sub3A_117 = arith.constant 1.000000e+00 : f32
    %sub3A_118 = vector.broadcast %sub3A_117 : f32 to vector<5120x1xf32>
    %sub3A_119 = arith.subf %slice3A_104, %sub3A_118 : vector<5120x1xf32>
    %max3A_120 = arith.constant 1.000000e+00 : f32
    %max3A_121 = vector.broadcast %max3A_120 : f32 to vector<5120x1xf32>
    %max3A_122 = arith.maximumf %sub3A_119, %max3A_121 : vector<5120x1xf32>
    %div3A_123 = vector.broadcast %max3A_122 : vector<5120x1xf32> to vector<5120x16xf32>
    %div3A_124 = arith.divf %max3A_116, %div3A_123 : vector<5120x16xf32>
    %add3A_125 = arith.constant 9.99999996E-13 : f32
    %add3A_126 = vector.broadcast %add3A_125 : f32 to vector<5120x16xf32>
    %add3A_127 = arith.addf %div3A_124, %add3A_126 : vector<5120x16xf32>
    %sqrt3A_128 = math.sqrt %add3A_127 : vector<5120x16xf32>
    %get3A_129 = arith.constant 0 : index
    %get3A_130 = arith.constant 0 : index
    %get3A_131 = vector.load %arg5[%get3A_129, %get3A_130] : memref<1x16xf32, #tpu.memory_space<vmem>>, vector<1x16xf32>
    %add3A_132 = arith.constant 9.99999993E-9 : f32
    %add3A_133 = vector.broadcast %add3A_132 : f32 to vector<5120x16xf32>
    %add3A_134 = arith.addf %sqrt3A_128, %add3A_133 : vector<5120x16xf32>
    %div3A_135 = vector.broadcast %get3A_131 : vector<1x16xf32> to vector<5120x16xf32>
    %div3A_136 = arith.divf %div3A_135, %add3A_134 : vector<5120x16xf32>
    %get3A_137 = arith.constant 0 : index
    %get3A_138 = arith.constant 0 : index
    %get3A_139 = vector.load %arg6[%get3A_137, %get3A_138] : memref<1x16xf32, #tpu.memory_space<vmem>>, vector<1x16xf32>
    %mul3A_140 = arith.mulf %div3A_109, %div3A_136 : vector<5120x16xf32>
    %sub3A_141 = vector.broadcast %get3A_139 : vector<1x16xf32> to vector<5120x16xf32>
    %sub3A_142 = arith.subf %sub3A_141, %mul3A_140 : vector<5120x16xf32>
    %concatenate3A_143 = tpu.concatenate %div3A_136, %sub3A_142 in 1 : vector<5120x16xf32>, vector<5120x16xf32> -> vector<5120x32xf32>
    %swap3A_144 = arith.constant 0 : index
    %swap3A_145 = arith.constant 0 : index
    %swap3A_146 = vector.load %arg9[%swap3A_144, %swap3A_145] : memref<5120x32xf32, #tpu.memory_space<vmem>>, vector<5120x32xf32>
    tpu.vector_store %arg9[%swap3A_144, %swap3A_145], %concatenate3A_143 {strides = array<i32>} : memref<5120x32xf32, #tpu.memory_space<vmem>>, vector<5120x32xf32>,
    return
  }
}

</mosaic_0001>

<sc_bundles>
// kernel: kernel.12.cloned.1.call-start
scs
__scs_entry_jumppad:
0x0: {  	(pc) =	sbr.rel $0x88, $3  }
0x1: {  	(tag) =	ssettag $0x0;
	lr =	simm.s32 $0x1  }
0x2: {  	[smem:$0x3F97] =	sst lr;
	_ =	strace $0xD0000000  }
0x3: {  	_ = 	snop  }
0x4: {  	_ = 	snop  }
0x5: {  	_ = 	snop  }
0x6: {  	_ = 	snop  }
0x7: {  	_ = 	snop  }
__scs_overlays_trampoline_lowered:
0x8: {  	[smem:$0x3FA6] =	sst s0  }
0x9: {  	[smem:$0x3FA7] =	sst s1  }
0xa: {  	[smem:$0x3FA8] =	sst s2  }
0xb: {  	[smem:$0x3FA9] =	sst s3  }
0xc: {  	[smem:$0x3FAA] =	sst s4  }
0xd: {  	[smem:$0x3FAB] =	sst s5  }
0xe: {  	[smem:$0x3FAC] =	sst s6  }
0xf: {  	[smem:$0x3FAD] =	sst s7  }
0x10: {  	[smem:$0x3FAE] =	sst s8  }
0x11: {  	[smem:$0x3FAF] =	sst s9;
	s0 =	simm.s32 @!p0 $0x0  }
0x12: {  	s1 =	sld [smem:$0x3F95];
	s0 =	simm.s32 @p0 $0x1  }
0x13: {  	[smem:$0x3FB0] =	sst s0;
	s0 =	simm.s32 @!p1 $0x0  }
0x14: {  	s2 =	sld [smem:$0x3F94];
	s0 =	simm.s32 @p1 $0x1  }
0x15: {  	[smem:$0x3FB1] =	sst s0;
	s0 =	simm.s32 @!p2 $0x0  }
0x16: {  	s3 =	sld [smem:$0x3FDB];
	s0 =	simm.s32 @p2 $0x1  }
0x17: {  	s4 =	simm.s32 $0x1BF5;
	[smem:$0x3FB3] =	sst s0  }
0x18: {  	s0 =	sld [smem:$0x3F96];
	_ =	swait.ge [sflag:s4], $0x0  }
0x19: {  	s7 =	sld [smem:$0x3F97]  }
0x1a: {  	s8 =	sadd.s32 $0xFFFFE003, lr  }
0x1b: {  	s9 =	sadd.s32 $0xFFFFFEF7, lr;
	s5 =	simm.s32 $0xFFFFFFFF;
	p2 =	slt.u32 s8, $0xFFFFF086  }
0x1c: {  	p1 =	slt.u32 s9, $0xF7A;
	s5 =	simm.s32 @!p2 $0x0  }
0x1d: {  	s5 =	simm.s32 @p1 $0x1;
	p0 =	seq.s32 s7, s2  }
0x1e: {  	s7 =	smul.u32 @!p0 $0xF7A, s2;
	p2 =	seq.s32 @!p0 s5, $0x0  }
0x1f: {  	s9 =	smul.u32 $0xF7A, s1;
	s8 =	simm.s32 @!p0 $0x1BF5;
	p2 =	por !p2, p0  }
0x20: {  	[sflag:s8] =	ssyncset.s32 @!p0 $0xFFFFF086;
	s6 =	sadd.s32 @!p0 s3, s7;
	s7 =	simm.s32 @!p0 $0x108  }
0x21: {  	s3 =	sadd.s32 s3, s9;
	s6 =	sadd.s32 @!p0 $0x88, s6;
	s7 =	simm.s32 @p2 $0x1082  }
0x22: {  	[simem:s7], [sflag:s8] =	dma.local @!p0 [hbm:s6], $0xF7A  }
0x23: {  	s9 =	sor.u32 $0xD0000000, s2;
	s6 =	simm.s32 $0x108;
	_ =	swait.ge @!p0 [sflag:s8], $0x0  }
0x24: {  	s3 =	sadd.s32 $0x88, s3;
	s6 =	simm.s32 @!p1 $0x1082;
	[sflag:s4] =	ssyncset.s32 $0xFFFFF086  }
0x25: {  	[simem:s6], [sflag:s4] =	dma.local [hbm:s3], $0xF7A  }
0x26: {  	[smem:$0x3F97] =	sst s1;
	(tag) =	ssettag s2;
	_ =	strace s9  }
0x27: {  	s1 =	sld [smem:$0x3FA7]  }
0x28: {  	s2 =	sld [smem:$0x3FA8]  }
0x29: {  	s4 =	sld [smem:$0x3FAA]  }
0x2a: {  	p0 =	seq.s32 s5, $0x0;
	s5 =	sld [smem:$0x3FAB]  }
0x2b: {  	s6 =	sld [smem:$0x3FAC]  }
0x2c: {  	s7 =	sld [smem:$0x3FAD]  }
0x2d: {  	s3 =	simm.s32 $0x108;
	s8 =	sld [smem:$0x3FAE]  }
0x2e: {  	s3 =	simm.s32 @!p0 $0x1082;
	s9 =	sld [smem:$0x3FAF]  }
0x2f: {  	lr =	sadd.s32 s0, s3;
	s0 =	sld [smem:$0x3FA6]  }
0x30: {  	s3 =	sld [smem:$0x3FA9]  }
0x31: {  	[smem:$0x3FB2] =	sst s10  }
0x32: {  	s10 =	sld [smem:$0x3FB0];
	_ =	sdelay $0x3  }
0x33: {  	p0 =	seq.s32 s10, $0x1;
	s10 =	sld [smem:$0x3FB2];
	_ =	sdelay $0x3  }
0x34: {  	[smem:$0x3FB2] =	sst s10  }
0x35: {  	s10 =	sld [smem:$0x3FB1];
	_ =	sdelay $0x3  }
0x36: {  	p1 =	seq.s32 s10, $0x1;
	s10 =	sld [smem:$0x3FB2];
	_ =	sdelay $0x3  }
0x37: {  	[smem:$0x3FB2] =	sst s10  }
0x38: {  	s10 =	sld [smem:$0x3FB3]  }
0x39: {  	_ = 	snop;
	(pc) =	sbr.ind lr, $3  }
0x3a: {  	_ = 	snop  }
0x3b: {  	_ = 	snop  }
0x3c: {  	p2 =	seq.s32 s10, $0x1;
	s10 =	sld [smem:$0x3FB2]  }
0x3d: {  	_ =	shalt  }
0x3e: {  	_ =	shalt  }
0x3f: {  	_ =	shalt  }
0x40: {  	_ =	shalt  }
0x41: {  	_ =	shalt  }
0x42: {  	_ =	shalt  }
0x43: {  	_ =	shalt  }
0x44: {  	_ =	shalt  }
0x45: {  	_ =	shalt  }
0x46: {  	_ =	shalt  }
0x47: {  	_ =	shalt  }
0x48: {  	_ =	shalt  }
0x49: {  	_ =	shalt  }
0x4a: {  	_ =	shalt  }
0x4b: {  	_ =	shalt  }
0x4c: {  	_ =	shalt  }
0x4d: {  	_ =	shalt  }
0x4e: {  	_ =	shalt  }
0x4f: {  	_ =	shalt  }
0x50: {  	_ =	shalt  }
0x51: {  	_ =	shalt  }
0x52: {  	_ =	shalt  }
0x53: {  	_ =	shalt  }
0x54: {  	_ =	shalt  }
0x55: {  	_ =	shalt  }
0x56: {  	_ =	shalt  }
0x57: {  	_ =	shalt  }
0x58: {  	_ =	shalt  }
0x59: {  	_ =	shalt  }
0x5a: {  	_ =	shalt  }
0x5b: {  	_ =	shalt  }
0x5c: {  	_ =	shalt  }
0x5d: {  	_ =	shalt  }
0x5e: {  	_ =	shalt  }
0x5f: {  	_ =	shalt  }
0x60: {  	_ =	shalt  }
0x61: {  	_ =	shalt  }
0x62: {  	_ =	shalt  }
0x63: {  	_ =	shalt  }
0x64: {  	_ =	shalt  }
0x65: {  	_ =	shalt  }
0x66: {  	_ =	shalt  }
0x67: {  	_ =	shalt  }
0x68: {  	_ =	shalt  }
0x69: {  	_ =	shalt  }
0x6a: {  	_ =	shalt  }
0x6b: {  	_ =	shalt  }
0x6c: {  	_ =	shalt  }
0x6d: {  	_ =	shalt  }
0x6e: {  	_ =	shalt  }
0x6f: {  	_ =	shalt  }
0x70: {  	_ =	shalt  }
0x71: {  	_ =	shalt  }
0x72: {  	_ =	shalt  }
0x73: {  	_ =	shalt  }
0x74: {  	_ =	shalt  }
0x75: {  	_ =	shalt  }
0x76: {  	_ =	shalt  }
0x77: {  	_ =	shalt  }
0x78: {  	_ =	shalt  }
0x79: {  	_ =	shalt  }
0x7a: {  	_ =	shalt  }
0x7b: {  	_ =	shalt  }
0x7c: {  	_ =	shalt  }
0x7d: {  	_ =	shalt  }
0x7e: {  	_ =	shalt  }
0x7f: {  	_ =	shalt  }
0x80: {  	_ =	shalt  }
0x81: {  	_ =	shalt  }
0x82: {  	_ =	shalt  }
0x83: {  	_ =	shalt  }
0x84: {  	_ =	shalt  }
0x85: {  	_ =	shalt  }
0x86: {  	_ =	shalt  }
0x87: {  	_ =	shalt  }
.Lfunc_end0:
.L_simem_size_0:
called_computation.3_lowered:
.L_overlay_start_0:
0x88: {  	s2 =	sld [smem:$0x3FD9]  }
0x89: {  	s3 =	sld [smem:$0x3FFE];
	_ =	sdelay $0x1  }
0x8a: {  	s1 =	srdreg.scid  }
0x8b: {  	s0 =	sand.u32 $0x1, s1  }
0x8c: {  	s14 =	sshll.u32 s0, $0xA;
	s2 =	sadd.s32 s3, s2  }
0x8d: {  	s2 =	sadd.s32 s2, s14  }
0x8e: {  	[smem:$0x3FBE] =	sst s2  }
0x8f: {  	_ = 	snop  }
0x90: {  	s2 =	sld [smem:$0x3FD0];
	_ =	sdelay $0x1  }
0x91: {  	s15 =	sld [smem:$0x3FC9]  }
0x92: {  	s5 =	simm.s32 $0xB;
	s6 =	simm.s32 $0x10;
	s4 =	sld [smem:$0x3FC6]  }
0x93: {  	[smem:s6], [sflag:s5] =	dma.local [hbm:s2], $0x1  }
0x94: {  	_ =	swait.eq [sflag:s5], $0x1  }
0x95: {  	s16 =	sld [smem:$0x10];
	[sflag:s5] =	ssyncset.done $0x0  }
0x96: {  	s17 =	sld [smem:$0x11];
	[sflag:s5] =	ssyncadd.s32 $0xFFFFFFFF  }
0x97: {  	s18 =	sld [smem:$0x12];
	(tm) =	ssettm $0x1  }
0x98: {  	s7 =	sld [smem:$0x3FFB];
	_ =	sdelay $0x3  }
0x99: {  	_ =	strace s7  }
0x9a: {  	s7 =	sld [smem:$0x3FFC];
	_ =	sdelay $0x3  }
0x9b: {  	_ =	strace s7  }
0x9c: {  	s7 =	sld [smem:$0x3FFD];
	_ =	sdelay $0x3  }
0x9d: {  	_ =	strace s7  }
0x9e: {  	_ =	strace $0x8FFFFFFF  }
0x9f: {  	s19 =	sld [smem:$0x3FDB];
	_ =	sdelay $0x1  }
0xa0: {  	s8 =	simm.s32 $_scs_section_size  }
0xa1: {  	s9 =	simm.s32 $_size__tile_overlayer_lowered;
	s10 =	simm.s32 $_tile_overlayer_lowered  }
0xa2: {  	s22 =	simm.s32 $0x1BFF;
	s21 =	sshll.u32 s10, $0x1;
	s7 =	sadd.s32 s8, s19  }
0xa3: {  	s11 =	simm.s32 $0x0;
	s20 =	sshll.u32 s9, $0x1;
	s9 =	sadd.s32 s21, s7  }
0xa4: {  	[timem:s11], [sflag:s22] =	dma.local [hbm:s9], s20  }
0xa5: {  	_ =	swait.ge [sflag:s22], s20  }
0xa6: {  	s8 =	ssub.s32 $0x0, s20;
	[sflag:s22] =	ssyncset.done $0x0  }
0xa7: {  	[sflag:s22] =	ssyncadd.s32 s8;
	_ =	sdelay $0x1  }
0xa8: {  	s23 =	simm.s32 $0x1B8B  }
0xa9: {  	_ =	swait.ge [sflag:s23], $0x1  }
0xaa: {  	[sflag:s23] =	ssyncset.done $0x0  }
0xab: {  	s25 =	simm.s32 $0x1B8E;
	s24 =	sld [smem:$0x3FFE];
	[sflag:s23] =	ssyncadd.s32 $0xFFFFFFFF  }
0xac: {  	s26 =	simm.s32 $execute0_lowered;
	[smem:$0x3FD2] =	sst s25  }
0xad: {  	s9 =	sshll.u32 s26, $0x1;
	_ =	strace $0x8000004C;
	[dreg:$0x1] =	wrdreg $0xFFFFFFFF  }
0xae: {  	s28 =	simm.s32 $_size_execute0_lowered;
	s7 =	sadd.s32 s7, s9;
	[dreg:$0x0] =	wrdreg $0x0  }
0xaf: {  	s9 =	sshll.u32 s28, $0x1;
	[dreg:$0x2] =	wrdreg s7  }
0xb0: {  	[dreg:$0x3] =	wrdreg s9  }
0xb1: {  	[dreg:$0x4] =	wrdreg $0xC0  }
0xb2: {  	_ =	task [dreg:s11], $0x5FFFF  }
0xb3: {  	[dreg:$0x1] =	wrdreg $0xFFFFFFFF  }
0xb4: {  	[dreg:$0x0] =	wrdreg $0x60  }
0xb5: {  	[dreg:$0x2] =	wrdreg s15  }
0xb6: {  	[dreg:$0x3] =	wrdreg s24  }
0xb7: {  	[dreg:$0x4] =	wrdreg s4  }
0xb8: {  	[dreg:$0x5] =	wrdreg s18  }
0xb9: {  	[dreg:$0x6] =	wrdreg s17  }
0xba: {  	[dreg:$0x7] =	wrdreg s16  }
0xbb: {  	[dreg:$0x8] =	wrdreg $0x9  }
0xbc: {  	_ =	task.clear_ibuf [dreg:s11], $0x9FFFF;
	_ =	strace $0x9000004C  }
0xbd: {  	s29 =	simm.s32 $0x9;
	_ =	strace $0x8000004E  }
0xbe: {  	_ =	swait.ge [sflag:s29], $0x1  }
0xbf: {  	[sflag:s29] =	ssyncadd.s32 $0xFFFFFFFF  }
0xc0: {  	_ =	strace $0x9000004E  }
0xc1: {  	_ =	sfence  }
0xc2: {  	s30 =	sld [smem:$0x0];
	_ =	sdelay $0x2  }
0xc3: {  	s31 =	sshll.u32 s1, $0xD;
	s1 =	sshrl.u32 s1, $0x2  }
0xc4: {  	s3 =	sand.u32 $0x4000, s31;
	s1 =	sadd.s32 s1, s30  }
0xc5: {  	s0 =	sor.u32 s3, s0;
	s1 =	sshll.u32 s1, $0x11  }
0xc6: {  	s0 =	sor.u32 s1, s0  }
0xc7: {  	s0 =	sadd.s32 $0x8F2B, s0  }
0xc8: {  	[sflag:s0] =	ssyncadd.remote.s32 $0x1  }
0xc9: {  	_ =	sfence.sel $0xFFFF  }
0xca: {  	[dreg:$0x0] =	wrdreg $0xFFFFFFFF;
	(pc) =	sbr.abs _section_cstart, $3  }
0xcb: {  	[dreg:$0x1] =	wrdreg $0xFFFFFFFF  }
0xcc: {  	_ =	task.clear_ibuf [dreg:s11], $0x2FFFF;
	_ =	strace $0x9FFFFFFF  }
0xcd: {  	(tm) =	ssettm $0x7FFFFFFF  }
tec
execute0_lowered:
.L_overlay_start_1:
0x0: {  	(tag) =	ssettag $0x1  }
0x1: {  	s0 =	rddreg [dreg:$0x1]  }
0x2: {  	s2 =	rddreg [dreg:$0x2]  }
0x3: {  	s6 =	simm.s32 $0x0;
	s1 =	srdreg.scid;
	s7 =	stileid.u32  }
0x4: {  	s18 =	simm.s32 $0xAF50;
	s19 =	simm.s32 $0x3;
	s20 =	simm.s32 $0x3E8  }
0x5: {  	s21 =	simm.s32 $0xB338;
	s22 =	simm.s32 $0x1;
	s26 =	simm.s32 $0x50  }
0x6: {  	s30 =	simm.s32 $0x2850;
	s31 =	simm.s32 $0x2;
	[smem:$0x7FF] =	sst s6  }
0x7: {  	v0 =	vimm.s32 $0x210FEDCB;
	s1 =	sand.u32 $0x1, s1;
	s8 =	sadd.s32 $0x2400, s0;
	s9 =	sadd.s32 $0x88200, s0  }
0x8: {  	v1 =	vimm.s32 $0xA9876543;
	s10 =	sadd.s32 $0x47200, s0;
	s11 =	sadd.s32 $0x6F200, s0;
	s13 =	sadd.s32 $0x3C6400, s0  }
0x9: {  	s14 =	sadd.s32 $0xB9000, s0;
	v0 =	vunpack.c.l.s4.s8 v0;
	v1 =	vunpack.c.l.s4.s8 v1;
	s3 =	smul.u32 $0x271, s1;
	s4 =	ssub.s32 $0x2, s1  }
0xa: {  	_ =	strace $0x8000004D;
	s1 =	smul.u32 $0x320, s1;
	s5 =	sshrl.u32 s4, $0x1  }
.Ltmp0:
0xb: {  	v0 =	vunpack.c.0.s8.s32 v0;
	v1 =	vunpack.c.0.s8.s32 v1;
	s12 =	sadd.s32 s7, s3;
	s29 =	ssub.s32 s4, s5;
	(pc) =	sbr.rel .LBB2_1-.Ltmp0, $4  }
0xc: {  	s16 =	sor.u32 s7, s1;
	s1 =	sadd.s32 $0x320, s1;
	s3 =	ssub.s32 s3, s12  }
0xd: {  	s7 =	simm.s32 $0xAA50;
	s0 =	smax.u32 s29, $0x1;
	v0 =	vcombine.low v1, v0;
	s3 =	sadd.s32 $0x280, s3  }
0xe: {  	p1 =	sle.u32 s1, s16;
	[dreg:$0x7] =	wrdreg s0;
	s15 =	sshrl.u32 s3, $0x4  }
0xf: {  	s0 =	simm.s32 $0x8250;
	v0 =	vand.u32 $0xF, v0;
	s3 =	simm.s32 $0x0;
	p0 =	seq.s32 s15, $0x0  }
.LBB2_11:
0x10: {  	s3 =	rddreg [dreg:$0x8]  }
0x11: {  	s1 =	rddreg [dreg:$0x7];
	s3 =	sadd.s32 $0x1, s3  }
0x12: {  	p2 =	sne.s32 s3, s1  }
.Ltmp1:
0x13: {  	_ = 	snop;
	(pc) =	sbr.rel @!p2 .LBB2_12-.Ltmp1, $1  }
0x14: {  	_ =	sdelay $0x3  }
.LBB2_1:
.Ltmp2:
0x15: {  	(pc) =	sbr.rel @p0 .LBB2_6-.Ltmp2, $2  }
0x16: {  	_ =	sdelay $0x2  }
0x17: {  	[dreg:$0x8] =	wrdreg s3  }
0x18: {  	s17 =	simm.s32 $0x0  }
.LBB2_3:
0x19: {  	s1 =	sshll.u32 s17, $0x4  }
0x1a: {  	s1 =	sadd.s32 s12, s1  }
0x1b: {  	s3 =	smul.u32 $0x50, s1;
	_ =	sdelay $0x1  }
0x1c: {  	s3 =	sshrl.u32 s3, $0x3  }
0x1d: {  	s3 =	sadd.s32 s2, s3  }
0x1e: {  	[tilespmem:s6], [sflag:$0x3] =	stream.linear.gather [hbm4b:s3+s6], $0x50, $0x38;
	[tilespmem:$0x1B120] =	vst v63  }
0x1f: {  	_ =	swait.ge [sflag:s19], $0x50  }
0x20: {  	[sflag:s19] =	ssyncset.done $0x0  }
0x21: {  	s24 =	simm.s32 $0x2D50;
	s25 =	smul.u32 $0x2800, s1;
	[sflag:s19] =	ssyncadd.s32 $0xFFFFFFB0  }
0x22: {  	[tilespmem:s24], [sflag:$0x1] =	stream.indirect.gather [hbm4b:s10+s26], $0x100, s6, s26, $0xb8;
	[tilespmem:$0x1B120] =	vst v63  }
0x23: {  	s4 =	simm.s32 $0x7D50;
	s3 =	sshrl.u32 s25, $0x3;
	s29 =	rddreg [dreg:$0x0]  }
0x24: {  	[tilespmem:s4], [sflag:$0x2] =	stream.indirect.gather [hbm4b:s11+s26], $0x10, s6, s26, $0xb8;
	[tilespmem:$0x1B120] =	vst v63  }
0x25: {  	s1 =	smul.u32 $0x500, s1;
	s4 =	sadd.s32 s29, s3  }
0x26: {  	[tilespmem:s26], [sflag:$0x3] =	stream.linear.gather [hbm4b:s4+s6], $0x2800, $0x38;
	[tilespmem:$0x1B120] =	vst v63  }
0x27: {  	_ =	swait.ge [sflag:s19], $0x2800  }
0x28: {  	s4 =	sshrl.u32 s1, $0x3;
	[sflag:s19] =	ssyncset.done $0x0  }
0x29: {  	s1 =	sadd.s32 s8, s4;
	[sflag:s19] =	ssyncadd.s32 $0xFFFFD800  }
0x2a: {  	[tilespmem:s30], [sflag:$0x3] =	stream.linear.gather [hbm4b:s1+s6], $0x500, $0x38;
	[tilespmem:$0x1B120] =	vst v63  }
0x2b: {  	_ =	swait.ge [sflag:s19], $0x500  }
0x2c: {  	[sflag:s19] =	ssyncset.done $0x0  }
0x2d: {  	[sflag:s19] =	ssyncadd.s32 $0xFFFFFB00  }
0x2e: {  	_ =	swait.ge [sflag:s22], $0x5000  }
0x2f: {  	[sflag:s22] =	ssyncset.done $0x0  }
0x30: {  	[sflag:s22] =	ssyncadd.s32 $0xFFFFB000  }
0x31: {  	_ =	swait.ge [sflag:s31], $0x500  }
0x32: {  	[sflag:s31] =	ssyncset.done $0x0  }
0x33: {  	s23 =	simm.s32 $0x2E50;
	[sflag:s31] =	ssyncadd.s32 $0xFFFFFB00  }
0x34: {  	s24 =	simm.s32 $0xD0;
	v1 =	vld [tilespmem:s23+$0xFFFFFF00]  }
0x35: {  	v2 =	vld [tilespmem:s24+$0xFFFFFF80];
	_ =	sdelay $0x1  }
0x36: {  	v3 =	vld [tilespmem:s23+$0xFFFFFF80];
	_ =	sdelay $0x2  }
0x37: {  	v1 =	vmul.f32 v1, v2;
	_ =	sdelay $0x1  }
0x38: {  	v1 =	vadd.f32 v3, v1  }
0x39: {  	s25 =	simm.s32 $0x82D0  }
0x3a: {  	[tilespmem:s25+$0xFFFFFF80] =	vst v1  }
0x3b: {  	v1 =	vld [tilespmem:s24+$0xFFFFFF90]  }
0x3c: {  	v2 =	vld [tilespmem:s23+$0xFFFFFF10];
	_ =	sdelay $0x1  }
0x3d: {  	v3 =	vld [tilespmem:s23+$0xFFFFFF90];
	_ =	sdelay $0x2  }
0x3e: {  	v1 =	vmul.f32 v2, v1;
	_ =	sdelay $0x1  }
0x3f: {  	v1 =	vadd.f32 v3, v1;
	_ =	sdelay $0x1  }
0x40: {  	[tilespmem:s25+$0xFFFFFF90] =	vst v1  }
0x41: {  	v1 =	vld [tilespmem:s24+$0xFFFFFFA0]  }
0x42: {  	v2 =	vld [tilespmem:s23+$0xFFFFFF20];
	_ =	sdelay $0x1  }
0x43: {  	v3 =	vld [tilespmem:s23+$0xFFFFFFA0];
	_ =	sdelay $0x2  }
0x44: {  	v1 =	vmul.f32 v2, v1;
	_ =	sdelay $0x1  }
0x45: {  	v1 =	vadd.f32 v3, v1;
	_ =	sdelay $0x1  }
0x46: {  	[tilespmem:s25+$0xFFFFFFA0] =	vst v1  }
0x47: {  	v1 =	vld [tilespmem:s24+$0xFFFFFFB0]  }
0x48: {  	v2 =	vld [tilespmem:s23+$0xFFFFFF30];
	_ =	sdelay $0x1  }
0x49: {  	v3 =	vld [tilespmem:s23+$0xFFFFFFB0];
	_ =	sdelay $0x2  }
0x4a: {  	v1 =	vmul.f32 v2, v1;
	_ =	sdelay $0x1  }
0x4b: {  	v1 =	vadd.f32 v3, v1;
	_ =	sdelay $0x1  }
0x4c: {  	[tilespmem:s25+$0xFFFFFFB0] =	vst v1  }
0x4d: {  	v1 =	vld [tilespmem:s24+$0xFFFFFFC0]  }
0x4e: {  	v2 =	vld [tilespmem:s23+$0xFFFFFF40];
	_ =	sdelay $0x1  }
0x4f: {  	v3 =	vld [tilespmem:s23+$0xFFFFFFC0];
	_ =	sdelay $0x2  }
0x50: {  	v1 =	vmul.f32 v2, v1;
	_ =	sdelay $0x1  }
0x51: {  	v1 =	vadd.f32 v3, v1;
	_ =	sdelay $0x1  }
0x52: {  	[tilespmem:s25+$0xFFFFFFC0] =	vst v1  }
0x53: {  	v1 =	vld [tilespmem:s24+$0xFFFFFFD0]  }
0x54: {  	v2 =	vld [tilespmem:s23+$0xFFFFFF50];
	_ =	sdelay $0x1  }
0x55: {  	v3 =	vld [tilespmem:s23+$0xFFFFFFD0];
	_ =	sdelay $0x2  }
0x56: {  	v1 =	vmul.f32 v2, v1;
	_ =	sdelay $0x1  }
0x57: {  	v1 =	vadd.f32 v3, v1;
	_ =	sdelay $0x1  }
0x58: {  	[tilespmem:s25+$0xFFFFFFD0] =	vst v1  }
0x59: {  	v1 =	vld [tilespmem:s24+$0xFFFFFFE0]  }
0x5a: {  	v2 =	vld [tilespmem:s23+$0xFFFFFF60];
	_ =	sdelay $0x1  }
0x5b: {  	v3 =	vld [tilespmem:s23+$0xFFFFFFE0];
	_ =	sdelay $0x2  }
0x5c: {  	v1 =	vmul.f32 v2, v1;
	_ =	sdelay $0x1  }
0x5d: {  	v1 =	vadd.f32 v3, v1;
	_ =	sdelay $0x1  }
0x5e: {  	[tilespmem:s25+$0xFFFFFFE0] =	vst v1  }
0x5f: {  	v1 =	vld [tilespmem:s24+$0xFFFFFFF0]  }
0x60: {  	v2 =	vld [tilespmem:s23+$0xFFFFFF70];
	_ =	sdelay $0x1  }
0x61: {  	v3 =	vld [tilespmem:s23+$0xFFFFFFF0];
	_ =	sdelay $0x2  }
0x62: {  	v1 =	vmul.f32 v2, v1;
	_ =	sdelay $0x1  }
0x63: {  	v1 =	vadd.f32 v3, v1;
	_ =	sdelay $0x1  }
0x64: {  	s28 =	simm.s32 $0x10;
	[tilespmem:s25+$0xFFFFFFF0] =	vst v1  }
0x65: {  	v1 =	vld [tilespmem:s28+$0x2840]  }
0x66: {  	v2 =	vld [tilespmem:s28+$0x7D40];
	_ =	sdelay $0x4  }
0x67: {  	v3 =	vperm.xlane v2, v0;
	v1 =	vmul.f32 v2, v1;
	_ =	sdelay $0x1  }
0x68: {  	v1 =	vadd.f32 v3, v1;
	_ =	sdelay $0x1  }
0x69: {  	[tilespmem:s28+$0xAA40] =	vst v1  }
0x6a: {  	v1 =	vld [tilespmem:s24+$0x0]  }
0x6b: {  	v2 =	vld [tilespmem:s23+$0x0];
	_ =	sdelay $0x1  }
0x6c: {  	v3 =	vld [tilespmem:s23+$0x80];
	_ =	sdelay $0x2  }
0x6d: {  	v1 =	vmul.f32 v2, v1;
	_ =	sdelay $0x1  }
0x6e: {  	v1 =	vadd.f32 v3, v1;
	_ =	sdelay $0x1  }
0x6f: {  	[tilespmem:s25+$0x0] =	vst v1  }
0x70: {  	v1 =	vld [tilespmem:s24+$0x10]  }
0x71: {  	v2 =	vld [tilespmem:s23+$0x10];
	_ =	sdelay $0x1  }
0x72: {  	v3 =	vld [tilespmem:s23+$0x90];
	_ =	sdelay $0x2  }
0x73: {  	v1 =	vmul.f32 v2, v1;
	_ =	sdelay $0x1  }
0x74: {  	v1 =	vadd.f32 v3, v1;
	_ =	sdelay $0x1  }
0x75: {  	[tilespmem:s25+$0x10] =	vst v1  }
0x76: {  	v1 =	vld [tilespmem:s24+$0x20]  }
0x77: {  	v2 =	vld [tilespmem:s23+$0x20];
	_ =	sdelay $0x1  }
0x78: {  	v3 =	vld [tilespmem:s23+$0xA0];
	_ =	sdelay $0x2  }
0x79: {  	v1 =	vmul.f32 v2, v1;
	_ =	sdelay $0x1  }
0x7a: {  	v1 =	vadd.f32 v3, v1;
	_ =	sdelay $0x1  }
0x7b: {  	[tilespmem:s25+$0x20] =	vst v1  }
0x7c: {  	v1 =	vld [tilespmem:s24+$0x30]  }
0x7d: {  	v2 =	vld [tilespmem:s23+$0x30];
	_ =	sdelay $0x1  }
0x7e: {  	v3 =	vld [tilespmem:s23+$0xB0];
	_ =	sdelay $0x2  }
0x7f: {  	v1 =	vmul.f32 v2, v1;
	_ =	sdelay $0x1  }
0x80: {  	v1 =	vadd.f32 v3, v1;
	_ =	sdelay $0x1  }
0x81: {  	[tilespmem:s25+$0x30] =	vst v1  }
0x82: {  	v1 =	vld [tilespmem:s24+$0x40]  }
0x83: {  	v2 =	vld [tilespmem:s23+$0x40];
	_ =	sdelay $0x1  }
0x84: {  	v3 =	vld [tilespmem:s23+$0xC0];
	_ =	sdelay $0x2  }
0x85: {  	v1 =	vmul.f32 v2, v1;
	_ =	sdelay $0x1  }
0x86: {  	v1 =	vadd.f32 v3, v1;
	_ =	sdelay $0x1  }
0x87: {  	[tilespmem:s25+$0x40] =	vst v1  }
0x88: {  	v1 =	vld [tilespmem:s24+$0x50]  }
0x89: {  	v2 =	vld [tilespmem:s23+$0x50];
	_ =	sdelay $0x1  }
0x8a: {  	v3 =	vld [tilespmem:s23+$0xD0];
	_ =	sdelay $0x2  }
0x8b: {  	v1 =	vmul.f32 v2, v1;
	_ =	sdelay $0x1  }
0x8c: {  	v1 =	vadd.f32 v3, v1;
	_ =	sdelay $0x1  }
0x8d: {  	[tilespmem:s25+$0x50] =	vst v1  }
0x8e: {  	v1 =	vld [tilespmem:s24+$0x60]  }
0x8f: {  	v2 =	vld [tilespmem:s23+$0x60];
	_ =	sdelay $0x1  }
0x90: {  	v3 =	vld [tilespmem:s23+$0xE0];
	_ =	sdelay $0x2  }
0x91: {  	v1 =	vmul.f32 v2, v1;
	_ =	sdelay $0x1  }
0x92: {  	v1 =	vadd.f32 v3, v1;
	_ =	sdelay $0x1  }
0x93: {  	[tilespmem:s25+$0x60] =	vst v1  }
0x94: {  	v1 =	vld [tilespmem:s24+$0x70]  }
0x95: {  	v2 =	vld [tilespmem:s23+$0x70]  }
0x96: {  	s5 =	simm.s32 $0xC0;
	s1 =	simm.s32 $0x82D0;
	v3 =	vld [tilespmem:s23+$0xF0]  }
.LBB2_4:
0x97: {  	s23 =	sadd.s32 $0x200, s23;
	s24 =	sadd.s32 $0x100, s24;
	s25 =	sadd.s32 $0x100, s25  }
0x98: {  	p2 =	sne.s32 s5, $0x13C0;
	s29 =	smov.u32 s5;
	s5 =	sadd.s32 $0x80, s5  }
0x99: {  	_ = 	snop  }
0x9a: {  	v1 =	vmul.f32 v2, v1;
	_ =	sdelay $0x1  }
0x9b: {  	v1 =	vadd.f32 v3, v1;
	_ =	sdelay $0x1  }
0x9c: {  	[tilespmem:s1+$0x70] =	vst v1;
	s1 =	smov.u32 s25  }
0x9d: {  	v1 =	vld [tilespmem:s28+$0x2850]  }
0x9e: {  	v2 =	vld [tilespmem:s28+$0x7D50];
	_ =	sdelay $0x4  }
0x9f: {  	v3 =	vperm.xlane v2, v0;
	v1 =	vmul.f32 v2, v1;
	_ =	sdelay $0x1  }
0xa0: {  	v1 =	vadd.f32 v3, v1;
	_ =	sdelay $0x1  }
0xa1: {  	[tilespmem:s28+$0xAA50] =	vst v1  }
0xa2: {  	v1 =	vld [tilespmem:s23+$0xFFFFFF00]  }
0xa3: {  	v2 =	vld [tilespmem:s24+$0xFFFFFF80]  }
0xa4: {  	v3 =	vld [tilespmem:s23+$0xFFFFFF80];
	_ =	sdelay $0x3  }
0xa5: {  	v1 =	vmul.f32 v1, v2;
	_ =	sdelay $0x1  }
0xa6: {  	v1 =	vadd.f32 v3, v1;
	_ =	sdelay $0x1  }
0xa7: {  	[tilespmem:s25+$0xFFFFFF80] =	vst v1  }
0xa8: {  	v1 =	vld [tilespmem:s24+$0xFFFFFF90]  }
0xa9: {  	v2 =	vld [tilespmem:s23+$0xFFFFFF10];
	_ =	sdelay $0x1  }
0xaa: {  	v3 =	vld [tilespmem:s23+$0xFFFFFF90];
	_ =	sdelay $0x2  }
0xab: {  	v1 =	vmul.f32 v2, v1;
	_ =	sdelay $0x1  }
0xac: {  	v1 =	vadd.f32 v3, v1;
	_ =	sdelay $0x1  }
0xad: {  	[tilespmem:s25+$0xFFFFFF90] =	vst v1  }
0xae: {  	v1 =	vld [tilespmem:s24+$0xFFFFFFA0]  }
0xaf: {  	v2 =	vld [tilespmem:s23+$0xFFFFFF20];
	_ =	sdelay $0x1  }
0xb0: {  	v3 =	vld [tilespmem:s23+$0xFFFFFFA0];
	_ =	sdelay $0x2  }
0xb1: {  	v1 =	vmul.f32 v2, v1;
	_ =	sdelay $0x1  }
0xb2: {  	v1 =	vadd.f32 v3, v1;
	_ =	sdelay $0x1  }
0xb3: {  	[tilespmem:s25+$0xFFFFFFA0] =	vst v1  }
0xb4: {  	v1 =	vld [tilespmem:s24+$0xFFFFFFB0]  }
0xb5: {  	v2 =	vld [tilespmem:s23+$0xFFFFFF30];
	_ =	sdelay $0x1  }
0xb6: {  	v3 =	vld [tilespmem:s23+$0xFFFFFFB0];
	_ =	sdelay $0x2  }
0xb7: {  	v1 =	vmul.f32 v2, v1;
	_ =	sdelay $0x1  }
0xb8: {  	v1 =	vadd.f32 v3, v1;
	_ =	sdelay $0x1  }
0xb9: {  	[tilespmem:s25+$0xFFFFFFB0] =	vst v1  }
0xba: {  	v1 =	vld [tilespmem:s24+$0xFFFFFFC0]  }
0xbb: {  	v2 =	vld [tilespmem:s23+$0xFFFFFF40]  }
0xbc: {  	v3 =	vld [tilespmem:s23+$0xFFFFFFC0];
	_ =	sdelay $0x3  }
0xbd: {  	v1 =	vmul.f32 v2, v1;
	_ =	sdelay $0x1  }
0xbe: {  	v1 =	vadd.f32 v3, v1;
	_ =	sdelay $0x1  }
0xbf: {  	[tilespmem:s25+$0xFFFFFFC0] =	vst v1  }
0xc0: {  	v1 =	vld [tilespmem:s24+$0xFFFFFFD0]  }
0xc1: {  	v2 =	vld [tilespmem:s23+$0xFFFFFF50];
	_ =	sdelay $0x1  }
0xc2: {  	v3 =	vld [tilespmem:s23+$0xFFFFFFD0];
	_ =	sdelay $0x2  }
0xc3: {  	v1 =	vmul.f32 v2, v1;
	_ =	sdelay $0x1  }
0xc4: {  	v1 =	vadd.f32 v3, v1;
	_ =	sdelay $0x1  }
0xc5: {  	[tilespmem:s25+$0xFFFFFFD0] =	vst v1  }
0xc6: {  	v1 =	vld [tilespmem:s24+$0xFFFFFFE0]  }
0xc7: {  	v2 =	vld [tilespmem:s23+$0xFFFFFF60];
	_ =	sdelay $0x1  }
0xc8: {  	v3 =	vld [tilespmem:s23+$0xFFFFFFE0];
	_ =	sdelay $0x2  }
0xc9: {  	v1 =	vmul.f32 v2, v1;
	_ =	sdelay $0x1  }
0xca: {  	v1 =	vadd.f32 v3, v1;
	_ =	sdelay $0x1  }
0xcb: {  	[tilespmem:s25+$0xFFFFFFE0] =	vst v1  }
0xcc: {  	v1 =	vld [tilespmem:s24+$0xFFFFFFF0]  }
0xcd: {  	v2 =	vld [tilespmem:s23+$0xFFFFFF70]  }
0xce: {  	v3 =	vld [tilespmem:s23+$0xFFFFFFF0];
	_ =	sdelay $0x3  }
0xcf: {  	v1 =	vmul.f32 v2, v1;
	_ =	sdelay $0x1  }
0xd0: {  	v1 =	vadd.f32 v3, v1;
	_ =	sdelay $0x1  }
0xd1: {  	s28 =	sshra.s32 s29, $0x2;
	[tilespmem:s25+$0xFFFFFFF0] =	vst v1  }
0xd2: {  	v1 =	vld [tilespmem:s28+$0x2840]  }
0xd3: {  	v2 =	vld [tilespmem:s28+$0x7D40];
	_ =	sdelay $0x4  }
0xd4: {  	v3 =	vperm.xlane v2, v0;
	v1 =	vmul.f32 v2, v1;
	_ =	sdelay $0x1  }
0xd5: {  	v1 =	vadd.f32 v3, v1;
	_ =	sdelay $0x1  }
0xd6: {  	[tilespmem:s28+$0xAA40] =	vst v1  }
0xd7: {  	v1 =	vld [tilespmem:s24+$0x0]  }
0xd8: {  	v2 =	vld [tilespmem:s23+$0x0]  }
0xd9: {  	v3 =	vld [tilespmem:s23+$0x80];
	_ =	sdelay $0x3  }
0xda: {  	v1 =	vmul.f32 v2, v1;
	_ =	sdelay $0x1  }
0xdb: {  	v1 =	vadd.f32 v3, v1;
	_ =	sdelay $0x1  }
0xdc: {  	[tilespmem:s25+$0x0] =	vst v1  }
0xdd: {  	v1 =	vld [tilespmem:s24+$0x10]  }
0xde: {  	v2 =	vld [tilespmem:s23+$0x10]  }
0xdf: {  	v3 =	vld [tilespmem:s23+$0x90];
	_ =	sdelay $0x3  }
0xe0: {  	v1 =	vmul.f32 v2, v1;
	_ =	sdelay $0x1  }
0xe1: {  	v1 =	vadd.f32 v3, v1;
	_ =	sdelay $0x1  }
0xe2: {  	[tilespmem:s25+$0x10] =	vst v1  }
0xe3: {  	v1 =	vld [tilespmem:s24+$0x20]  }
0xe4: {  	v2 =	vld [tilespmem:s23+$0x20]  }
0xe5: {  	v3 =	vld [tilespmem:s23+$0xA0];
	_ =	sdelay $0x3  }
0xe6: {  	v1 =	vmul.f32 v2, v1;
	_ =	sdelay $0x1  }
0xe7: {  	v1 =	vadd.f32 v3, v1;
	_ =	sdelay $0x1  }
0xe8: {  	[tilespmem:s25+$0x20] =	vst v1  }
0xe9: {  	v1 =	vld [tilespmem:s24+$0x30]  }
0xea: {  	v2 =	vld [tilespmem:s23+$0x30]  }
0xeb: {  	v3 =	vld [tilespmem:s23+$0xB0];
	_ =	sdelay $0x3  }
0xec: {  	v1 =	vmul.f32 v2, v1;
	_ =	sdelay $0x1  }
0xed: {  	v1 =	vadd.f32 v3, v1;
	_ =	sdelay $0x1  }
0xee: {  	[tilespmem:s25+$0x30] =	vst v1  }
0xef: {  	v1 =	vld [tilespmem:s24+$0x40]  }
0xf0: {  	v2 =	vld [tilespmem:s23+$0x40]  }
0xf1: {  	v3 =	vld [tilespmem:s23+$0xC0];
	_ =	sdelay $0x3  }
0xf2: {  	v1 =	vmul.f32 v2, v1;
	_ =	sdelay $0x1  }
0xf3: {  	v1 =	vadd.f32 v3, v1;
	_ =	sdelay $0x1  }
0xf4: {  	[tilespmem:s25+$0x40] =	vst v1  }
0xf5: {  	v1 =	vld [tilespmem:s24+$0x50]  }
0xf6: {  	v2 =	vld [tilespmem:s23+$0x50]  }
0xf7: {  	v3 =	vld [tilespmem:s23+$0xD0];
	_ =	sdelay $0x3  }
0xf8: {  	v1 =	vmul.f32 v2, v1;
	_ =	sdelay $0x1  }
0xf9: {  	v1 =	vadd.f32 v3, v1;
	_ =	sdelay $0x1  }
0xfa: {  	[tilespmem:s25+$0x50] =	vst v1  }
0xfb: {  	v1 =	vld [tilespmem:s24+$0x60]  }
0xfc: {  	v2 =	vld [tilespmem:s23+$0x60]  }
0xfd: {  	v3 =	vld [tilespmem:s23+$0xE0];
	_ =	sdelay $0x3  }
0xfe: {  	v1 =	vmul.f32 v2, v1;
	_ =	sdelay $0x1  }
0xff: {  	v1 =	vadd.f32 v3, v1  }
.Ltmp3:
0x100: {  	(pc) =	sbr.rel @p2 .LBB2_4-.Ltmp3, $4  }
0x101: {  	[tilespmem:s25+$0x60] =	vst v1  }
0x102: {  	v1 =	vld [tilespmem:s24+$0x70]  }
0x103: {  	v2 =	vld [tilespmem:s23+$0x70]  }
0x104: {  	v3 =	vld [tilespmem:s23+$0xF0]  }
0x105: {  	_ =	sdelay $0x2  }
0x106: {  	v1 =	vmul.f32 v2, v1;
	_ =	sdelay $0x1  }
0x107: {  	v1 =	vadd.f32 v3, v1;
	_ =	sdelay $0x1  }
0x108: {  	[tilespmem:s1+$0x70] =	vst v1  }
0x109: {  	v1 =	vld [tilespmem:s28+$0x2850]  }
0x10a: {  	v2 =	vld [tilespmem:s28+$0x7D50];
	_ =	sdelay $0x4  }
0x10b: {  	v3 =	vperm.xlane v2, v0;
	v1 =	vmul.f32 v2, v1;
	_ =	sdelay $0x1  }
0x10c: {  	v1 =	vadd.f32 v3, v1;
	_ =	sdelay $0x1  }
0x10d: {  	[tilespmem:s28+$0xAA50] =	vst v1;
	s28 =	rddreg [dreg:$0x5]  }
0x10e: {  	s1 =	sadd.s32 s28, s3  }
0x10f: {  	[hbm4b:s1+s6] =	stream.linear.scatter [tilespmem:s0], [sflag:$0x3], $0x2800, $0x38;
	[tilespmem:$0x1B120] =	vst v63  }
0x110: {  	s17 =	sadd.s32 $0x1, s17;
	_ =	swait.ge [sflag:s19], $0x2800  }
0x111: {  	p2 =	sne.s32 s17, s15;
	[sflag:s19] =	ssyncset.done $0x0  }
.Ltmp4:
0x112: {  	s29 =	sadd.s32 s13, s4;
	[sflag:s19] =	ssyncadd.s32 $0xFFFFD800;
	(pc) =	sbr.rel @p2 .LBB2_3-.Ltmp4, $4  }
0x113: {  	[hbm4b:s29+s6] =	stream.linear.scatter [tilespmem:s7], [sflag:$0x3], $0x500, $0x38;
	[tilespmem:$0x1B120] =	vst v63  }
0x114: {  	_ =	swait.ge [sflag:s19], $0x500  }
0x115: {  	[sflag:s19] =	ssyncset.done $0x0  }
0x116: {  	[sflag:s19] =	ssyncadd.s32 $0xFFFFFB00  }
.LBB2_6:
.Ltmp5:
0x117: {  	(pc) =	sbr.rel @p1 .LBB2_11-.Ltmp5, $3  }
0x118: {  	_ =	sdelay $0x1  }
0x119: {  	s28 =	rddreg [dreg:$0x3]  }
0x11a: {  	s29 =	rddreg [dreg:$0x4]  }
0x11b: {  	s1 =	simm.s32 $0x0  }
.LBB2_8:
0x11c: {  	s3 =	sshll.u32 s1, $0x4  }
0x11d: {  	s3 =	sadd.s32 s16, s3  }
0x11e: {  	s4 =	smul.u32 $0x3E8, s3;
	_ =	sdelay $0x1  }
0x11f: {  	s4 =	sshrl.u32 s4, $0x3  }
0x120: {  	s4 =	sadd.s32 s9, s4  }
0x121: {  	[tilespmem:s18], [sflag:$0x3] =	stream.linear.gather [hbm4b:s4+s6], $0x3E8, $0x38;
	[tilespmem:$0x1B120] =	vst v63  }
0x122: {  	_ =	swait.ge [sflag:s19], $0x3E8  }
0x123: {  	[sflag:s19] =	ssyncset.done $0x0  }
0x124: {  	[sflag:s19] =	ssyncadd.s32 $0xFFFFFC18  }
0x125: {  	[tilespmem:s21], [sflag:$0x1] =	stream.indirect.gather [hbm4b:s2+s20], $0x1, s18, s20, $0xb8;
	[tilespmem:$0x1B120] =	vst v63  }
0x126: {  	s3 =	smul.u32 $0x3E80, s3;
	_ =	swait.ge [sflag:s22], $0x3E8  }
0x127: {  	[sflag:s22] =	ssyncset.done $0x0  }
0x128: {  	s24 =	simm.s32 $0xF5A0;
	s3 =	sshrl.u32 s3, $0x3;
	[sflag:s22] =	ssyncadd.s32 $0xFFFFFC18  }
0x129: {  	[tilespmem:s24], [sflag:$0x1] =	stream.indirect.gather [hbm4b:s29+s20], $0x20, s21, s20, $0xb8;
	[tilespmem:$0x1B120] =	vst v63  }
0x12a: {  	s5 =	simm.s32 $0xB720;
	s25 =	sadd.s32 s28, s3  }
0x12b: {  	[tilespmem:s5], [sflag:$0x3] =	stream.linear.gather [hbm4b:s25+s6], $0x3E80, $0x38;
	[tilespmem:$0x1B120] =	vst v63  }
0x12c: {  	_ =	swait.ge [sflag:s19], $0x3E80  }
0x12d: {  	[sflag:s19] =	ssyncset.done $0x0  }
0x12e: {  	[sflag:s19] =	ssyncadd.s32 $0xFFFFC180  }
0x12f: {  	_ =	swait.ge [sflag:s22], $0x7D00  }
0x130: {  	[sflag:s22] =	ssyncset.done $0x0  }
0x131: {  	s4 =	simm.s32 $0x70;
	[sflag:s22] =	ssyncadd.s32 $0xFFFF8300  }
0x132: {  	s5 =	simm.s32 $0xF620;
	v1 =	vld [tilespmem:s4+$0xB6B0]  }
0x133: {  	v2 =	vld [tilespmem:s5+$0xFFFFFF80];
	_ =	sdelay $0x1  }
0x134: {  	v3 =	vld [tilespmem:s5+$0xFFFFFF90];
	_ =	sdelay $0x2  }
0x135: {  	v1 =	vmul.f32 v2, v1;
	_ =	sdelay $0x1  }
0x136: {  	v1 =	vadd.f32 v3, v1;
	_ =	sdelay $0x1  }
0x137: {  	[tilespmem:s4+$0x17230] =	vst v1;
	v1 =	vld [tilespmem:s4+$0xB6C0]  }
0x138: {  	v2 =	vld [tilespmem:s5+$0xFFFFFFA0];
	_ =	sdelay $0x1  }
0x139: {  	v3 =	vld [tilespmem:s5+$0xFFFFFFB0];
	_ =	sdelay $0x2  }
0x13a: {  	v1 =	vmul.f32 v2, v1;
	_ =	sdelay $0x1  }
0x13b: {  	v1 =	vadd.f32 v3, v1;
	_ =	sdelay $0x1  }
0x13c: {  	[tilespmem:s4+$0x17240] =	vst v1;
	v1 =	vld [tilespmem:s4+$0xB6D0]  }
0x13d: {  	v2 =	vld [tilespmem:s5+$0xFFFFFFC0];
	_ =	sdelay $0x1  }
0x13e: {  	v3 =	vld [tilespmem:s5+$0xFFFFFFD0];
	_ =	sdelay $0x2  }
0x13f: {  	v1 =	vmul.f32 v2, v1;
	_ =	sdelay $0x1  }
0x140: {  	v1 =	vadd.f32 v3, v1;
	_ =	sdelay $0x1  }
0x141: {  	[tilespmem:s4+$0x17250] =	vst v1;
	v1 =	vld [tilespmem:s4+$0xB6E0]  }
0x142: {  	v2 =	vld [tilespmem:s5+$0xFFFFFFE0];
	_ =	sdelay $0x1  }
0x143: {  	v3 =	vld [tilespmem:s5+$0xFFFFFFF0];
	_ =	sdelay $0x2  }
0x144: {  	v1 =	vmul.f32 v2, v1;
	_ =	sdelay $0x1  }
0x145: {  	v1 =	vadd.f32 v3, v1;
	_ =	sdelay $0x1  }
0x146: {  	[tilespmem:s4+$0x17260] =	vst v1;
	v1 =	vld [tilespmem:s4+$0xB6F0]  }
0x147: {  	v2 =	vld [tilespmem:s5+$0x0];
	_ =	sdelay $0x1  }
0x148: {  	v3 =	vld [tilespmem:s5+$0x10];
	_ =	sdelay $0x2  }
0x149: {  	v1 =	vmul.f32 v2, v1;
	_ =	sdelay $0x1  }
0x14a: {  	v1 =	vadd.f32 v3, v1;
	_ =	sdelay $0x1  }
0x14b: {  	[tilespmem:s4+$0x17270] =	vst v1;
	v1 =	vld [tilespmem:s4+$0xB700]  }
0x14c: {  	v2 =	vld [tilespmem:s5+$0x20];
	_ =	sdelay $0x1  }
0x14d: {  	v3 =	vld [tilespmem:s5+$0x30];
	_ =	sdelay $0x2  }
0x14e: {  	v1 =	vmul.f32 v2, v1;
	_ =	sdelay $0x1  }
0x14f: {  	v1 =	vadd.f32 v3, v1;
	_ =	sdelay $0x1  }
0x150: {  	[tilespmem:s4+$0x17280] =	vst v1;
	v1 =	vld [tilespmem:s4+$0xB710]  }
0x151: {  	v2 =	vld [tilespmem:s5+$0x40];
	_ =	sdelay $0x1  }
0x152: {  	v3 =	vld [tilespmem:s5+$0x50];
	_ =	sdelay $0x2  }
0x153: {  	v1 =	vmul.f32 v2, v1;
	_ =	sdelay $0x1  }
0x154: {  	v1 =	vadd.f32 v3, v1;
	_ =	sdelay $0x1  }
0x155: {  	[tilespmem:s4+$0x17290] =	vst v1;
	v1 =	vld [tilespmem:s4+$0xB720]  }
0x156: {  	v2 =	vld [tilespmem:s5+$0x60];
	_ =	sdelay $0x1  }
0x157: {  	v3 =	vld [tilespmem:s5+$0x70];
	_ =	sdelay $0x2  }
0x158: {  	v1 =	vmul.f32 v2, v1;
	_ =	sdelay $0x1  }
0x159: {  	s17 =	simm.s32 $0x3C0;
	s24 =	simm.s32 $0x5C0;
	v1 =	vadd.f32 v3, v1  }
.LBB2_9:
0x15a: {  	s25 =	sshra.s32 s17, $0x2  }
0x15b: {  	s5 =	sadd.s32 $0x100, s5;
	s17 =	smov.u32 s24;
	s23 =	sadd.s32 $0x200, s24  }
0x15c: {  	p2 =	sne.s32 s24, $0xF9C0;
	v2 =	vld [tilespmem:s25+$0xB6B0];
	[tilespmem:s4+$0x172A0] =	vst v1;
	s4 =	smov.u32 s25  }
0x15d: {  	v1 =	vld [tilespmem:s5+$0xFFFFFF80]  }
0x15e: {  	v3 =	vld [tilespmem:s5+$0xFFFFFF90];
	_ =	sdelay $0x3  }
0x15f: {  	v1 =	vmul.f32 v1, v2;
	_ =	sdelay $0x1  }
0x160: {  	v1 =	vadd.f32 v3, v1;
	_ =	sdelay $0x1  }
0x161: {  	[tilespmem:s4+$0x17230] =	vst v1;
	v1 =	vld [tilespmem:s4+$0xB6C0]  }
0x162: {  	v2 =	vld [tilespmem:s5+$0xFFFFFFA0]  }
0x163: {  	v3 =	vld [tilespmem:s5+$0xFFFFFFB0];
	_ =	sdelay $0x3  }
0x164: {  	v1 =	vmul.f32 v2, v1;
	_ =	sdelay $0x1  }
0x165: {  	v1 =	vadd.f32 v3, v1;
	_ =	sdelay $0x1  }
0x166: {  	[tilespmem:s4+$0x17240] =	vst v1;
	v1 =	vld [tilespmem:s4+$0xB6D0]  }
0x167: {  	v2 =	vld [tilespmem:s5+$0xFFFFFFC0]  }
0x168: {  	v3 =	vld [tilespmem:s5+$0xFFFFFFD0];
	_ =	sdelay $0x3  }
0x169: {  	v1 =	vmul.f32 v2, v1;
	_ =	sdelay $0x1  }
0x16a: {  	v1 =	vadd.f32 v3, v1;
	_ =	sdelay $0x1  }
0x16b: {  	[tilespmem:s4+$0x17250] =	vst v1;
	v1 =	vld [tilespmem:s4+$0xB6E0]  }
0x16c: {  	v2 =	vld [tilespmem:s5+$0xFFFFFFE0]  }
0x16d: {  	v3 =	vld [tilespmem:s5+$0xFFFFFFF0];
	_ =	sdelay $0x3  }
0x16e: {  	v1 =	vmul.f32 v2, v1;
	_ =	sdelay $0x1  }
0x16f: {  	v1 =	vadd.f32 v3, v1;
	_ =	sdelay $0x1  }
0x170: {  	[tilespmem:s4+$0x17260] =	vst v1;
	v1 =	vld [tilespmem:s4+$0xB6F0]  }
0x171: {  	v2 =	vld [tilespmem:s5+$0x0]  }
0x172: {  	v3 =	vld [tilespmem:s5+$0x10];
	_ =	sdelay $0x3  }
0x173: {  	v1 =	vmul.f32 v2, v1;
	_ =	sdelay $0x1  }
0x174: {  	v1 =	vadd.f32 v3, v1;
	_ =	sdelay $0x1  }
0x175: {  	[tilespmem:s4+$0x17270] =	vst v1;
	v1 =	vld [tilespmem:s4+$0xB700]  }
0x176: {  	v2 =	vld [tilespmem:s5+$0x20]  }
0x177: {  	v3 =	vld [tilespmem:s5+$0x30];
	_ =	sdelay $0x3  }
0x178: {  	v1 =	vmul.f32 v2, v1;
	_ =	sdelay $0x1  }
0x179: {  	v1 =	vadd.f32 v3, v1;
	_ =	sdelay $0x1  }
0x17a: {  	[tilespmem:s4+$0x17280] =	vst v1;
	v1 =	vld [tilespmem:s4+$0xB710]  }
0x17b: {  	v2 =	vld [tilespmem:s5+$0x40]  }
0x17c: {  	v3 =	vld [tilespmem:s5+$0x50];
	_ =	sdelay $0x3  }
0x17d: {  	v1 =	vmul.f32 v2, v1;
	_ =	sdelay $0x1  }
0x17e: {  	v1 =	vadd.f32 v3, v1;
	_ =	sdelay $0x1  }
0x17f: {  	[tilespmem:s4+$0x17290] =	vst v1;
	v1 =	vld [tilespmem:s4+$0xB720]  }
0x180: {  	v2 =	vld [tilespmem:s5+$0x60]  }
0x181: {  	v3 =	vld [tilespmem:s5+$0x70];
	_ =	sdelay $0x1  }
.Ltmp6:
0x182: {  	(pc) =	sbr.rel @p2 .LBB2_9-.Ltmp6, $3  }
0x183: {  	_ = 	snop  }
0x184: {  	v1 =	vmul.f32 v2, v1;
	_ =	sdelay $0x1  }
0x185: {  	s24 =	smov.u32 s23;
	v1 =	vadd.f32 v3, v1  }
0x186: {  	s17 =	sshra.s32 s17, $0x2  }
0x187: {  	s5 =	sadd.s32 $0x100, s5;
	v2 =	vld [tilespmem:s17+$0xB6B0];
	[tilespmem:s4+$0x172A0] =	vst v1  }
0x188: {  	v1 =	vld [tilespmem:s5+$0xFFFFFF80];
	_ =	sdelay $0x1  }
0x189: {  	v3 =	vld [tilespmem:s5+$0xFFFFFF90];
	_ =	sdelay $0x2  }
0x18a: {  	v1 =	vmul.f32 v1, v2;
	_ =	sdelay $0x1  }
0x18b: {  	v1 =	vadd.f32 v3, v1;
	_ =	sdelay $0x1  }
0x18c: {  	[tilespmem:s17+$0x17230] =	vst v1;
	v1 =	vld [tilespmem:s17+$0xB6C0]  }
0x18d: {  	v2 =	vld [tilespmem:s5+$0xFFFFFFA0];
	_ =	sdelay $0x1  }
0x18e: {  	v3 =	vld [tilespmem:s5+$0xFFFFFFB0];
	_ =	sdelay $0x2  }
0x18f: {  	v1 =	vmul.f32 v2, v1;
	_ =	sdelay $0x1  }
0x190: {  	v1 =	vadd.f32 v3, v1;
	_ =	sdelay $0x1  }
0x191: {  	[tilespmem:s17+$0x17240] =	vst v1;
	v1 =	vld [tilespmem:s17+$0xB6D0]  }
0x192: {  	v2 =	vld [tilespmem:s5+$0xFFFFFFC0];
	_ =	sdelay $0x1  }
0x193: {  	v3 =	vld [tilespmem:s5+$0xFFFFFFD0];
	_ =	sdelay $0x2  }
0x194: {  	v1 =	vmul.f32 v2, v1;
	_ =	sdelay $0x1  }
0x195: {  	v1 =	vadd.f32 v3, v1;
	_ =	sdelay $0x1  }
0x196: {  	[tilespmem:s17+$0x17250] =	vst v1;
	v1 =	vld [tilespmem:s17+$0xB6E0]  }
0x197: {  	v2 =	vld [tilespmem:s5+$0xFFFFFFE0];
	_ =	sdelay $0x1  }
0x198: {  	v3 =	vld [tilespmem:s5+$0xFFFFFFF0];
	_ =	sdelay $0x2  }
0x199: {  	v1 =	vmul.f32 v2, v1;
	_ =	sdelay $0x1  }
0x19a: {  	v1 =	vadd.f32 v3, v1;
	_ =	sdelay $0x1  }
0x19b: {  	[tilespmem:s17+$0x17260] =	vst v1;
	v1 =	vld [tilespmem:s17+$0xB6F0]  }
0x19c: {  	v2 =	vld [tilespmem:s5+$0x0];
	_ =	sdelay $0x1  }
0x19d: {  	v3 =	vld [tilespmem:s5+$0x10];
	_ =	sdelay $0x2  }
0x19e: {  	v1 =	vmul.f32 v2, v1;
	_ =	sdelay $0x1  }
0x19f: {  	v1 =	vadd.f32 v3, v1;
	_ =	sdelay $0x1  }
0x1a0: {  	[tilespmem:s17+$0x17270] =	vst v1;
	v1 =	vld [tilespmem:s17+$0xB700]  }
0x1a1: {  	v2 =	vld [tilespmem:s5+$0x20];
	_ =	sdelay $0x1  }
0x1a2: {  	v3 =	vld [tilespmem:s5+$0x30];
	_ =	sdelay $0x2  }
0x1a3: {  	v1 =	vmul.f32 v2, v1;
	_ =	sdelay $0x1  }
0x1a4: {  	v1 =	vadd.f32 v3, v1;
	_ =	sdelay $0x1  }
0x1a5: {  	[tilespmem:s17+$0x17280] =	vst v1;
	v1 =	vld [tilespmem:s17+$0xB710]  }
0x1a6: {  	v2 =	vld [tilespmem:s5+$0x40];
	_ =	sdelay $0x1  }
0x1a7: {  	v3 =	vld [tilespmem:s5+$0x50];
	_ =	sdelay $0x2  }
0x1a8: {  	v1 =	vmul.f32 v2, v1;
	_ =	sdelay $0x1  }
0x1a9: {  	v1 =	vadd.f32 v3, v1;
	_ =	sdelay $0x1  }
0x1aa: {  	[tilespmem:s17+$0x17290] =	vst v1;
	v1 =	vld [tilespmem:s17+$0xB720]  }
0x1ab: {  	v2 =	vld [tilespmem:s5+$0x60];
	_ =	sdelay $0x1  }
0x1ac: {  	v3 =	vld [tilespmem:s5+$0x70];
	_ =	sdelay $0x2  }
0x1ad: {  	v1 =	vmul.f32 v2, v1;
	_ =	sdelay $0x1  }
0x1ae: {  	v1 =	vadd.f32 v3, v1  }
0x1af: {  	s1 =	sadd.s32 $0x1, s1  }
0x1b0: {  	s3 =	sadd.s32 s14, s3;
	s25 =	simm.s32 $0x172A0;
	p2 =	sne.s32 s1, $0x32;
	[tilespmem:s17+$0x172A0] =	vst v1  }
0x1b1: {  	[hbm4b:s3+s6] =	stream.linear.scatter [tilespmem:s25], [sflag:$0x3], $0x3E80, $0x38;
	[tilespmem:$0x1B120] =	vst v63  }
.Ltmp7:
0x1b2: {  	_ = 	snop;
	(pc) =	sbr.rel @p2 .LBB2_8-.Ltmp7, $4  }
.Ltmp8:
0x1b3: {  	_ = 	snop;
	(pc) =	sbr.rel @!p2 .LBB2_11-.Ltmp8, $4  }
0x1b4: {  	_ =	swait.ge [sflag:s19], $0x3E80  }
0x1b5: {  	[sflag:s19] =	ssyncset.done $0x0  }
0x1b6: {  	[sflag:s19] =	ssyncadd.s32 $0xFFFFC180  }
0x1b7: {  	_ = 	snop  }
.LBB2_12:
0x1b8: {  	_ =	sfence.sel $0x180000  }
0x1b9: {  	[bflag:$0x0] =	sbarrier.arrive $0xFFFF  }
0x1ba: {  	_ =	strace $0x9000004D  }
0x1bb: {  	s0 =	stileid.u32;
	[bflag:$0x2] =	sbarrier.arrive $0xFFFF  }
0x1bc: {  	p0 =	sne.s32 s0, $0x0;
	s0 =	rddreg [dreg:$0x6]  }
0x1bd: {  	s0 =	sadd.s32 @!p0 $0x100000, s0  }
0x1be: {  	[sflag:s0] =	ssyncadd.tile.s32 @!p0 $0x1;
	_ =	shalt  }
.Lfunc_end2:
_tile_overlayer_lowered:
.L_overlay_start_2:
0x1bf: {  	(tag) =	ssettag $0x2  }
0x1c0: {  	s0 =	rddreg [dreg:$0x0];
	s2 =	stileid.u32  }
0x1c1: {  	s1 =	rddreg [dreg:$0x1];
	p0 =	sne.s32 s2, $0x0  }
0x1c2: {  	s3 =	rddreg [dreg:$0x2];
	[bflag:$0x3] =	sbarrier.arrive $0xFFFF;
	s2 =	simm.s32 @!p0 $0x1C03  }
0x1c3: {  	[timem:s3], [sflag:s2] =	dma.local @!p0 [hbm:s0], s1  }
0x1c4: {  	s0 =	simm.s32 @!p0 $0x3  }
0x1c5: {  	_ =	swait.ge @!p0 [sflag:s0], s1  }
0x1c6: {  	s1 =	ssub.s32 @!p0 $0x0, s1;
	[sflag:s0] =	ssyncset.done @!p0 $0x0  }
0x1c7: {  	[sflag:s0] =	ssyncadd.s32 @!p0 s1  }
0x1c8: {  	[bflag:$0x3] =	sbarrier.arrive $0xFFFF  }
0x1c9: {  	_ =	shalt  }

// kernel: kernel.6.cloned.1.call-start
scs
__scs_entry_jumppad:
0x0: {  	(pc) =	sbr.rel $0x88, $3  }
0x1: {  	(tag) =	ssettag $0x0;
	lr =	simm.s32 $0x1  }
0x2: {  	[smem:$0x3F97] =	sst lr;
	_ =	strace $0xD0000000  }
0x3: {  	_ = 	snop  }
0x4: {  	_ = 	snop  }
0x5: {  	_ = 	snop  }
0x6: {  	_ = 	snop  }
0x7: {  	_ = 	snop  }
__scs_overlays_trampoline_lowered:
0x8: {  	[smem:$0x3FA6] =	sst s0  }
0x9: {  	[smem:$0x3FA7] =	sst s1  }
0xa: {  	[smem:$0x3FA8] =	sst s2  }
0xb: {  	[smem:$0x3FA9] =	sst s3  }
0xc: {  	[smem:$0x3FAA] =	sst s4  }
0xd: {  	[smem:$0x3FAB] =	sst s5  }
0xe: {  	[smem:$0x3FAC] =	sst s6  }
0xf: {  	[smem:$0x3FAD] =	sst s7  }
0x10: {  	[smem:$0x3FAE] =	sst s8  }
0x11: {  	[smem:$0x3FAF] =	sst s9;
	s0 =	simm.s32 @!p0 $0x0  }
0x12: {  	s1 =	sld [smem:$0x3F95];
	s0 =	simm.s32 @p0 $0x1  }
0x13: {  	[smem:$0x3FB0] =	sst s0;
	s0 =	simm.s32 @!p1 $0x0  }
0x14: {  	s2 =	sld [smem:$0x3F94];
	s0 =	simm.s32 @p1 $0x1  }
0x15: {  	[smem:$0x3FB1] =	sst s0;
	s0 =	simm.s32 @!p2 $0x0  }
0x16: {  	s3 =	sld [smem:$0x3FDB];
	s0 =	simm.s32 @p2 $0x1  }
0x17: {  	s4 =	simm.s32 $0x1BF5;
	[smem:$0x3FB3] =	sst s0  }
0x18: {  	s0 =	sld [smem:$0x3F96];
	_ =	swait.ge [sflag:s4], $0x0  }
0x19: {  	s7 =	sld [smem:$0x3F97]  }
0x1a: {  	s8 =	sadd.s32 $0xFFFFE003, lr  }
0x1b: {  	s9 =	sadd.s32 $0xFFFFFEF7, lr;
	s5 =	simm.s32 $0xFFFFFFFF;
	p2 =	slt.u32 s8, $0xFFFFF086  }
0x1c: {  	p1 =	slt.u32 s9, $0xF7A;
	s5 =	simm.s32 @!p2 $0x0  }
0x1d: {  	s5 =	simm.s32 @p1 $0x1;
	p0 =	seq.s32 s7, s2  }
0x1e: {  	s7 =	smul.u32 @!p0 $0xF7A, s2;
	p2 =	seq.s32 @!p0 s5, $0x0  }
0x1f: {  	s9 =	smul.u32 $0xF7A, s1;
	s8 =	simm.s32 @!p0 $0x1BF5;
	p2 =	por !p2, p0  }
0x20: {  	[sflag:s8] =	ssyncset.s32 @!p0 $0xFFFFF086;
	s6 =	sadd.s32 @!p0 s3, s7;
	s7 =	simm.s32 @!p0 $0x108  }
0x21: {  	s3 =	sadd.s32 s3, s9;
	s6 =	sadd.s32 @!p0 $0x88, s6;
	s7 =	simm.s32 @p2 $0x1082  }
0x22: {  	[simem:s7], [sflag:s8] =	dma.local @!p0 [hbm:s6], $0xF7A  }
0x23: {  	s9 =	sor.u32 $0xD0000000, s2;
	s6 =	simm.s32 $0x108;
	_ =	swait.ge @!p0 [sflag:s8], $0x0  }
0x24: {  	s3 =	sadd.s32 $0x88, s3;
	s6 =	simm.s32 @!p1 $0x1082;
	[sflag:s4] =	ssyncset.s32 $0xFFFFF086  }
0x25: {  	[simem:s6], [sflag:s4] =	dma.local [hbm:s3], $0xF7A  }
0x26: {  	[smem:$0x3F97] =	sst s1;
	(tag) =	ssettag s2;
	_ =	strace s9  }
0x27: {  	s1 =	sld [smem:$0x3FA7]  }
0x28: {  	s2 =	sld [smem:$0x3FA8]  }
0x29: {  	s4 =	sld [smem:$0x3FAA]  }
0x2a: {  	p0 =	seq.s32 s5, $0x0;
	s5 =	sld [smem:$0x3FAB]  }
0x2b: {  	s6 =	sld [smem:$0x3FAC]  }
0x2c: {  	s7 =	sld [smem:$0x3FAD]  }
0x2d: {  	s3 =	simm.s32 $0x108;
	s8 =	sld [smem:$0x3FAE]  }
0x2e: {  	s3 =	simm.s32 @!p0 $0x1082;
	s9 =	sld [smem:$0x3FAF]  }
0x2f: {  	lr =	sadd.s32 s0, s3;
	s0 =	sld [smem:$0x3FA6]  }
0x30: {  	s3 =	sld [smem:$0x3FA9]  }
0x31: {  	[smem:$0x3FB2] =	sst s10  }
0x32: {  	s10 =	sld [smem:$0x3FB0];
	_ =	sdelay $0x3  }
0x33: {  	p0 =	seq.s32 s10, $0x1;
	s10 =	sld [smem:$0x3FB2];
	_ =	sdelay $0x3  }
0x34: {  	[smem:$0x3FB2] =	sst s10  }
0x35: {  	s10 =	sld [smem:$0x3FB1];
	_ =	sdelay $0x3  }
0x36: {  	p1 =	seq.s32 s10, $0x1;
	s10 =	sld [smem:$0x3FB2];
	_ =	sdelay $0x3  }
0x37: {  	[smem:$0x3FB2] =	sst s10  }
0x38: {  	s10 =	sld [smem:$0x3FB3]  }
0x39: {  	_ = 	snop;
	(pc) =	sbr.ind lr, $3  }
0x3a: {  	_ = 	snop  }
0x3b: {  	_ = 	snop  }
0x3c: {  	p2 =	seq.s32 s10, $0x1;
	s10 =	sld [smem:$0x3FB2]  }
0x3d: {  	_ =	shalt  }
0x3e: {  	_ =	shalt  }
0x3f: {  	_ =	shalt  }
0x40: {  	_ =	shalt  }
0x41: {  	_ =	shalt  }
0x42: {  	_ =	shalt  }
0x43: {  	_ =	shalt  }
0x44: {  	_ =	shalt  }
0x45: {  	_ =	shalt  }
0x46: {  	_ =	shalt  }
0x47: {  	_ =	shalt  }
0x48: {  	_ =	shalt  }
0x49: {  	_ =	shalt  }
0x4a: {  	_ =	shalt  }
0x4b: {  	_ =	shalt  }
0x4c: {  	_ =	shalt  }
0x4d: {  	_ =	shalt  }
0x4e: {  	_ =	shalt  }
0x4f: {  	_ =	shalt  }
0x50: {  	_ =	shalt  }
0x51: {  	_ =	shalt  }
0x52: {  	_ =	shalt  }
0x53: {  	_ =	shalt  }
0x54: {  	_ =	shalt  }
0x55: {  	_ =	shalt  }
0x56: {  	_ =	shalt  }
0x57: {  	_ =	shalt  }
0x58: {  	_ =	shalt  }
0x59: {  	_ =	shalt  }
0x5a: {  	_ =	shalt  }
0x5b: {  	_ =	shalt  }
0x5c: {  	_ =	shalt  }
0x5d: {  	_ =	shalt  }
0x5e: {  	_ =	shalt  }
0x5f: {  	_ =	shalt  }
0x60: {  	_ =	shalt  }
0x61: {  	_ =	shalt  }
0x62: {  	_ =	shalt  }
0x63: {  	_ =	shalt  }
0x64: {  	_ =	shalt  }
0x65: {  	_ =	shalt  }
0x66: {  	_ =	shalt  }
0x67: {  	_ =	shalt  }
0x68: {  	_ =	shalt  }
0x69: {  	_ =	shalt  }
0x6a: {  	_ =	shalt  }
0x6b: {  	_ =	shalt  }
0x6c: {  	_ =	shalt  }
0x6d: {  	_ =	shalt  }
0x6e: {  	_ =	shalt  }
0x6f: {  	_ =	shalt  }
0x70: {  	_ =	shalt  }
0x71: {  	_ =	shalt  }
0x72: {  	_ =	shalt  }
0x73: {  	_ =	shalt  }
0x74: {  	_ =	shalt  }
0x75: {  	_ =	shalt  }
0x76: {  	_ =	shalt  }
0x77: {  	_ =	shalt  }
0x78: {  	_ =	shalt  }
0x79: {  	_ =	shalt  }
0x7a: {  	_ =	shalt  }
0x7b: {  	_ =	shalt  }
0x7c: {  	_ =	shalt  }
0x7d: {  	_ =	shalt  }
0x7e: {  	_ =	shalt  }
0x7f: {  	_ =	shalt  }
0x80: {  	_ =	shalt  }
0x81: {  	_ =	shalt  }
0x82: {  	_ =	shalt  }
0x83: {  	_ =	shalt  }
0x84: {  	_ =	shalt  }
0x85: {  	_ =	shalt  }
0x86: {  	_ =	shalt  }
0x87: {  	_ =	shalt  }
.Lfunc_end0:
.L_simem_size_0:
called_computation.1_lowered:
.L_overlay_start_0:
0x88: {  	s2 =	sld [smem:$0x3FD9]  }
0x89: {  	s3 =	sld [smem:$0x3FFE];
	_ =	sdelay $0x1  }
0x8a: {  	s1 =	srdreg.scid  }
0x8b: {  	s0 =	sand.u32 $0x1, s1  }
0x8c: {  	s14 =	sshll.u32 s0, $0xA;
	s2 =	sadd.s32 s3, s2  }
0x8d: {  	s2 =	sadd.s32 s2, s14  }
0x8e: {  	[smem:$0x3FBE] =	sst s2  }
0x8f: {  	_ = 	snop  }
0x90: {  	s2 =	sld [smem:$0x3FD0];
	_ =	sdelay $0x1  }
0x91: {  	s15 =	sld [smem:$0x3FC9]  }
0x92: {  	s5 =	simm.s32 $0xB;
	s6 =	simm.s32 $0x10;
	s4 =	sld [smem:$0x3FC6]  }
0x93: {  	[smem:s6], [sflag:s5] =	dma.local [hbm:s2], $0x1  }
0x94: {  	_ =	swait.eq [sflag:s5], $0x1  }
0x95: {  	[sflag:s5] =	ssyncset.done $0x0  }
0x96: {  	[sflag:s5] =	ssyncadd.s32 $0xFFFFFFFF  }
0x97: {  	s16 =	sld [smem:$0x10];
	(tm) =	ssettm $0x1  }
0x98: {  	s17 =	sld [smem:$0x3FFB];
	_ =	sdelay $0x3  }
0x99: {  	_ =	strace s17  }
0x9a: {  	s5 =	sld [smem:$0x3FFC];
	_ =	sdelay $0x3  }
0x9b: {  	_ =	strace s5  }
0x9c: {  	s5 =	sld [smem:$0x3FFD];
	_ =	sdelay $0x3  }
0x9d: {  	_ =	strace s5  }
0x9e: {  	_ =	strace $0x8FFFFFFF  }
0x9f: {  	s18 =	sld [smem:$0x3FDB];
	_ =	sdelay $0x1  }
0xa0: {  	s19 =	simm.s32 $_scs_section_size  }
0xa1: {  	s7 =	simm.s32 $_size__tile_overlayer_lowered;
	s8 =	simm.s32 $_tile_overlayer_lowered  }
0xa2: {  	s22 =	simm.s32 $0x1BFF;
	s21 =	sshll.u32 s8, $0x1;
	s5 =	sadd.s32 s19, s18  }
0xa3: {  	s9 =	simm.s32 $0x0;
	s20 =	sshll.u32 s7, $0x1;
	s7 =	sadd.s32 s21, s5  }
0xa4: {  	[timem:s9], [sflag:s22] =	dma.local [hbm:s7], s20  }
0xa5: {  	_ =	swait.ge [sflag:s22], s20  }
0xa6: {  	s6 =	ssub.s32 $0x0, s20;
	[sflag:s22] =	ssyncset.done $0x0  }
0xa7: {  	[sflag:s22] =	ssyncadd.s32 s6;
	_ =	sdelay $0x1  }
0xa8: {  	s23 =	simm.s32 $0x1B8B  }
0xa9: {  	_ =	swait.ge [sflag:s23], $0x1  }
0xaa: {  	[sflag:s23] =	ssyncset.done $0x0  }
0xab: {  	s25 =	simm.s32 $0x1B8E;
	s24 =	sld [smem:$0x3FFE];
	[sflag:s23] =	ssyncadd.s32 $0xFFFFFFFF  }
0xac: {  	s26 =	simm.s32 $execute0_lowered;
	[smem:$0x3FD2] =	sst s25  }
0xad: {  	s7 =	sshll.u32 s26, $0x1;
	_ =	strace $0x80000046;
	[dreg:$0x1] =	wrdreg $0xFFFFFFFF  }
0xae: {  	s28 =	simm.s32 $_size_execute0_lowered;
	s5 =	sadd.s32 s5, s7;
	[dreg:$0x0] =	wrdreg $0x0  }
0xaf: {  	s7 =	sshll.u32 s28, $0x1;
	[dreg:$0x2] =	wrdreg s5  }
0xb0: {  	[dreg:$0x3] =	wrdreg s7  }
0xb1: {  	[dreg:$0x4] =	wrdreg $0xC0  }
0xb2: {  	_ =	task [dreg:s9], $0x5FFFF  }
0xb3: {  	[dreg:$0x1] =	wrdreg $0xFFFFFFFF  }
0xb4: {  	[dreg:$0x0] =	wrdreg $0x60  }
0xb5: {  	[dreg:$0x2] =	wrdreg s15  }
0xb6: {  	[dreg:$0x3] =	wrdreg s24  }
0xb7: {  	[dreg:$0x4] =	wrdreg s4  }
0xb8: {  	[dreg:$0x5] =	wrdreg s16  }
0xb9: {  	[dreg:$0x6] =	wrdreg $0x82500  }
0xba: {  	[dreg:$0x7] =	wrdreg $0x9  }
0xbb: {  	_ =	task.clear_ibuf [dreg:s9], $0x8FFFF;
	_ =	strace $0x90000046  }
0xbc: {  	s29 =	simm.s32 $0x9;
	_ =	strace $0x80000048  }
0xbd: {  	_ =	swait.ge [sflag:s29], $0x1  }
0xbe: {  	[sflag:s29] =	ssyncadd.s32 $0xFFFFFFFF  }
0xbf: {  	_ =	strace $0x90000048  }
0xc0: {  	_ =	sfence  }
0xc1: {  	s30 =	sld [smem:$0x0];
	_ =	sdelay $0x2  }
0xc2: {  	s31 =	sshll.u32 s1, $0xD;
	s1 =	sshrl.u32 s1, $0x2  }
0xc3: {  	s3 =	sand.u32 $0x4000, s31;
	s1 =	sadd.s32 s1, s30  }
0xc4: {  	s0 =	sor.u32 s3, s0;
	s1 =	sshll.u32 s1, $0x11  }
0xc5: {  	s0 =	sor.u32 s1, s0  }
0xc6: {  	s0 =	sadd.s32 $0x8F2B, s0  }
0xc7: {  	[sflag:s0] =	ssyncadd.remote.s32 $0x1  }
0xc8: {  	_ =	sfence.sel $0xFFFF  }
0xc9: {  	[dreg:$0x0] =	wrdreg $0xFFFFFFFF;
	(pc) =	sbr.abs _section_cstart, $3  }
0xca: {  	[dreg:$0x1] =	wrdreg $0xFFFFFFFF  }
0xcb: {  	_ =	task.clear_ibuf [dreg:s9], $0x2FFFF;
	_ =	strace $0x9FFFFFFF  }
0xcc: {  	(tm) =	ssettm $0x7FFFFFFF  }
0xcd: {  	_ =	shalt  }
tec
execute0_lowered:
.L_overlay_start_1:
0x0: {  	(tag) =	ssettag $0x1  }
0x1: {  	s1 =	rddreg [dreg:$0x0]  }
0x2: {  	s7 =	rddreg [dreg:$0x1]  }
0x3: {  	s2 =	rddreg [dreg:$0x2]  }
0x4: {  	s3 =	srdreg.scid;
	s8 =	rddreg [dreg:$0x3]  }
0x5: {  	s0 =	stileid.u32;
	s4 =	rddreg [dreg:$0x4];
	s5 =	simm.s32 $0x0  }
0x6: {  	s14 =	simm.s32 $0x1;
	s15 =	simm.s32 $0x50;
	s16 =	simm.s32 $0x2850  }
0x7: {  	s17 =	simm.s32 $0x2D50;
	s9 =	sand.u32 $0x1, s3;
	s3 =	rddreg [dreg:$0x5]  }
0x8: {  	v0 =	vimm.s32 $0xCBA98765;
	v1 =	vimm.s32 $0x43210FED;
	s18 =	simm.s32 $0x0;
	s10 =	smul.u32 $0x15400, s0;
	[smem:$0x7FF] =	sst s5  }
0x9: {  	v0 =	vunpack.c.l.s4.s8 v0;
	v1 =	vunpack.c.l.s4.s8 v1;
	s30 =	sshll.u32 s0, $0x6;
	s31 =	ssub.s32 $0x280, s0;
	s6 =	smul.u32 $0x154000, s9  }
0xa: {  	_ =	strace $0x80000047;
	s12 =	ssub.s32 $0x2, s9;
	s9 =	smul.u32 $0x271, s9  }
0xb: {  	s28 =	sshrl.u32 s12, $0x1;
	s29 =	sshrl.u32 s10, $0x3;
	s13 =	sadd.s32 s10, s4;
	v0 =	vunpack.c.0.s8.s32 v0;
	v1 =	vunpack.c.0.s8.s32 v1  }
0xc: {  	s6 =	sadd.s32 s10, s6;
	s12 =	ssub.s32 s12, s28;
	s9 =	sadd.s32 s0, s9  }
0xd: {  	s10 =	sshrl.u32 s31, $0x4;
	s13 =	sshrl.u32 s13, $0x3;
	s11 =	sshrl.u32 s6, $0x3;
	v0 =	vcombine.low v1, v0  }
0xe: {  	vm0 =	vcmask $0x1B18;
	s6 =	sadd.s32 $0x2400, s7;
	s12 =	smax.u32 s12, $0x1;
	v1 =	vimm.f32 $0.0e+00;
	s11 =	sadd.s32 s11, s7  }
0xf: {  	s7 =	sadd.s32 s8, s29;
	s8 =	sor.u32 $0x1C01, s30;
	v1 =	vsel vm0, $0x3F800000, v1;
	s11 =	sadd.s32 $0x33200, s11;
	v0 =	vand.u32 $0xF, v0  }
.LBB2_1:
0x10: {  	[spmem:s13], [sflag:s8] =	dma.local [hbm:s7], $0x2A80  }
0x11: {  	_ =	swait.ge [sflag:s14], $0x2A80  }
0x12: {  	[sflag:s14] =	ssyncset.done $0x0  }
0x13: {  	[sflag:s14] =	ssyncadd.s32 $0xFFFFD580  }
0x14: {  	s19 =	simm.s32 $0x0;
	[bflag:$0x0] =	sbarrier.arrive $0xFFFF  }
.LBB2_2:
0x15: {  	s20 =	sshll.u32 s19, $0x4  }
0x16: {  	s20 =	sadd.s32 s20, s9  }
0x17: {  	s21 =	smul.u32 $0x50, s20;
	_ =	sdelay $0x1  }
0x18: {  	s21 =	sshrl.u32 s21, $0x3  }
0x19: {  	s30 =	smul.u32 $0x2800, s20;
	s21 =	sadd.s32 s2, s21  }
0x1a: {  	[tilespmem:s5], [sflag:$0x1] =	stream.linear.gather [hbm4b:s21+s5], $0x50, $0x38;
	[tilespmem:$0x1D650] =	vst v63  }
0x1b: {  	_ =	swait.ge [sflag:s14], $0x50  }
0x1c: {  	s21 =	sshrl.u32 s30, $0x3;
	[sflag:s14] =	ssyncset.done $0x0  }
0x1d: {  	s20 =	smul.u32 $0x500, s20;
	s21 =	sadd.s32 s1, s21;
	[sflag:s14] =	ssyncadd.s32 $0xFFFFFFB0  }
0x1e: {  	[tilespmem:s15], [sflag:$0x1] =	stream.linear.gather [hbm4b:s21+s5], $0x2800, $0x38;
	[tilespmem:$0x1D650] =	vst v63  }
0x1f: {  	_ =	swait.ge [sflag:s14], $0x2800  }
0x20: {  	s20 =	sshrl.u32 s20, $0x3;
	[sflag:s14] =	ssyncset.done $0x0  }
0x21: {  	s20 =	sadd.s32 s6, s20;
	[sflag:s14] =	ssyncadd.s32 $0xFFFFD800  }
0x22: {  	[tilespmem:s16], [sflag:$0x1] =	stream.linear.gather [hbm4b:s20+s5], $0x500, $0x38;
	[tilespmem:$0x1D650] =	vst v63  }
0x23: {  	_ =	swait.ge [sflag:s14], $0x500  }
0x24: {  	[sflag:s14] =	ssyncset.done $0x0  }
0x25: {  	s31 =	simm.s32 $0xD0;
	[sflag:s14] =	ssyncadd.s32 $0xFFFFFB00  }
0x26: {  	v2 =	vld [tilespmem:s31+$0xFFFFFF80];
	_ =	sdelay $0x4  }
0x27: {  	s20 =	simm.s32 $0x2E60;
	v3 =	vmul.f32 v2, v2  }
0x28: {  	[tilespmem:s20+$0xFFFFFEF0] =	vst v2  }
0x29: {  	[tilespmem:s20+$0xFFFFFF70] =	vst v3  }
0x2a: {  	v2 =	vld [tilespmem:s31+$0xFFFFFF90];
	_ =	sdelay $0x4  }
0x2b: {  	v3 =	vmul.f32 v2, v2  }
0x2c: {  	[tilespmem:s20+$0xFFFFFF00] =	vst v2  }
0x2d: {  	[tilespmem:s20+$0xFFFFFF80] =	vst v3  }
0x2e: {  	v2 =	vld [tilespmem:s31+$0xFFFFFFA0];
	_ =	sdelay $0x4  }
0x2f: {  	v3 =	vmul.f32 v2, v2  }
0x30: {  	[tilespmem:s20+$0xFFFFFF10] =	vst v2  }
0x31: {  	[tilespmem:s20+$0xFFFFFF90] =	vst v3  }
0x32: {  	v2 =	vld [tilespmem:s31+$0xFFFFFFB0];
	_ =	sdelay $0x4  }
0x33: {  	v3 =	vmul.f32 v2, v2  }
0x34: {  	[tilespmem:s20+$0xFFFFFF20] =	vst v2  }
0x35: {  	[tilespmem:s20+$0xFFFFFFA0] =	vst v3  }
0x36: {  	v2 =	vld [tilespmem:s31+$0xFFFFFFC0];
	_ =	sdelay $0x4  }
0x37: {  	v3 =	vmul.f32 v2, v2  }
0x38: {  	[tilespmem:s20+$0xFFFFFF30] =	vst v2  }
0x39: {  	[tilespmem:s20+$0xFFFFFFB0] =	vst v3  }
0x3a: {  	v2 =	vld [tilespmem:s31+$0xFFFFFFD0];
	_ =	sdelay $0x4  }
0x3b: {  	v3 =	vmul.f32 v2, v2  }
0x3c: {  	[tilespmem:s20+$0xFFFFFF40] =	vst v2  }
0x3d: {  	[tilespmem:s20+$0xFFFFFFC0] =	vst v3  }
0x3e: {  	v2 =	vld [tilespmem:s31+$0xFFFFFFE0];
	_ =	sdelay $0x4  }
0x3f: {  	v3 =	vmul.f32 v2, v2  }
0x40: {  	[tilespmem:s20+$0xFFFFFF50] =	vst v2  }
0x41: {  	[tilespmem:s20+$0xFFFFFFD0] =	vst v3  }
0x42: {  	v2 =	vld [tilespmem:s31+$0xFFFFFFF0];
	_ =	sdelay $0x4  }
0x43: {  	v3 =	vmul.f32 v2, v2  }
0x44: {  	[tilespmem:s20+$0xFFFFFF60] =	vst v2  }
0x45: {  	s22 =	simm.s32 $0x10;
	[tilespmem:s20+$0xFFFFFFE0] =	vst v3  }
0x46: {  	v2 =	vld [tilespmem:s22+$0x2840];
	_ =	sdelay $0x4  }
0x47: {  	v3 =	vmul.f32 v2, v2;
	_ =	sdelay $0x1  }
0x48: {  	v3 =	vperm.xlane v3, v0;
	_ =	sdelay $0x1  }
0x49: {  	v2 =	vadd.f32 v3, v2;
	_ =	sdelay $0x1  }
0x4a: {  	v2 =	vadd.f32 v1, v2;
	_ =	sdelay $0x1  }
0x4b: {  	[tilespmem:s20+$0xFFFFFFF0] =	vst v2  }
0x4c: {  	v2 =	vld [tilespmem:s31+$0x0];
	_ =	sdelay $0x4  }
0x4d: {  	v3 =	vmul.f32 v2, v2  }
0x4e: {  	[tilespmem:s20+$0x0] =	vst v2  }
0x4f: {  	[tilespmem:s20+$0x80] =	vst v3  }
0x50: {  	v2 =	vld [tilespmem:s31+$0x10];
	_ =	sdelay $0x4  }
0x51: {  	v3 =	vmul.f32 v2, v2  }
0x52: {  	[tilespmem:s20+$0x10] =	vst v2  }
0x53: {  	[tilespmem:s20+$0x90] =	vst v3  }
0x54: {  	v2 =	vld [tilespmem:s31+$0x20];
	_ =	sdelay $0x4  }
0x55: {  	v3 =	vmul.f32 v2, v2  }
0x56: {  	[tilespmem:s20+$0x20] =	vst v2  }
0x57: {  	[tilespmem:s20+$0xA0] =	vst v3  }
0x58: {  	v2 =	vld [tilespmem:s31+$0x30];
	_ =	sdelay $0x4  }
0x59: {  	v3 =	vmul.f32 v2, v2  }
0x5a: {  	[tilespmem:s20+$0x30] =	vst v2  }
0x5b: {  	[tilespmem:s20+$0xB0] =	vst v3  }
0x5c: {  	v2 =	vld [tilespmem:s31+$0x40];
	_ =	sdelay $0x4  }
0x5d: {  	v3 =	vmul.f32 v2, v2  }
0x5e: {  	[tilespmem:s20+$0x40] =	vst v2  }
0x5f: {  	[tilespmem:s20+$0xC0] =	vst v3  }
0x60: {  	v2 =	vld [tilespmem:s31+$0x50];
	_ =	sdelay $0x4  }
0x61: {  	v3 =	vmul.f32 v2, v2  }
0x62: {  	[tilespmem:s20+$0x50] =	vst v2  }
0x63: {  	[tilespmem:s20+$0xD0] =	vst v3  }
0x64: {  	v2 =	vld [tilespmem:s31+$0x60];
	_ =	sdelay $0x4  }
0x65: {  	v3 =	vmul.f32 v2, v2  }
0x66: {  	[tilespmem:s20+$0x60] =	vst v2  }
0x67: {  	[tilespmem:s20+$0xE0] =	vst v3  }
0x68: {  	v2 =	vld [tilespmem:s31+$0x70];
	_ =	sdelay $0x4  }
0x69: {  	v3 =	vmul.f32 v2, v2  }
0x6a: {  	[tilespmem:s20+$0x70] =	vst v2  }
0x6b: {  	[tilespmem:s20+$0xF0] =	vst v3  }
0x6c: {  	v2 =	vld [tilespmem:s22+$0x2850];
	_ =	sdelay $0x4  }
0x6d: {  	v3 =	vmul.f32 v2, v2;
	_ =	sdelay $0x1  }
0x6e: {  	v3 =	vperm.xlane v3, v0;
	_ =	sdelay $0x1  }
0x6f: {  	v2 =	vadd.f32 v3, v2;
	_ =	sdelay $0x1  }
0x70: {  	v2 =	vadd.f32 v1, v2;
	_ =	sdelay $0x1  }
0x71: {  	s21 =	simm.s32 $0x1D0;
	[tilespmem:s20+$0x100] =	vst v2  }
0x72: {  	s23 =	simm.s32 $0x140;
	s22 =	simm.s32 $0xC0;
	v2 =	vld [tilespmem:s21+$0xFFFFFF80]  }
.LBB2_3:
0x73: {  	p0 =	sne.s32 s23, $0x13C0;
	_ =	sdelay $0x2  }
0x74: {  	s20 =	sadd.s32 $0x220, s20  }
0x75: {  	[tilespmem:s20+$0xFFFFFEF0] =	vst v2;
	v2 =	vmul.f32 v2, v2;
	_ =	sdelay $0x1  }
0x76: {  	[tilespmem:s20+$0xFFFFFF70] =	vst v2  }
0x77: {  	v2 =	vld [tilespmem:s21+$0xFFFFFF90];
	_ =	sdelay $0x4  }
0x78: {  	[tilespmem:s20+$0xFFFFFF00] =	vst v2;
	v2 =	vmul.f32 v2, v2;
	_ =	sdelay $0x1  }
0x79: {  	[tilespmem:s20+$0xFFFFFF80] =	vst v2  }
0x7a: {  	v2 =	vld [tilespmem:s21+$0xFFFFFFA0];
	_ =	sdelay $0x4  }
0x7b: {  	v3 =	vmul.f32 v2, v2  }
0x7c: {  	[tilespmem:s20+$0xFFFFFF10] =	vst v2  }
0x7d: {  	[tilespmem:s20+$0xFFFFFF90] =	vst v3  }
0x7e: {  	v2 =	vld [tilespmem:s21+$0xFFFFFFB0];
	_ =	sdelay $0x4  }
0x7f: {  	v3 =	vmul.f32 v2, v2  }
0x80: {  	[tilespmem:s20+$0xFFFFFF20] =	vst v2  }
0x81: {  	[tilespmem:s20+$0xFFFFFFA0] =	vst v3  }
0x82: {  	v2 =	vld [tilespmem:s21+$0xFFFFFFC0];
	_ =	sdelay $0x4  }
0x83: {  	v3 =	vmul.f32 v2, v2  }
0x84: {  	[tilespmem:s20+$0xFFFFFF30] =	vst v2  }
0x85: {  	[tilespmem:s20+$0xFFFFFFB0] =	vst v3  }
0x86: {  	v2 =	vld [tilespmem:s21+$0xFFFFFFD0];
	_ =	sdelay $0x4  }
0x87: {  	v3 =	vmul.f32 v2, v2  }
0x88: {  	[tilespmem:s20+$0xFFFFFF40] =	vst v2  }
0x89: {  	[tilespmem:s20+$0xFFFFFFC0] =	vst v3  }
0x8a: {  	v2 =	vld [tilespmem:s21+$0xFFFFFFE0];
	_ =	sdelay $0x4  }
0x8b: {  	v3 =	vmul.f32 v2, v2  }
0x8c: {  	[tilespmem:s20+$0xFFFFFF50] =	vst v2  }
0x8d: {  	[tilespmem:s20+$0xFFFFFFD0] =	vst v3  }
0x8e: {  	v2 =	vld [tilespmem:s21+$0xFFFFFFF0];
	_ =	sdelay $0x4  }
0x8f: {  	[tilespmem:s20+$0xFFFFFF60] =	vst v2;
	v2 =	vmul.f32 v2, v2;
	_ =	sdelay $0x1  }
0x90: {  	s24 =	sshra.s32 s22, $0x2;
	s22 =	smov.u32 s23;
	[tilespmem:s20+$0xFFFFFFE0] =	vst v2  }
0x91: {  	v2 =	vld [tilespmem:s24+$0x2840];
	_ =	sdelay $0x4  }
0x92: {  	v3 =	vmul.f32 v2, v2;
	_ =	sdelay $0x1  }
0x93: {  	v3 =	vperm.xlane v3, v0;
	_ =	sdelay $0x1  }
0x94: {  	v2 =	vadd.f32 v3, v2;
	_ =	sdelay $0x1  }
0x95: {  	v2 =	vadd.f32 v1, v2;
	_ =	sdelay $0x1  }
0x96: {  	[tilespmem:s20+$0xFFFFFFF0] =	vst v2  }
0x97: {  	v2 =	vld [tilespmem:s21+$0x0];
	_ =	sdelay $0x4  }
0x98: {  	[tilespmem:s20+$0x0] =	vst v2;
	v2 =	vmul.f32 v2, v2;
	_ =	sdelay $0x1  }
0x99: {  	[tilespmem:s20+$0x80] =	vst v2  }
0x9a: {  	v2 =	vld [tilespmem:s21+$0x10];
	_ =	sdelay $0x4  }
0x9b: {  	[tilespmem:s20+$0x10] =	vst v2;
	v2 =	vmul.f32 v2, v2;
	_ =	sdelay $0x1  }
0x9c: {  	[tilespmem:s20+$0x90] =	vst v2  }
0x9d: {  	v2 =	vld [tilespmem:s21+$0x20];
	_ =	sdelay $0x4  }
0x9e: {  	[tilespmem:s20+$0x20] =	vst v2;
	v2 =	vmul.f32 v2, v2;
	_ =	sdelay $0x1  }
0x9f: {  	[tilespmem:s20+$0xA0] =	vst v2  }
0xa0: {  	v2 =	vld [tilespmem:s21+$0x30];
	_ =	sdelay $0x4  }
0xa1: {  	[tilespmem:s20+$0x30] =	vst v2;
	v2 =	vmul.f32 v2, v2;
	_ =	sdelay $0x1  }
0xa2: {  	[tilespmem:s20+$0xB0] =	vst v2  }
0xa3: {  	v2 =	vld [tilespmem:s21+$0x40];
	_ =	sdelay $0x4  }
0xa4: {  	[tilespmem:s20+$0x40] =	vst v2;
	v2 =	vmul.f32 v2, v2;
	_ =	sdelay $0x1  }
0xa5: {  	[tilespmem:s20+$0xC0] =	vst v2  }
0xa6: {  	v2 =	vld [tilespmem:s21+$0x50];
	_ =	sdelay $0x4  }
0xa7: {  	[tilespmem:s20+$0x50] =	vst v2;
	v2 =	vmul.f32 v2, v2;
	_ =	sdelay $0x1  }
0xa8: {  	[tilespmem:s20+$0xD0] =	vst v2  }
0xa9: {  	v2 =	vld [tilespmem:s21+$0x60];
	_ =	sdelay $0x4  }
0xaa: {  	[tilespmem:s20+$0x60] =	vst v2;
	v2 =	vmul.f32 v2, v2;
	_ =	sdelay $0x1  }
0xab: {  	[tilespmem:s20+$0xE0] =	vst v2  }
0xac: {  	v2 =	vld [tilespmem:s21+$0x70];
	_ =	sdelay $0x4  }
0xad: {  	[tilespmem:s20+$0x70] =	vst v2;
	v2 =	vmul.f32 v2, v2;
	_ =	sdelay $0x1  }
0xae: {  	[tilespmem:s20+$0xF0] =	vst v2  }
0xaf: {  	v2 =	vld [tilespmem:s24+$0x2850];
	_ =	sdelay $0x4  }
0xb0: {  	v3 =	vmul.f32 v2, v2;
	_ =	sdelay $0x1  }
0xb1: {  	v3 =	vperm.xlane v3, v0;
	_ =	sdelay $0x1  }
0xb2: {  	v2 =	vadd.f32 v3, v2  }
.Ltmp0:
0xb3: {  	(pc) =	sbr.rel @p0 .LBB2_3-.Ltmp0, $3  }
0xb4: {  	v2 =	vadd.f32 v1, v2;
	_ =	sdelay $0x1  }
0xb5: {  	s21 =	sadd.s32 $0x100, s21;
	[tilespmem:s20+$0x100] =	vst v2  }
0xb6: {  	s23 =	sadd.s32 $0x80, s23;
	v2 =	vld [tilespmem:s21+$0xFFFFFF80]  }
0xb7: {  	_ =	sdelay $0x3  }
0xb8: {  	s20 =	sadd.s32 $0x220, s20;
	v3 =	vmul.f32 v2, v2  }
0xb9: {  	[tilespmem:s20+$0xFFFFFEF0] =	vst v2  }
0xba: {  	[tilespmem:s20+$0xFFFFFF70] =	vst v3  }
0xbb: {  	v2 =	vld [tilespmem:s21+$0xFFFFFF90];
	_ =	sdelay $0x4  }
0xbc: {  	v3 =	vmul.f32 v2, v2  }
0xbd: {  	[tilespmem:s20+$0xFFFFFF00] =	vst v2  }
0xbe: {  	[tilespmem:s20+$0xFFFFFF80] =	vst v3  }
0xbf: {  	v2 =	vld [tilespmem:s21+$0xFFFFFFA0];
	_ =	sdelay $0x4  }
0xc0: {  	v3 =	vmul.f32 v2, v2  }
0xc1: {  	[tilespmem:s20+$0xFFFFFF10] =	vst v2  }
0xc2: {  	[tilespmem:s20+$0xFFFFFF90] =	vst v3  }
0xc3: {  	v2 =	vld [tilespmem:s21+$0xFFFFFFB0];
	_ =	sdelay $0x4  }
0xc4: {  	v3 =	vmul.f32 v2, v2  }
0xc5: {  	[tilespmem:s20+$0xFFFFFF20] =	vst v2  }
0xc6: {  	[tilespmem:s20+$0xFFFFFFA0] =	vst v3  }
0xc7: {  	v2 =	vld [tilespmem:s21+$0xFFFFFFC0];
	_ =	sdelay $0x4  }
0xc8: {  	v3 =	vmul.f32 v2, v2  }
0xc9: {  	[tilespmem:s20+$0xFFFFFF30] =	vst v2  }
0xca: {  	[tilespmem:s20+$0xFFFFFFB0] =	vst v3  }
0xcb: {  	v2 =	vld [tilespmem:s21+$0xFFFFFFD0];
	_ =	sdelay $0x4  }
0xcc: {  	v3 =	vmul.f32 v2, v2  }
0xcd: {  	[tilespmem:s20+$0xFFFFFF40] =	vst v2  }
0xce: {  	[tilespmem:s20+$0xFFFFFFC0] =	vst v3  }
0xcf: {  	v2 =	vld [tilespmem:s21+$0xFFFFFFE0];
	_ =	sdelay $0x4  }
0xd0: {  	v3 =	vmul.f32 v2, v2  }
0xd1: {  	[tilespmem:s20+$0xFFFFFF50] =	vst v2  }
0xd2: {  	[tilespmem:s20+$0xFFFFFFD0] =	vst v3  }
0xd3: {  	v2 =	vld [tilespmem:s21+$0xFFFFFFF0];
	_ =	sdelay $0x4  }
0xd4: {  	v3 =	vmul.f32 v2, v2  }
0xd5: {  	[tilespmem:s20+$0xFFFFFF60] =	vst v2  }
0xd6: {  	s22 =	sshra.s32 s22, $0x2;
	[tilespmem:s20+$0xFFFFFFE0] =	vst v3  }
0xd7: {  	v2 =	vld [tilespmem:s22+$0x2840];
	_ =	sdelay $0x4  }
0xd8: {  	v3 =	vmul.f32 v2, v2;
	_ =	sdelay $0x1  }
0xd9: {  	v3 =	vperm.xlane v3, v0;
	_ =	sdelay $0x1  }
0xda: {  	v2 =	vadd.f32 v3, v2;
	_ =	sdelay $0x1  }
0xdb: {  	v2 =	vadd.f32 v1, v2;
	_ =	sdelay $0x1  }
0xdc: {  	[tilespmem:s20+$0xFFFFFFF0] =	vst v2  }
0xdd: {  	v2 =	vld [tilespmem:s21+$0x0];
	_ =	sdelay $0x4  }
0xde: {  	v3 =	vmul.f32 v2, v2  }
0xdf: {  	[tilespmem:s20+$0x0] =	vst v2  }
0xe0: {  	[tilespmem:s20+$0x80] =	vst v3  }
0xe1: {  	v2 =	vld [tilespmem:s21+$0x10];
	_ =	sdelay $0x4  }
0xe2: {  	v3 =	vmul.f32 v2, v2  }
0xe3: {  	[tilespmem:s20+$0x10] =	vst v2  }
0xe4: {  	[tilespmem:s20+$0x90] =	vst v3  }
0xe5: {  	v2 =	vld [tilespmem:s21+$0x20];
	_ =	sdelay $0x4  }
0xe6: {  	v3 =	vmul.f32 v2, v2  }
0xe7: {  	[tilespmem:s20+$0x20] =	vst v2  }
0xe8: {  	[tilespmem:s20+$0xA0] =	vst v3  }
0xe9: {  	v2 =	vld [tilespmem:s21+$0x30];
	_ =	sdelay $0x4  }
0xea: {  	v3 =	vmul.f32 v2, v2  }
0xeb: {  	[tilespmem:s20+$0x30] =	vst v2  }
0xec: {  	[tilespmem:s20+$0xB0] =	vst v3  }
0xed: {  	v2 =	vld [tilespmem:s21+$0x40];
	_ =	sdelay $0x4  }
0xee: {  	v3 =	vmul.f32 v2, v2  }
0xef: {  	[tilespmem:s20+$0x40] =	vst v2  }
0xf0: {  	[tilespmem:s20+$0xC0] =	vst v3  }
0xf1: {  	v2 =	vld [tilespmem:s21+$0x50];
	_ =	sdelay $0x4  }
0xf2: {  	v3 =	vmul.f32 v2, v2  }
0xf3: {  	[tilespmem:s20+$0x50] =	vst v2  }
0xf4: {  	[tilespmem:s20+$0xD0] =	vst v3  }
0xf5: {  	v2 =	vld [tilespmem:s21+$0x60];
	_ =	sdelay $0x4  }
0xf6: {  	v3 =	vmul.f32 v2, v2  }
0xf7: {  	[tilespmem:s20+$0x60] =	vst v2  }
0xf8: {  	[tilespmem:s20+$0xE0] =	vst v3  }
0xf9: {  	v2 =	vld [tilespmem:s21+$0x70];
	_ =	sdelay $0x4  }
0xfa: {  	v3 =	vmul.f32 v2, v2  }
0xfb: {  	[tilespmem:s20+$0x70] =	vst v2  }
0xfc: {  	[tilespmem:s20+$0xF0] =	vst v3  }
0xfd: {  	v2 =	vld [tilespmem:s22+$0x2850];
	_ =	sdelay $0x4  }
0xfe: {  	v3 =	vmul.f32 v2, v2;
	_ =	sdelay $0x1  }
0xff: {  	v3 =	vperm.xlane v3, v0;
	_ =	sdelay $0x1  }
0x100: {  	v2 =	vadd.f32 v3, v2;
	_ =	sdelay $0x1  }
0x101: {  	s19 =	sadd.s32 $0x1, s19;
	v2 =	vadd.f32 v1, v2  }
0x102: {  	p0 =	sne.s32 s19, s10  }
.Ltmp1:
0x103: {  	[tilespmem:s20+$0x100] =	vst v2;
	(pc) =	sbr.rel @p0 .LBB2_2-.Ltmp1, $4  }
0x104: {  	[spmem:s4] =	stream.indirect.scatter.add.f32 [tilespmem:s17], [sflag:$0x1], $0x110, s5, s15, $0xb8;
	[tilespmem:$0x1D650] =	vst v63  }
0x105: {  	_ =	swait.ge [sflag:s14], $0x5500  }
0x106: {  	[sflag:s14] =	ssyncset.done $0x0  }
0x107: {  	[sflag:s14] =	ssyncadd.s32 $0xFFFFAB00  }
0x108: {  	s18 =	sadd.s32 $0x1, s18  }
0x109: {  	p0 =	sne.s32 s18, s12  }
.Ltmp2:
0x10a: {  	[bflag:$0x0] =	sbarrier.arrive $0xFFFF;
	(pc) =	sbr.rel @p0 .LBB2_1-.Ltmp2, $4  }
0x10b: {  	[hbm:s11], [sflag:s8] =	dma.local [spmem:s13], $0x2A80  }
0x10c: {  	_ =	swait.ge [sflag:s14], $0x2A80  }
0x10d: {  	[sflag:s14] =	ssyncset.done $0x0  }
0x10e: {  	[sflag:s14] =	ssyncadd.s32 $0xFFFFD580  }
0x10f: {  	_ =	sfence.sel $0x180000  }
0x110: {  	[bflag:$0x0] =	sbarrier.arrive $0xFFFF  }
0x111: {  	p0 =	sne.s32 s0, $0x0;
	_ =	strace $0x90000047  }
0x112: {  	s0 =	sadd.s32 @!p0 $0x100000, s3;
	[bflag:$0x2] =	sbarrier.arrive $0xFFFF  }
0x113: {  	[sflag:s0] =	ssyncadd.tile.s32 @!p0 $0x1;
	_ =	shalt  }
.Lfunc_end2:
_tile_overlayer_lowered:
.L_overlay_start_2:
0x114: {  	(tag) =	ssettag $0x2  }
0x115: {  	s0 =	rddreg [dreg:$0x0];
	s2 =	stileid.u32  }
0x116: {  	s1 =	rddreg [dreg:$0x1];
	p0 =	sne.s32 s2, $0x0  }
0x117: {  	s3 =	rddreg [dreg:$0x2];
	[bflag:$0x3] =	sbarrier.arrive $0xFFFF;
	s2 =	simm.s32 @!p0 $0x1C01  }
0x118: {  	[timem:s3], [sflag:s2] =	dma.local @!p0 [hbm:s0], s1  }
0x119: {  	s0 =	simm.s32 @!p0 $0x1  }
0x11a: {  	_ =	swait.ge @!p0 [sflag:s0], s1  }
0x11b: {  	s1 =	ssub.s32 @!p0 $0x0, s1;
	[sflag:s0] =	ssyncset.done @!p0 $0x0  }
0x11c: {  	[sflag:s0] =	ssyncadd.s32 @!p0 s1  }
0x11d: {  	[bflag:$0x3] =	sbarrier.arrive $0xFFFF  }
0x11e: {  	_ =	shalt  }

// kernel: kernel.9.cloned.1.call-start
scs
__scs_entry_jumppad:
0x0: {  	(pc) =	sbr.rel $0x88, $3  }
0x1: {  	(tag) =	ssettag $0x0;
	lr =	simm.s32 $0x1  }
0x2: {  	[smem:$0x3F97] =	sst lr;
	_ =	strace $0xD0000000  }
0x3: {  	_ = 	snop  }
0x4: {  	_ = 	snop  }
0x5: {  	_ = 	snop  }
0x6: {  	_ = 	snop  }
0x7: {  	_ = 	snop  }
__scs_overlays_trampoline_lowered:
0x8: {  	[smem:$0x3FA6] =	sst s0  }
0x9: {  	[smem:$0x3FA7] =	sst s1  }
0xa: {  	[smem:$0x3FA8] =	sst s2  }
0xb: {  	[smem:$0x3FA9] =	sst s3  }
0xc: {  	[smem:$0x3FAA] =	sst s4  }
0xd: {  	[smem:$0x3FAB] =	sst s5  }
0xe: {  	[smem:$0x3FAC] =	sst s6  }
0xf: {  	[smem:$0x3FAD] =	sst s7  }
0x10: {  	[smem:$0x3FAE] =	sst s8  }
0x11: {  	[smem:$0x3FAF] =	sst s9;
	s0 =	simm.s32 @!p0 $0x0  }
0x12: {  	s1 =	sld [smem:$0x3F95];
	s0 =	simm.s32 @p0 $0x1  }
0x13: {  	[smem:$0x3FB0] =	sst s0;
	s0 =	simm.s32 @!p1 $0x0  }
0x14: {  	s2 =	sld [smem:$0x3F94];
	s0 =	simm.s32 @p1 $0x1  }
0x15: {  	[smem:$0x3FB1] =	sst s0;
	s0 =	simm.s32 @!p2 $0x0  }
0x16: {  	s3 =	sld [smem:$0x3FDB];
	s0 =	simm.s32 @p2 $0x1  }
0x17: {  	s4 =	simm.s32 $0x1BF5;
	[smem:$0x3FB3] =	sst s0  }
0x18: {  	s0 =	sld [smem:$0x3F96];
	_ =	swait.ge [sflag:s4], $0x0  }
0x19: {  	s7 =	sld [smem:$0x3F97]  }
0x1a: {  	s8 =	sadd.s32 $0xFFFFE003, lr  }
0x1b: {  	s9 =	sadd.s32 $0xFFFFFEF7, lr;
	s5 =	simm.s32 $0xFFFFFFFF;
	p2 =	slt.u32 s8, $0xFFFFF086  }
0x1c: {  	p1 =	slt.u32 s9, $0xF7A;
	s5 =	simm.s32 @!p2 $0x0  }
0x1d: {  	s5 =	simm.s32 @p1 $0x1;
	p0 =	seq.s32 s7, s2  }
0x1e: {  	s7 =	smul.u32 @!p0 $0xF7A, s2;
	p2 =	seq.s32 @!p0 s5, $0x0  }
0x1f: {  	s9 =	smul.u32 $0xF7A, s1;
	s8 =	simm.s32 @!p0 $0x1BF5;
	p2 =	por !p2, p0  }
0x20: {  	[sflag:s8] =	ssyncset.s32 @!p0 $0xFFFFF086;
	s6 =	sadd.s32 @!p0 s3, s7;
	s7 =	simm.s32 @!p0 $0x108  }
0x21: {  	s3 =	sadd.s32 s3, s9;
	s6 =	sadd.s32 @!p0 $0x88, s6;
	s7 =	simm.s32 @p2 $0x1082  }
0x22: {  	[simem:s7], [sflag:s8] =	dma.local @!p0 [hbm:s6], $0xF7A  }
0x23: {  	s9 =	sor.u32 $0xD0000000, s2;
	s6 =	simm.s32 $0x108;
	_ =	swait.ge @!p0 [sflag:s8], $0x0  }
0x24: {  	s3 =	sadd.s32 $0x88, s3;
	s6 =	simm.s32 @!p1 $0x1082;
	[sflag:s4] =	ssyncset.s32 $0xFFFFF086  }
0x25: {  	[simem:s6], [sflag:s4] =	dma.local [hbm:s3], $0xF7A  }
0x26: {  	[smem:$0x3F97] =	sst s1;
	(tag) =	ssettag s2;
	_ =	strace s9  }
0x27: {  	s1 =	sld [smem:$0x3FA7]  }
0x28: {  	s2 =	sld [smem:$0x3FA8]  }
0x29: {  	s4 =	sld [smem:$0x3FAA]  }
0x2a: {  	p0 =	seq.s32 s5, $0x0;
	s5 =	sld [smem:$0x3FAB]  }
0x2b: {  	s6 =	sld [smem:$0x3FAC]  }
0x2c: {  	s7 =	sld [smem:$0x3FAD]  }
0x2d: {  	s3 =	simm.s32 $0x108;
	s8 =	sld [smem:$0x3FAE]  }
0x2e: {  	s3 =	simm.s32 @!p0 $0x1082;
	s9 =	sld [smem:$0x3FAF]  }
0x2f: {  	lr =	sadd.s32 s0, s3;
	s0 =	sld [smem:$0x3FA6]  }
0x30: {  	s3 =	sld [smem:$0x3FA9]  }
0x31: {  	[smem:$0x3FB2] =	sst s10  }
0x32: {  	s10 =	sld [smem:$0x3FB0];
	_ =	sdelay $0x3  }
0x33: {  	p0 =	seq.s32 s10, $0x1;
	s10 =	sld [smem:$0x3FB2];
	_ =	sdelay $0x3  }
0x34: {  	[smem:$0x3FB2] =	sst s10  }
0x35: {  	s10 =	sld [smem:$0x3FB1];
	_ =	sdelay $0x3  }
0x36: {  	p1 =	seq.s32 s10, $0x1;
	s10 =	sld [smem:$0x3FB2];
	_ =	sdelay $0x3  }
0x37: {  	[smem:$0x3FB2] =	sst s10  }
0x38: {  	s10 =	sld [smem:$0x3FB3]  }
0x39: {  	_ = 	snop;
	(pc) =	sbr.ind lr, $3  }
0x3a: {  	_ = 	snop  }
0x3b: {  	_ = 	snop  }
0x3c: {  	p2 =	seq.s32 s10, $0x1;
	s10 =	sld [smem:$0x3FB2]  }
0x3d: {  	_ =	shalt  }
0x3e: {  	_ =	shalt  }
0x3f: {  	_ =	shalt  }
0x40: {  	_ =	shalt  }
0x41: {  	_ =	shalt  }
0x42: {  	_ =	shalt  }
0x43: {  	_ =	shalt  }
0x44: {  	_ =	shalt  }
0x45: {  	_ =	shalt  }
0x46: {  	_ =	shalt  }
0x47: {  	_ =	shalt  }
0x48: {  	_ =	shalt  }
0x49: {  	_ =	shalt  }
0x4a: {  	_ =	shalt  }
0x4b: {  	_ =	shalt  }
0x4c: {  	_ =	shalt  }
0x4d: {  	_ =	shalt  }
0x4e: {  	_ =	shalt  }
0x4f: {  	_ =	shalt  }
0x50: {  	_ =	shalt  }
0x51: {  	_ =	shalt  }
0x52: {  	_ =	shalt  }
0x53: {  	_ =	shalt  }
0x54: {  	_ =	shalt  }
0x55: {  	_ =	shalt  }
0x56: {  	_ =	shalt  }
0x57: {  	_ =	shalt  }
0x58: {  	_ =	shalt  }
0x59: {  	_ =	shalt  }
0x5a: {  	_ =	shalt  }
0x5b: {  	_ =	shalt  }
0x5c: {  	_ =	shalt  }
0x5d: {  	_ =	shalt  }
0x5e: {  	_ =	shalt  }
0x5f: {  	_ =	shalt  }
0x60: {  	_ =	shalt  }
0x61: {  	_ =	shalt  }
0x62: {  	_ =	shalt  }
0x63: {  	_ =	shalt  }
0x64: {  	_ =	shalt  }
0x65: {  	_ =	shalt  }
0x66: {  	_ =	shalt  }
0x67: {  	_ =	shalt  }
0x68: {  	_ =	shalt  }
0x69: {  	_ =	shalt  }
0x6a: {  	_ =	shalt  }
0x6b: {  	_ =	shalt  }
0x6c: {  	_ =	shalt  }
0x6d: {  	_ =	shalt  }
0x6e: {  	_ =	shalt  }
0x6f: {  	_ =	shalt  }
0x70: {  	_ =	shalt  }
0x71: {  	_ =	shalt  }
0x72: {  	_ =	shalt  }
0x73: {  	_ =	shalt  }
0x74: {  	_ =	shalt  }
0x75: {  	_ =	shalt  }
0x76: {  	_ =	shalt  }
0x77: {  	_ =	shalt  }
0x78: {  	_ =	shalt  }
0x79: {  	_ =	shalt  }
0x7a: {  	_ =	shalt  }
0x7b: {  	_ =	shalt  }
0x7c: {  	_ =	shalt  }
0x7d: {  	_ =	shalt  }
0x7e: {  	_ =	shalt  }
0x7f: {  	_ =	shalt  }
0x80: {  	_ =	shalt  }
0x81: {  	_ =	shalt  }
0x82: {  	_ =	shalt  }
0x83: {  	_ =	shalt  }
0x84: {  	_ =	shalt  }
0x85: {  	_ =	shalt  }
0x86: {  	_ =	shalt  }
0x87: {  	_ =	shalt  }
.Lfunc_end0:
.L_simem_size_0:
called_computation.2_lowered:
.L_overlay_start_0:
0x88: {  	s2 =	sld [smem:$0x3FD9]  }
0x89: {  	s3 =	sld [smem:$0x3FFE];
	_ =	sdelay $0x1  }
0x8a: {  	s1 =	srdreg.scid  }
0x8b: {  	s0 =	sand.u32 $0x1, s1  }
0x8c: {  	s15 =	sshll.u32 s0, $0xA;
	s2 =	sadd.s32 s3, s2  }
0x8d: {  	s2 =	sadd.s32 s2, s15  }
0x8e: {  	[smem:$0x3FBE] =	sst s2  }
0x8f: {  	_ = 	snop  }
0x90: {  	s16 =	sld [smem:$0x3FD0];
	_ =	sdelay $0x2  }
0x91: {  	s5 =	simm.s32 $0xB;
	s4 =	simm.s32 $0x10;
	s2 =	sld [smem:$0x3FC6]  }
0x92: {  	[smem:s4], [sflag:s5] =	dma.local [hbm:s16], $0x1  }
0x93: {  	_ =	swait.eq [sflag:s5], $0x1  }
0x94: {  	[sflag:s5] =	ssyncset.done $0x0  }
0x95: {  	s17 =	sld [smem:$0x11];
	[sflag:s5] =	ssyncadd.s32 $0xFFFFFFFF  }
0x96: {  	s18 =	sld [smem:$0x12];
	(tm) =	ssettm $0x1  }
0x97: {  	s19 =	sld [smem:$0x3FFB];
	_ =	sdelay $0x3  }
0x98: {  	_ =	strace s19  }
0x99: {  	s3 =	sld [smem:$0x3FFC];
	_ =	sdelay $0x3  }
0x9a: {  	_ =	strace s3  }
0x9b: {  	s3 =	sld [smem:$0x3FFD];
	_ =	sdelay $0x3  }
0x9c: {  	_ =	strace s3  }
0x9d: {  	_ =	strace $0x8FFFFFFF  }
0x9e: {  	s20 =	sld [smem:$0x3FDB];
	_ =	sdelay $0x1  }
0x9f: {  	s6 =	simm.s32 $_scs_section_size  }
0xa0: {  	s7 =	simm.s32 $_size__tile_overlayer_lowered;
	s8 =	simm.s32 $_tile_overlayer_lowered  }
0xa1: {  	s9 =	simm.s32 $0x1BFF;
	s21 =	sshll.u32 s8, $0x1;
	s6 =	sadd.s32 s6, s20  }
0xa2: {  	s22 =	simm.s32 $0x0;
	s7 =	sshll.u32 s7, $0x1;
	s8 =	sadd.s32 s21, s6  }
0xa3: {  	[timem:s22], [sflag:s9] =	dma.local [hbm:s8], s7  }
0xa4: {  	_ =	swait.ge [sflag:s9], s7  }
0xa5: {  	s7 =	ssub.s32 $0x0, s7;
	[sflag:s9] =	ssyncset.done $0x0  }
0xa6: {  	[sflag:s9] =	ssyncadd.s32 s7;
	_ =	sdelay $0x1  }
0xa7: {  	s23 =	simm.s32 $0x1B8B  }
0xa8: {  	_ =	swait.ge [sflag:s23], $0x1  }
0xa9: {  	[sflag:s23] =	ssyncset.done $0x0  }
0xaa: {  	[sflag:s23] =	ssyncadd.s32 $0xFFFFFFFF  }
0xab: {  	s7 =	sld [smem:$0x0]  }
0xac: {  	s8 =	sand.u32 $0xFFFFFFFE, s1  }
0xad: {  	p0 =	sne.s32 s1, s8  }
0xae: {  	s8 =	sshll.u32 @p0 s8, $0xE  }
0xaf: {  	s8 =	sadd.s32 @p0 $0x11B8D, s8;
	s9 =	sshll.u32 @p0 s7, $0x11  }
0xb0: {  	s8 =	sor.u32 @p0 s9, s8  }
0xb1: {  	[sflag:s8] =	ssyncadd.remote.s32 @p0 $0x1;
	_ =	sdelay $0x1  }
0xb2: {  	s8 =	simm.s32 @p0 $0x1B8D  }
0xb3: {  	_ =	swait.eq @p0 [sflag:s8], $0x1  }
0xb4: {  	[sflag:s8] =	ssyncadd.s32 @p0 $0xFFFFFFFF  }
0xb5: {  	s9 =	sshll.u32 @!p0 s1, $0xE  }
0xb6: {  	s9 =	sor.u32 @!p0 $0x4000, s9;
	s8 =	simm.s32 @!p0 $0x1B8D  }
0xb7: {  	s7 =	sshll.u32 @!p0 s7, $0x11;
	s9 =	sadd.s32 @!p0 $0x11B8D, s9;
	_ =	swait.eq @!p0 [sflag:s8], $0x1  }
0xb8: {  	s7 =	sor.u32 @!p0 s7, s9;
	[sflag:s8] =	ssyncadd.s32 @!p0 $0xFFFFFFFF  }
0xb9: {  	s25 =	simm.s32 $0x1B8E;
	s24 =	sld [smem:$0x3FFE];
	[sflag:s7] =	ssyncadd.remote.s32 @!p0 $0x1  }
0xba: {  	s26 =	simm.s32 $execute0_lowered;
	[smem:$0x3FD2] =	sst s25  }
0xbb: {  	s8 =	sshll.u32 s26, $0x1;
	_ =	strace $0x80000049;
	[dreg:$0x1] =	wrdreg $0xFFFFFFFF  }
0xbc: {  	s28 =	simm.s32 $_size_execute0_lowered;
	s6 =	sadd.s32 s6, s8;
	[dreg:$0x0] =	wrdreg $0x0  }
0xbd: {  	s8 =	sshll.u32 s28, $0x1;
	[dreg:$0x2] =	wrdreg s6  }
0xbe: {  	[dreg:$0x3] =	wrdreg s8  }
0xbf: {  	[dreg:$0x4] =	wrdreg $0xC0  }
0xc0: {  	_ =	task [dreg:s22], $0x5FFFF  }
0xc1: {  	[dreg:$0x1] =	wrdreg $0xFFFFFFFF  }
0xc2: {  	[dreg:$0x0] =	wrdreg $0x60  }
0xc3: {  	[dreg:$0x2] =	wrdreg s24  }
0xc4: {  	[dreg:$0x3] =	wrdreg s2  }
0xc5: {  	[dreg:$0x4] =	wrdreg s18  }
0xc6: {  	[dreg:$0x5] =	wrdreg s17  }
0xc7: {  	[dreg:$0x6] =	wrdreg $0xE2900  }
0xc8: {  	[dreg:$0x7] =	wrdreg $0xA  }
0xc9: {  	_ =	task.clear_ibuf [dreg:s22], $0x8FFFF;
	_ =	strace $0x90000049  }
0xca: {  	s29 =	simm.s32 $0xA;
	_ =	strace $0x8000004B  }
0xcb: {  	_ =	swait.ge [sflag:s29], $0x1  }
0xcc: {  	[sflag:s29] =	ssyncadd.s32 $0xFFFFFFFF  }
0xcd: {  	_ =	strace $0x9000004B  }
0xce: {  	_ =	sfence  }
0xcf: {  	s30 =	sld [smem:$0x0];
	_ =	sdelay $0x2  }
0xd0: {  	s31 =	sshll.u32 s1, $0xD;
	s1 =	sshrl.u32 s1, $0x2  }
0xd1: {  	s4 =	sand.u32 $0x4000, s31;
	s1 =	sadd.s32 s1, s30  }
0xd2: {  	s0 =	sor.u32 s4, s0;
	s1 =	sshll.u32 s1, $0x11  }
0xd3: {  	s0 =	sor.u32 s1, s0  }
0xd4: {  	s0 =	sadd.s32 $0x8F2B, s0  }
0xd5: {  	[sflag:s0] =	ssyncadd.remote.s32 $0x1  }
0xd6: {  	_ =	sfence.sel $0xFFFF  }
0xd7: {  	[dreg:$0x0] =	wrdreg $0xFFFFFFFF;
	(pc) =	sbr.abs _section_cstart, $3  }
0xd8: {  	[dreg:$0x1] =	wrdreg $0xFFFFFFFF  }
0xd9: {  	_ =	task.clear_ibuf [dreg:s22], $0x2FFFF;
	_ =	strace $0x9FFFFFFF  }
0xda: {  	(tm) =	ssettm $0x7FFFFFFF  }
0xdb: {  	_ =	shalt  }
tec
execute0_lowered:
.L_overlay_start_1:
0x0: {  	(tag) =	ssettag $0x1  }
0x1: {  	s7 =	rddreg [dreg:$0x0]  }
0x2: {  	s1 =	rddreg [dreg:$0x1]  }
0x3: {  	s2 =	rddreg [dreg:$0x2]  }
0x4: {  	s8 =	rddreg [dreg:$0x3];
	s3 =	srdreg.scid  }
0x5: {  	s0 =	stileid.u32;
	s4 =	rddreg [dreg:$0x4]  }
0x6: {  	s5 =	simm.s32 $0x0;
	s14 =	simm.s32 $0x3E8;
	s15 =	simm.s32 $0x1  }
0x7: {  	s16 =	simm.s32 $0x7D0;
	s17 =	simm.s32 $0x4650;
	s18 =	simm.s32 $0x0  }
0x8: {  	s9 =	sand.u32 $0x1, s3;
	s10 =	smul.u32 $0x3200, s0;
	s3 =	rddreg [dreg:$0x5]  }
0x9: {  	[smem:$0x7FF] =	sst s5;
	s31 =	sshll.u32 s0, $0x6;
	s6 =	smul.u32 $0x32000, s9  }
0xa: {  	_ =	strace $0x8000004A;
	s12 =	ssub.s32 $0x2, s9;
	s9 =	smul.u32 $0x320, s9  }
0xb: {  	s13 =	sshrl.u32 s12, $0x1;
	s29 =	sadd.s32 s10, s4;
	s30 =	sshrl.u32 s10, $0x3  }
0xc: {  	s11 =	sadd.s32 s10, s6;
	s6 =	sadd.s32 $0x88200, s7;
	s12 =	ssub.s32 s12, s13  }
0xd: {  	s9 =	sor.u32 s0, s9;
	s13 =	simm.s32 $0x2;
	s11 =	sshrl.u32 s11, $0x3  }
0xe: {  	v0 =	vimm.f32 $0.0e+00;
	vm0 =	vcmask $0x2320;
	s11 =	sadd.s32 s11, s7;
	s7 =	sadd.s32 s8, s30;
	s8 =	sor.u32 $0x1C02, s31  }
0xf: {  	v0 =	vsel vm0, $0x3F800000, v0;
	s10 =	sadd.s32 $0xB9000, s11;
	s11 =	smax.u32 s12, $0x1;
	s12 =	sshrl.u32 s29, $0x3  }
.LBB2_1:
0x10: {  	[spmem:s12], [sflag:s8] =	dma.local [hbm:s7], $0x640  }
0x11: {  	_ =	swait.ge [sflag:s13], $0x640  }
0x12: {  	[sflag:s13] =	ssyncset.done $0x0  }
0x13: {  	s19 =	simm.s32 $0x100;
	s20 =	simm.s32 $0x18;
	[sflag:s13] =	ssyncadd.s32 $0xFFFFF9C0  }
.LBB2_2:
0x14: {  	p0 =	sne.s32 s19, $0x270C0;
	[tilespmem:s20+$0x4650] =	vst v0;
	s20 =	smov.u32 s19;
	s19 =	sadd.s32 $0xA0, s19  }
.Ltmp0:
0x15: {  	(pc) =	sbr.rel @p0 .LBB2_2-.Ltmp0, $2  }
0x16: {  	_ =	sdelay $0x2  }
0x17: {  	s20 =	sshra.s32 s20, $0x2  }
0x18: {  	[tilespmem:s20+$0x4650] =	vst v0  }
0x19: {  	s19 =	simm.s32 $0x0;
	[bflag:$0x0] =	sbarrier.arrive $0xFFFF  }
.LBB2_4:
0x1a: {  	s20 =	sshll.u32 s19, $0x4  }
0x1b: {  	s20 =	sadd.s32 s20, s9  }
0x1c: {  	s21 =	smul.u32 $0x7D, s20;
	_ =	sdelay $0x1  }
0x1d: {  	s21 =	sadd.s32 s6, s21  }
0x1e: {  	[tilespmem:s5], [sflag:$0x2] =	stream.linear.gather [hbm4b:s21+s5], $0x3E8, $0x38;
	[tilespmem:$0x11490] =	vst v63  }
0x1f: {  	_ =	swait.ge [sflag:s13], $0x3E8  }
0x20: {  	[sflag:s13] =	ssyncset.done $0x0  }
0x21: {  	[sflag:s13] =	ssyncadd.s32 $0xFFFFFC18  }
0x22: {  	[tilespmem:s14], [sflag:$0x1] =	stream.indirect.gather [hbm4b:s1+s14], $0x1, s5, s14, $0xb8;
	[tilespmem:$0x11490] =	vst v63  }
0x23: {  	s20 =	smul.u32 $0x7D0, s20;
	_ =	swait.ge [sflag:s15], $0x3E8  }
0x24: {  	[sflag:s15] =	ssyncset.done $0x0  }
0x25: {  	s20 =	sadd.s32 s2, s20;
	[sflag:s15] =	ssyncadd.s32 $0xFFFFFC18  }
0x26: {  	[tilespmem:s16], [sflag:$0x2] =	stream.linear.gather [hbm4b:s20+s5], $0x3E80, $0x38;
	[tilespmem:$0x11490] =	vst v63  }
0x27: {  	_ =	swait.ge [sflag:s13], $0x3E80  }
0x28: {  	[sflag:s13] =	ssyncset.done $0x0  }
0x29: {  	s31 =	simm.s32 $0x70;
	[sflag:s13] =	ssyncadd.s32 $0xFFFFC180  }
0x2a: {  	v1 =	vld [tilespmem:s31+$0x760];
	_ =	sdelay $0x4  }
0x2b: {  	s20 =	simm.s32 $0x46F0;
	v2 =	vmul.f32 v1, v1  }
0x2c: {  	[tilespmem:s20+$0xFFFFFF60] =	vst v1  }
0x2d: {  	[tilespmem:s20+$0xFFFFFF70] =	vst v2  }
0x2e: {  	v1 =	vld [tilespmem:s31+$0x770];
	_ =	sdelay $0x4  }
0x2f: {  	v2 =	vmul.f32 v1, v1  }
0x30: {  	[tilespmem:s20+$0xFFFFFF88] =	vst v1  }
0x31: {  	[tilespmem:s20+$0xFFFFFF98] =	vst v2  }
0x32: {  	v1 =	vld [tilespmem:s31+$0x780];
	_ =	sdelay $0x4  }
0x33: {  	v2 =	vmul.f32 v1, v1  }
0x34: {  	[tilespmem:s20+$0xFFFFFFB0] =	vst v1  }
0x35: {  	[tilespmem:s20+$0xFFFFFFC0] =	vst v2  }
0x36: {  	v1 =	vld [tilespmem:s31+$0x790];
	_ =	sdelay $0x4  }
0x37: {  	v2 =	vmul.f32 v1, v1  }
0x38: {  	[tilespmem:s20+$0xFFFFFFD8] =	vst v1  }
0x39: {  	[tilespmem:s20+$0xFFFFFFE8] =	vst v2  }
0x3a: {  	v1 =	vld [tilespmem:s31+$0x7A0];
	_ =	sdelay $0x4  }
0x3b: {  	v2 =	vmul.f32 v1, v1  }
0x3c: {  	[tilespmem:s20+$0x0] =	vst v1  }
0x3d: {  	[tilespmem:s20+$0x10] =	vst v2  }
0x3e: {  	v1 =	vld [tilespmem:s31+$0x7B0];
	_ =	sdelay $0x4  }
0x3f: {  	v2 =	vmul.f32 v1, v1  }
0x40: {  	[tilespmem:s20+$0x28] =	vst v1  }
0x41: {  	[tilespmem:s20+$0x38] =	vst v2  }
0x42: {  	v1 =	vld [tilespmem:s31+$0x7C0];
	_ =	sdelay $0x4  }
0x43: {  	v2 =	vmul.f32 v1, v1  }
0x44: {  	[tilespmem:s20+$0x50] =	vst v1  }
0x45: {  	[tilespmem:s20+$0x60] =	vst v2  }
0x46: {  	v1 =	vld [tilespmem:s31+$0x7D0];
	_ =	sdelay $0x4  }
0x47: {  	v2 =	vmul.f32 v1, v1  }
0x48: {  	[tilespmem:s20+$0x78] =	vst v1  }
0x49: {  	s22 =	simm.s32 $0x5C0;
	s21 =	simm.s32 $0xF0;
	[tilespmem:s20+$0x88] =	vst v2  }
.LBB2_5:
0x4a: {  	p0 =	sne.s32 s22, $0xF9C0;
	v1 =	vld [tilespmem:s21+$0x760];
	_ =	sdelay $0x3  }
0x4b: {  	s20 =	sadd.s32 $0x140, s20  }
0x4c: {  	[tilespmem:s20+$0xFFFFFF60] =	vst v1;
	v1 =	vmul.f32 v1, v1;
	_ =	sdelay $0x1  }
0x4d: {  	[tilespmem:s20+$0xFFFFFF70] =	vst v1  }
0x4e: {  	v1 =	vld [tilespmem:s21+$0x770];
	_ =	sdelay $0x4  }
0x4f: {  	[tilespmem:s20+$0xFFFFFF88] =	vst v1;
	v1 =	vmul.f32 v1, v1;
	_ =	sdelay $0x1  }
0x50: {  	[tilespmem:s20+$0xFFFFFF98] =	vst v1  }
0x51: {  	v1 =	vld [tilespmem:s21+$0x780];
	_ =	sdelay $0x4  }
0x52: {  	v2 =	vmul.f32 v1, v1  }
0x53: {  	[tilespmem:s20+$0xFFFFFFB0] =	vst v1  }
0x54: {  	[tilespmem:s20+$0xFFFFFFC0] =	vst v2  }
0x55: {  	v1 =	vld [tilespmem:s21+$0x790];
	_ =	sdelay $0x4  }
0x56: {  	v2 =	vmul.f32 v1, v1  }
0x57: {  	[tilespmem:s20+$0xFFFFFFD8] =	vst v1  }
0x58: {  	[tilespmem:s20+$0xFFFFFFE8] =	vst v2  }
0x59: {  	v1 =	vld [tilespmem:s21+$0x7A0];
	_ =	sdelay $0x4  }
0x5a: {  	v2 =	vmul.f32 v1, v1  }
0x5b: {  	[tilespmem:s20+$0x0] =	vst v1  }
0x5c: {  	[tilespmem:s20+$0x10] =	vst v2  }
0x5d: {  	v1 =	vld [tilespmem:s21+$0x7B0];
	_ =	sdelay $0x4  }
0x5e: {  	v2 =	vmul.f32 v1, v1  }
0x5f: {  	[tilespmem:s20+$0x28] =	vst v1  }
0x60: {  	[tilespmem:s20+$0x38] =	vst v2  }
0x61: {  	v1 =	vld [tilespmem:s21+$0x7C0];
	_ =	sdelay $0x4  }
0x62: {  	v2 =	vmul.f32 v1, v1  }
0x63: {  	[tilespmem:s20+$0x50] =	vst v1  }
0x64: {  	[tilespmem:s20+$0x60] =	vst v2  }
0x65: {  	v1 =	vld [tilespmem:s21+$0x7D0];
	_ =	sdelay $0x2  }
.Ltmp1:
0x66: {  	(pc) =	sbr.rel @p0 .LBB2_5-.Ltmp1, $3  }
0x67: {  	_ = 	snop  }
0x68: {  	[tilespmem:s20+$0x78] =	vst v1;
	v1 =	vmul.f32 v1, v1;
	_ =	sdelay $0x1  }
0x69: {  	s21 =	sshra.s32 s22, $0x2;
	s22 =	sadd.s32 $0x200, s22;
	[tilespmem:s20+$0x88] =	vst v1  }
0x6a: {  	v1 =	vld [tilespmem:s21+$0x760];
	_ =	sdelay $0x4  }
0x6b: {  	s20 =	sadd.s32 $0x140, s20;
	v2 =	vmul.f32 v1, v1  }
0x6c: {  	[tilespmem:s20+$0xFFFFFF60] =	vst v1  }
0x6d: {  	[tilespmem:s20+$0xFFFFFF70] =	vst v2  }
0x6e: {  	v1 =	vld [tilespmem:s21+$0x770];
	_ =	sdelay $0x4  }
0x6f: {  	v2 =	vmul.f32 v1, v1  }
0x70: {  	[tilespmem:s20+$0xFFFFFF88] =	vst v1  }
0x71: {  	[tilespmem:s20+$0xFFFFFF98] =	vst v2  }
0x72: {  	v1 =	vld [tilespmem:s21+$0x780];
	_ =	sdelay $0x4  }
0x73: {  	v2 =	vmul.f32 v1, v1  }
0x74: {  	[tilespmem:s20+$0xFFFFFFB0] =	vst v1  }
0x75: {  	[tilespmem:s20+$0xFFFFFFC0] =	vst v2  }
0x76: {  	v1 =	vld [tilespmem:s21+$0x790];
	_ =	sdelay $0x4  }
0x77: {  	v2 =	vmul.f32 v1, v1  }
0x78: {  	[tilespmem:s20+$0xFFFFFFD8] =	vst v1  }
0x79: {  	[tilespmem:s20+$0xFFFFFFE8] =	vst v2  }
0x7a: {  	v1 =	vld [tilespmem:s21+$0x7A0];
	_ =	sdelay $0x4  }
0x7b: {  	v2 =	vmul.f32 v1, v1  }
0x7c: {  	[tilespmem:s20+$0x0] =	vst v1  }
0x7d: {  	[tilespmem:s20+$0x10] =	vst v2  }
0x7e: {  	v1 =	vld [tilespmem:s21+$0x7B0];
	_ =	sdelay $0x4  }
0x7f: {  	v2 =	vmul.f32 v1, v1  }
0x80: {  	[tilespmem:s20+$0x28] =	vst v1  }
0x81: {  	[tilespmem:s20+$0x38] =	vst v2  }
0x82: {  	v1 =	vld [tilespmem:s21+$0x7C0];
	_ =	sdelay $0x4  }
0x83: {  	v2 =	vmul.f32 v1, v1  }
0x84: {  	[tilespmem:s20+$0x50] =	vst v1  }
0x85: {  	[tilespmem:s20+$0x60] =	vst v2  }
0x86: {  	v1 =	vld [tilespmem:s21+$0x7D0];
	_ =	sdelay $0x4  }
0x87: {  	s19 =	sadd.s32 $0x1, s19;
	v2 =	vmul.f32 v1, v1  }
0x88: {  	p0 =	sne.s32 s19, $0x32;
	[tilespmem:s20+$0x78] =	vst v1  }
.Ltmp2:
0x89: {  	[tilespmem:s20+$0x88] =	vst v2;
	(pc) =	sbr.rel @p0 .LBB2_4-.Ltmp2, $4  }
0x8a: {  	[spmem:s4] =	stream.indirect.scatter.add.f32 [tilespmem:s17], [sflag:$0x2], $0x28, s14, s14, $0xb8;
	[tilespmem:$0x11490] =	vst v63  }
0x8b: {  	_ =	swait.ge [sflag:s13], $0x9C40  }
0x8c: {  	[sflag:s13] =	ssyncset.done $0x0  }
0x8d: {  	[sflag:s13] =	ssyncadd.s32 $0xFFFF63C0  }
0x8e: {  	s18 =	sadd.s32 $0x1, s18  }
0x8f: {  	p0 =	sne.s32 s18, s11  }
.Ltmp3:
0x90: {  	[bflag:$0x0] =	sbarrier.arrive $0xFFFF;
	(pc) =	sbr.rel @p0 .LBB2_1-.Ltmp3, $4  }
0x91: {  	[hbm:s10], [sflag:s8] =	dma.local [spmem:s12], $0x640  }
0x92: {  	_ =	swait.ge [sflag:s13], $0x640  }
0x93: {  	[sflag:s13] =	ssyncset.done $0x0  }
0x94: {  	[sflag:s13] =	ssyncadd.s32 $0xFFFFF9C0  }
0x95: {  	_ =	sfence.sel $0x180000  }
0x96: {  	[bflag:$0x0] =	sbarrier.arrive $0xFFFF  }
0x97: {  	p0 =	sne.s32 s0, $0x0;
	_ =	strace $0x9000004A  }
0x98: {  	s0 =	sadd.s32 @!p0 $0x100000, s3;
	[bflag:$0x2] =	sbarrier.arrive $0xFFFF  }
0x99: {  	[sflag:s0] =	ssyncadd.tile.s32 @!p0 $0x1;
	_ =	shalt  }
.Lfunc_end2:
_tile_overlayer_lowered:
.L_overlay_start_2:
0x9a: {  	(tag) =	ssettag $0x2  }
0x9b: {  	s0 =	rddreg [dreg:$0x0];
	s2 =	stileid.u32  }
0x9c: {  	s1 =	rddreg [dreg:$0x1];
	p0 =	sne.s32 s2, $0x0  }
0x9d: {  	s3 =	rddreg [dreg:$0x2];
	[bflag:$0x3] =	sbarrier.arrive $0xFFFF;
	s2 =	simm.s32 @!p0 $0x1C02  }
0x9e: {  	[timem:s3], [sflag:s2] =	dma.local @!p0 [hbm:s0], s1  }
0x9f: {  	s0 =	simm.s32 @!p0 $0x2  }
0xa0: {  	_ =	swait.ge @!p0 [sflag:s0], s1  }
0xa1: {  	s1 =	ssub.s32 @!p0 $0x0, s1;
	[sflag:s0] =	ssyncset.done @!p0 $0x0  }
0xa2: {  	[sflag:s0] =	ssyncadd.s32 @!p0 s1  }
0xa3: {  	[bflag:$0x3] =	sbarrier.arrive $0xFFFF  }
0xa4: {  	_ =	shalt  }

// kernel: sparse-core-data-format-call.cloned.1.call-start
scs
called_computation_lowered:
.L_overlay_start_0:
0x0: {  	s2 =	sld [smem:$0x3FD9]  }
0x1: {  	s3 =	sld [smem:$0x3FFE];
	_ =	sdelay $0x1  }
0x2: {  	s1 =	srdreg.scid  }
0x3: {  	s0 =	sand.u32 $0x1, s1  }
0x4: {  	s15 =	sshll.u32 s0, $0xA;
	s2 =	sadd.s32 s3, s2  }
0x5: {  	s2 =	sadd.s32 s2, s15  }
0x6: {  	[smem:$0x3FBE] =	sst s2  }
0x7: {  	_ = 	snop  }
0x8: {  	s2 =	sld [smem:$0x3FD0];
	_ =	sdelay $0x2  }
0x9: {  	s16 =	simm.s32 $0xB;
	s4 =	simm.s32 $0x10  }
0xa: {  	[smem:s4], [sflag:s16] =	dma.local [hbm:s2], $0x1  }
0xb: {  	_ =	swait.eq [sflag:s16], $0x1  }
0xc: {  	[sflag:s16] =	ssyncset.done $0x0  }
0xd: {  	[sflag:s16] =	ssyncadd.s32 $0xFFFFFFFF  }
0xe: {  	s17 =	sld [smem:$0x12];
	(tm) =	ssettm $0x1  }
0xf: {  	s18 =	sld [smem:$0x3FFB];
	_ =	sdelay $0x3  }
0x10: {  	_ =	strace s18  }
0x11: {  	s3 =	sld [smem:$0x3FFC];
	_ =	sdelay $0x3  }
0x12: {  	_ =	strace s3  }
0x13: {  	s3 =	sld [smem:$0x3FFD];
	_ =	sdelay $0x3  }
0x14: {  	_ =	strace s3  }
0x15: {  	_ =	strace $0x8FFFFFFF  }
0x16: {  	s19 =	sld [smem:$0x3FDB];
	_ =	sdelay $0x1  }
0x17: {  	s20 =	simm.s32 $_scs_section_size  }
0x18: {  	s5 =	simm.s32 $_size__tile_overlayer_lowered;
	s6 =	simm.s32 $_tile_overlayer_lowered  }
0x19: {  	s23 =	simm.s32 $0x1BFF;
	s22 =	sshll.u32 s6, $0x1;
	s3 =	sadd.s32 s20, s19  }
0x1a: {  	s7 =	simm.s32 $0x0;
	s21 =	sshll.u32 s5, $0x1;
	s5 =	sadd.s32 s22, s3  }
0x1b: {  	[timem:s7], [sflag:s23] =	dma.local [hbm:s5], s21  }
0x1c: {  	_ =	swait.ge [sflag:s23], s21  }
0x1d: {  	s4 =	ssub.s32 $0x0, s21;
	[sflag:s23] =	ssyncset.done $0x0  }
0x1e: {  	[sflag:s23] =	ssyncadd.s32 s4;
	_ =	sdelay $0x1  }
0x1f: {  	s24 =	simm.s32 $0x1B8B  }
0x20: {  	_ =	swait.ge [sflag:s24], $0x1  }
0x21: {  	[sflag:s24] =	ssyncset.done $0x0  }
0x22: {  	s26 =	simm.s32 $0x1B8E;
	s25 =	sld [smem:$0x3FFE];
	[sflag:s24] =	ssyncadd.s32 $0xFFFFFFFF  }
0x23: {  	s27 =	simm.s32 $execute0_lowered;
	[smem:$0x3FD2] =	sst s26  }
0x24: {  	s5 =	sshll.u32 s27, $0x1;
	_ =	strace $0x8000004F;
	[dreg:$0x1] =	wrdreg $0xFFFFFFFF  }
0x25: {  	s28 =	simm.s32 $_size_execute0_lowered;
	s3 =	sadd.s32 s3, s5;
	[dreg:$0x0] =	wrdreg $0x0  }
0x26: {  	s5 =	sshll.u32 s28, $0x1;
	[dreg:$0x2] =	wrdreg s3  }
0x27: {  	[dreg:$0x3] =	wrdreg s5  }
0x28: {  	[dreg:$0x4] =	wrdreg $0xC0  }
0x29: {  	_ =	task [dreg:s7], $0x5FFFF  }
0x2a: {  	[dreg:$0x1] =	wrdreg $0xFFFFFFFF  }
0x2b: {  	[dreg:$0x0] =	wrdreg $0x60  }
0x2c: {  	[dreg:$0x2] =	wrdreg s25  }
0x2d: {  	[dreg:$0x3] =	wrdreg s17  }
0x2e: {  	[dreg:$0x4] =	wrdreg $0x9  }
0x2f: {  	_ =	task.clear_ibuf [dreg:s7], $0x5FFFF;
	_ =	strace $0x9000004F  }
0x30: {  	s29 =	simm.s32 $0x9;
	_ =	strace $0x80000051  }
0x31: {  	_ =	swait.ge [sflag:s29], $0x1  }
0x32: {  	[sflag:s29] =	ssyncadd.s32 $0xFFFFFFFF  }
0x33: {  	_ =	strace $0x90000051  }
0x34: {  	_ =	sfence  }
0x35: {  	s30 =	sld [smem:$0x0];
	_ =	sdelay $0x2  }
0x36: {  	s31 =	sshll.u32 s1, $0xD;
	s1 =	sshrl.u32 s1, $0x2  }
0x37: {  	s3 =	sand.u32 $0x4000, s31;
	s1 =	sadd.s32 s1, s30  }
0x38: {  	s0 =	sor.u32 s3, s0;
	s1 =	sshll.u32 s1, $0x11  }
0x39: {  	s0 =	sor.u32 s1, s0  }
0x3a: {  	s0 =	sadd.s32 $0x8F2B, s0  }
0x3b: {  	[sflag:s0] =	ssyncadd.remote.s32 $0x1  }
0x3c: {  	_ =	sfence.sel $0xFFFF  }
0x3d: {  	[dreg:$0x0] =	wrdreg $0xFFFFFFFF;
	(pc) =	sbr.abs _section_cstart, $3  }
0x3e: {  	[dreg:$0x1] =	wrdreg $0xFFFFFFFF  }
0x3f: {  	_ =	task.clear_ibuf [dreg:s7], $0x2FFFF;
	_ =	strace $0x9FFFFFFF  }
0x40: {  	(tm) =	ssettm $0x7FFFFFFF  }
0x41: {  	_ =	shalt  }
tec
execute0_lowered:
.L_overlay_start_1:
0x0: {  	(tag) =	ssettag $0x1  }
0x1: {  	s0 =	srdreg.scid  }
0x2: {  	s1 =	sshll.u32 s0, $0x4  }
0x3: {  	s4 =	rddreg [dreg:$0x0];
	s0 =	stileid.u32;
	s1 =	sand.u32 $0x10, s1  }
0x4: {  	s2 =	rddreg [dreg:$0x1];
	s7 =	simm.s32 $0x1;
	s1 =	sor.u32 s0, s1  }
0x5: {  	s8 =	simm.s32 $0x2;
	s11 =	simm.s32 $0x0;
	s3 =	sshll.u32 s1, $0x7  }
0x6: {  	s10 =	simm.s32 $0x0;
	s4 =	sadd.s32 $0x3F7200, s4;
	s6 =	ssub.s32 $0x186A00, s3  }
.Ltmp0:
0x7: {  	s1 =	rddreg [dreg:$0x2];
	s5 =	sand.u32 $0xF80, s6;
	(pc) =	sbr.rel .LBB1_1-.Ltmp0, $4  }
0x8: {  	_ =	strace $0x80000050;
	s9 =	smov.u32 s3;
	p0 =	sne.s32 s5, $0x0  }
0x9: {  	s6 =	sshrl.u32 s6, $0xC;
	s5 =	simm.s32 $0x1;
	s7 =	simm.s32 @!p0 $0x0  }
0xa: {  	[sflag:s5] =	ssyncpa.u1 $0x0;
	p0 =	por $0x0, $0x0;
	s6 =	sadd.s32 s7, s6  }
0xb: {  	[sflag:s8] =	ssyncpa.u1 $0x0;
	s8 =	simm.s32 $0xC35000;
	s7 =	sadd.s32 $0x1, s6  }
.LBB1_4:
0xc: {  	s14 =	sshll.u32 s11, $0x3  }
0xd: {  	s14 =	sand.u32 $0xFFFFFC00, s14  }
0xe: {  	s15 =	sshrl.u32 s14, $0x9  }
0xf: {  	s15 =	smulhi.u32 $0xA7C5AD, s15;
	_ =	sdelay $0x1  }
0x10: {  	s15 =	sshrl.u32 s15, $0x3  }
0x11: {  	s28 =	sand.u32 $0x7F, s11;
	s16 =	smul.u32 $0x186A00, s15  }
0x12: {  	[tilespmem:s12+$0xFFFFFFFC ss:$0x81] =	vst.msk $0xffff, v0;
	s11 =	sor.u32 s28, s14  }
0x13: {  	[tilespmem:s12+$0xFFFFFFFD ss:$0x81] =	vst.msk $0xffff, v3;
	s29 =	sand.u32 $0xF, s15;
	s11 =	ssub.s32 s11, s16  }
0x14: {  	[tilespmem:s12+$0xFFFFFFFE ss:$0x81] =	vst.msk $0xffff, v1;
	s14 =	smul.u32 $0x30D40, s29;
	s30 =	sshrl.u32 s11, $0x3;
	s11 =	sand.u32 $0x7, s11  }
0x15: {  	[tilespmem:s12+$0xFFFFFFFF ss:$0x81] =	vst.msk $0xffff, v4;
	s15 =	sadd.s32 s2, s30;
	s11 =	sshll.u32 s11, $0x12  }
0x16: {  	[tilespmem:s12+$0xFFFFFFF9 ss:$0x81] =	vst.msk $0xffff, v2;
	s31 =	sadd.s32 s14, s15;
	s11 =	sor.u32 $0x400, s11  }
0x17: {  	[hbm4b:s31+s11] =	stream.strided.scatter [tilespmem:s13], [sflag:$0x2], $0x800, s8, s11, $0x20;
	[tilespmem:$0x2020] =	vst v63  }
.LBB1_5:
0x18: {  	s13 =	sadd.s32 $0x1000, s9  }
0x19: {  	p2 =	sgt.s32 s13, $0x1869FF  }
0x1a: {  	s13 =	smov.u32 @p2 s3;
	p2 =	sne.s32 s10, s7  }
.Ltmp1:
0x1b: {  	p1 =	slt.u32 s10, $0x2;
	(pc) =	sbr.rel @!p2 .LBB1_6-.Ltmp1, $4  }
0x1c: {  	s12 =	simm.s32 @!p1 $0x2  }
0x1d: {  	s14 =	sadd.s32 $0x1, s10;
	_ =	swait.ge @!p1 [sflag:s12], $0x800  }
0x1e: {  	s11 =	smov.u32 s9;
	p0 =	por !p0, !p0;
	[sflag:s12] =	ssyncset.done @!p1 $0x0  }
0x1f: {  	s10 =	smov.u32 s14;
	s9 =	smov.u32 s13;
	[sflag:s12] =	ssyncadd.s32 @!p1 $0xFFFFF800  }
.LBB1_1:
0x20: {  	p1 =	sge.u32 s10, s6  }
0x21: {  	s12 =	sand.u32 @!p1 $0x1FFFFFF, s9  }
0x22: {  	s13 =	smulhi.u32 @!p1 $0x14F8B59, s12;
	_ =	sdelay $0x1  }
0x23: {  	s13 =	sshrl.u32 @!p1 s13, $0xD  }
0x24: {  	s13 =	smul.u32 @!p1 $0x186A00, s13;
	_ =	sdelay $0x1  }
0x25: {  	s31 =	sadd.s32 $0xFFFFFFFF, s10;
	s14 =	sxor.u32 @!p1 $0xFFFFFFFF, s10;
	s12 =	ssub.s32 @!p1 s12, s13  }
0x26: {  	s15 =	simm.s32 @!p1 $0x80;
	s14 =	sshll.u32 @!p1 s14, $0xB;
	s12 =	sshll.u32 @!p1 s12, $0x4  }
0x27: {  	s13 =	sand.u32 @!p1 $0x800, s14;
	s14 =	simm.s32 @!p1 $0x10;
	s12 =	sadd.s32 @!p1 s4, s12  }
0x28: {  	[tilespmem:s13], [sflag:$0x1] =	stream.strided.gather @!p1 [hbm4b:s12+s14], $0x800, s15, s14, $0x38;
	[tilespmem:$0x2020] =	vst v63  }
0x29: {  	p1 =	sge.u32 s31, s6  }
.Ltmp2:
0x2a: {  	_ = 	snop;
	(pc) =	sbr.rel @p1 .LBB1_5-.Ltmp2, $1  }
0x2b: {  	_ =	sdelay $0x3  }
0x2c: {  	s12 =	simm.s32 $0x1  }
0x2d: {  	_ =	swait.ge [sflag:s5], $0x800;
	s12 =	simm.s32 @!p0 $0x0  }
0x2e: {  	[sflag:s5] =	ssyncset.done $0x0;
	s13 =	sshll.u32 s12, $0xB  }
0x2f: {  	[sflag:s5] =	ssyncadd.s32 $0xFFFFF800;
	s15 =	sor.u32 $0x40, s13  }
0x30: {  	v2 =	vld [tilespmem:s15+$0x30]  }
0x31: {  	s12 =	smul.u32 $0x2040, s12;
	v4 =	vld [tilespmem:s15+$0xFFFFFFD0]  }
0x32: {  	v5 =	vld [tilespmem:s15+$0xFFFFFFE0]  }
0x33: {  	s31 =	sand.u32 $0x1, s10;
	s12 =	sshrl.u32 s12, $0x2;
	v0 =	vld [tilespmem:s15+$0xFFFFFFF0]  }
0x34: {  	s13 =	smul.u32 $0x2040, s31;
	v3 =	vld [tilespmem:s15+$0x0];
	s12 =	sor.u32 $0x1007, s12  }
0x35: {  	v1 =	vld [tilespmem:s15+$0x10];
	[tilespmem:s12+$0x0 ss:$0x81] =	vst.msk $0xffff, v2  }
0x36: {  	s13 =	sshrl.u32 s13, $0x2;
	[tilespmem:s12+$0xFFFFFFFA ss:$0x81] =	vst.msk $0xffff, v4;
	v4 =	vld [tilespmem:s15+$0x20]  }
0x37: {  	s14 =	simm.s32 $0x0;
	s13 =	sor.u32 $0x1000, s13;
	v2 =	vld [tilespmem:s15+$0xFFFFFFC0];
	[tilespmem:s12+$0xFFFFFFFB ss:$0x81] =	vst.msk $0xffff, v5;
	s15 =	sadd.s32 $0x80, s15  }
.LBB1_3:
0x38: {  	v5 =	vld [tilespmem:s15+$0x30];
	s14 =	sadd.s32 $0x8, s14;
	[tilespmem:s12+$0xFFFFFFFC ss:$0x81] =	vst.msk $0xffff, v0  }
0x39: {  	v6 =	vld [tilespmem:s15+$0xFFFFFFD0];
	p1 =	slt.u32 s14, $0x78;
	[tilespmem:s12+$0xFFFFFFFD ss:$0x81] =	vst.msk $0xffff, v3  }
0x3a: {  	v7 =	vld [tilespmem:s15+$0xFFFFFFE0];
	[tilespmem:s12+$0xFFFFFFFE ss:$0x81] =	vst.msk $0xffff, v1  }
.Ltmp3:
0x3b: {  	v0 =	vld [tilespmem:s15+$0xFFFFFFF0];
	[tilespmem:s12+$0xFFFFFFFF ss:$0x81] =	vst.msk $0xffff, v4;
	(pc) =	sbr.rel @p1 .LBB1_3-.Ltmp3, $4  }
0x3c: {  	v3 =	vld [tilespmem:s15+$0x0];
	[tilespmem:s12+$0xFFFFFFF9 ss:$0x81] =	vst.msk $0xffff, v2;
	s12 =	sadd.s32 $0x8, s12  }
0x3d: {  	v1 =	vld [tilespmem:s15+$0x10];
	[tilespmem:s12+$0x0 ss:$0x81] =	vst.msk $0xffff, v5  }
0x3e: {  	[tilespmem:s12+$0xFFFFFFFA ss:$0x81] =	vst.msk $0xffff, v6;
	v4 =	vld [tilespmem:s15+$0x20]  }
0x3f: {  	v2 =	vld [tilespmem:s15+$0xFFFFFFC0];
	[tilespmem:s12+$0xFFFFFFFB ss:$0x81] =	vst.msk $0xffff, v7;
	s15 =	sadd.s32 $0x80, s15  }
.Ltmp4:
0x40: {  	_ = 	snop;
	(pc) =	sbr.rel .LBB1_4-.Ltmp4, $1  }
0x41: {  	_ =	sdelay $0x3  }
.LBB1_6:
0x42: {  	_ =	sfence.sel $0x180000  }
0x43: {  	s2 =	simm.s32 $0x1;
	[bflag:$0x0] =	sbarrier.arrive $0xFFFF  }
0x44: {  	s31 =	simm.s32 $0x2;
	[sflag:s2] =	ssyncpa.u1 $0x1  }
0x45: {  	[sflag:s31] =	ssyncpa.u1 $0x1  }
0x46: {  	p0 =	sne.s32 s0, $0x0;
	_ =	strace $0x90000050  }
0x47: {  	s0 =	sadd.s32 @!p0 $0x100000, s1;
	[bflag:$0x2] =	sbarrier.arrive $0xFFFF  }
0x48: {  	[sflag:s0] =	ssyncadd.tile.s32 @!p0 $0x1;
	_ =	shalt  }
.Lfunc_end1:
_tile_overlayer_lowered:
.L_overlay_start_2:
0x49: {  	(tag) =	ssettag $0x2  }
0x4a: {  	s0 =	rddreg [dreg:$0x0];
	s2 =	stileid.u32  }
0x4b: {  	s1 =	rddreg [dreg:$0x1];
	p0 =	sne.s32 s2, $0x0  }
0x4c: {  	s3 =	rddreg [dreg:$0x2];
	[bflag:$0x3] =	sbarrier.arrive $0xFFFF;
	s2 =	simm.s32 @!p0 $0x1C01  }
0x4d: {  	[timem:s3], [sflag:s2] =	dma.local @!p0 [hbm:s0], s1  }
0x4e: {  	s0 =	simm.s32 @!p0 $0x1  }
0x4f: {  	_ =	swait.ge @!p0 [sflag:s0], s1  }
0x50: {  	s1 =	ssub.s32 @!p0 $0x0, s1;
	[sflag:s0] =	ssyncset.done @!p0 $0x0  }
0x51: {  	[sflag:s0] =	ssyncadd.s32 @!p0 s1  }
0x52: {  	[bflag:$0x3] =	sbarrier.arrive $0xFFFF  }
0x53: {  	_ =	shalt  }

</sc_bundles>
